<compile_context>
chip_gen: v7x
topology: tpu7x:2x2x1
jax: 0.10.2.dev20260603
libtpu: 0.0.44.dev20260713+nightly
codegen_flags: <defaults>
</compile_context>

<pallas_src>
import numpy as _np

import jax
import jax.numpy as jnp
from jax import lax
from jax.experimental import pallas as pl
from jax.experimental.pallas import tpu as pltpu
from jax.experimental.pallas import tpu_sc as plsc

N = 10000
E = 320000
D = 128
NP = 10240
CHUNK = 40
NC, NS = 2, 16
NW = NC * NS
ROWS_PER_TILE = NP // NS
GCHUNKS = 50
NGROUP = E // (NW * GCHUNKS * CHUNK)



def _node_linear_body(x_ref, wt_ref, b_ref, ax_ref, tdst_ref, tsrc_ref):
    y = jnp.dot(x_ref[...], wt_ref[...], preferred_element_type=jnp.float32)
    y = y + b_ref[...]
    ax_ref[...] = y[:, 0:D]
    tdst_ref[...] = y[:, D:2 * D]
    tsrc_ref[...] = y[:, 2 * D:4 * D].astype(jnp.bfloat16)


def _node_linears(xp, wt, bias):
    blk = 1024
    grid = NP // blk
    return pl.pallas_call(
        _node_linear_body,
        grid=(grid,),
        in_specs=[
            pl.BlockSpec((blk, D), lambda i: (i, 0)),
            pl.BlockSpec((D, 4 * D), lambda i: (0, 0)),
            pl.BlockSpec((1, 4 * D), lambda i: (0, 0)),
        ],
        out_specs=[
            pl.BlockSpec((blk, D), lambda i: (i, 0)),
            pl.BlockSpec((blk, D), lambda i: (i, 0)),
            pl.BlockSpec((blk, 2 * D), lambda i: (i, 0)),
        ],
        out_shape=[
            jax.ShapeDtypeStruct((NP, D), jnp.float32),
            jax.ShapeDtypeStruct((NP, D), jnp.float32),
            jax.ShapeDtypeStruct((NP, 2 * D), jnp.bfloat16),
        ],
    )(xp, wt, bias)



def _edge_linear_body(ea_ref, cwt_ref, cb_ref, ce_ref):
    ce_ref[...] = jnp.dot(ea_ref[...], cwt_ref[...],
                          preferred_element_type=jnp.float32) + cb_ref[...]


def _edge_linear(edge_attr, cwt, cb):
    blk = 2560
    grid = E // blk
    return pl.pallas_call(
        _edge_linear_body,
        grid=(grid,),
        in_specs=[
            pl.BlockSpec((blk, D), lambda i: (i, 0)),
            pl.BlockSpec((D, D), lambda i: (0, 0)),
            pl.BlockSpec((1, D), lambda i: (0, 0)),
        ],
        out_specs=pl.BlockSpec((blk, D), lambda i: (i, 0)),
        out_shape=jax.ShapeDtypeStruct((E, D), jnp.float32),
    )(edge_attr, cwt, cb)



DEGR = NP // D


def _sc_edge_body(ce_hbm, src_hbm, dst_hbm, tdst_hbm, tsrc_hbm, zeros_hbm,
                  agg_out,
                  bdst, bsrc, scidx, td, ts, cebuf,
                  aggs, sem_a, sem_b, sem_c):
    cid_core = lax.axis_index("c")
    sid = lax.axis_index("s")

    row0 = sid * ROWS_PER_TILE
    pltpu.sync_copy(zeros_hbm.at[pl.ds(row0, ROWS_PER_TILE)],
                    aggs.at[pl.ds(row0, ROWS_PER_TILE)])

    plsc.subcore_barrier()

    wid = sid * NC + cid_core
    gper = GCHUNKS * CHUNK

    def _fire(l, slot, gbase):
        off = l * CHUNK
        base = (gbase + l) * CHUNK
        pltpu.async_copy(tdst_hbm.at[bdst.at[pl.ds(off, CHUNK)]],
                         td.at[slot], sem_a[slot])
        pltpu.async_copy(tsrc_hbm.at[bsrc.at[pl.ds(off, CHUNK)]],
                         ts.at[slot], sem_b[slot])
        pltpu.async_copy(ce_hbm.at[pl.ds(base, CHUNK)],
                         cebuf.at[slot], sem_c[slot])

    def _consume(l, slot):
        pltpu.make_async_copy(tdst_hbm.at[pl.ds(0, CHUNK)],
                              td.at[slot], sem_a[slot]).wait()
        pltpu.make_async_copy(tsrc_hbm.at[pl.ds(0, CHUNK)],
                              ts.at[slot], sem_b[slot]).wait()
        pltpu.make_async_copy(ce_hbm.at[pl.ds(0, CHUNK)],
                              cebuf.at[slot], sem_c[slot]).wait()

        def _unpack(w):
            lo = lax.bitcast_convert_type(lax.shift_left(w, 16), jnp.float32)
            hi = lax.bitcast_convert_type(
                jnp.bitwise_and(w, jnp.int32(-65536)), jnp.float32)
            return lo, hi

        @plsc.parallel_loop(0, CHUNK, unroll=2)
        def _row(r):
            for c in range(D // 16):
                sl = pl.ds(c * 16, 16)
                ts_e, ts_b = _unpack(ts[slot, r, sl])
                z = cebuf[slot, r, sl] + td[slot, r, sl] + ts_e
                sig = 1.0 / (1.0 + jnp.exp(-z))
                cebuf[slot, r, sl] = sig * ts_b

        off = l * CHUNK
        scidx[pl.ds(0, 16)] = bdst[pl.ds(off, 16)]
        scidx[pl.ds(16, 16)] = bdst[pl.ds(off + 16, 16)]
        scidx[pl.ds(CHUNK - 16, 16)] = bdst[pl.ds(off + CHUNK - 16, 16)]

        pltpu.sync_copy(cebuf.at[slot], aggs.at[scidx], add=True)

    def _group(g, carry):
        gbase = (wid * NGROUP + g) * GCHUNKS
        pltpu.sync_copy(dst_hbm.at[pl.ds(gbase * CHUNK, gper)], bdst)
        pltpu.sync_copy(src_hbm.at[pl.ds(gbase * CHUNK, gper)], bsrc)
        _fire(0, 0, gbase)

        def _pair(p, pc):
            l0 = 2 * p
            _fire(l0 + 1, 1, gbase)
            _consume(l0, 0)

            @pl.when(p < GCHUNKS // 2 - 1)
            def _():
                _fire(l0 + 2, 0, gbase)

            _consume(l0 + 1, 1)
            return pc

        lax.fori_loop(0, GCHUNKS // 2, _pair, 0)
        return carry

    lax.fori_loop(0, NGROUP, _group, 0)

    plsc.subcore_barrier()

    pltpu.sync_copy(aggs.at[pl.ds(row0, ROWS_PER_TILE)],
                    agg_out.at[cid_core, pl.ds(row0, ROWS_PER_TILE)])


def _sc_edge(ce, src, dst, tdst, tsrc, zeros):
    mesh = plsc.VectorSubcoreMesh(core_axis_name="c", subcore_axis_name="s",
                                  num_cores=NC, num_subcores=NS)
    f = pl.kernel(
        _sc_edge_body,
        out_type=jax.ShapeDtypeStruct((NC, NP, D), jnp.float32),
        mesh=mesh,
        scratch_types=[
            pltpu.VMEM((GCHUNKS * CHUNK,), jnp.int32),
            pltpu.VMEM((GCHUNKS * CHUNK,), jnp.int32),
            pltpu.VMEM((CHUNK,), jnp.int32),
            pltpu.VMEM((2, CHUNK, D), jnp.float32),
            pltpu.VMEM((2, CHUNK, D), jnp.int32),
            pltpu.VMEM((2, CHUNK, D), jnp.float32),
            pltpu.VMEM_SHARED((NP, D), jnp.float32),
            [pltpu.SemaphoreType.DMA, pltpu.SemaphoreType.DMA],
            [pltpu.SemaphoreType.DMA, pltpu.SemaphoreType.DMA],
            [pltpu.SemaphoreType.DMA, pltpu.SemaphoreType.DMA],
        ],
    )
    return f(ce, src, dst, tdst, tsrc, zeros)



DROWS = 16


def _deg_body(dst_ref, deg_ref):
    iq = lax.broadcasted_iota(jnp.int32, (DEGR, 1), 0)
    im = lax.broadcasted_iota(jnp.int32, (D, 1), 0)

    def _col(c, acc):
        row = dst_ref[pl.ds(c, 1), :]
        ohq = (iq == lax.shift_right_logical(row, 7)).astype(jnp.bfloat16)
        ohm = (im == jnp.bitwise_and(row, D - 1)).astype(jnp.bfloat16)
        return acc + lax.dot_general(ohq, ohm, (((1,), (1,)), ((), ())),
                                     preferred_element_type=jnp.float32)

    deg_ref[...] = lax.fori_loop(0, DROWS, _col,
                                 jnp.zeros((DEGR, D), jnp.float32))


def _deg_histogram(dst2d):
    return pl.pallas_call(
        _deg_body,
        out_shape=jax.ShapeDtypeStruct((DEGR, D), jnp.float32),
    )(dst2d)



def _final_body(ax_ref, agg_ref, deg_ref, g_ref, b_ref, h_ref):
    agg = agg_ref[0, 0:N, :] + agg_ref[1, 0:N, :]
    deg = jnp.maximum(deg_ref[0:N, :], 1.0)
    h = ax_ref[0:N, :] + agg * (1.0 / deg)
    mean = jnp.mean(h, axis=0, keepdims=True)
    var = jnp.mean((h - mean) ** 2, axis=0, keepdims=True)
    hn = (h - mean) * jax.lax.rsqrt(var + 1e-5) * g_ref[...] + b_ref[...]
    h_ref[...] = jnp.maximum(hn, 0.0)


def _final(ax, agg2, deg2, gamma, beta):
    return pl.pallas_call(
        _final_body,
        out_shape=jax.ShapeDtypeStruct((N, D), jnp.float32),
    )(ax, agg2, deg2, gamma.reshape(1, D), beta.reshape(1, D))



@jax.jit
def kernel(x, edge_index, edge_attr, A_w, A_b, B_w, B_b, C_w, C_b,
           D_w, D_b, E_w, E_b, bn_gamma, bn_beta):
    xp = jnp.zeros((NP, D), jnp.float32).at[0:N].set(x)
    k = _np.arange(2 * D)
    perm = 16 * (k // 32) + (k % 32) // 2 + D * (k % 2)
    eb_w = jnp.concatenate([E_w.T, B_w.T], axis=1)[:, perm]
    eb_b = jnp.concatenate([E_b, B_b])[perm]
    wt = jnp.concatenate([A_w.T, D_w.T, eb_w], axis=1)
    bias = jnp.concatenate([A_b, D_b, eb_b]).reshape(1, 4 * D)

    ax, tdst, tsrc = _node_linears(xp, wt, bias)
    ce = _edge_linear(edge_attr, C_w.T, C_b.reshape(1, D))

    src = edge_index[0]
    dst = edge_index[1]
    zeros = jnp.zeros((NP, D), jnp.float32)
    tsrc_p = jax.lax.bitcast_convert_type(tsrc.reshape(NP, D, 2), jnp.int32)
    deg = _deg_histogram(dst.reshape(DROWS, E // DROWS))
    agg2 = _sc_edge(ce, src, dst, tdst, tsrc_p, zeros)

    h = _final(ax, agg2, deg.reshape(NP, 1), bn_gamma, bn_beta)
    return (h, ce)

# --- scband reference (transcript-rebuilt; emitter-appended) ---
"""Pipeline reference for scband-gated-gcnlayer-75110388072732 (READ-ONLY COPY).

The authoritative reference and input builder live on the scoring server;
editing this copy changes nothing except your own understanding.
"""

import jax, jax.numpy as jnp
import numpy as np

N, E, D = 10000, 320000, 128


def setup_inputs(seed: int = 0) -> dict:
    key = jax.random.key(seed)
    ks = jax.random.split(key, 8)
    x = jax.random.normal(ks[0], (N, D), dtype=jnp.float32)
    edge_index = jax.random.randint(ks[1], (2, E), 0, N, dtype=jnp.int32)
    edge_attr = jax.random.normal(ks[2], (E, D), dtype=jnp.float32)
    scale = 1.0 / np.sqrt(D)

    def lin_params(k):
        k1, k2 = jax.random.split(k)
        w = jax.random.uniform(k1, (D, D), jnp.float32, -scale, scale)
        b = jax.random.uniform(k2, (D,), jnp.float32, -scale, scale)
        return w, b

    A_w, A_b = lin_params(ks[3])
    B_w, B_b = lin_params(ks[4])
    C_w, C_b = lin_params(ks[5])
    D_w, D_b = lin_params(ks[6])
    E_w, E_b = lin_params(ks[7])
    bn_gamma = jnp.ones((D,), jnp.float32)
    bn_beta = jnp.zeros((D,), jnp.float32)
    return {
        "x": x, "edge_index": edge_index, "edge_attr": edge_attr,
        "A_w": A_w, "A_b": A_b, "B_w": B_w, "B_b": B_b,
        "C_w": C_w, "C_b": C_b, "D_w": D_w, "D_b": D_b,
        "E_w": E_w, "E_b": E_b, "bn_gamma": bn_gamma, "bn_beta": bn_beta,
    }


def reference(x, edge_index, edge_attr, A_w, A_b, B_w, B_b, C_w, C_b, D_w, D_b, E_w, E_b, bn_gamma, bn_beta):
    src = edge_index[0]
    dst = edge_index[1]
    Ax = x @ A_w.T + A_b
    Bx = x @ B_w.T + B_b
    Dx = x @ D_w.T + D_b
    Ex = x @ E_w.T + E_b
    Ce = edge_attr @ C_w.T + C_b
    sigma = jax.nn.sigmoid(Ce + Dx[dst] + Ex[src])
    e_new = Ce
    message = sigma * Bx[src]
    n = x.shape[0]
    agg = jax.ops.segment_sum(message, dst, num_segments=n)
    deg = jax.ops.segment_sum(jnp.ones((dst.shape[0],), x.dtype), dst, num_segments=n)
    deg = jnp.clip(deg, 1.0, None)
    agg = agg / deg[:, None]
    h = Ax + agg
    mean = jnp.mean(h, axis=0)
    var = jnp.var(h, axis=0)
    h = (h - mean) / jnp.sqrt(var + 1e-5) * bn_gamma + bn_beta
    h = jax.nn.relu(h)
    # dropout is identity in deterministic/eval reference
    return (h, e_new)

if __name__ == "__main__":
    import jax
    _d = setup_inputs()
    print(jax.jit(kernel)(*tuple(_d.values())))

</pallas_src>

<mosaic_0001>
#map = affine_map<(d0, d1) -> (0, 0)>
#map1 = affine_map<(d0, d1) -> (0)>
#map2 = affine_map<(d0, d1) -> (0, 0, 0)>
module attributes {stable_mosaic.version = 14 : i64} {
  func.func @_sc_edge_body(%arg0: i32, %arg1: i32, %arg2: memref<320000x128xf32, #tpu.memory_space<hbm>>, %arg3: memref<320000xi32, #tpu.memory_space<hbm>>, %arg4: memref<320000xi32, #tpu.memory_space<hbm>>, %arg5: memref<10240x128xf32, #tpu.memory_space<hbm>>, %arg6: memref<10240x128xi32, #tpu.memory_space<hbm>>, %arg7: memref<10240x128xf32, #tpu.memory_space<hbm>>, %arg8: memref<2x10240x128xf32, #tpu.memory_space<hbm>>, %arg9: memref<2000xi32, #tpu.memory_space<vmem>>, %arg10: memref<2000xi32, #tpu.memory_space<vmem>>, %arg11: memref<40xi32, #tpu.memory_space<vmem>>, %arg12: memref<2x40x128xf32, #tpu.memory_space<vmem>>, %arg13: memref<2x40x128xi32, #tpu.memory_space<vmem>>, %arg14: memref<2x40x128xf32, #tpu.memory_space<vmem>>, %arg15: memref<10240x128xf32, #tpu.memory_space<vmem_shared>>, %arg16: memref<!tpu.dma_semaphore, #tpu.memory_space<semaphore_mem>>, %arg17: memref<!tpu.dma_semaphore, #tpu.memory_space<semaphore_mem>>, %arg18: memref<!tpu.dma_semaphore, #tpu.memory_space<semaphore_mem>>, %arg19: memref<!tpu.dma_semaphore, #tpu.memory_space<semaphore_mem>>, %arg20: memref<!tpu.dma_semaphore, #tpu.memory_space<semaphore_mem>>, %arg21: memref<!tpu.dma_semaphore, #tpu.memory_space<semaphore_mem>>) attributes {dimension_semantics = [#tpu.dimension_semantics<core_parallel>, #tpu.dimension_semantics<subcore_parallel>], iteration_bounds = array<i64: 2, 16>, scalar_prefetch = 0 : i64, scratch_operands = 13 : i64, tpu.core_type = #tpu.core_type<sc_vector_subcore>, window_params = [{transform_indices = #map}, {transform_indices = #map1}, {transform_indices = #map1}, {transform_indices = #map}, {transform_indices = #map}, {transform_indices = #map}, {transform_indices = #map2}]} {
    %mul3A = arith.constant 640 : i32
    %mul3A_0 = arith.muli %arg1, %mul3A : i32
    "tpu.region"() ({
      %run_scoped3A = tpu.sem_alloc : memref<!tpu.dma_semaphore, #tpu.memory_space<semaphore_mem>>
      %dma_start3A = arith.constant 0 : i32
      %dma_start3A_9 = tpu.memref_slice %arg15[%mul3A_0, %dma_start3A] : memref<10240x128xf32, #tpu.memory_space<vmem_shared>> -> memref<640x128xf32, #tpu.memory_space<vmem_shared>>
      %dma_start3A_10 = arith.constant 0 : i32
      %dma_start3A_11 = tpu.memref_slice %arg7[%mul3A_0, %dma_start3A_10] : memref<10240x128xf32, #tpu.memory_space<hbm>> -> memref<640x128xf32, #tpu.memory_space<hbm>>
      tpu.enqueue_dma source(%dma_start3A_11 : memref<640x128xf32, #tpu.memory_space<hbm>>) target(%dma_start3A_9 : memref<640x128xf32, #tpu.memory_space<vmem_shared>>) target_semaphore(%run_scoped3A : memref<!tpu.dma_semaphore, #tpu.memory_space<semaphore_mem>>)
      %dma_wait3A = arith.constant 0 : i32
      %dma_wait3A_12 = tpu.memref_slice %arg15[%mul3A_0, %dma_wait3A] : memref<10240x128xf32, #tpu.memory_space<vmem_shared>> -> memref<640x128xf32, #tpu.memory_space<vmem_shared>>
      %dma_wait3A_13 = arith.constant 0 : i32
      %dma_wait3A_14 = tpu.memref_slice %arg7[%mul3A_0, %dma_wait3A_13] : memref<10240x128xf32, #tpu.memory_space<hbm>> -> memref<640x128xf32, #tpu.memory_space<hbm>>
      tpu.wait_dma2 semaphore(%run_scoped3A : memref<!tpu.dma_semaphore, #tpu.memory_space<semaphore_mem>>) src(%dma_wait3A_14 : memref<640x128xf32, #tpu.memory_space<hbm>>) dst(%dma_wait3A_12 : memref<640x128xf32, #tpu.memory_space<vmem_shared>>)
      tpu.yield
    }) : () -> ()
    %barrier3A = arith.constant 0 : index
    tpu.barrier barrier_id(%barrier3A)
    %mul3A_1 = arith.constant 2 : i32
    %mul3A_2 = arith.muli %arg1, %mul3A_1 : i32
    %add3A = arith.addi %mul3A_2, %arg0 : i32
    %scan3A = arith.constant 0 : i32
    %scan3A_3 = arith.constant 0 : i32
    %scan3A_4 = arith.constant 5 : i32
    %scan3A_5 = arith.addi %scan3A_3, %scan3A_4 : i32
    %scan3A_6 = arith.constant 1 : i32
    scf.for %scan3A_9 = %scan3A_3 to %scan3A_5 step %scan3A_6  : i32 {
      %mul3A_10 = arith.constant 5 : i32
      %mul3A_11 = arith.muli %add3A, %mul3A_10 : i32
      %add3A_12 = arith.addi %mul3A_11, %scan3A_9 : i32
      %mul3A_13 = arith.constant 50 : i32
      %mul3A_14 = arith.muli %add3A_12, %mul3A_13 : i32
      %mul3A_15 = arith.constant 40 : i32
      %mul3A_16 = arith.muli %mul3A_14, %mul3A_15 : i32
      "tpu.region"() ({
        %run_scoped3A = tpu.sem_alloc : memref<!tpu.dma_semaphore, #tpu.memory_space<semaphore_mem>>
        %dma_start3A_61 = tpu.memref_slice %arg4[%mul3A_16] : memref<320000xi32, #tpu.memory_space<hbm>> -> memref<2000xi32, #tpu.memory_space<hbm>>
        %dma_start3A_62 = tpu.memref_slice %arg4[%mul3A_16] : memref<320000xi32, #tpu.memory_space<hbm>> -> memref<2000xi32, #tpu.memory_space<hbm>>
        tpu.enqueue_dma source(%dma_start3A_62 : memref<2000xi32, #tpu.memory_space<hbm>>) target(%arg9 : memref<2000xi32, #tpu.memory_space<vmem>>) target_semaphore(%run_scoped3A : memref<!tpu.dma_semaphore, #tpu.memory_space<semaphore_mem>>)
        %dma_wait3A = tpu.memref_slice %arg4[%mul3A_16] : memref<320000xi32, #tpu.memory_space<hbm>> -> memref<2000xi32, #tpu.memory_space<hbm>>
        %dma_wait3A_63 = tpu.memref_slice %arg4[%mul3A_16] : memref<320000xi32, #tpu.memory_space<hbm>> -> memref<2000xi32, #tpu.memory_space<hbm>>
        tpu.wait_dma2 semaphore(%run_scoped3A : memref<!tpu.dma_semaphore, #tpu.memory_space<semaphore_mem>>) src(%dma_wait3A_63 : memref<2000xi32, #tpu.memory_space<hbm>>) dst(%arg9 : memref<2000xi32, #tpu.memory_space<vmem>>)
        tpu.yield
      }) : () -> ()
      %mul3A_17 = arith.constant 40 : i32
      %mul3A_18 = arith.muli %mul3A_14, %mul3A_17 : i32
      "tpu.region"() ({
        %run_scoped3A = tpu.sem_alloc : memref<!tpu.dma_semaphore, #tpu.memory_space<semaphore_mem>>
        %dma_start3A_61 = tpu.memref_slice %arg3[%mul3A_18] : memref<320000xi32, #tpu.memory_space<hbm>> -> memref<2000xi32, #tpu.memory_space<hbm>>
        %dma_start3A_62 = tpu.memref_slice %arg3[%mul3A_18] : memref<320000xi32, #tpu.memory_space<hbm>> -> memref<2000xi32, #tpu.memory_space<hbm>>
        tpu.enqueue_dma source(%dma_start3A_62 : memref<2000xi32, #tpu.memory_space<hbm>>) target(%arg10 : memref<2000xi32, #tpu.memory_space<vmem>>) target_semaphore(%run_scoped3A : memref<!tpu.dma_semaphore, #tpu.memory_space<semaphore_mem>>)
        %dma_wait3A = tpu.memref_slice %arg3[%mul3A_18] : memref<320000xi32, #tpu.memory_space<hbm>> -> memref<2000xi32, #tpu.memory_space<hbm>>
        %dma_wait3A_63 = tpu.memref_slice %arg3[%mul3A_18] : memref<320000xi32, #tpu.memory_space<hbm>> -> memref<2000xi32, #tpu.memory_space<hbm>>
        tpu.wait_dma2 semaphore(%run_scoped3A : memref<!tpu.dma_semaphore, #tpu.memory_space<semaphore_mem>>) src(%dma_wait3A_63 : memref<2000xi32, #tpu.memory_space<hbm>>) dst(%arg10 : memref<2000xi32, #tpu.memory_space<vmem>>)
        tpu.yield
      }) : () -> ()
      %add3A_19 = arith.constant 0 : i32
      %add3A_20 = arith.addi %mul3A_14, %add3A_19 : i32
      %mul3A_21 = arith.constant 40 : i32
      %mul3A_22 = arith.muli %add3A_20, %mul3A_21 : i32
      %dma_start3A = arith.constant 0 : i32
      %dma_start3A_23 = arith.constant 0 : i32
      %dma_start3A_24 = arith.constant 0 : i32
      %dma_start3A_25 = tpu.memref_slice %arg12[%dma_start3A, %dma_start3A_23, %dma_start3A_24] : memref<2x40x128xf32, #tpu.memory_space<vmem>> -> memref<1x40x128xf32, #tpu.memory_space<vmem>>
      %dma_start3A_26 = tpu.memref_squeeze %dma_start3A_25 : memref<1x40x128xf32, #tpu.memory_space<vmem>> -> memref<40x128xf32, #tpu.memory_space<vmem>>
      %dma_start3A_27 = arith.constant 0 : i32
      %dma_start3A_28 = tpu.memref_slice %arg9[%dma_start3A_27] : memref<2000xi32, #tpu.memory_space<vmem>> -> memref<40xi32, #tpu.memory_space<vmem>>
      %dma_start3A_29 = arith.constant 0 : i32
      %dma_start3A_30 = arith.constant 0 : i32
      %dma_start3A_31 = tpu.memref_slice %arg5[%dma_start3A_29, %dma_start3A_30] : memref<10240x128xf32, #tpu.memory_space<hbm>> -> memref<10240x128xf32, #tpu.memory_space<hbm>>
      tpu.enqueue_indirect_dma source(%dma_start3A_31 : memref<10240x128xf32, #tpu.memory_space<hbm>>) target(%dma_start3A_26 : memref<40x128xf32, #tpu.memory_space<vmem>>) offsets(%dma_start3A_28 : memref<40xi32, #tpu.memory_space<vmem>>) semaphore(%arg16 : memref<!tpu.dma_semaphore, #tpu.memory_space<semaphore_mem>>)
      %dma_start3A_32 = arith.constant 0 : i32
      %dma_start3A_33 = arith.constant 0 : i32
      %dma_start3A_34 = arith.constant 0 : i32
      %dma_start3A_35 = tpu.memref_slice %arg13[%dma_start3A_32, %dma_start3A_33, %dma_start3A_34] : memref<2x40x128xi32, #tpu.memory_space<vmem>> -> memref<1x40x128xi32, #tpu.memory_space<vmem>>
      %dma_start3A_36 = tpu.memref_squeeze %dma_start3A_35 : memref<1x40x128xi32, #tpu.memory_space<vmem>> -> memref<40x128xi32, #tpu.memory_space<vmem>>
      %dma_start3A_37 = arith.constant 0 : i32
      %dma_start3A_38 = tpu.memref_slice %arg10[%dma_start3A_37] : memref<2000xi32, #tpu.memory_space<vmem>> -> memref<40xi32, #tpu.memory_space<vmem>>
      %dma_start3A_39 = arith.constant 0 : i32
      %dma_start3A_40 = arith.constant 0 : i32
      %dma_start3A_41 = tpu.memref_slice %arg6[%dma_start3A_39, %dma_start3A_40] : memref<10240x128xi32, #tpu.memory_space<hbm>> -> memref<10240x128xi32, #tpu.memory_space<hbm>>
      tpu.enqueue_indirect_dma source(%dma_start3A_41 : memref<10240x128xi32, #tpu.memory_space<hbm>>) target(%dma_start3A_36 : memref<40x128xi32, #tpu.memory_space<vmem>>) offsets(%dma_start3A_38 : memref<40xi32, #tpu.memory_space<vmem>>) semaphore(%arg18 : memref<!tpu.dma_semaphore, #tpu.memory_space<semaphore_mem>>)
      %dma_start3A_42 = arith.constant 0 : i32
      %dma_start3A_43 = arith.constant 0 : i32
      %dma_start3A_44 = arith.constant 0 : i32
      %dma_start3A_45 = tpu.memref_slice %arg14[%dma_start3A_42, %dma_start3A_43, %dma_start3A_44] : memref<2x40x128xf32, #tpu.memory_space<vmem>> -> memref<1x40x128xf32, #tpu.memory_space<vmem>>
      %dma_start3A_46 = tpu.memref_squeeze %dma_start3A_45 : memref<1x40x128xf32, #tpu.memory_space<vmem>> -> memref<40x128xf32, #tpu.memory_space<vmem>>
      %dma_start3A_47 = arith.constant 0 : i32
      %dma_start3A_48 = tpu.memref_slice %arg2[%mul3A_22, %dma_start3A_47] : memref<320000x128xf32, #tpu.memory_space<hbm>> -> memref<40x128xf32, #tpu.memory_space<hbm>>
      %dma_start3A_49 = arith.constant 0 : i32
      %dma_start3A_50 = arith.constant 0 : i32
      %dma_start3A_51 = tpu.memref_slice %arg14[%dma_start3A_42, %dma_start3A_49, %dma_start3A_50] : memref<2x40x128xf32, #tpu.memory_space<vmem>> -> memref<1x40x128xf32, #tpu.memory_space<vmem>>
      %dma_start3A_52 = tpu.memref_squeeze %dma_start3A_51 : memref<1x40x128xf32, #tpu.memory_space<vmem>> -> memref<40x128xf32, #tpu.memory_space<vmem>>
      %dma_start3A_53 = arith.constant 0 : i32
      %dma_start3A_54 = tpu.memref_slice %arg2[%mul3A_22, %dma_start3A_53] : memref<320000x128xf32, #tpu.memory_space<hbm>> -> memref<40x128xf32, #tpu.memory_space<hbm>>
      tpu.enqueue_dma source(%dma_start3A_54 : memref<40x128xf32, #tpu.memory_space<hbm>>) target(%dma_start3A_52 : memref<40x128xf32, #tpu.memory_space<vmem>>) target_semaphore(%arg20 : memref<!tpu.dma_semaphore, #tpu.memory_space<semaphore_mem>>)
      %scan3A_55 = arith.constant 0 : i32
      %scan3A_56 = arith.constant 0 : i32
      %scan3A_57 = arith.constant 25 : i32
      %scan3A_58 = arith.addi %scan3A_56, %scan3A_57 : i32
      %scan3A_59 = arith.constant 1 : i32
      scf.for %scan3A_61 = %scan3A_56 to %scan3A_58 step %scan3A_59  : i32 {
        %mul3A_62 = arith.constant 2 : i32
        %mul3A_63 = arith.muli %mul3A_62, %scan3A_61 : i32
        %add3A_64 = arith.constant 1 : i32
        %add3A_65 = arith.addi %mul3A_63, %add3A_64 : i32
        %mul3A_66 = arith.constant 40 : i32
        %mul3A_67 = arith.muli %add3A_65, %mul3A_66 : i32
        %add3A_68 = arith.addi %mul3A_14, %add3A_65 : i32
        %mul3A_69 = arith.constant 40 : i32
        %mul3A_70 = arith.muli %add3A_68, %mul3A_69 : i32
        %dma_start3A_71 = arith.constant 1 : i32
        %dma_start3A_72 = arith.constant 0 : i32
        %dma_start3A_73 = arith.constant 0 : i32
        %dma_start3A_74 = tpu.memref_slice %arg12[%dma_start3A_71, %dma_start3A_72, %dma_start3A_73] : memref<2x40x128xf32, #tpu.memory_space<vmem>> -> memref<1x40x128xf32, #tpu.memory_space<vmem>>
        %dma_start3A_75 = tpu.memref_squeeze %dma_start3A_74 : memref<1x40x128xf32, #tpu.memory_space<vmem>> -> memref<40x128xf32, #tpu.memory_space<vmem>>
        %dma_start3A_76 = tpu.memref_slice %arg9[%mul3A_67] : memref<2000xi32, #tpu.memory_space<vmem>> -> memref<40xi32, #tpu.memory_space<vmem>>
        %dma_start3A_77 = arith.constant 0 : i32
        %dma_start3A_78 = arith.constant 0 : i32
        %dma_start3A_79 = tpu.memref_slice %arg5[%dma_start3A_77, %dma_start3A_78] : memref<10240x128xf32, #tpu.memory_space<hbm>> -> memref<10240x128xf32, #tpu.memory_space<hbm>>
        tpu.enqueue_indirect_dma source(%dma_start3A_79 : memref<10240x128xf32, #tpu.memory_space<hbm>>) target(%dma_start3A_75 : memref<40x128xf32, #tpu.memory_space<vmem>>) offsets(%dma_start3A_76 : memref<40xi32, #tpu.memory_space<vmem>>) semaphore(%arg17 : memref<!tpu.dma_semaphore, #tpu.memory_space<semaphore_mem>>)
        %dma_start3A_80 = arith.constant 1 : i32
        %dma_start3A_81 = arith.constant 0 : i32
        %dma_start3A_82 = arith.constant 0 : i32
        %dma_start3A_83 = tpu.memref_slice %arg13[%dma_start3A_80, %dma_start3A_81, %dma_start3A_82] : memref<2x40x128xi32, #tpu.memory_space<vmem>> -> memref<1x40x128xi32, #tpu.memory_space<vmem>>
        %dma_start3A_84 = tpu.memref_squeeze %dma_start3A_83 : memref<1x40x128xi32, #tpu.memory_space<vmem>> -> memref<40x128xi32, #tpu.memory_space<vmem>>
        %dma_start3A_85 = tpu.memref_slice %arg10[%mul3A_67] : memref<2000xi32, #tpu.memory_space<vmem>> -> memref<40xi32, #tpu.memory_space<vmem>>
        %dma_start3A_86 = arith.constant 0 : i32
        %dma_start3A_87 = arith.constant 0 : i32
        %dma_start3A_88 = tpu.memref_slice %arg6[%dma_start3A_86, %dma_start3A_87] : memref<10240x128xi32, #tpu.memory_space<hbm>> -> memref<10240x128xi32, #tpu.memory_space<hbm>>
        tpu.enqueue_indirect_dma source(%dma_start3A_88 : memref<10240x128xi32, #tpu.memory_space<hbm>>) target(%dma_start3A_84 : memref<40x128xi32, #tpu.memory_space<vmem>>) offsets(%dma_start3A_85 : memref<40xi32, #tpu.memory_space<vmem>>) semaphore(%arg19 : memref<!tpu.dma_semaphore, #tpu.memory_space<semaphore_mem>>)
        %dma_start3A_89 = arith.constant 1 : i32
        %dma_start3A_90 = arith.constant 0 : i32
        %dma_start3A_91 = arith.constant 0 : i32
        %dma_start3A_92 = tpu.memref_slice %arg14[%dma_start3A_89, %dma_start3A_90, %dma_start3A_91] : memref<2x40x128xf32, #tpu.memory_space<vmem>> -> memref<1x40x128xf32, #tpu.memory_space<vmem>>
        %dma_start3A_93 = tpu.memref_squeeze %dma_start3A_92 : memref<1x40x128xf32, #tpu.memory_space<vmem>> -> memref<40x128xf32, #tpu.memory_space<vmem>>
        %dma_start3A_94 = arith.constant 0 : i32
        %dma_start3A_95 = tpu.memref_slice %arg2[%mul3A_70, %dma_start3A_94] : memref<320000x128xf32, #tpu.memory_space<hbm>> -> memref<40x128xf32, #tpu.memory_space<hbm>>
        %dma_start3A_96 = arith.constant 0 : i32
        %dma_start3A_97 = arith.constant 0 : i32
        %dma_start3A_98 = tpu.memref_slice %arg14[%dma_start3A_89, %dma_start3A_96, %dma_start3A_97] : memref<2x40x128xf32, #tpu.memory_space<vmem>> -> memref<1x40x128xf32, #tpu.memory_space<vmem>>
        %dma_start3A_99 = tpu.memref_squeeze %dma_start3A_98 : memref<1x40x128xf32, #tpu.memory_space<vmem>> -> memref<40x128xf32, #tpu.memory_space<vmem>>
        %dma_start3A_100 = arith.constant 0 : i32
        %dma_start3A_101 = tpu.memref_slice %arg2[%mul3A_70, %dma_start3A_100] : memref<320000x128xf32, #tpu.memory_space<hbm>> -> memref<40x128xf32, #tpu.memory_space<hbm>>
        tpu.enqueue_dma source(%dma_start3A_101 : memref<40x128xf32, #tpu.memory_space<hbm>>) target(%dma_start3A_99 : memref<40x128xf32, #tpu.memory_space<vmem>>) target_semaphore(%arg21 : memref<!tpu.dma_semaphore, #tpu.memory_space<semaphore_mem>>)
        %dma_wait3A = arith.constant 0 : i32
        %dma_wait3A_102 = arith.constant 0 : i32
        %dma_wait3A_103 = arith.constant 0 : i32
        %dma_wait3A_104 = tpu.memref_slice %arg12[%dma_wait3A, %dma_wait3A_102, %dma_wait3A_103] : memref<2x40x128xf32, #tpu.memory_space<vmem>> -> memref<1x40x128xf32, #tpu.memory_space<vmem>>
        %dma_wait3A_105 = tpu.memref_squeeze %dma_wait3A_104 : memref<1x40x128xf32, #tpu.memory_space<vmem>> -> memref<40x128xf32, #tpu.memory_space<vmem>>
        %dma_wait3A_106 = arith.constant 0 : i32
        %dma_wait3A_107 = arith.constant 0 : i32
        %dma_wait3A_108 = tpu.memref_slice %arg5[%dma_wait3A_106, %dma_wait3A_107] : memref<10240x128xf32, #tpu.memory_space<hbm>> -> memref<40x128xf32, #tpu.memory_space<hbm>>
        %dma_wait3A_109 = arith.constant 0 : i32
        %dma_wait3A_110 = arith.constant 0 : i32
        %dma_wait3A_111 = tpu.memref_slice %arg12[%dma_wait3A, %dma_wait3A_109, %dma_wait3A_110] : memref<2x40x128xf32, #tpu.memory_space<vmem>> -> memref<1x40x128xf32, #tpu.memory_space<vmem>>
        %dma_wait3A_112 = tpu.memref_squeeze %dma_wait3A_111 : memref<1x40x128xf32, #tpu.memory_space<vmem>> -> memref<40x128xf32, #tpu.memory_space<vmem>>
        %dma_wait3A_113 = arith.constant 0 : i32
        %dma_wait3A_114 = arith.constant 0 : i32
        %dma_wait3A_115 = tpu.memref_slice %arg5[%dma_wait3A_113, %dma_wait3A_114] : memref<10240x128xf32, #tpu.memory_space<hbm>> -> memref<40x128xf32, #tpu.memory_space<hbm>>
        tpu.wait_dma2 semaphore(%arg16 : memref<!tpu.dma_semaphore, #tpu.memory_space<semaphore_mem>>) src(%dma_wait3A_115 : memref<40x128xf32, #tpu.memory_space<hbm>>) dst(%dma_wait3A_112 : memref<40x128xf32, #tpu.memory_space<vmem>>)
        %dma_wait3A_116 = arith.constant 0 : i32
        %dma_wait3A_117 = arith.constant 0 : i32
        %dma_wait3A_118 = arith.constant 0 : i32
        %dma_wait3A_119 = tpu.memref_slice %arg13[%dma_wait3A_116, %dma_wait3A_117, %dma_wait3A_118] : memref<2x40x128xi32, #tpu.memory_space<vmem>> -> memref<1x40x128xi32, #tpu.memory_space<vmem>>
        %dma_wait3A_120 = tpu.memref_squeeze %dma_wait3A_119 : memref<1x40x128xi32, #tpu.memory_space<vmem>> -> memref<40x128xi32, #tpu.memory_space<vmem>>
        %dma_wait3A_121 = arith.constant 0 : i32
        %dma_wait3A_122 = arith.constant 0 : i32
        %dma_wait3A_123 = tpu.memref_slice %arg6[%dma_wait3A_121, %dma_wait3A_122] : memref<10240x128xi32, #tpu.memory_space<hbm>> -> memref<40x128xi32, #tpu.memory_space<hbm>>
        %dma_wait3A_124 = arith.constant 0 : i32
        %dma_wait3A_125 = arith.constant 0 : i32
        %dma_wait3A_126 = tpu.memref_slice %arg13[%dma_wait3A_116, %dma_wait3A_124, %dma_wait3A_125] : memref<2x40x128xi32, #tpu.memory_space<vmem>> -> memref<1x40x128xi32, #tpu.memory_space<vmem>>
        %dma_wait3A_127 = tpu.memref_squeeze %dma_wait3A_126 : memref<1x40x128xi32, #tpu.memory_space<vmem>> -> memref<40x128xi32, #tpu.memory_space<vmem>>
        %dma_wait3A_128 = arith.constant 0 : i32
        %dma_wait3A_129 = arith.constant 0 : i32
        %dma_wait3A_130 = tpu.memref_slice %arg6[%dma_wait3A_128, %dma_wait3A_129] : memref<10240x128xi32, #tpu.memory_space<hbm>> -> memref<40x128xi32, #tpu.memory_space<hbm>>
        tpu.wait_dma2 semaphore(%arg18 : memref<!tpu.dma_semaphore, #tpu.memory_space<semaphore_mem>>) src(%dma_wait3A_130 : memref<40x128xi32, #tpu.memory_space<hbm>>) dst(%dma_wait3A_127 : memref<40x128xi32, #tpu.memory_space<vmem>>)
        %dma_wait3A_131 = arith.constant 0 : i32
        %dma_wait3A_132 = arith.constant 0 : i32
        %dma_wait3A_133 = arith.constant 0 : i32
        %dma_wait3A_134 = tpu.memref_slice %arg14[%dma_wait3A_131, %dma_wait3A_132, %dma_wait3A_133] : memref<2x40x128xf32, #tpu.memory_space<vmem>> -> memref<1x40x128xf32, #tpu.memory_space<vmem>>
        %dma_wait3A_135 = tpu.memref_squeeze %dma_wait3A_134 : memref<1x40x128xf32, #tpu.memory_space<vmem>> -> memref<40x128xf32, #tpu.memory_space<vmem>>
        %dma_wait3A_136 = arith.constant 0 : i32
        %dma_wait3A_137 = arith.constant 0 : i32
        %dma_wait3A_138 = tpu.memref_slice %arg2[%dma_wait3A_136, %dma_wait3A_137] : memref<320000x128xf32, #tpu.memory_space<hbm>> -> memref<40x128xf32, #tpu.memory_space<hbm>>
        %dma_wait3A_139 = arith.constant 0 : i32
        %dma_wait3A_140 = arith.constant 0 : i32
        %dma_wait3A_141 = tpu.memref_slice %arg14[%dma_wait3A_131, %dma_wait3A_139, %dma_wait3A_140] : memref<2x40x128xf32, #tpu.memory_space<vmem>> -> memref<1x40x128xf32, #tpu.memory_space<vmem>>
        %dma_wait3A_142 = tpu.memref_squeeze %dma_wait3A_141 : memref<1x40x128xf32, #tpu.memory_space<vmem>> -> memref<40x128xf32, #tpu.memory_space<vmem>>
        %dma_wait3A_143 = arith.constant 0 : i32
        %dma_wait3A_144 = arith.constant 0 : i32
        %dma_wait3A_145 = tpu.memref_slice %arg2[%dma_wait3A_143, %dma_wait3A_144] : memref<320000x128xf32, #tpu.memory_space<hbm>> -> memref<40x128xf32, #tpu.memory_space<hbm>>
        tpu.wait_dma2 semaphore(%arg20 : memref<!tpu.dma_semaphore, #tpu.memory_space<semaphore_mem>>) src(%dma_wait3A_145 : memref<40x128xf32, #tpu.memory_space<hbm>>) dst(%dma_wait3A_142 : memref<40x128xf32, #tpu.memory_space<vmem>>)
        %parallel_loop3A = arith.constant 0 : i32
        %parallel_loop3A_146 = arith.constant 40 : i32
        %parallel_loop3A_147 = arith.constant 1 : i32
        scf.for %parallel_loop3A_256 = %parallel_loop3A to %parallel_loop3A_146 step %parallel_loop3A_147  : i32 {
          %parallel_loop3A_257 = arith.constant 0 : i32
          %parallel_loop3A_258 = arith.index_cast %parallel_loop3A_257 : i32 to index
          %parallel_loop3A_259 = arith.index_cast %parallel_loop3A_256 : i32 to index
          %parallel_loop3A_260 = arith.constant 0 : index
          %parallel_loop3A_261 = tpu.vector_load %arg13[%parallel_loop3A_258, %parallel_loop3A_259, %parallel_loop3A_260] {strides = array<i32>} : memref<2x40x128xi32, #tpu.memory_space<vmem>>, vector<1x1x16xi32>,
          %parallel_loop3A_262 = vector.shape_cast %parallel_loop3A_261 : vector<1x1x16xi32> to vector<16xi32>
          %parallel_loop3A_263 = arith.constant 16 : i32
          %parallel_loop3A_264 = vector.broadcast %parallel_loop3A_263 : i32 to vector<16xi32>
          %parallel_loop3A_265 = arith.shli %parallel_loop3A_262, %parallel_loop3A_264 : vector<16xi32>
          %parallel_loop3A_266 = tpu.bitcast %parallel_loop3A_265 : vector<16xi32> -> vector<16xf32>
          %parallel_loop3A_267 = arith.constant -65536 : i32
          %parallel_loop3A_268 = vector.broadcast %parallel_loop3A_267 : i32 to vector<16xi32>
          %parallel_loop3A_269 = arith.andi %parallel_loop3A_262, %parallel_loop3A_268 : vector<16xi32>
          %parallel_loop3A_270 = tpu.bitcast %parallel_loop3A_269 : vector<16xi32> -> vector<16xf32>
          %parallel_loop3A_271 = arith.constant 0 : i32
          %parallel_loop3A_272 = arith.index_cast %parallel_loop3A_271 : i32 to index
          %parallel_loop3A_273 = arith.index_cast %parallel_loop3A_256 : i32 to index
          %parallel_loop3A_274 = arith.constant 0 : index
          %parallel_loop3A_275 = tpu.vector_load %arg14[%parallel_loop3A_272, %parallel_loop3A_273, %parallel_loop3A_274] {strides = array<i32>} : memref<2x40x128xf32, #tpu.memory_space<vmem>>, vector<1x1x16xf32>,
          %parallel_loop3A_276 = vector.shape_cast %parallel_loop3A_275 : vector<1x1x16xf32> to vector<16xf32>
          %parallel_loop3A_277 = arith.constant 0 : i32
          %parallel_loop3A_278 = arith.index_cast %parallel_loop3A_277 : i32 to index
          %parallel_loop3A_279 = arith.index_cast %parallel_loop3A_256 : i32 to index
          %parallel_loop3A_280 = arith.constant 0 : index
          %parallel_loop3A_281 = tpu.vector_load %arg12[%parallel_loop3A_278, %parallel_loop3A_279, %parallel_loop3A_280] {strides = array<i32>} : memref<2x40x128xf32, #tpu.memory_space<vmem>>, vector<1x1x16xf32>,
          %parallel_loop3A_282 = vector.shape_cast %parallel_loop3A_281 : vector<1x1x16xf32> to vector<16xf32>
          %parallel_loop3A_283 = arith.addf %parallel_loop3A_276, %parallel_loop3A_282 : vector<16xf32>
          %parallel_loop3A_284 = arith.addf %parallel_loop3A_283, %parallel_loop3A_266 : vector<16xf32>
          %parallel_loop3A_285 = arith.constant 0.000000e+00 : f32
          %parallel_loop3A_286 = vector.broadcast %parallel_loop3A_285 : f32 to vector<16xf32>
          %parallel_loop3A_287 = arith.subf %parallel_loop3A_286, %parallel_loop3A_284 : vector<16xf32>
          %parallel_loop3A_288 = math.exp %parallel_loop3A_287 : vector<16xf32>
          %parallel_loop3A_289 = arith.constant 1.000000e+00 : f32
          %parallel_loop3A_290 = vector.broadcast %parallel_loop3A_289 : f32 to vector<16xf32>
          %parallel_loop3A_291 = arith.addf %parallel_loop3A_290, %parallel_loop3A_288 : vector<16xf32>
          %parallel_loop3A_292 = arith.constant 1.000000e+00 : f32
          %parallel_loop3A_293 = vector.broadcast %parallel_loop3A_292 : f32 to vector<16xf32>
          %parallel_loop3A_294 = arith.divf %parallel_loop3A_293, %parallel_loop3A_291 : vector<16xf32>
          %parallel_loop3A_295 = arith.mulf %parallel_loop3A_294, %parallel_loop3A_270 : vector<16xf32>
          %parallel_loop3A_296 = arith.constant 0 : i32
          %parallel_loop3A_297 = arith.index_cast %parallel_loop3A_296 : i32 to index
          %parallel_loop3A_298 = arith.index_cast %parallel_loop3A_256 : i32 to index
          %parallel_loop3A_299 = arith.constant 0 : index
          %parallel_loop3A_300 = tpu.vector_load %arg14[%parallel_loop3A_297, %parallel_loop3A_298, %parallel_loop3A_299] {strides = array<i32>} : memref<2x40x128xf32, #tpu.memory_space<vmem>>, vector<1x1x16xf32>,
          %parallel_loop3A_301 = vector.shape_cast %parallel_loop3A_300 : vector<1x1x16xf32> to vector<16xf32>
          %parallel_loop3A_302 = vector.shape_cast %parallel_loop3A_295 : vector<16xf32> to vector<1x1x16xf32>
          tpu.vector_store %arg14[%parallel_loop3A_297, %parallel_loop3A_298, %parallel_loop3A_299], %parallel_loop3A_302 {strides = array<i32>} : memref<2x40x128xf32, #tpu.memory_space<vmem>>, vector<1x1x16xf32>,
          %parallel_loop3A_303 = arith.constant 0 : i32
          %parallel_loop3A_304 = arith.index_cast %parallel_loop3A_303 : i32 to index
          %parallel_loop3A_305 = arith.index_cast %parallel_loop3A_256 : i32 to index
          %parallel_loop3A_306 = arith.constant 16 : index
          %parallel_loop3A_307 = tpu.vector_load %arg13[%parallel_loop3A_304, %parallel_loop3A_305, %parallel_loop3A_306] {strides = array<i32>} : memref<2x40x128xi32, #tpu.memory_space<vmem>>, vector<1x1x16xi32>,
          %parallel_loop3A_308 = vector.shape_cast %parallel_loop3A_307 : vector<1x1x16xi32> to vector<16xi32>
          %parallel_loop3A_309 = arith.constant 16 : i32
          %parallel_loop3A_310 = vector.broadcast %parallel_loop3A_309 : i32 to vector<16xi32>
          %parallel_loop3A_311 = arith.shli %parallel_loop3A_308, %parallel_loop3A_310 : vector<16xi32>
          %parallel_loop3A_312 = tpu.bitcast %parallel_loop3A_311 : vector<16xi32> -> vector<16xf32>
          %parallel_loop3A_313 = arith.constant -65536 : i32
          %parallel_loop3A_314 = vector.broadcast %parallel_loop3A_313 : i32 to vector<16xi32>
          %parallel_loop3A_315 = arith.andi %parallel_loop3A_308, %parallel_loop3A_314 : vector<16xi32>
          %parallel_loop3A_316 = tpu.bitcast %parallel_loop3A_315 : vector<16xi32> -> vector<16xf32>
          %parallel_loop3A_317 = arith.constant 0 : i32
          %parallel_loop3A_318 = arith.index_cast %parallel_loop3A_317 : i32 to index
          %parallel_loop3A_319 = arith.index_cast %parallel_loop3A_256 : i32 to index
          %parallel_loop3A_320 = arith.constant 16 : index
          %parallel_loop3A_321 = tpu.vector_load %arg14[%parallel_loop3A_318, %parallel_loop3A_319, %parallel_loop3A_320] {strides = array<i32>} : memref<2x40x128xf32, #tpu.memory_space<vmem>>, vector<1x1x16xf32>,
          %parallel_loop3A_322 = vector.shape_cast %parallel_loop3A_321 : vector<1x1x16xf32> to vector<16xf32>
          %parallel_loop3A_323 = arith.constant 0 : i32
          %parallel_loop3A_324 = arith.index_cast %parallel_loop3A_323 : i32 to index
          %parallel_loop3A_325 = arith.index_cast %parallel_loop3A_256 : i32 to index
          %parallel_loop3A_326 = arith.constant 16 : index
          %parallel_loop3A_327 = tpu.vector_load %arg12[%parallel_loop3A_324, %parallel_loop3A_325, %parallel_loop3A_326] {strides = array<i32>} : memref<2x40x128xf32, #tpu.memory_space<vmem>>, vector<1x1x16xf32>,
          %parallel_loop3A_328 = vector.shape_cast %parallel_loop3A_327 : vector<1x1x16xf32> to vector<16xf32>
          %parallel_loop3A_329 = arith.addf %parallel_loop3A_322, %parallel_loop3A_328 : vector<16xf32>
          %parallel_loop3A_330 = arith.addf %parallel_loop3A_329, %parallel_loop3A_312 : vector<16xf32>
          %parallel_loop3A_331 = arith.constant 0.000000e+00 : f32
          %parallel_loop3A_332 = vector.broadcast %parallel_loop3A_331 : f32 to vector<16xf32>
          %parallel_loop3A_333 = arith.subf %parallel_loop3A_332, %parallel_loop3A_330 : vector<16xf32>
          %parallel_loop3A_334 = math.exp %parallel_loop3A_333 : vector<16xf32>
          %parallel_loop3A_335 = arith.constant 1.000000e+00 : f32
          %parallel_loop3A_336 = vector.broadcast %parallel_loop3A_335 : f32 to vector<16xf32>
          %parallel_loop3A_337 = arith.addf %parallel_loop3A_336, %parallel_loop3A_334 : vector<16xf32>
          %parallel_loop3A_338 = arith.constant 1.000000e+00 : f32
          %parallel_loop3A_339 = vector.broadcast %parallel_loop3A_338 : f32 to vector<16xf32>
          %parallel_loop3A_340 = arith.divf %parallel_loop3A_339, %parallel_loop3A_337 : vector<16xf32>
          %parallel_loop3A_341 = arith.mulf %parallel_loop3A_340, %parallel_loop3A_316 : vector<16xf32>
          %parallel_loop3A_342 = arith.constant 0 : i32
          %parallel_loop3A_343 = arith.index_cast %parallel_loop3A_342 : i32 to index
          %parallel_loop3A_344 = arith.index_cast %parallel_loop3A_256 : i32 to index
          %parallel_loop3A_345 = arith.constant 16 : index
          %parallel_loop3A_346 = tpu.vector_load %arg14[%parallel_loop3A_343, %parallel_loop3A_344, %parallel_loop3A_345] {strides = array<i32>} : memref<2x40x128xf32, #tpu.memory_space<vmem>>, vector<1x1x16xf32>,
          %parallel_loop3A_347 = vector.shape_cast %parallel_loop3A_346 : vector<1x1x16xf32> to vector<16xf32>
          %parallel_loop3A_348 = vector.shape_cast %parallel_loop3A_341 : vector<16xf32> to vector<1x1x16xf32>
          tpu.vector_store %arg14[%parallel_loop3A_343, %parallel_loop3A_344, %parallel_loop3A_345], %parallel_loop3A_348 {strides = array<i32>} : memref<2x40x128xf32, #tpu.memory_space<vmem>>, vector<1x1x16xf32>,
          %parallel_loop3A_349 = arith.constant 0 : i32
          %parallel_loop3A_350 = arith.index_cast %parallel_loop3A_349 : i32 to index
          %parallel_loop3A_351 = arith.index_cast %parallel_loop3A_256 : i32 to index
          %parallel_loop3A_352 = arith.constant 32 : index
          %parallel_loop3A_353 = tpu.vector_load %arg13[%parallel_loop3A_350, %parallel_loop3A_351, %parallel_loop3A_352] {strides = array<i32>} : memref<2x40x128xi32, #tpu.memory_space<vmem>>, vector<1x1x16xi32>,
          %parallel_loop3A_354 = vector.shape_cast %parallel_loop3A_353 : vector<1x1x16xi32> to vector<16xi32>
          %parallel_loop3A_355 = arith.constant 16 : i32
          %parallel_loop3A_356 = vector.broadcast %parallel_loop3A_355 : i32 to vector<16xi32>
          %parallel_loop3A_357 = arith.shli %parallel_loop3A_354, %parallel_loop3A_356 : vector<16xi32>
          %parallel_loop3A_358 = tpu.bitcast %parallel_loop3A_357 : vector<16xi32> -> vector<16xf32>
          %parallel_loop3A_359 = arith.constant -65536 : i32
          %parallel_loop3A_360 = vector.broadcast %parallel_loop3A_359 : i32 to vector<16xi32>
          %parallel_loop3A_361 = arith.andi %parallel_loop3A_354, %parallel_loop3A_360 : vector<16xi32>
          %parallel_loop3A_362 = tpu.bitcast %parallel_loop3A_361 : vector<16xi32> -> vector<16xf32>
          %parallel_loop3A_363 = arith.constant 0 : i32
          %parallel_loop3A_364 = arith.index_cast %parallel_loop3A_363 : i32 to index
          %parallel_loop3A_365 = arith.index_cast %parallel_loop3A_256 : i32 to index
          %parallel_loop3A_366 = arith.constant 32 : index
          %parallel_loop3A_367 = tpu.vector_load %arg14[%parallel_loop3A_364, %parallel_loop3A_365, %parallel_loop3A_366] {strides = array<i32>} : memref<2x40x128xf32, #tpu.memory_space<vmem>>, vector<1x1x16xf32>,
          %parallel_loop3A_368 = vector.shape_cast %parallel_loop3A_367 : vector<1x1x16xf32> to vector<16xf32>
          %parallel_loop3A_369 = arith.constant 0 : i32
          %parallel_loop3A_370 = arith.index_cast %parallel_loop3A_369 : i32 to index
          %parallel_loop3A_371 = arith.index_cast %parallel_loop3A_256 : i32 to index
          %parallel_loop3A_372 = arith.constant 32 : index
          %parallel_loop3A_373 = tpu.vector_load %arg12[%parallel_loop3A_370, %parallel_loop3A_371, %parallel_loop3A_372] {strides = array<i32>} : memref<2x40x128xf32, #tpu.memory_space<vmem>>, vector<1x1x16xf32>,
          %parallel_loop3A_374 = vector.shape_cast %parallel_loop3A_373 : vector<1x1x16xf32> to vector<16xf32>
          %parallel_loop3A_375 = arith.addf %parallel_loop3A_368, %parallel_loop3A_374 : vector<16xf32>
          %parallel_loop3A_376 = arith.addf %parallel_loop3A_375, %parallel_loop3A_358 : vector<16xf32>
          %parallel_loop3A_377 = arith.constant 0.000000e+00 : f32
          %parallel_loop3A_378 = vector.broadcast %parallel_loop3A_377 : f32 to vector<16xf32>
          %parallel_loop3A_379 = arith.subf %parallel_loop3A_378, %parallel_loop3A_376 : vector<16xf32>
          %parallel_loop3A_380 = math.exp %parallel_loop3A_379 : vector<16xf32>
          %parallel_loop3A_381 = arith.constant 1.000000e+00 : f32
          %parallel_loop3A_382 = vector.broadcast %parallel_loop3A_381 : f32 to vector<16xf32>
          %parallel_loop3A_383 = arith.addf %parallel_loop3A_382, %parallel_loop3A_380 : vector<16xf32>
          %parallel_loop3A_384 = arith.constant 1.000000e+00 : f32
          %parallel_loop3A_385 = vector.broadcast %parallel_loop3A_384 : f32 to vector<16xf32>
          %parallel_loop3A_386 = arith.divf %parallel_loop3A_385, %parallel_loop3A_383 : vector<16xf32>
          %parallel_loop3A_387 = arith.mulf %parallel_loop3A_386, %parallel_loop3A_362 : vector<16xf32>
          %parallel_loop3A_388 = arith.constant 0 : i32
          %parallel_loop3A_389 = arith.index_cast %parallel_loop3A_388 : i32 to index
          %parallel_loop3A_390 = arith.index_cast %parallel_loop3A_256 : i32 to index
          %parallel_loop3A_391 = arith.constant 32 : index
          %parallel_loop3A_392 = tpu.vector_load %arg14[%parallel_loop3A_389, %parallel_loop3A_390, %parallel_loop3A_391] {strides = array<i32>} : memref<2x40x128xf32, #tpu.memory_space<vmem>>, vector<1x1x16xf32>,
          %parallel_loop3A_393 = vector.shape_cast %parallel_loop3A_392 : vector<1x1x16xf32> to vector<16xf32>
          %parallel_loop3A_394 = vector.shape_cast %parallel_loop3A_387 : vector<16xf32> to vector<1x1x16xf32>
          tpu.vector_store %arg14[%parallel_loop3A_389, %parallel_loop3A_390, %parallel_loop3A_391], %parallel_loop3A_394 {strides = array<i32>} : memref<2x40x128xf32, #tpu.memory_space<vmem>>, vector<1x1x16xf32>,
          %parallel_loop3A_395 = arith.constant 0 : i32
          %parallel_loop3A_396 = arith.index_cast %parallel_loop3A_395 : i32 to index
          %parallel_loop3A_397 = arith.index_cast %parallel_loop3A_256 : i32 to index
          %parallel_loop3A_398 = arith.constant 48 : index
          %parallel_loop3A_399 = tpu.vector_load %arg13[%parallel_loop3A_396, %parallel_loop3A_397, %parallel_loop3A_398] {strides = array<i32>} : memref<2x40x128xi32, #tpu.memory_space<vmem>>, vector<1x1x16xi32>,
          %parallel_loop3A_400 = vector.shape_cast %parallel_loop3A_399 : vector<1x1x16xi32> to vector<16xi32>
          %parallel_loop3A_401 = arith.constant 16 : i32
          %parallel_loop3A_402 = vector.broadcast %parallel_loop3A_401 : i32 to vector<16xi32>
          %parallel_loop3A_403 = arith.shli %parallel_loop3A_400, %parallel_loop3A_402 : vector<16xi32>
          %parallel_loop3A_404 = tpu.bitcast %parallel_loop3A_403 : vector<16xi32> -> vector<16xf32>
          %parallel_loop3A_405 = arith.constant -65536 : i32
          %parallel_loop3A_406 = vector.broadcast %parallel_loop3A_405 : i32 to vector<16xi32>
          %parallel_loop3A_407 = arith.andi %parallel_loop3A_400, %parallel_loop3A_406 : vector<16xi32>
          %parallel_loop3A_408 = tpu.bitcast %parallel_loop3A_407 : vector<16xi32> -> vector<16xf32>
          %parallel_loop3A_409 = arith.constant 0 : i32
          %parallel_loop3A_410 = arith.index_cast %parallel_loop3A_409 : i32 to index
          %parallel_loop3A_411 = arith.index_cast %parallel_loop3A_256 : i32 to index
          %parallel_loop3A_412 = arith.constant 48 : index
          %parallel_loop3A_413 = tpu.vector_load %arg14[%parallel_loop3A_410, %parallel_loop3A_411, %parallel_loop3A_412] {strides = array<i32>} : memref<2x40x128xf32, #tpu.memory_space<vmem>>, vector<1x1x16xf32>,
          %parallel_loop3A_414 = vector.shape_cast %parallel_loop3A_413 : vector<1x1x16xf32> to vector<16xf32>
          %parallel_loop3A_415 = arith.constant 0 : i32
          %parallel_loop3A_416 = arith.index_cast %parallel_loop3A_415 : i32 to index
          %parallel_loop3A_417 = arith.index_cast %parallel_loop3A_256 : i32 to index
          %parallel_loop3A_418 = arith.constant 48 : index
          %parallel_loop3A_419 = tpu.vector_load %arg12[%parallel_loop3A_416, %parallel_loop3A_417, %parallel_loop3A_418] {strides = array<i32>} : memref<2x40x128xf32, #tpu.memory_space<vmem>>, vector<1x1x16xf32>,
          %parallel_loop3A_420 = vector.shape_cast %parallel_loop3A_419 : vector<1x1x16xf32> to vector<16xf32>
          %parallel_loop3A_421 = arith.addf %parallel_loop3A_414, %parallel_loop3A_420 : vector<16xf32>
          %parallel_loop3A_422 = arith.addf %parallel_loop3A_421, %parallel_loop3A_404 : vector<16xf32>
          %parallel_loop3A_423 = arith.constant 0.000000e+00 : f32
          %parallel_loop3A_424 = vector.broadcast %parallel_loop3A_423 : f32 to vector<16xf32>
          %parallel_loop3A_425 = arith.subf %parallel_loop3A_424, %parallel_loop3A_422 : vector<16xf32>
          %parallel_loop3A_426 = math.exp %parallel_loop3A_425 : vector<16xf32>
          %parallel_loop3A_427 = arith.constant 1.000000e+00 : f32
          %parallel_loop3A_428 = vector.broadcast %parallel_loop3A_427 : f32 to vector<16xf32>
          %parallel_loop3A_429 = arith.addf %parallel_loop3A_428, %parallel_loop3A_426 : vector<16xf32>
          %parallel_loop3A_430 = arith.constant 1.000000e+00 : f32
          %parallel_loop3A_431 = vector.broadcast %parallel_loop3A_430 : f32 to vector<16xf32>
          %parallel_loop3A_432 = arith.divf %parallel_loop3A_431, %parallel_loop3A_429 : vector<16xf32>
          %parallel_loop3A_433 = arith.mulf %parallel_loop3A_432, %parallel_loop3A_408 : vector<16xf32>
          %parallel_loop3A_434 = arith.constant 0 : i32
          %parallel_loop3A_435 = arith.index_cast %parallel_loop3A_434 : i32 to index
          %parallel_loop3A_436 = arith.index_cast %parallel_loop3A_256 : i32 to index
          %parallel_loop3A_437 = arith.constant 48 : index
          %parallel_loop3A_438 = tpu.vector_load %arg14[%parallel_loop3A_435, %parallel_loop3A_436, %parallel_loop3A_437] {strides = array<i32>} : memref<2x40x128xf32, #tpu.memory_space<vmem>>, vector<1x1x16xf32>,
          %parallel_loop3A_439 = vector.shape_cast %parallel_loop3A_438 : vector<1x1x16xf32> to vector<16xf32>
          %parallel_loop3A_440 = vector.shape_cast %parallel_loop3A_433 : vector<16xf32> to vector<1x1x16xf32>
          tpu.vector_store %arg14[%parallel_loop3A_435, %parallel_loop3A_436, %parallel_loop3A_437], %parallel_loop3A_440 {strides = array<i32>} : memref<2x40x128xf32, #tpu.memory_space<vmem>>, vector<1x1x16xf32>,
          %parallel_loop3A_441 = arith.constant 0 : i32
          %parallel_loop3A_442 = arith.index_cast %parallel_loop3A_441 : i32 to index
          %parallel_loop3A_443 = arith.index_cast %parallel_loop3A_256 : i32 to index
          %parallel_loop3A_444 = arith.constant 64 : index
          %parallel_loop3A_445 = tpu.vector_load %arg13[%parallel_loop3A_442, %parallel_loop3A_443, %parallel_loop3A_444] {strides = array<i32>} : memref<2x40x128xi32, #tpu.memory_space<vmem>>, vector<1x1x16xi32>,
          %parallel_loop3A_446 = vector.shape_cast %parallel_loop3A_445 : vector<1x1x16xi32> to vector<16xi32>
          %parallel_loop3A_447 = arith.constant 16 : i32
          %parallel_loop3A_448 = vector.broadcast %parallel_loop3A_447 : i32 to vector<16xi32>
          %parallel_loop3A_449 = arith.shli %parallel_loop3A_446, %parallel_loop3A_448 : vector<16xi32>
          %parallel_loop3A_450 = tpu.bitcast %parallel_loop3A_449 : vector<16xi32> -> vector<16xf32>
          %parallel_loop3A_451 = arith.constant -65536 : i32
          %parallel_loop3A_452 = vector.broadcast %parallel_loop3A_451 : i32 to vector<16xi32>
          %parallel_loop3A_453 = arith.andi %parallel_loop3A_446, %parallel_loop3A_452 : vector<16xi32>
          %parallel_loop3A_454 = tpu.bitcast %parallel_loop3A_453 : vector<16xi32> -> vector<16xf32>
          %parallel_loop3A_455 = arith.constant 0 : i32
          %parallel_loop3A_456 = arith.index_cast %parallel_loop3A_455 : i32 to index
          %parallel_loop3A_457 = arith.index_cast %parallel_loop3A_256 : i32 to index
          %parallel_loop3A_458 = arith.constant 64 : index
          %parallel_loop3A_459 = tpu.vector_load %arg14[%parallel_loop3A_456, %parallel_loop3A_457, %parallel_loop3A_458] {strides = array<i32>} : memref<2x40x128xf32, #tpu.memory_space<vmem>>, vector<1x1x16xf32>,
          %parallel_loop3A_460 = vector.shape_cast %parallel_loop3A_459 : vector<1x1x16xf32> to vector<16xf32>
          %parallel_loop3A_461 = arith.constant 0 : i32
          %parallel_loop3A_462 = arith.index_cast %parallel_loop3A_461 : i32 to index
          %parallel_loop3A_463 = arith.index_cast %parallel_loop3A_256 : i32 to index
          %parallel_loop3A_464 = arith.constant 64 : index
          %parallel_loop3A_465 = tpu.vector_load %arg12[%parallel_loop3A_462, %parallel_loop3A_463, %parallel_loop3A_464] {strides = array<i32>} : memref<2x40x128xf32, #tpu.memory_space<vmem>>, vector<1x1x16xf32>,
          %parallel_loop3A_466 = vector.shape_cast %parallel_loop3A_465 : vector<1x1x16xf32> to vector<16xf32>
          %parallel_loop3A_467 = arith.addf %parallel_loop3A_460, %parallel_loop3A_466 : vector<16xf32>
          %parallel_loop3A_468 = arith.addf %parallel_loop3A_467, %parallel_loop3A_450 : vector<16xf32>
          %parallel_loop3A_469 = arith.constant 0.000000e+00 : f32
          %parallel_loop3A_470 = vector.broadcast %parallel_loop3A_469 : f32 to vector<16xf32>
          %parallel_loop3A_471 = arith.subf %parallel_loop3A_470, %parallel_loop3A_468 : vector<16xf32>
          %parallel_loop3A_472 = math.exp %parallel_loop3A_471 : vector<16xf32>
          %parallel_loop3A_473 = arith.constant 1.000000e+00 : f32
          %parallel_loop3A_474 = vector.broadcast %parallel_loop3A_473 : f32 to vector<16xf32>
          %parallel_loop3A_475 = arith.addf %parallel_loop3A_474, %parallel_loop3A_472 : vector<16xf32>
          %parallel_loop3A_476 = arith.constant 1.000000e+00 : f32
          %parallel_loop3A_477 = vector.broadcast %parallel_loop3A_476 : f32 to vector<16xf32>
          %parallel_loop3A_478 = arith.divf %parallel_loop3A_477, %parallel_loop3A_475 : vector<16xf32>
          %parallel_loop3A_479 = arith.mulf %parallel_loop3A_478, %parallel_loop3A_454 : vector<16xf32>
          %parallel_loop3A_480 = arith.constant 0 : i32
          %parallel_loop3A_481 = arith.index_cast %parallel_loop3A_480 : i32 to index
          %parallel_loop3A_482 = arith.index_cast %parallel_loop3A_256 : i32 to index
          %parallel_loop3A_483 = arith.constant 64 : index
          %parallel_loop3A_484 = tpu.vector_load %arg14[%parallel_loop3A_481, %parallel_loop3A_482, %parallel_loop3A_483] {strides = array<i32>} : memref<2x40x128xf32, #tpu.memory_space<vmem>>, vector<1x1x16xf32>,
          %parallel_loop3A_485 = vector.shape_cast %parallel_loop3A_484 : vector<1x1x16xf32> to vector<16xf32>
          %parallel_loop3A_486 = vector.shape_cast %parallel_loop3A_479 : vector<16xf32> to vector<1x1x16xf32>
          tpu.vector_store %arg14[%parallel_loop3A_481, %parallel_loop3A_482, %parallel_loop3A_483], %parallel_loop3A_486 {strides = array<i32>} : memref<2x40x128xf32, #tpu.memory_space<vmem>>, vector<1x1x16xf32>,
          %parallel_loop3A_487 = arith.constant 0 : i32
          %parallel_loop3A_488 = arith.index_cast %parallel_loop3A_487 : i32 to index
          %parallel_loop3A_489 = arith.index_cast %parallel_loop3A_256 : i32 to index
          %parallel_loop3A_490 = arith.constant 80 : index
          %parallel_loop3A_491 = tpu.vector_load %arg13[%parallel_loop3A_488, %parallel_loop3A_489, %parallel_loop3A_490] {strides = array<i32>} : memref<2x40x128xi32, #tpu.memory_space<vmem>>, vector<1x1x16xi32>,
          %parallel_loop3A_492 = vector.shape_cast %parallel_loop3A_491 : vector<1x1x16xi32> to vector<16xi32>
          %parallel_loop3A_493 = arith.constant 16 : i32
          %parallel_loop3A_494 = vector.broadcast %parallel_loop3A_493 : i32 to vector<16xi32>
          %parallel_loop3A_495 = arith.shli %parallel_loop3A_492, %parallel_loop3A_494 : vector<16xi32>
          %parallel_loop3A_496 = tpu.bitcast %parallel_loop3A_495 : vector<16xi32> -> vector<16xf32>
          %parallel_loop3A_497 = arith.constant -65536 : i32
          %parallel_loop3A_498 = vector.broadcast %parallel_loop3A_497 : i32 to vector<16xi32>
          %parallel_loop3A_499 = arith.andi %parallel_loop3A_492, %parallel_loop3A_498 : vector<16xi32>
          %parallel_loop3A_500 = tpu.bitcast %parallel_loop3A_499 : vector<16xi32> -> vector<16xf32>
          %parallel_loop3A_501 = arith.constant 0 : i32
          %parallel_loop3A_502 = arith.index_cast %parallel_loop3A_501 : i32 to index
          %parallel_loop3A_503 = arith.index_cast %parallel_loop3A_256 : i32 to index
          %parallel_loop3A_504 = arith.constant 80 : index
          %parallel_loop3A_505 = tpu.vector_load %arg14[%parallel_loop3A_502, %parallel_loop3A_503, %parallel_loop3A_504] {strides = array<i32>} : memref<2x40x128xf32, #tpu.memory_space<vmem>>, vector<1x1x16xf32>,
          %parallel_loop3A_506 = vector.shape_cast %parallel_loop3A_505 : vector<1x1x16xf32> to vector<16xf32>
          %parallel_loop3A_507 = arith.constant 0 : i32
          %parallel_loop3A_508 = arith.index_cast %parallel_loop3A_507 : i32 to index
          %parallel_loop3A_509 = arith.index_cast %parallel_loop3A_256 : i32 to index
          %parallel_loop3A_510 = arith.constant 80 : index
          %parallel_loop3A_511 = tpu.vector_load %arg12[%parallel_loop3A_508, %parallel_loop3A_509, %parallel_loop3A_510] {strides = array<i32>} : memref<2x40x128xf32, #tpu.memory_space<vmem>>, vector<1x1x16xf32>,
          %parallel_loop3A_512 = vector.shape_cast %parallel_loop3A_511 : vector<1x1x16xf32> to vector<16xf32>
          %parallel_loop3A_513 = arith.addf %parallel_loop3A_506, %parallel_loop3A_512 : vector<16xf32>
          %parallel_loop3A_514 = arith.addf %parallel_loop3A_513, %parallel_loop3A_496 : vector<16xf32>
          %parallel_loop3A_515 = arith.constant 0.000000e+00 : f32
          %parallel_loop3A_516 = vector.broadcast %parallel_loop3A_515 : f32 to vector<16xf32>
          %parallel_loop3A_517 = arith.subf %parallel_loop3A_516, %parallel_loop3A_514 : vector<16xf32>
          %parallel_loop3A_518 = math.exp %parallel_loop3A_517 : vector<16xf32>
          %parallel_loop3A_519 = arith.constant 1.000000e+00 : f32
          %parallel_loop3A_520 = vector.broadcast %parallel_loop3A_519 : f32 to vector<16xf32>
          %parallel_loop3A_521 = arith.addf %parallel_loop3A_520, %parallel_loop3A_518 : vector<16xf32>
          %parallel_loop3A_522 = arith.constant 1.000000e+00 : f32
          %parallel_loop3A_523 = vector.broadcast %parallel_loop3A_522 : f32 to vector<16xf32>
          %parallel_loop3A_524 = arith.divf %parallel_loop3A_523, %parallel_loop3A_521 : vector<16xf32>
          %parallel_loop3A_525 = arith.mulf %parallel_loop3A_524, %parallel_loop3A_500 : vector<16xf32>
          %parallel_loop3A_526 = arith.constant 0 : i32
          %parallel_loop3A_527 = arith.index_cast %parallel_loop3A_526 : i32 to index
          %parallel_loop3A_528 = arith.index_cast %parallel_loop3A_256 : i32 to index
          %parallel_loop3A_529 = arith.constant 80 : index
          %parallel_loop3A_530 = tpu.vector_load %arg14[%parallel_loop3A_527, %parallel_loop3A_528, %parallel_loop3A_529] {strides = array<i32>} : memref<2x40x128xf32, #tpu.memory_space<vmem>>, vector<1x1x16xf32>,
          %parallel_loop3A_531 = vector.shape_cast %parallel_loop3A_530 : vector<1x1x16xf32> to vector<16xf32>
          %parallel_loop3A_532 = vector.shape_cast %parallel_loop3A_525 : vector<16xf32> to vector<1x1x16xf32>
          tpu.vector_store %arg14[%parallel_loop3A_527, %parallel_loop3A_528, %parallel_loop3A_529], %parallel_loop3A_532 {strides = array<i32>} : memref<2x40x128xf32, #tpu.memory_space<vmem>>, vector<1x1x16xf32>,
          %parallel_loop3A_533 = arith.constant 0 : i32
          %parallel_loop3A_534 = arith.index_cast %parallel_loop3A_533 : i32 to index
          %parallel_loop3A_535 = arith.index_cast %parallel_loop3A_256 : i32 to index
          %parallel_loop3A_536 = arith.constant 96 : index
          %parallel_loop3A_537 = tpu.vector_load %arg13[%parallel_loop3A_534, %parallel_loop3A_535, %parallel_loop3A_536] {strides = array<i32>} : memref<2x40x128xi32, #tpu.memory_space<vmem>>, vector<1x1x16xi32>,
          %parallel_loop3A_538 = vector.shape_cast %parallel_loop3A_537 : vector<1x1x16xi32> to vector<16xi32>
          %parallel_loop3A_539 = arith.constant 16 : i32
          %parallel_loop3A_540 = vector.broadcast %parallel_loop3A_539 : i32 to vector<16xi32>
          %parallel_loop3A_541 = arith.shli %parallel_loop3A_538, %parallel_loop3A_540 : vector<16xi32>
          %parallel_loop3A_542 = tpu.bitcast %parallel_loop3A_541 : vector<16xi32> -> vector<16xf32>
          %parallel_loop3A_543 = arith.constant -65536 : i32
          %parallel_loop3A_544 = vector.broadcast %parallel_loop3A_543 : i32 to vector<16xi32>
          %parallel_loop3A_545 = arith.andi %parallel_loop3A_538, %parallel_loop3A_544 : vector<16xi32>
          %parallel_loop3A_546 = tpu.bitcast %parallel_loop3A_545 : vector<16xi32> -> vector<16xf32>
          %parallel_loop3A_547 = arith.constant 0 : i32
          %parallel_loop3A_548 = arith.index_cast %parallel_loop3A_547 : i32 to index
          %parallel_loop3A_549 = arith.index_cast %parallel_loop3A_256 : i32 to index
          %parallel_loop3A_550 = arith.constant 96 : index
          %parallel_loop3A_551 = tpu.vector_load %arg14[%parallel_loop3A_548, %parallel_loop3A_549, %parallel_loop3A_550] {strides = array<i32>} : memref<2x40x128xf32, #tpu.memory_space<vmem>>, vector<1x1x16xf32>,
          %parallel_loop3A_552 = vector.shape_cast %parallel_loop3A_551 : vector<1x1x16xf32> to vector<16xf32>
          %parallel_loop3A_553 = arith.constant 0 : i32
          %parallel_loop3A_554 = arith.index_cast %parallel_loop3A_553 : i32 to index
          %parallel_loop3A_555 = arith.index_cast %parallel_loop3A_256 : i32 to index
          %parallel_loop3A_556 = arith.constant 96 : index
          %parallel_loop3A_557 = tpu.vector_load %arg12[%parallel_loop3A_554, %parallel_loop3A_555, %parallel_loop3A_556] {strides = array<i32>} : memref<2x40x128xf32, #tpu.memory_space<vmem>>, vector<1x1x16xf32>,
          %parallel_loop3A_558 = vector.shape_cast %parallel_loop3A_557 : vector<1x1x16xf32> to vector<16xf32>
          %parallel_loop3A_559 = arith.addf %parallel_loop3A_552, %parallel_loop3A_558 : vector<16xf32>
          %parallel_loop3A_560 = arith.addf %parallel_loop3A_559, %parallel_loop3A_542 : vector<16xf32>
          %parallel_loop3A_561 = arith.constant 0.000000e+00 : f32
          %parallel_loop3A_562 = vector.broadcast %parallel_loop3A_561 : f32 to vector<16xf32>
          %parallel_loop3A_563 = arith.subf %parallel_loop3A_562, %parallel_loop3A_560 : vector<16xf32>
          %parallel_loop3A_564 = math.exp %parallel_loop3A_563 : vector<16xf32>
          %parallel_loop3A_565 = arith.constant 1.000000e+00 : f32
          %parallel_loop3A_566 = vector.broadcast %parallel_loop3A_565 : f32 to vector<16xf32>
          %parallel_loop3A_567 = arith.addf %parallel_loop3A_566, %parallel_loop3A_564 : vector<16xf32>
          %parallel_loop3A_568 = arith.constant 1.000000e+00 : f32
          %parallel_loop3A_569 = vector.broadcast %parallel_loop3A_568 : f32 to vector<16xf32>
          %parallel_loop3A_570 = arith.divf %parallel_loop3A_569, %parallel_loop3A_567 : vector<16xf32>
          %parallel_loop3A_571 = arith.mulf %parallel_loop3A_570, %parallel_loop3A_546 : vector<16xf32>
          %parallel_loop3A_572 = arith.constant 0 : i32
          %parallel_loop3A_573 = arith.index_cast %parallel_loop3A_572 : i32 to index
          %parallel_loop3A_574 = arith.index_cast %parallel_loop3A_256 : i32 to index
          %parallel_loop3A_575 = arith.constant 96 : index
          %parallel_loop3A_576 = tpu.vector_load %arg14[%parallel_loop3A_573, %parallel_loop3A_574, %parallel_loop3A_575] {strides = array<i32>} : memref<2x40x128xf32, #tpu.memory_space<vmem>>, vector<1x1x16xf32>,
          %parallel_loop3A_577 = vector.shape_cast %parallel_loop3A_576 : vector<1x1x16xf32> to vector<16xf32>
          %parallel_loop3A_578 = vector.shape_cast %parallel_loop3A_571 : vector<16xf32> to vector<1x1x16xf32>
          tpu.vector_store %arg14[%parallel_loop3A_573, %parallel_loop3A_574, %parallel_loop3A_575], %parallel_loop3A_578 {strides = array<i32>} : memref<2x40x128xf32, #tpu.memory_space<vmem>>, vector<1x1x16xf32>,
          %parallel_loop3A_579 = arith.constant 0 : i32
          %parallel_loop3A_580 = arith.index_cast %parallel_loop3A_579 : i32 to index
          %parallel_loop3A_581 = arith.index_cast %parallel_loop3A_256 : i32 to index
          %parallel_loop3A_582 = arith.constant 112 : index
          %parallel_loop3A_583 = tpu.vector_load %arg13[%parallel_loop3A_580, %parallel_loop3A_581, %parallel_loop3A_582] {strides = array<i32>} : memref<2x40x128xi32, #tpu.memory_space<vmem>>, vector<1x1x16xi32>,
          %parallel_loop3A_584 = vector.shape_cast %parallel_loop3A_583 : vector<1x1x16xi32> to vector<16xi32>
          %parallel_loop3A_585 = arith.constant 16 : i32
          %parallel_loop3A_586 = vector.broadcast %parallel_loop3A_585 : i32 to vector<16xi32>
          %parallel_loop3A_587 = arith.shli %parallel_loop3A_584, %parallel_loop3A_586 : vector<16xi32>
          %parallel_loop3A_588 = tpu.bitcast %parallel_loop3A_587 : vector<16xi32> -> vector<16xf32>
          %parallel_loop3A_589 = arith.constant -65536 : i32
          %parallel_loop3A_590 = vector.broadcast %parallel_loop3A_589 : i32 to vector<16xi32>
          %parallel_loop3A_591 = arith.andi %parallel_loop3A_584, %parallel_loop3A_590 : vector<16xi32>
          %parallel_loop3A_592 = tpu.bitcast %parallel_loop3A_591 : vector<16xi32> -> vector<16xf32>
          %parallel_loop3A_593 = arith.constant 0 : i32
          %parallel_loop3A_594 = arith.index_cast %parallel_loop3A_593 : i32 to index
          %parallel_loop3A_595 = arith.index_cast %parallel_loop3A_256 : i32 to index
          %parallel_loop3A_596 = arith.constant 112 : index
          %parallel_loop3A_597 = tpu.vector_load %arg14[%parallel_loop3A_594, %parallel_loop3A_595, %parallel_loop3A_596] {strides = array<i32>} : memref<2x40x128xf32, #tpu.memory_space<vmem>>, vector<1x1x16xf32>,
          %parallel_loop3A_598 = vector.shape_cast %parallel_loop3A_597 : vector<1x1x16xf32> to vector<16xf32>
          %parallel_loop3A_599 = arith.constant 0 : i32
          %parallel_loop3A_600 = arith.index_cast %parallel_loop3A_599 : i32 to index
          %parallel_loop3A_601 = arith.index_cast %parallel_loop3A_256 : i32 to index
          %parallel_loop3A_602 = arith.constant 112 : index
          %parallel_loop3A_603 = tpu.vector_load %arg12[%parallel_loop3A_600, %parallel_loop3A_601, %parallel_loop3A_602] {strides = array<i32>} : memref<2x40x128xf32, #tpu.memory_space<vmem>>, vector<1x1x16xf32>,
          %parallel_loop3A_604 = vector.shape_cast %parallel_loop3A_603 : vector<1x1x16xf32> to vector<16xf32>
          %parallel_loop3A_605 = arith.addf %parallel_loop3A_598, %parallel_loop3A_604 : vector<16xf32>
          %parallel_loop3A_606 = arith.addf %parallel_loop3A_605, %parallel_loop3A_588 : vector<16xf32>
          %parallel_loop3A_607 = arith.constant 0.000000e+00 : f32
          %parallel_loop3A_608 = vector.broadcast %parallel_loop3A_607 : f32 to vector<16xf32>
          %parallel_loop3A_609 = arith.subf %parallel_loop3A_608, %parallel_loop3A_606 : vector<16xf32>
          %parallel_loop3A_610 = math.exp %parallel_loop3A_609 : vector<16xf32>
          %parallel_loop3A_611 = arith.constant 1.000000e+00 : f32
          %parallel_loop3A_612 = vector.broadcast %parallel_loop3A_611 : f32 to vector<16xf32>
          %parallel_loop3A_613 = arith.addf %parallel_loop3A_612, %parallel_loop3A_610 : vector<16xf32>
          %parallel_loop3A_614 = arith.constant 1.000000e+00 : f32
          %parallel_loop3A_615 = vector.broadcast %parallel_loop3A_614 : f32 to vector<16xf32>
          %parallel_loop3A_616 = arith.divf %parallel_loop3A_615, %parallel_loop3A_613 : vector<16xf32>
          %parallel_loop3A_617 = arith.mulf %parallel_loop3A_616, %parallel_loop3A_592 : vector<16xf32>
          %parallel_loop3A_618 = arith.constant 0 : i32
          %parallel_loop3A_619 = arith.index_cast %parallel_loop3A_618 : i32 to index
          %parallel_loop3A_620 = arith.index_cast %parallel_loop3A_256 : i32 to index
          %parallel_loop3A_621 = arith.constant 112 : index
          %parallel_loop3A_622 = tpu.vector_load %arg14[%parallel_loop3A_619, %parallel_loop3A_620, %parallel_loop3A_621] {strides = array<i32>} : memref<2x40x128xf32, #tpu.memory_space<vmem>>, vector<1x1x16xf32>,
          %parallel_loop3A_623 = vector.shape_cast %parallel_loop3A_622 : vector<1x1x16xf32> to vector<16xf32>
          %parallel_loop3A_624 = vector.shape_cast %parallel_loop3A_617 : vector<16xf32> to vector<1x1x16xf32>
          tpu.vector_store %arg14[%parallel_loop3A_619, %parallel_loop3A_620, %parallel_loop3A_621], %parallel_loop3A_624 {strides = array<i32>} : memref<2x40x128xf32, #tpu.memory_space<vmem>>, vector<1x1x16xf32>,
        } {sc.loop_unroll_factor = 2 : i64, sc.parallel_access}
        %mul3A_148 = arith.constant 40 : i32
        %mul3A_149 = arith.muli %mul3A_63, %mul3A_148 : i32
        %get3A = arith.index_cast %mul3A_149 : i32 to index
        %get3A_150 = tpu.vector_load %arg9[%get3A] {strides = array<i32>} : memref<2000xi32, #tpu.memory_space<vmem>>, vector<16xi32>,
        %get3A_151 = vector.shape_cast %get3A_150 : vector<16xi32> to vector<16xi32>
        %swap3A = arith.constant 0 : index
        %swap3A_152 = tpu.vector_load %arg11[%swap3A] {strides = array<i32>} : memref<40xi32, #tpu.memory_space<vmem>>, vector<16xi32>,
        %swap3A_153 = vector.shape_cast %swap3A_152 : vector<16xi32> to vector<16xi32>
        %swap3A_154 = vector.shape_cast %get3A_151 : vector<16xi32> to vector<16xi32>
        tpu.vector_store %arg11[%swap3A], %swap3A_154 {strides = array<i32>} : memref<40xi32, #tpu.memory_space<vmem>>, vector<16xi32>,
        %add3A_155 = arith.constant 16 : i32
        %add3A_156 = arith.addi %mul3A_149, %add3A_155 : i32
        %get3A_157 = arith.index_cast %add3A_156 : i32 to index
        %get3A_158 = tpu.vector_load %arg9[%get3A_157] {strides = array<i32>} : memref<2000xi32, #tpu.memory_space<vmem>>, vector<16xi32>,
        %get3A_159 = vector.shape_cast %get3A_158 : vector<16xi32> to vector<16xi32>
        %swap3A_160 = arith.constant 16 : index
        %swap3A_161 = tpu.vector_load %arg11[%swap3A_160] {strides = array<i32>} : memref<40xi32, #tpu.memory_space<vmem>>, vector<16xi32>,
        %swap3A_162 = vector.shape_cast %swap3A_161 : vector<16xi32> to vector<16xi32>
        %swap3A_163 = vector.shape_cast %get3A_159 : vector<16xi32> to vector<16xi32>
        tpu.vector_store %arg11[%swap3A_160], %swap3A_163 {strides = array<i32>} : memref<40xi32, #tpu.memory_space<vmem>>, vector<16xi32>,
        %add3A_164 = arith.constant 40 : i32
        %add3A_165 = arith.addi %mul3A_149, %add3A_164 : i32
        %sub3A = arith.constant 16 : i32
        %sub3A_166 = arith.subi %add3A_165, %sub3A : i32
        %get3A_167 = arith.index_cast %sub3A_166 : i32 to index
        %get3A_168 = tpu.vector_load %arg9[%get3A_167] {strides = array<i32>} : memref<2000xi32, #tpu.memory_space<vmem>>, vector<16xi32>,
        %get3A_169 = vector.shape_cast %get3A_168 : vector<16xi32> to vector<16xi32>
        %swap3A_170 = arith.constant 24 : index
        %swap3A_171 = tpu.vector_load %arg11[%swap3A_170] {strides = array<i32>} : memref<40xi32, #tpu.memory_space<vmem>>, vector<16xi32>,
        %swap3A_172 = vector.shape_cast %swap3A_171 : vector<16xi32> to vector<16xi32>
        %swap3A_173 = vector.shape_cast %get3A_169 : vector<16xi32> to vector<16xi32>
        tpu.vector_store %arg11[%swap3A_170], %swap3A_173 {strides = array<i32>} : memref<40xi32, #tpu.memory_space<vmem>>, vector<16xi32>,
        %run_scoped3A = arith.constant 0 : i32
        "tpu.region"() ({
          %run_scoped3A_256 = tpu.sem_alloc : memref<!tpu.dma_semaphore, #tpu.memory_space<semaphore_mem>>
          %dma_start3A_257 = arith.constant 0 : i32
          %dma_start3A_258 = arith.constant 0 : i32
          %dma_start3A_259 = tpu.memref_slice %arg14[%run_scoped3A, %dma_start3A_257, %dma_start3A_258] : memref<2x40x128xf32, #tpu.memory_space<vmem>> -> memref<1x40x128xf32, #tpu.memory_space<vmem>>
          %dma_start3A_260 = tpu.memref_squeeze %dma_start3A_259 : memref<1x40x128xf32, #tpu.memory_space<vmem>> -> memref<40x128xf32, #tpu.memory_space<vmem>>
          %dma_start3A_261 = arith.constant 0 : i32
          %dma_start3A_262 = arith.constant 0 : i32
          %dma_start3A_263 = tpu.memref_slice %arg15[%dma_start3A_261, %dma_start3A_262] : memref<10240x128xf32, #tpu.memory_space<vmem_shared>> -> memref<10240x128xf32, #tpu.memory_space<vmem_shared>>
          tpu.enqueue_indirect_dma source(%dma_start3A_260 : memref<40x128xf32, #tpu.memory_space<vmem>>) target(%dma_start3A_263 : memref<10240x128xf32, #tpu.memory_space<vmem_shared>>) offsets(%arg11 : memref<40xi32, #tpu.memory_space<vmem>>) semaphore(%run_scoped3A_256 : memref<!tpu.dma_semaphore, #tpu.memory_space<semaphore_mem>>) {add = true}
          %dma_wait3A_264 = arith.constant 0 : i32
          %dma_wait3A_265 = arith.constant 0 : i32
          %dma_wait3A_266 = tpu.memref_slice %arg14[%run_scoped3A, %dma_wait3A_264, %dma_wait3A_265] : memref<2x40x128xf32, #tpu.memory_space<vmem>> -> memref<1x40x128xf32, #tpu.memory_space<vmem>>
          %dma_wait3A_267 = tpu.memref_squeeze %dma_wait3A_266 : memref<1x40x128xf32, #tpu.memory_space<vmem>> -> memref<40x128xf32, #tpu.memory_space<vmem>>
          %dma_wait3A_268 = arith.constant 0 : i32
          %dma_wait3A_269 = arith.constant 0 : i32
          %dma_wait3A_270 = tpu.memref_slice %arg15[%dma_wait3A_268, %dma_wait3A_269] : memref<10240x128xf32, #tpu.memory_space<vmem_shared>> -> memref<10240x128xf32, #tpu.memory_space<vmem_shared>>
          tpu.wait_indirect_dma semaphore(%run_scoped3A_256 : memref<!tpu.dma_semaphore, #tpu.memory_space<semaphore_mem>>) src(%dma_wait3A_267 : memref<40x128xf32, #tpu.memory_space<vmem>>) dst(%dma_wait3A_270 : memref<10240x128xf32, #tpu.memory_space<vmem_shared>>)
          tpu.yield
        }) : () -> ()
        %lt3A = arith.constant 24 : i32
        %lt3A_174 = arith.cmpi slt, %scan3A_61, %lt3A : i32
        %convert_element_type3A = arith.extui %lt3A_174 : i1 to i32
        %cond3A = arith.constant 0 : i32
        %cond3A_175 = arith.cmpi ne, %convert_element_type3A, %cond3A : i32
        scf.if %cond3A_175 {
          %add3A_256 = arith.constant 2 : i32
          %add3A_257 = arith.addi %mul3A_63, %add3A_256 : i32
          %mul3A_258 = arith.constant 40 : i32
          %mul3A_259 = arith.muli %add3A_257, %mul3A_258 : i32
          %add3A_260 = arith.addi %mul3A_14, %add3A_257 : i32
          %mul3A_261 = arith.constant 40 : i32
          %mul3A_262 = arith.muli %add3A_260, %mul3A_261 : i32
          %dma_start3A_263 = arith.constant 0 : i32
          %dma_start3A_264 = arith.constant 0 : i32
          %dma_start3A_265 = arith.constant 0 : i32
          %dma_start3A_266 = tpu.memref_slice %arg12[%dma_start3A_263, %dma_start3A_264, %dma_start3A_265] : memref<2x40x128xf32, #tpu.memory_space<vmem>> -> memref<1x40x128xf32, #tpu.memory_space<vmem>>
          %dma_start3A_267 = tpu.memref_squeeze %dma_start3A_266 : memref<1x40x128xf32, #tpu.memory_space<vmem>> -> memref<40x128xf32, #tpu.memory_space<vmem>>
          %dma_start3A_268 = tpu.memref_slice %arg9[%mul3A_259] : memref<2000xi32, #tpu.memory_space<vmem>> -> memref<40xi32, #tpu.memory_space<vmem>>
          %dma_start3A_269 = arith.constant 0 : i32
          %dma_start3A_270 = arith.constant 0 : i32
          %dma_start3A_271 = tpu.memref_slice %arg5[%dma_start3A_269, %dma_start3A_270] : memref<10240x128xf32, #tpu.memory_space<hbm>> -> memref<10240x128xf32, #tpu.memory_space<hbm>>
          tpu.enqueue_indirect_dma source(%dma_start3A_271 : memref<10240x128xf32, #tpu.memory_space<hbm>>) target(%dma_start3A_267 : memref<40x128xf32, #tpu.memory_space<vmem>>) offsets(%dma_start3A_268 : memref<40xi32, #tpu.memory_space<vmem>>) semaphore(%arg16 : memref<!tpu.dma_semaphore, #tpu.memory_space<semaphore_mem>>)
          %dma_start3A_272 = arith.constant 0 : i32
          %dma_start3A_273 = arith.constant 0 : i32
          %dma_start3A_274 = arith.constant 0 : i32
          %dma_start3A_275 = tpu.memref_slice %arg13[%dma_start3A_272, %dma_start3A_273, %dma_start3A_274] : memref<2x40x128xi32, #tpu.memory_space<vmem>> -> memref<1x40x128xi32, #tpu.memory_space<vmem>>
          %dma_start3A_276 = tpu.memref_squeeze %dma_start3A_275 : memref<1x40x128xi32, #tpu.memory_space<vmem>> -> memref<40x128xi32, #tpu.memory_space<vmem>>
          %dma_start3A_277 = tpu.memref_slice %arg10[%mul3A_259] : memref<2000xi32, #tpu.memory_space<vmem>> -> memref<40xi32, #tpu.memory_space<vmem>>
          %dma_start3A_278 = arith.constant 0 : i32
          %dma_start3A_279 = arith.constant 0 : i32
          %dma_start3A_280 = tpu.memref_slice %arg6[%dma_start3A_278, %dma_start3A_279] : memref<10240x128xi32, #tpu.memory_space<hbm>> -> memref<10240x128xi32, #tpu.memory_space<hbm>>
          tpu.enqueue_indirect_dma source(%dma_start3A_280 : memref<10240x128xi32, #tpu.memory_space<hbm>>) target(%dma_start3A_276 : memref<40x128xi32, #tpu.memory_space<vmem>>) offsets(%dma_start3A_277 : memref<40xi32, #tpu.memory_space<vmem>>) semaphore(%arg18 : memref<!tpu.dma_semaphore, #tpu.memory_space<semaphore_mem>>)
          %dma_start3A_281 = arith.constant 0 : i32
          %dma_start3A_282 = arith.constant 0 : i32
          %dma_start3A_283 = arith.constant 0 : i32
          %dma_start3A_284 = tpu.memref_slice %arg14[%dma_start3A_281, %dma_start3A_282, %dma_start3A_283] : memref<2x40x128xf32, #tpu.memory_space<vmem>> -> memref<1x40x128xf32, #tpu.memory_space<vmem>>
          %dma_start3A_285 = tpu.memref_squeeze %dma_start3A_284 : memref<1x40x128xf32, #tpu.memory_space<vmem>> -> memref<40x128xf32, #tpu.memory_space<vmem>>
          %dma_start3A_286 = arith.constant 0 : i32
          %dma_start3A_287 = tpu.memref_slice %arg2[%mul3A_262, %dma_start3A_286] : memref<320000x128xf32, #tpu.memory_space<hbm>> -> memref<40x128xf32, #tpu.memory_space<hbm>>
          %dma_start3A_288 = arith.constant 0 : i32
          %dma_start3A_289 = arith.constant 0 : i32
          %dma_start3A_290 = tpu.memref_slice %arg14[%dma_start3A_281, %dma_start3A_288, %dma_start3A_289] : memref<2x40x128xf32, #tpu.memory_space<vmem>> -> memref<1x40x128xf32, #tpu.memory_space<vmem>>
          %dma_start3A_291 = tpu.memref_squeeze %dma_start3A_290 : memref<1x40x128xf32, #tpu.memory_space<vmem>> -> memref<40x128xf32, #tpu.memory_space<vmem>>
          %dma_start3A_292 = arith.constant 0 : i32
          %dma_start3A_293 = tpu.memref_slice %arg2[%mul3A_262, %dma_start3A_292] : memref<320000x128xf32, #tpu.memory_space<hbm>> -> memref<40x128xf32, #tpu.memory_space<hbm>>
          tpu.enqueue_dma source(%dma_start3A_293 : memref<40x128xf32, #tpu.memory_space<hbm>>) target(%dma_start3A_291 : memref<40x128xf32, #tpu.memory_space<vmem>>) target_semaphore(%arg20 : memref<!tpu.dma_semaphore, #tpu.memory_space<semaphore_mem>>)
        } else {
        }
        %add3A_176 = arith.constant 1 : i32
        %add3A_177 = arith.addi %mul3A_63, %add3A_176 : i32
        %dma_wait3A_178 = arith.constant 1 : i32
        %dma_wait3A_179 = arith.constant 0 : i32
        %dma_wait3A_180 = arith.constant 0 : i32
        %dma_wait3A_181 = tpu.memref_slice %arg12[%dma_wait3A_178, %dma_wait3A_179, %dma_wait3A_180] : memref<2x40x128xf32, #tpu.memory_space<vmem>> -> memref<1x40x128xf32, #tpu.memory_space<vmem>>
        %dma_wait3A_182 = tpu.memref_squeeze %dma_wait3A_181 : memref<1x40x128xf32, #tpu.memory_space<vmem>> -> memref<40x128xf32, #tpu.memory_space<vmem>>
        %dma_wait3A_183 = arith.constant 0 : i32
        %dma_wait3A_184 = arith.constant 0 : i32
        %dma_wait3A_185 = tpu.memref_slice %arg5[%dma_wait3A_183, %dma_wait3A_184] : memref<10240x128xf32, #tpu.memory_space<hbm>> -> memref<40x128xf32, #tpu.memory_space<hbm>>
        %dma_wait3A_186 = arith.constant 0 : i32
        %dma_wait3A_187 = arith.constant 0 : i32
        %dma_wait3A_188 = tpu.memref_slice %arg12[%dma_wait3A_178, %dma_wait3A_186, %dma_wait3A_187] : memref<2x40x128xf32, #tpu.memory_space<vmem>> -> memref<1x40x128xf32, #tpu.memory_space<vmem>>
        %dma_wait3A_189 = tpu.memref_squeeze %dma_wait3A_188 : memref<1x40x128xf32, #tpu.memory_space<vmem>> -> memref<40x128xf32, #tpu.memory_space<vmem>>
        %dma_wait3A_190 = arith.constant 0 : i32
        %dma_wait3A_191 = arith.constant 0 : i32
        %dma_wait3A_192 = tpu.memref_slice %arg5[%dma_wait3A_190, %dma_wait3A_191] : memref<10240x128xf32, #tpu.memory_space<hbm>> -> memref<40x128xf32, #tpu.memory_space<hbm>>
        tpu.wait_dma2 semaphore(%arg17 : memref<!tpu.dma_semaphore, #tpu.memory_space<semaphore_mem>>) src(%dma_wait3A_192 : memref<40x128xf32, #tpu.memory_space<hbm>>) dst(%dma_wait3A_189 : memref<40x128xf32, #tpu.memory_space<vmem>>)
        %dma_wait3A_193 = arith.constant 1 : i32
        %dma_wait3A_194 = arith.constant 0 : i32
        %dma_wait3A_195 = arith.constant 0 : i32
        %dma_wait3A_196 = tpu.memref_slice %arg13[%dma_wait3A_193, %dma_wait3A_194, %dma_wait3A_195] : memref<2x40x128xi32, #tpu.memory_space<vmem>> -> memref<1x40x128xi32, #tpu.memory_space<vmem>>
        %dma_wait3A_197 = tpu.memref_squeeze %dma_wait3A_196 : memref<1x40x128xi32, #tpu.memory_space<vmem>> -> memref<40x128xi32, #tpu.memory_space<vmem>>
        %dma_wait3A_198 = arith.constant 0 : i32
        %dma_wait3A_199 = arith.constant 0 : i32
        %dma_wait3A_200 = tpu.memref_slice %arg6[%dma_wait3A_198, %dma_wait3A_199] : memref<10240x128xi32, #tpu.memory_space<hbm>> -> memref<40x128xi32, #tpu.memory_space<hbm>>
        %dma_wait3A_201 = arith.constant 0 : i32
        %dma_wait3A_202 = arith.constant 0 : i32
        %dma_wait3A_203 = tpu.memref_slice %arg13[%dma_wait3A_193, %dma_wait3A_201, %dma_wait3A_202] : memref<2x40x128xi32, #tpu.memory_space<vmem>> -> memref<1x40x128xi32, #tpu.memory_space<vmem>>
        %dma_wait3A_204 = tpu.memref_squeeze %dma_wait3A_203 : memref<1x40x128xi32, #tpu.memory_space<vmem>> -> memref<40x128xi32, #tpu.memory_space<vmem>>
        %dma_wait3A_205 = arith.constant 0 : i32
        %dma_wait3A_206 = arith.constant 0 : i32
        %dma_wait3A_207 = tpu.memref_slice %arg6[%dma_wait3A_205, %dma_wait3A_206] : memref<10240x128xi32, #tpu.memory_space<hbm>> -> memref<40x128xi32, #tpu.memory_space<hbm>>
        tpu.wait_dma2 semaphore(%arg19 : memref<!tpu.dma_semaphore, #tpu.memory_space<semaphore_mem>>) src(%dma_wait3A_207 : memref<40x128xi32, #tpu.memory_space<hbm>>) dst(%dma_wait3A_204 : memref<40x128xi32, #tpu.memory_space<vmem>>)
        %dma_wait3A_208 = arith.constant 1 : i32
        %dma_wait3A_209 = arith.constant 0 : i32
        %dma_wait3A_210 = arith.constant 0 : i32
        %dma_wait3A_211 = tpu.memref_slice %arg14[%dma_wait3A_208, %dma_wait3A_209, %dma_wait3A_210] : memref<2x40x128xf32, #tpu.memory_space<vmem>> -> memref<1x40x128xf32, #tpu.memory_space<vmem>>
        %dma_wait3A_212 = tpu.memref_squeeze %dma_wait3A_211 : memref<1x40x128xf32, #tpu.memory_space<vmem>> -> memref<40x128xf32, #tpu.memory_space<vmem>>
        %dma_wait3A_213 = arith.constant 0 : i32
        %dma_wait3A_214 = arith.constant 0 : i32
        %dma_wait3A_215 = tpu.memref_slice %arg2[%dma_wait3A_213, %dma_wait3A_214] : memref<320000x128xf32, #tpu.memory_space<hbm>> -> memref<40x128xf32, #tpu.memory_space<hbm>>
        %dma_wait3A_216 = arith.constant 0 : i32
        %dma_wait3A_217 = arith.constant 0 : i32
        %dma_wait3A_218 = tpu.memref_slice %arg14[%dma_wait3A_208, %dma_wait3A_216, %dma_wait3A_217] : memref<2x40x128xf32, #tpu.memory_space<vmem>> -> memref<1x40x128xf32, #tpu.memory_space<vmem>>
        %dma_wait3A_219 = tpu.memref_squeeze %dma_wait3A_218 : memref<1x40x128xf32, #tpu.memory_space<vmem>> -> memref<40x128xf32, #tpu.memory_space<vmem>>
        %dma_wait3A_220 = arith.constant 0 : i32
        %dma_wait3A_221 = arith.constant 0 : i32
        %dma_wait3A_222 = tpu.memref_slice %arg2[%dma_wait3A_220, %dma_wait3A_221] : memref<320000x128xf32, #tpu.memory_space<hbm>> -> memref<40x128xf32, #tpu.memory_space<hbm>>
        tpu.wait_dma2 semaphore(%arg21 : memref<!tpu.dma_semaphore, #tpu.memory_space<semaphore_mem>>) src(%dma_wait3A_222 : memref<40x128xf32, #tpu.memory_space<hbm>>) dst(%dma_wait3A_219 : memref<40x128xf32, #tpu.memory_space<vmem>>)
        %parallel_loop3A_223 = arith.constant 0 : i32
        %parallel_loop3A_224 = arith.constant 40 : i32
        %parallel_loop3A_225 = arith.constant 1 : i32
        scf.for %parallel_loop3A_256 = %parallel_loop3A_223 to %parallel_loop3A_224 step %parallel_loop3A_225  : i32 {
          %parallel_loop3A_257 = arith.constant 1 : i32
          %parallel_loop3A_258 = arith.index_cast %parallel_loop3A_257 : i32 to index
          %parallel_loop3A_259 = arith.index_cast %parallel_loop3A_256 : i32 to index
          %parallel_loop3A_260 = arith.constant 0 : index
          %parallel_loop3A_261 = tpu.vector_load %arg13[%parallel_loop3A_258, %parallel_loop3A_259, %parallel_loop3A_260] {strides = array<i32>} : memref<2x40x128xi32, #tpu.memory_space<vmem>>, vector<1x1x16xi32>,
          %parallel_loop3A_262 = vector.shape_cast %parallel_loop3A_261 : vector<1x1x16xi32> to vector<16xi32>
          %parallel_loop3A_263 = arith.constant 16 : i32
          %parallel_loop3A_264 = vector.broadcast %parallel_loop3A_263 : i32 to vector<16xi32>
          %parallel_loop3A_265 = arith.shli %parallel_loop3A_262, %parallel_loop3A_264 : vector<16xi32>
          %parallel_loop3A_266 = tpu.bitcast %parallel_loop3A_265 : vector<16xi32> -> vector<16xf32>
          %parallel_loop3A_267 = arith.constant -65536 : i32
          %parallel_loop3A_268 = vector.broadcast %parallel_loop3A_267 : i32 to vector<16xi32>
          %parallel_loop3A_269 = arith.andi %parallel_loop3A_262, %parallel_loop3A_268 : vector<16xi32>
          %parallel_loop3A_270 = tpu.bitcast %parallel_loop3A_269 : vector<16xi32> -> vector<16xf32>
          %parallel_loop3A_271 = arith.constant 1 : i32
          %parallel_loop3A_272 = arith.index_cast %parallel_loop3A_271 : i32 to index
          %parallel_loop3A_273 = arith.index_cast %parallel_loop3A_256 : i32 to index
          %parallel_loop3A_274 = arith.constant 0 : index
          %parallel_loop3A_275 = tpu.vector_load %arg14[%parallel_loop3A_272, %parallel_loop3A_273, %parallel_loop3A_274] {strides = array<i32>} : memref<2x40x128xf32, #tpu.memory_space<vmem>>, vector<1x1x16xf32>,
          %parallel_loop3A_276 = vector.shape_cast %parallel_loop3A_275 : vector<1x1x16xf32> to vector<16xf32>
          %parallel_loop3A_277 = arith.constant 1 : i32
          %parallel_loop3A_278 = arith.index_cast %parallel_loop3A_277 : i32 to index
          %parallel_loop3A_279 = arith.index_cast %parallel_loop3A_256 : i32 to index
          %parallel_loop3A_280 = arith.constant 0 : index
          %parallel_loop3A_281 = tpu.vector_load %arg12[%parallel_loop3A_278, %parallel_loop3A_279, %parallel_loop3A_280] {strides = array<i32>} : memref<2x40x128xf32, #tpu.memory_space<vmem>>, vector<1x1x16xf32>,
          %parallel_loop3A_282 = vector.shape_cast %parallel_loop3A_281 : vector<1x1x16xf32> to vector<16xf32>
          %parallel_loop3A_283 = arith.addf %parallel_loop3A_276, %parallel_loop3A_282 : vector<16xf32>
          %parallel_loop3A_284 = arith.addf %parallel_loop3A_283, %parallel_loop3A_266 : vector<16xf32>
          %parallel_loop3A_285 = arith.constant 0.000000e+00 : f32
          %parallel_loop3A_286 = vector.broadcast %parallel_loop3A_285 : f32 to vector<16xf32>
          %parallel_loop3A_287 = arith.subf %parallel_loop3A_286, %parallel_loop3A_284 : vector<16xf32>
          %parallel_loop3A_288 = math.exp %parallel_loop3A_287 : vector<16xf32>
          %parallel_loop3A_289 = arith.constant 1.000000e+00 : f32
          %parallel_loop3A_290 = vector.broadcast %parallel_loop3A_289 : f32 to vector<16xf32>
          %parallel_loop3A_291 = arith.addf %parallel_loop3A_290, %parallel_loop3A_288 : vector<16xf32>
          %parallel_loop3A_292 = arith.constant 1.000000e+00 : f32
          %parallel_loop3A_293 = vector.broadcast %parallel_loop3A_292 : f32 to vector<16xf32>
          %parallel_loop3A_294 = arith.divf %parallel_loop3A_293, %parallel_loop3A_291 : vector<16xf32>
          %parallel_loop3A_295 = arith.mulf %parallel_loop3A_294, %parallel_loop3A_270 : vector<16xf32>
          %parallel_loop3A_296 = arith.constant 1 : i32
          %parallel_loop3A_297 = arith.index_cast %parallel_loop3A_296 : i32 to index
          %parallel_loop3A_298 = arith.index_cast %parallel_loop3A_256 : i32 to index
          %parallel_loop3A_299 = arith.constant 0 : index
          %parallel_loop3A_300 = tpu.vector_load %arg14[%parallel_loop3A_297, %parallel_loop3A_298, %parallel_loop3A_299] {strides = array<i32>} : memref<2x40x128xf32, #tpu.memory_space<vmem>>, vector<1x1x16xf32>,
          %parallel_loop3A_301 = vector.shape_cast %parallel_loop3A_300 : vector<1x1x16xf32> to vector<16xf32>
          %parallel_loop3A_302 = vector.shape_cast %parallel_loop3A_295 : vector<16xf32> to vector<1x1x16xf32>
          tpu.vector_store %arg14[%parallel_loop3A_297, %parallel_loop3A_298, %parallel_loop3A_299], %parallel_loop3A_302 {strides = array<i32>} : memref<2x40x128xf32, #tpu.memory_space<vmem>>, vector<1x1x16xf32>,
          %parallel_loop3A_303 = arith.constant 1 : i32
          %parallel_loop3A_304 = arith.index_cast %parallel_loop3A_303 : i32 to index
          %parallel_loop3A_305 = arith.index_cast %parallel_loop3A_256 : i32 to index
          %parallel_loop3A_306 = arith.constant 16 : index
          %parallel_loop3A_307 = tpu.vector_load %arg13[%parallel_loop3A_304, %parallel_loop3A_305, %parallel_loop3A_306] {strides = array<i32>} : memref<2x40x128xi32, #tpu.memory_space<vmem>>, vector<1x1x16xi32>,
          %parallel_loop3A_308 = vector.shape_cast %parallel_loop3A_307 : vector<1x1x16xi32> to vector<16xi32>
          %parallel_loop3A_309 = arith.constant 16 : i32
          %parallel_loop3A_310 = vector.broadcast %parallel_loop3A_309 : i32 to vector<16xi32>
          %parallel_loop3A_311 = arith.shli %parallel_loop3A_308, %parallel_loop3A_310 : vector<16xi32>
          %parallel_loop3A_312 = tpu.bitcast %parallel_loop3A_311 : vector<16xi32> -> vector<16xf32>
          %parallel_loop3A_313 = arith.constant -65536 : i32
          %parallel_loop3A_314 = vector.broadcast %parallel_loop3A_313 : i32 to vector<16xi32>
          %parallel_loop3A_315 = arith.andi %parallel_loop3A_308, %parallel_loop3A_314 : vector<16xi32>
          %parallel_loop3A_316 = tpu.bitcast %parallel_loop3A_315 : vector<16xi32> -> vector<16xf32>
          %parallel_loop3A_317 = arith.constant 1 : i32
          %parallel_loop3A_318 = arith.index_cast %parallel_loop3A_317 : i32 to index
          %parallel_loop3A_319 = arith.index_cast %parallel_loop3A_256 : i32 to index
          %parallel_loop3A_320 = arith.constant 16 : index
          %parallel_loop3A_321 = tpu.vector_load %arg14[%parallel_loop3A_318, %parallel_loop3A_319, %parallel_loop3A_320] {strides = array<i32>} : memref<2x40x128xf32, #tpu.memory_space<vmem>>, vector<1x1x16xf32>,
          %parallel_loop3A_322 = vector.shape_cast %parallel_loop3A_321 : vector<1x1x16xf32> to vector<16xf32>
          %parallel_loop3A_323 = arith.constant 1 : i32
          %parallel_loop3A_324 = arith.index_cast %parallel_loop3A_323 : i32 to index
          %parallel_loop3A_325 = arith.index_cast %parallel_loop3A_256 : i32 to index
          %parallel_loop3A_326 = arith.constant 16 : index
          %parallel_loop3A_327 = tpu.vector_load %arg12[%parallel_loop3A_324, %parallel_loop3A_325, %parallel_loop3A_326] {strides = array<i32>} : memref<2x40x128xf32, #tpu.memory_space<vmem>>, vector<1x1x16xf32>,
          %parallel_loop3A_328 = vector.shape_cast %parallel_loop3A_327 : vector<1x1x16xf32> to vector<16xf32>
          %parallel_loop3A_329 = arith.addf %parallel_loop3A_322, %parallel_loop3A_328 : vector<16xf32>
          %parallel_loop3A_330 = arith.addf %parallel_loop3A_329, %parallel_loop3A_312 : vector<16xf32>
          %parallel_loop3A_331 = arith.constant 0.000000e+00 : f32
          %parallel_loop3A_332 = vector.broadcast %parallel_loop3A_331 : f32 to vector<16xf32>
          %parallel_loop3A_333 = arith.subf %parallel_loop3A_332, %parallel_loop3A_330 : vector<16xf32>
          %parallel_loop3A_334 = math.exp %parallel_loop3A_333 : vector<16xf32>
          %parallel_loop3A_335 = arith.constant 1.000000e+00 : f32
          %parallel_loop3A_336 = vector.broadcast %parallel_loop3A_335 : f32 to vector<16xf32>
          %parallel_loop3A_337 = arith.addf %parallel_loop3A_336, %parallel_loop3A_334 : vector<16xf32>
          %parallel_loop3A_338 = arith.constant 1.000000e+00 : f32
          %parallel_loop3A_339 = vector.broadcast %parallel_loop3A_338 : f32 to vector<16xf32>
          %parallel_loop3A_340 = arith.divf %parallel_loop3A_339, %parallel_loop3A_337 : vector<16xf32>
          %parallel_loop3A_341 = arith.mulf %parallel_loop3A_340, %parallel_loop3A_316 : vector<16xf32>
          %parallel_loop3A_342 = arith.constant 1 : i32
          %parallel_loop3A_343 = arith.index_cast %parallel_loop3A_342 : i32 to index
          %parallel_loop3A_344 = arith.index_cast %parallel_loop3A_256 : i32 to index
          %parallel_loop3A_345 = arith.constant 16 : index
          %parallel_loop3A_346 = tpu.vector_load %arg14[%parallel_loop3A_343, %parallel_loop3A_344, %parallel_loop3A_345] {strides = array<i32>} : memref<2x40x128xf32, #tpu.memory_space<vmem>>, vector<1x1x16xf32>,
          %parallel_loop3A_347 = vector.shape_cast %parallel_loop3A_346 : vector<1x1x16xf32> to vector<16xf32>
          %parallel_loop3A_348 = vector.shape_cast %parallel_loop3A_341 : vector<16xf32> to vector<1x1x16xf32>
          tpu.vector_store %arg14[%parallel_loop3A_343, %parallel_loop3A_344, %parallel_loop3A_345], %parallel_loop3A_348 {strides = array<i32>} : memref<2x40x128xf32, #tpu.memory_space<vmem>>, vector<1x1x16xf32>,
          %parallel_loop3A_349 = arith.constant 1 : i32
          %parallel_loop3A_350 = arith.index_cast %parallel_loop3A_349 : i32 to index
          %parallel_loop3A_351 = arith.index_cast %parallel_loop3A_256 : i32 to index
          %parallel_loop3A_352 = arith.constant 32 : index
          %parallel_loop3A_353 = tpu.vector_load %arg13[%parallel_loop3A_350, %parallel_loop3A_351, %parallel_loop3A_352] {strides = array<i32>} : memref<2x40x128xi32, #tpu.memory_space<vmem>>, vector<1x1x16xi32>,
          %parallel_loop3A_354 = vector.shape_cast %parallel_loop3A_353 : vector<1x1x16xi32> to vector<16xi32>
          %parallel_loop3A_355 = arith.constant 16 : i32
          %parallel_loop3A_356 = vector.broadcast %parallel_loop3A_355 : i32 to vector<16xi32>
          %parallel_loop3A_357 = arith.shli %parallel_loop3A_354, %parallel_loop3A_356 : vector<16xi32>
          %parallel_loop3A_358 = tpu.bitcast %parallel_loop3A_357 : vector<16xi32> -> vector<16xf32>
          %parallel_loop3A_359 = arith.constant -65536 : i32
          %parallel_loop3A_360 = vector.broadcast %parallel_loop3A_359 : i32 to vector<16xi32>
          %parallel_loop3A_361 = arith.andi %parallel_loop3A_354, %parallel_loop3A_360 : vector<16xi32>
          %parallel_loop3A_362 = tpu.bitcast %parallel_loop3A_361 : vector<16xi32> -> vector<16xf32>
          %parallel_loop3A_363 = arith.constant 1 : i32
          %parallel_loop3A_364 = arith.index_cast %parallel_loop3A_363 : i32 to index
          %parallel_loop3A_365 = arith.index_cast %parallel_loop3A_256 : i32 to index
          %parallel_loop3A_366 = arith.constant 32 : index
          %parallel_loop3A_367 = tpu.vector_load %arg14[%parallel_loop3A_364, %parallel_loop3A_365, %parallel_loop3A_366] {strides = array<i32>} : memref<2x40x128xf32, #tpu.memory_space<vmem>>, vector<1x1x16xf32>,
          %parallel_loop3A_368 = vector.shape_cast %parallel_loop3A_367 : vector<1x1x16xf32> to vector<16xf32>
          %parallel_loop3A_369 = arith.constant 1 : i32
          %parallel_loop3A_370 = arith.index_cast %parallel_loop3A_369 : i32 to index
          %parallel_loop3A_371 = arith.index_cast %parallel_loop3A_256 : i32 to index
          %parallel_loop3A_372 = arith.constant 32 : index
          %parallel_loop3A_373 = tpu.vector_load %arg12[%parallel_loop3A_370, %parallel_loop3A_371, %parallel_loop3A_372] {strides = array<i32>} : memref<2x40x128xf32, #tpu.memory_space<vmem>>, vector<1x1x16xf32>,
          %parallel_loop3A_374 = vector.shape_cast %parallel_loop3A_373 : vector<1x1x16xf32> to vector<16xf32>
          %parallel_loop3A_375 = arith.addf %parallel_loop3A_368, %parallel_loop3A_374 : vector<16xf32>
          %parallel_loop3A_376 = arith.addf %parallel_loop3A_375, %parallel_loop3A_358 : vector<16xf32>
          %parallel_loop3A_377 = arith.constant 0.000000e+00 : f32
          %parallel_loop3A_378 = vector.broadcast %parallel_loop3A_377 : f32 to vector<16xf32>
          %parallel_loop3A_379 = arith.subf %parallel_loop3A_378, %parallel_loop3A_376 : vector<16xf32>
          %parallel_loop3A_380 = math.exp %parallel_loop3A_379 : vector<16xf32>
          %parallel_loop3A_381 = arith.constant 1.000000e+00 : f32
          %parallel_loop3A_382 = vector.broadcast %parallel_loop3A_381 : f32 to vector<16xf32>
          %parallel_loop3A_383 = arith.addf %parallel_loop3A_382, %parallel_loop3A_380 : vector<16xf32>
          %parallel_loop3A_384 = arith.constant 1.000000e+00 : f32
          %parallel_loop3A_385 = vector.broadcast %parallel_loop3A_384 : f32 to vector<16xf32>
          %parallel_loop3A_386 = arith.divf %parallel_loop3A_385, %parallel_loop3A_383 : vector<16xf32>
          %parallel_loop3A_387 = arith.mulf %parallel_loop3A_386, %parallel_loop3A_362 : vector<16xf32>
          %parallel_loop3A_388 = arith.constant 1 : i32
          %parallel_loop3A_389 = arith.index_cast %parallel_loop3A_388 : i32 to index
          %parallel_loop3A_390 = arith.index_cast %parallel_loop3A_256 : i32 to index
          %parallel_loop3A_391 = arith.constant 32 : index
          %parallel_loop3A_392 = tpu.vector_load %arg14[%parallel_loop3A_389, %parallel_loop3A_390, %parallel_loop3A_391] {strides = array<i32>} : memref<2x40x128xf32, #tpu.memory_space<vmem>>, vector<1x1x16xf32>,
          %parallel_loop3A_393 = vector.shape_cast %parallel_loop3A_392 : vector<1x1x16xf32> to vector<16xf32>
          %parallel_loop3A_394 = vector.shape_cast %parallel_loop3A_387 : vector<16xf32> to vector<1x1x16xf32>
          tpu.vector_store %arg14[%parallel_loop3A_389, %parallel_loop3A_390, %parallel_loop3A_391], %parallel_loop3A_394 {strides = array<i32>} : memref<2x40x128xf32, #tpu.memory_space<vmem>>, vector<1x1x16xf32>,
          %parallel_loop3A_395 = arith.constant 1 : i32
          %parallel_loop3A_396 = arith.index_cast %parallel_loop3A_395 : i32 to index
          %parallel_loop3A_397 = arith.index_cast %parallel_loop3A_256 : i32 to index
          %parallel_loop3A_398 = arith.constant 48 : index
          %parallel_loop3A_399 = tpu.vector_load %arg13[%parallel_loop3A_396, %parallel_loop3A_397, %parallel_loop3A_398] {strides = array<i32>} : memref<2x40x128xi32, #tpu.memory_space<vmem>>, vector<1x1x16xi32>,
          %parallel_loop3A_400 = vector.shape_cast %parallel_loop3A_399 : vector<1x1x16xi32> to vector<16xi32>
          %parallel_loop3A_401 = arith.constant 16 : i32
          %parallel_loop3A_402 = vector.broadcast %parallel_loop3A_401 : i32 to vector<16xi32>
          %parallel_loop3A_403 = arith.shli %parallel_loop3A_400, %parallel_loop3A_402 : vector<16xi32>
          %parallel_loop3A_404 = tpu.bitcast %parallel_loop3A_403 : vector<16xi32> -> vector<16xf32>
          %parallel_loop3A_405 = arith.constant -65536 : i32
          %parallel_loop3A_406 = vector.broadcast %parallel_loop3A_405 : i32 to vector<16xi32>
          %parallel_loop3A_407 = arith.andi %parallel_loop3A_400, %parallel_loop3A_406 : vector<16xi32>
          %parallel_loop3A_408 = tpu.bitcast %parallel_loop3A_407 : vector<16xi32> -> vector<16xf32>
          %parallel_loop3A_409 = arith.constant 1 : i32
          %parallel_loop3A_410 = arith.index_cast %parallel_loop3A_409 : i32 to index
          %parallel_loop3A_411 = arith.index_cast %parallel_loop3A_256 : i32 to index
          %parallel_loop3A_412 = arith.constant 48 : index
          %parallel_loop3A_413 = tpu.vector_load %arg14[%parallel_loop3A_410, %parallel_loop3A_411, %parallel_loop3A_412] {strides = array<i32>} : memref<2x40x128xf32, #tpu.memory_space<vmem>>, vector<1x1x16xf32>,
          %parallel_loop3A_414 = vector.shape_cast %parallel_loop3A_413 : vector<1x1x16xf32> to vector<16xf32>
          %parallel_loop3A_415 = arith.constant 1 : i32
          %parallel_loop3A_416 = arith.index_cast %parallel_loop3A_415 : i32 to index
          %parallel_loop3A_417 = arith.index_cast %parallel_loop3A_256 : i32 to index
          %parallel_loop3A_418 = arith.constant 48 : index
          %parallel_loop3A_419 = tpu.vector_load %arg12[%parallel_loop3A_416, %parallel_loop3A_417, %parallel_loop3A_418] {strides = array<i32>} : memref<2x40x128xf32, #tpu.memory_space<vmem>>, vector<1x1x16xf32>,
          %parallel_loop3A_420 = vector.shape_cast %parallel_loop3A_419 : vector<1x1x16xf32> to vector<16xf32>
          %parallel_loop3A_421 = arith.addf %parallel_loop3A_414, %parallel_loop3A_420 : vector<16xf32>
          %parallel_loop3A_422 = arith.addf %parallel_loop3A_421, %parallel_loop3A_404 : vector<16xf32>
          %parallel_loop3A_423 = arith.constant 0.000000e+00 : f32
          %parallel_loop3A_424 = vector.broadcast %parallel_loop3A_423 : f32 to vector<16xf32>
          %parallel_loop3A_425 = arith.subf %parallel_loop3A_424, %parallel_loop3A_422 : vector<16xf32>
          %parallel_loop3A_426 = math.exp %parallel_loop3A_425 : vector<16xf32>
          %parallel_loop3A_427 = arith.constant 1.000000e+00 : f32
          %parallel_loop3A_428 = vector.broadcast %parallel_loop3A_427 : f32 to vector<16xf32>
          %parallel_loop3A_429 = arith.addf %parallel_loop3A_428, %parallel_loop3A_426 : vector<16xf32>
          %parallel_loop3A_430 = arith.constant 1.000000e+00 : f32
          %parallel_loop3A_431 = vector.broadcast %parallel_loop3A_430 : f32 to vector<16xf32>
          %parallel_loop3A_432 = arith.divf %parallel_loop3A_431, %parallel_loop3A_429 : vector<16xf32>
          %parallel_loop3A_433 = arith.mulf %parallel_loop3A_432, %parallel_loop3A_408 : vector<16xf32>
          %parallel_loop3A_434 = arith.constant 1 : i32
          %parallel_loop3A_435 = arith.index_cast %parallel_loop3A_434 : i32 to index
          %parallel_loop3A_436 = arith.index_cast %parallel_loop3A_256 : i32 to index
          %parallel_loop3A_437 = arith.constant 48 : index
          %parallel_loop3A_438 = tpu.vector_load %arg14[%parallel_loop3A_435, %parallel_loop3A_436, %parallel_loop3A_437] {strides = array<i32>} : memref<2x40x128xf32, #tpu.memory_space<vmem>>, vector<1x1x16xf32>,
          %parallel_loop3A_439 = vector.shape_cast %parallel_loop3A_438 : vector<1x1x16xf32> to vector<16xf32>
          %parallel_loop3A_440 = vector.shape_cast %parallel_loop3A_433 : vector<16xf32> to vector<1x1x16xf32>
          tpu.vector_store %arg14[%parallel_loop3A_435, %parallel_loop3A_436, %parallel_loop3A_437], %parallel_loop3A_440 {strides = array<i32>} : memref<2x40x128xf32, #tpu.memory_space<vmem>>, vector<1x1x16xf32>,
          %parallel_loop3A_441 = arith.constant 1 : i32
          %parallel_loop3A_442 = arith.index_cast %parallel_loop3A_441 : i32 to index
          %parallel_loop3A_443 = arith.index_cast %parallel_loop3A_256 : i32 to index
          %parallel_loop3A_444 = arith.constant 64 : index
          %parallel_loop3A_445 = tpu.vector_load %arg13[%parallel_loop3A_442, %parallel_loop3A_443, %parallel_loop3A_444] {strides = array<i32>} : memref<2x40x128xi32, #tpu.memory_space<vmem>>, vector<1x1x16xi32>,
          %parallel_loop3A_446 = vector.shape_cast %parallel_loop3A_445 : vector<1x1x16xi32> to vector<16xi32>
          %parallel_loop3A_447 = arith.constant 16 : i32
          %parallel_loop3A_448 = vector.broadcast %parallel_loop3A_447 : i32 to vector<16xi32>
          %parallel_loop3A_449 = arith.shli %parallel_loop3A_446, %parallel_loop3A_448 : vector<16xi32>
          %parallel_loop3A_450 = tpu.bitcast %parallel_loop3A_449 : vector<16xi32> -> vector<16xf32>
          %parallel_loop3A_451 = arith.constant -65536 : i32
          %parallel_loop3A_452 = vector.broadcast %parallel_loop3A_451 : i32 to vector<16xi32>
          %parallel_loop3A_453 = arith.andi %parallel_loop3A_446, %parallel_loop3A_452 : vector<16xi32>
          %parallel_loop3A_454 = tpu.bitcast %parallel_loop3A_453 : vector<16xi32> -> vector<16xf32>
          %parallel_loop3A_455 = arith.constant 1 : i32
          %parallel_loop3A_456 = arith.index_cast %parallel_loop3A_455 : i32 to index
          %parallel_loop3A_457 = arith.index_cast %parallel_loop3A_256 : i32 to index
          %parallel_loop3A_458 = arith.constant 64 : index
          %parallel_loop3A_459 = tpu.vector_load %arg14[%parallel_loop3A_456, %parallel_loop3A_457, %parallel_loop3A_458] {strides = array<i32>} : memref<2x40x128xf32, #tpu.memory_space<vmem>>, vector<1x1x16xf32>,
          %parallel_loop3A_460 = vector.shape_cast %parallel_loop3A_459 : vector<1x1x16xf32> to vector<16xf32>
          %parallel_loop3A_461 = arith.constant 1 : i32
          %parallel_loop3A_462 = arith.index_cast %parallel_loop3A_461 : i32 to index
          %parallel_loop3A_463 = arith.index_cast %parallel_loop3A_256 : i32 to index
          %parallel_loop3A_464 = arith.constant 64 : index
          %parallel_loop3A_465 = tpu.vector_load %arg12[%parallel_loop3A_462, %parallel_loop3A_463, %parallel_loop3A_464] {strides = array<i32>} : memref<2x40x128xf32, #tpu.memory_space<vmem>>, vector<1x1x16xf32>,
          %parallel_loop3A_466 = vector.shape_cast %parallel_loop3A_465 : vector<1x1x16xf32> to vector<16xf32>
          %parallel_loop3A_467 = arith.addf %parallel_loop3A_460, %parallel_loop3A_466 : vector<16xf32>
          %parallel_loop3A_468 = arith.addf %parallel_loop3A_467, %parallel_loop3A_450 : vector<16xf32>
          %parallel_loop3A_469 = arith.constant 0.000000e+00 : f32
          %parallel_loop3A_470 = vector.broadcast %parallel_loop3A_469 : f32 to vector<16xf32>
          %parallel_loop3A_471 = arith.subf %parallel_loop3A_470, %parallel_loop3A_468 : vector<16xf32>
          %parallel_loop3A_472 = math.exp %parallel_loop3A_471 : vector<16xf32>
          %parallel_loop3A_473 = arith.constant 1.000000e+00 : f32
          %parallel_loop3A_474 = vector.broadcast %parallel_loop3A_473 : f32 to vector<16xf32>
          %parallel_loop3A_475 = arith.addf %parallel_loop3A_474, %parallel_loop3A_472 : vector<16xf32>
          %parallel_loop3A_476 = arith.constant 1.000000e+00 : f32
          %parallel_loop3A_477 = vector.broadcast %parallel_loop3A_476 : f32 to vector<16xf32>
          %parallel_loop3A_478 = arith.divf %parallel_loop3A_477, %parallel_loop3A_475 : vector<16xf32>
          %parallel_loop3A_479 = arith.mulf %parallel_loop3A_478, %parallel_loop3A_454 : vector<16xf32>
          %parallel_loop3A_480 = arith.constant 1 : i32
          %parallel_loop3A_481 = arith.index_cast %parallel_loop3A_480 : i32 to index
          %parallel_loop3A_482 = arith.index_cast %parallel_loop3A_256 : i32 to index
          %parallel_loop3A_483 = arith.constant 64 : index
          %parallel_loop3A_484 = tpu.vector_load %arg14[%parallel_loop3A_481, %parallel_loop3A_482, %parallel_loop3A_483] {strides = array<i32>} : memref<2x40x128xf32, #tpu.memory_space<vmem>>, vector<1x1x16xf32>,
          %parallel_loop3A_485 = vector.shape_cast %parallel_loop3A_484 : vector<1x1x16xf32> to vector<16xf32>
          %parallel_loop3A_486 = vector.shape_cast %parallel_loop3A_479 : vector<16xf32> to vector<1x1x16xf32>
          tpu.vector_store %arg14[%parallel_loop3A_481, %parallel_loop3A_482, %parallel_loop3A_483], %parallel_loop3A_486 {strides = array<i32>} : memref<2x40x128xf32, #tpu.memory_space<vmem>>, vector<1x1x16xf32>,
          %parallel_loop3A_487 = arith.constant 1 : i32
          %parallel_loop3A_488 = arith.index_cast %parallel_loop3A_487 : i32 to index
          %parallel_loop3A_489 = arith.index_cast %parallel_loop3A_256 : i32 to index
          %parallel_loop3A_490 = arith.constant 80 : index
          %parallel_loop3A_491 = tpu.vector_load %arg13[%parallel_loop3A_488, %parallel_loop3A_489, %parallel_loop3A_490] {strides = array<i32>} : memref<2x40x128xi32, #tpu.memory_space<vmem>>, vector<1x1x16xi32>,
          %parallel_loop3A_492 = vector.shape_cast %parallel_loop3A_491 : vector<1x1x16xi32> to vector<16xi32>
          %parallel_loop3A_493 = arith.constant 16 : i32
          %parallel_loop3A_494 = vector.broadcast %parallel_loop3A_493 : i32 to vector<16xi32>
          %parallel_loop3A_495 = arith.shli %parallel_loop3A_492, %parallel_loop3A_494 : vector<16xi32>
          %parallel_loop3A_496 = tpu.bitcast %parallel_loop3A_495 : vector<16xi32> -> vector<16xf32>
          %parallel_loop3A_497 = arith.constant -65536 : i32
          %parallel_loop3A_498 = vector.broadcast %parallel_loop3A_497 : i32 to vector<16xi32>
          %parallel_loop3A_499 = arith.andi %parallel_loop3A_492, %parallel_loop3A_498 : vector<16xi32>
          %parallel_loop3A_500 = tpu.bitcast %parallel_loop3A_499 : vector<16xi32> -> vector<16xf32>
          %parallel_loop3A_501 = arith.constant 1 : i32
          %parallel_loop3A_502 = arith.index_cast %parallel_loop3A_501 : i32 to index
          %parallel_loop3A_503 = arith.index_cast %parallel_loop3A_256 : i32 to index
          %parallel_loop3A_504 = arith.constant 80 : index
          %parallel_loop3A_505 = tpu.vector_load %arg14[%parallel_loop3A_502, %parallel_loop3A_503, %parallel_loop3A_504] {strides = array<i32>} : memref<2x40x128xf32, #tpu.memory_space<vmem>>, vector<1x1x16xf32>,
          %parallel_loop3A_506 = vector.shape_cast %parallel_loop3A_505 : vector<1x1x16xf32> to vector<16xf32>
          %parallel_loop3A_507 = arith.constant 1 : i32
          %parallel_loop3A_508 = arith.index_cast %parallel_loop3A_507 : i32 to index
          %parallel_loop3A_509 = arith.index_cast %parallel_loop3A_256 : i32 to index
          %parallel_loop3A_510 = arith.constant 80 : index
          %parallel_loop3A_511 = tpu.vector_load %arg12[%parallel_loop3A_508, %parallel_loop3A_509, %parallel_loop3A_510] {strides = array<i32>} : memref<2x40x128xf32, #tpu.memory_space<vmem>>, vector<1x1x16xf32>,
          %parallel_loop3A_512 = vector.shape_cast %parallel_loop3A_511 : vector<1x1x16xf32> to vector<16xf32>
          %parallel_loop3A_513 = arith.addf %parallel_loop3A_506, %parallel_loop3A_512 : vector<16xf32>
          %parallel_loop3A_514 = arith.addf %parallel_loop3A_513, %parallel_loop3A_496 : vector<16xf32>
          %parallel_loop3A_515 = arith.constant 0.000000e+00 : f32
          %parallel_loop3A_516 = vector.broadcast %parallel_loop3A_515 : f32 to vector<16xf32>
          %parallel_loop3A_517 = arith.subf %parallel_loop3A_516, %parallel_loop3A_514 : vector<16xf32>
          %parallel_loop3A_518 = math.exp %parallel_loop3A_517 : vector<16xf32>
          %parallel_loop3A_519 = arith.constant 1.000000e+00 : f32
          %parallel_loop3A_520 = vector.broadcast %parallel_loop3A_519 : f32 to vector<16xf32>
          %parallel_loop3A_521 = arith.addf %parallel_loop3A_520, %parallel_loop3A_518 : vector<16xf32>
          %parallel_loop3A_522 = arith.constant 1.000000e+00 : f32
          %parallel_loop3A_523 = vector.broadcast %parallel_loop3A_522 : f32 to vector<16xf32>
          %parallel_loop3A_524 = arith.divf %parallel_loop3A_523, %parallel_loop3A_521 : vector<16xf32>
          %parallel_loop3A_525 = arith.mulf %parallel_loop3A_524, %parallel_loop3A_500 : vector<16xf32>
          %parallel_loop3A_526 = arith.constant 1 : i32
          %parallel_loop3A_527 = arith.index_cast %parallel_loop3A_526 : i32 to index
          %parallel_loop3A_528 = arith.index_cast %parallel_loop3A_256 : i32 to index
          %parallel_loop3A_529 = arith.constant 80 : index
          %parallel_loop3A_530 = tpu.vector_load %arg14[%parallel_loop3A_527, %parallel_loop3A_528, %parallel_loop3A_529] {strides = array<i32>} : memref<2x40x128xf32, #tpu.memory_space<vmem>>, vector<1x1x16xf32>,
          %parallel_loop3A_531 = vector.shape_cast %parallel_loop3A_530 : vector<1x1x16xf32> to vector<16xf32>
          %parallel_loop3A_532 = vector.shape_cast %parallel_loop3A_525 : vector<16xf32> to vector<1x1x16xf32>
          tpu.vector_store %arg14[%parallel_loop3A_527, %parallel_loop3A_528, %parallel_loop3A_529], %parallel_loop3A_532 {strides = array<i32>} : memref<2x40x128xf32, #tpu.memory_space<vmem>>, vector<1x1x16xf32>,
          %parallel_loop3A_533 = arith.constant 1 : i32
          %parallel_loop3A_534 = arith.index_cast %parallel_loop3A_533 : i32 to index
          %parallel_loop3A_535 = arith.index_cast %parallel_loop3A_256 : i32 to index
          %parallel_loop3A_536 = arith.constant 96 : index
          %parallel_loop3A_537 = tpu.vector_load %arg13[%parallel_loop3A_534, %parallel_loop3A_535, %parallel_loop3A_536] {strides = array<i32>} : memref<2x40x128xi32, #tpu.memory_space<vmem>>, vector<1x1x16xi32>,
          %parallel_loop3A_538 = vector.shape_cast %parallel_loop3A_537 : vector<1x1x16xi32> to vector<16xi32>
          %parallel_loop3A_539 = arith.constant 16 : i32
          %parallel_loop3A_540 = vector.broadcast %parallel_loop3A_539 : i32 to vector<16xi32>
          %parallel_loop3A_541 = arith.shli %parallel_loop3A_538, %parallel_loop3A_540 : vector<16xi32>
          %parallel_loop3A_542 = tpu.bitcast %parallel_loop3A_541 : vector<16xi32> -> vector<16xf32>
          %parallel_loop3A_543 = arith.constant -65536 : i32
          %parallel_loop3A_544 = vector.broadcast %parallel_loop3A_543 : i32 to vector<16xi32>
          %parallel_loop3A_545 = arith.andi %parallel_loop3A_538, %parallel_loop3A_544 : vector<16xi32>
          %parallel_loop3A_546 = tpu.bitcast %parallel_loop3A_545 : vector<16xi32> -> vector<16xf32>
          %parallel_loop3A_547 = arith.constant 1 : i32
          %parallel_loop3A_548 = arith.index_cast %parallel_loop3A_547 : i32 to index
          %parallel_loop3A_549 = arith.index_cast %parallel_loop3A_256 : i32 to index
          %parallel_loop3A_550 = arith.constant 96 : index
          %parallel_loop3A_551 = tpu.vector_load %arg14[%parallel_loop3A_548, %parallel_loop3A_549, %parallel_loop3A_550] {strides = array<i32>} : memref<2x40x128xf32, #tpu.memory_space<vmem>>, vector<1x1x16xf32>,
          %parallel_loop3A_552 = vector.shape_cast %parallel_loop3A_551 : vector<1x1x16xf32> to vector<16xf32>
          %parallel_loop3A_553 = arith.constant 1 : i32
          %parallel_loop3A_554 = arith.index_cast %parallel_loop3A_553 : i32 to index
          %parallel_loop3A_555 = arith.index_cast %parallel_loop3A_256 : i32 to index
          %parallel_loop3A_556 = arith.constant 96 : index
          %parallel_loop3A_557 = tpu.vector_load %arg12[%parallel_loop3A_554, %parallel_loop3A_555, %parallel_loop3A_556] {strides = array<i32>} : memref<2x40x128xf32, #tpu.memory_space<vmem>>, vector<1x1x16xf32>,
          %parallel_loop3A_558 = vector.shape_cast %parallel_loop3A_557 : vector<1x1x16xf32> to vector<16xf32>
          %parallel_loop3A_559 = arith.addf %parallel_loop3A_552, %parallel_loop3A_558 : vector<16xf32>
          %parallel_loop3A_560 = arith.addf %parallel_loop3A_559, %parallel_loop3A_542 : vector<16xf32>
          %parallel_loop3A_561 = arith.constant 0.000000e+00 : f32
          %parallel_loop3A_562 = vector.broadcast %parallel_loop3A_561 : f32 to vector<16xf32>
          %parallel_loop3A_563 = arith.subf %parallel_loop3A_562, %parallel_loop3A_560 : vector<16xf32>
          %parallel_loop3A_564 = math.exp %parallel_loop3A_563 : vector<16xf32>
          %parallel_loop3A_565 = arith.constant 1.000000e+00 : f32
          %parallel_loop3A_566 = vector.broadcast %parallel_loop3A_565 : f32 to vector<16xf32>
          %parallel_loop3A_567 = arith.addf %parallel_loop3A_566, %parallel_loop3A_564 : vector<16xf32>
          %parallel_loop3A_568 = arith.constant 1.000000e+00 : f32
          %parallel_loop3A_569 = vector.broadcast %parallel_loop3A_568 : f32 to vector<16xf32>
          %parallel_loop3A_570 = arith.divf %parallel_loop3A_569, %parallel_loop3A_567 : vector<16xf32>
          %parallel_loop3A_571 = arith.mulf %parallel_loop3A_570, %parallel_loop3A_546 : vector<16xf32>
          %parallel_loop3A_572 = arith.constant 1 : i32
          %parallel_loop3A_573 = arith.index_cast %parallel_loop3A_572 : i32 to index
          %parallel_loop3A_574 = arith.index_cast %parallel_loop3A_256 : i32 to index
          %parallel_loop3A_575 = arith.constant 96 : index
          %parallel_loop3A_576 = tpu.vector_load %arg14[%parallel_loop3A_573, %parallel_loop3A_574, %parallel_loop3A_575] {strides = array<i32>} : memref<2x40x128xf32, #tpu.memory_space<vmem>>, vector<1x1x16xf32>,
          %parallel_loop3A_577 = vector.shape_cast %parallel_loop3A_576 : vector<1x1x16xf32> to vector<16xf32>
          %parallel_loop3A_578 = vector.shape_cast %parallel_loop3A_571 : vector<16xf32> to vector<1x1x16xf32>
          tpu.vector_store %arg14[%parallel_loop3A_573, %parallel_loop3A_574, %parallel_loop3A_575], %parallel_loop3A_578 {strides = array<i32>} : memref<2x40x128xf32, #tpu.memory_space<vmem>>, vector<1x1x16xf32>,
          %parallel_loop3A_579 = arith.constant 1 : i32
          %parallel_loop3A_580 = arith.index_cast %parallel_loop3A_579 : i32 to index
          %parallel_loop3A_581 = arith.index_cast %parallel_loop3A_256 : i32 to index
          %parallel_loop3A_582 = arith.constant 112 : index
          %parallel_loop3A_583 = tpu.vector_load %arg13[%parallel_loop3A_580, %parallel_loop3A_581, %parallel_loop3A_582] {strides = array<i32>} : memref<2x40x128xi32, #tpu.memory_space<vmem>>, vector<1x1x16xi32>,
          %parallel_loop3A_584 = vector.shape_cast %parallel_loop3A_583 : vector<1x1x16xi32> to vector<16xi32>
          %parallel_loop3A_585 = arith.constant 16 : i32
          %parallel_loop3A_586 = vector.broadcast %parallel_loop3A_585 : i32 to vector<16xi32>
          %parallel_loop3A_587 = arith.shli %parallel_loop3A_584, %parallel_loop3A_586 : vector<16xi32>
          %parallel_loop3A_588 = tpu.bitcast %parallel_loop3A_587 : vector<16xi32> -> vector<16xf32>
          %parallel_loop3A_589 = arith.constant -65536 : i32
          %parallel_loop3A_590 = vector.broadcast %parallel_loop3A_589 : i32 to vector<16xi32>
          %parallel_loop3A_591 = arith.andi %parallel_loop3A_584, %parallel_loop3A_590 : vector<16xi32>
          %parallel_loop3A_592 = tpu.bitcast %parallel_loop3A_591 : vector<16xi32> -> vector<16xf32>
          %parallel_loop3A_593 = arith.constant 1 : i32
          %parallel_loop3A_594 = arith.index_cast %parallel_loop3A_593 : i32 to index
          %parallel_loop3A_595 = arith.index_cast %parallel_loop3A_256 : i32 to index
          %parallel_loop3A_596 = arith.constant 112 : index
          %parallel_loop3A_597 = tpu.vector_load %arg14[%parallel_loop3A_594, %parallel_loop3A_595, %parallel_loop3A_596] {strides = array<i32>} : memref<2x40x128xf32, #tpu.memory_space<vmem>>, vector<1x1x16xf32>,
          %parallel_loop3A_598 = vector.shape_cast %parallel_loop3A_597 : vector<1x1x16xf32> to vector<16xf32>
          %parallel_loop3A_599 = arith.constant 1 : i32
          %parallel_loop3A_600 = arith.index_cast %parallel_loop3A_599 : i32 to index
          %parallel_loop3A_601 = arith.index_cast %parallel_loop3A_256 : i32 to index
          %parallel_loop3A_602 = arith.constant 112 : index
          %parallel_loop3A_603 = tpu.vector_load %arg12[%parallel_loop3A_600, %parallel_loop3A_601, %parallel_loop3A_602] {strides = array<i32>} : memref<2x40x128xf32, #tpu.memory_space<vmem>>, vector<1x1x16xf32>,
          %parallel_loop3A_604 = vector.shape_cast %parallel_loop3A_603 : vector<1x1x16xf32> to vector<16xf32>
          %parallel_loop3A_605 = arith.addf %parallel_loop3A_598, %parallel_loop3A_604 : vector<16xf32>
          %parallel_loop3A_606 = arith.addf %parallel_loop3A_605, %parallel_loop3A_588 : vector<16xf32>
          %parallel_loop3A_607 = arith.constant 0.000000e+00 : f32
          %parallel_loop3A_608 = vector.broadcast %parallel_loop3A_607 : f32 to vector<16xf32>
          %parallel_loop3A_609 = arith.subf %parallel_loop3A_608, %parallel_loop3A_606 : vector<16xf32>
          %parallel_loop3A_610 = math.exp %parallel_loop3A_609 : vector<16xf32>
          %parallel_loop3A_611 = arith.constant 1.000000e+00 : f32
          %parallel_loop3A_612 = vector.broadcast %parallel_loop3A_611 : f32 to vector<16xf32>
          %parallel_loop3A_613 = arith.addf %parallel_loop3A_612, %parallel_loop3A_610 : vector<16xf32>
          %parallel_loop3A_614 = arith.constant 1.000000e+00 : f32
          %parallel_loop3A_615 = vector.broadcast %parallel_loop3A_614 : f32 to vector<16xf32>
          %parallel_loop3A_616 = arith.divf %parallel_loop3A_615, %parallel_loop3A_613 : vector<16xf32>
          %parallel_loop3A_617 = arith.mulf %parallel_loop3A_616, %parallel_loop3A_592 : vector<16xf32>
          %parallel_loop3A_618 = arith.constant 1 : i32
          %parallel_loop3A_619 = arith.index_cast %parallel_loop3A_618 : i32 to index
          %parallel_loop3A_620 = arith.index_cast %parallel_loop3A_256 : i32 to index
          %parallel_loop3A_621 = arith.constant 112 : index
          %parallel_loop3A_622 = tpu.vector_load %arg14[%parallel_loop3A_619, %parallel_loop3A_620, %parallel_loop3A_621] {strides = array<i32>} : memref<2x40x128xf32, #tpu.memory_space<vmem>>, vector<1x1x16xf32>,
          %parallel_loop3A_623 = vector.shape_cast %parallel_loop3A_622 : vector<1x1x16xf32> to vector<16xf32>
          %parallel_loop3A_624 = vector.shape_cast %parallel_loop3A_617 : vector<16xf32> to vector<1x1x16xf32>
          tpu.vector_store %arg14[%parallel_loop3A_619, %parallel_loop3A_620, %parallel_loop3A_621], %parallel_loop3A_624 {strides = array<i32>} : memref<2x40x128xf32, #tpu.memory_space<vmem>>, vector<1x1x16xf32>,
        } {sc.loop_unroll_factor = 2 : i64, sc.parallel_access}
        %mul3A_226 = arith.constant 40 : i32
        %mul3A_227 = arith.muli %add3A_177, %mul3A_226 : i32
        %get3A_228 = arith.index_cast %mul3A_227 : i32 to index
        %get3A_229 = tpu.vector_load %arg9[%get3A_228] {strides = array<i32>} : memref<2000xi32, #tpu.memory_space<vmem>>, vector<16xi32>,
        %get3A_230 = vector.shape_cast %get3A_229 : vector<16xi32> to vector<16xi32>
        %swap3A_231 = arith.constant 0 : index
        %swap3A_232 = tpu.vector_load %arg11[%swap3A_231] {strides = array<i32>} : memref<40xi32, #tpu.memory_space<vmem>>, vector<16xi32>,
        %swap3A_233 = vector.shape_cast %swap3A_232 : vector<16xi32> to vector<16xi32>
        %swap3A_234 = vector.shape_cast %get3A_230 : vector<16xi32> to vector<16xi32>
        tpu.vector_store %arg11[%swap3A_231], %swap3A_234 {strides = array<i32>} : memref<40xi32, #tpu.memory_space<vmem>>, vector<16xi32>,
        %add3A_235 = arith.constant 16 : i32
        %add3A_236 = arith.addi %mul3A_227, %add3A_235 : i32
        %get3A_237 = arith.index_cast %add3A_236 : i32 to index
        %get3A_238 = tpu.vector_load %arg9[%get3A_237] {strides = array<i32>} : memref<2000xi32, #tpu.memory_space<vmem>>, vector<16xi32>,
        %get3A_239 = vector.shape_cast %get3A_238 : vector<16xi32> to vector<16xi32>
        %swap3A_240 = arith.constant 16 : index
        %swap3A_241 = tpu.vector_load %arg11[%swap3A_240] {strides = array<i32>} : memref<40xi32, #tpu.memory_space<vmem>>, vector<16xi32>,
        %swap3A_242 = vector.shape_cast %swap3A_241 : vector<16xi32> to vector<16xi32>
        %swap3A_243 = vector.shape_cast %get3A_239 : vector<16xi32> to vector<16xi32>
        tpu.vector_store %arg11[%swap3A_240], %swap3A_243 {strides = array<i32>} : memref<40xi32, #tpu.memory_space<vmem>>, vector<16xi32>,
        %add3A_244 = arith.constant 40 : i32
        %add3A_245 = arith.addi %mul3A_227, %add3A_244 : i32
        %sub3A_246 = arith.constant 16 : i32
        %sub3A_247 = arith.subi %add3A_245, %sub3A_246 : i32
        %get3A_248 = arith.index_cast %sub3A_247 : i32 to index
        %get3A_249 = tpu.vector_load %arg9[%get3A_248] {strides = array<i32>} : memref<2000xi32, #tpu.memory_space<vmem>>, vector<16xi32>,
        %get3A_250 = vector.shape_cast %get3A_249 : vector<16xi32> to vector<16xi32>
        %swap3A_251 = arith.constant 24 : index
        %swap3A_252 = tpu.vector_load %arg11[%swap3A_251] {strides = array<i32>} : memref<40xi32, #tpu.memory_space<vmem>>, vector<16xi32>,
        %swap3A_253 = vector.shape_cast %swap3A_252 : vector<16xi32> to vector<16xi32>
        %swap3A_254 = vector.shape_cast %get3A_250 : vector<16xi32> to vector<16xi32>
        tpu.vector_store %arg11[%swap3A_251], %swap3A_254 {strides = array<i32>} : memref<40xi32, #tpu.memory_space<vmem>>, vector<16xi32>,
        %run_scoped3A_255 = arith.constant 1 : i32
        "tpu.region"() ({
          %run_scoped3A_256 = tpu.sem_alloc : memref<!tpu.dma_semaphore, #tpu.memory_space<semaphore_mem>>
          %dma_start3A_257 = arith.constant 0 : i32
          %dma_start3A_258 = arith.constant 0 : i32
          %dma_start3A_259 = tpu.memref_slice %arg14[%run_scoped3A_255, %dma_start3A_257, %dma_start3A_258] : memref<2x40x128xf32, #tpu.memory_space<vmem>> -> memref<1x40x128xf32, #tpu.memory_space<vmem>>
          %dma_start3A_260 = tpu.memref_squeeze %dma_start3A_259 : memref<1x40x128xf32, #tpu.memory_space<vmem>> -> memref<40x128xf32, #tpu.memory_space<vmem>>
          %dma_start3A_261 = arith.constant 0 : i32
          %dma_start3A_262 = arith.constant 0 : i32
          %dma_start3A_263 = tpu.memref_slice %arg15[%dma_start3A_261, %dma_start3A_262] : memref<10240x128xf32, #tpu.memory_space<vmem_shared>> -> memref<10240x128xf32, #tpu.memory_space<vmem_shared>>
          tpu.enqueue_indirect_dma source(%dma_start3A_260 : memref<40x128xf32, #tpu.memory_space<vmem>>) target(%dma_start3A_263 : memref<10240x128xf32, #tpu.memory_space<vmem_shared>>) offsets(%arg11 : memref<40xi32, #tpu.memory_space<vmem>>) semaphore(%run_scoped3A_256 : memref<!tpu.dma_semaphore, #tpu.memory_space<semaphore_mem>>) {add = true}
          %dma_wait3A_264 = arith.constant 0 : i32
          %dma_wait3A_265 = arith.constant 0 : i32
          %dma_wait3A_266 = tpu.memref_slice %arg14[%run_scoped3A_255, %dma_wait3A_264, %dma_wait3A_265] : memref<2x40x128xf32, #tpu.memory_space<vmem>> -> memref<1x40x128xf32, #tpu.memory_space<vmem>>
          %dma_wait3A_267 = tpu.memref_squeeze %dma_wait3A_266 : memref<1x40x128xf32, #tpu.memory_space<vmem>> -> memref<40x128xf32, #tpu.memory_space<vmem>>
          %dma_wait3A_268 = arith.constant 0 : i32
          %dma_wait3A_269 = arith.constant 0 : i32
          %dma_wait3A_270 = tpu.memref_slice %arg15[%dma_wait3A_268, %dma_wait3A_269] : memref<10240x128xf32, #tpu.memory_space<vmem_shared>> -> memref<10240x128xf32, #tpu.memory_space<vmem_shared>>
          tpu.wait_indirect_dma semaphore(%run_scoped3A_256 : memref<!tpu.dma_semaphore, #tpu.memory_space<semaphore_mem>>) src(%dma_wait3A_267 : memref<40x128xf32, #tpu.memory_space<vmem>>) dst(%dma_wait3A_270 : memref<10240x128xf32, #tpu.memory_space<vmem_shared>>)
          tpu.yield
        }) : () -> ()
      }
      %scan3A_60 = arith.constant 25 : i32
    }
    %scan3A_7 = arith.constant 5 : i32
    %barrier3A_8 = arith.constant 0 : index
    tpu.barrier barrier_id(%barrier3A_8)
    "tpu.region"() ({
      %run_scoped3A = tpu.sem_alloc : memref<!tpu.dma_semaphore, #tpu.memory_space<semaphore_mem>>
      %dma_start3A = arith.constant 0 : i32
      %dma_start3A_9 = tpu.memref_slice %arg8[%arg0, %mul3A_0, %dma_start3A] : memref<2x10240x128xf32, #tpu.memory_space<hbm>> -> memref<1x640x128xf32, #tpu.memory_space<hbm>>
      %dma_start3A_10 = tpu.memref_squeeze %dma_start3A_9 : memref<1x640x128xf32, #tpu.memory_space<hbm>> -> memref<640x128xf32, #tpu.memory_space<hbm>>
      %dma_start3A_11 = arith.constant 0 : i32
      %dma_start3A_12 = tpu.memref_slice %arg15[%mul3A_0, %dma_start3A_11] : memref<10240x128xf32, #tpu.memory_space<vmem_shared>> -> memref<640x128xf32, #tpu.memory_space<vmem_shared>>
      tpu.enqueue_dma source(%dma_start3A_12 : memref<640x128xf32, #tpu.memory_space<vmem_shared>>) target(%dma_start3A_10 : memref<640x128xf32, #tpu.memory_space<hbm>>) target_semaphore(%run_scoped3A : memref<!tpu.dma_semaphore, #tpu.memory_space<semaphore_mem>>)
      %dma_wait3A = arith.constant 0 : i32
      %dma_wait3A_13 = tpu.memref_slice %arg8[%arg0, %mul3A_0, %dma_wait3A] : memref<2x10240x128xf32, #tpu.memory_space<hbm>> -> memref<1x640x128xf32, #tpu.memory_space<hbm>>
      %dma_wait3A_14 = tpu.memref_squeeze %dma_wait3A_13 : memref<1x640x128xf32, #tpu.memory_space<hbm>> -> memref<640x128xf32, #tpu.memory_space<hbm>>
      %dma_wait3A_15 = arith.constant 0 : i32
      %dma_wait3A_16 = tpu.memref_slice %arg15[%mul3A_0, %dma_wait3A_15] : memref<10240x128xf32, #tpu.memory_space<vmem_shared>> -> memref<640x128xf32, #tpu.memory_space<vmem_shared>>
      tpu.wait_dma2 semaphore(%run_scoped3A : memref<!tpu.dma_semaphore, #tpu.memory_space<semaphore_mem>>) src(%dma_wait3A_16 : memref<640x128xf32, #tpu.memory_space<vmem_shared>>) dst(%dma_wait3A_14 : memref<640x128xf32, #tpu.memory_space<hbm>>)
      tpu.yield
    }) : () -> ()
    return
  }
}

module attributes {stable_mosaic.version = 14 : i64} {
  func.func @_node_linear_body(%arg0: i32, %arg1: memref<1024x128xf32, #tpu.memory_space<vmem>>, %arg2: memref<128x512xf32, #tpu.memory_space<vmem>>, %arg3: memref<1x512xf32, #tpu.memory_space<vmem>>, %arg4: memref<1024x128xf32, #tpu.memory_space<vmem>>, %arg5: memref<1024x128xf32, #tpu.memory_space<vmem>>, %arg6: memref<1024x256xbf16, #tpu.memory_space<vmem>>) attributes {dimension_semantics = [#tpu.dimension_semantics<arbitrary>], iteration_bounds = array<i64: 10>, scalar_prefetch = 0 : i64, scratch_operands = 0 : i64, tpu.core_type = #tpu.core_type<tc>, window_params = [{transform_indices = @transform_0, window_bounds = array<i64: 1024, 128>}, {pipeline_mode = #tpu.pipeline_mode<synchronous>, transform_indices = @transform_1, window_bounds = array<i64: 128, 512>}, {pipeline_mode = #tpu.pipeline_mode<synchronous>, transform_indices = @transform_2, window_bounds = array<i64: 1, 512>}, {transform_indices = @transform_3, window_bounds = array<i64: 1024, 128>}, {transform_indices = @transform_4, window_bounds = array<i64: 1024, 128>}, {transform_indices = @transform_5, window_bounds = array<i64: 1024, 256>}]} {
    %get3A = arith.constant 0 : index
    %get3A_0 = arith.constant 0 : index
    %get3A_1 = vector.load %arg1[%get3A, %get3A_0] : memref<1024x128xf32, #tpu.memory_space<vmem>>, vector<1024x128xf32>
    %get3A_2 = arith.constant 0 : index
    %get3A_3 = arith.constant 0 : index
    %get3A_4 = vector.load %arg2[%get3A_2, %get3A_3] : memref<128x512xf32, #tpu.memory_space<vmem>>, vector<128x512xf32>
    %dot_general3A = arith.constant dense<0.000000e+00> : vector<1024x512xf32>
    %dot_general3A_5 = tpu.matmul %get3A_1, %get3A_4, %dot_general3A {dimension_numbers = #tpu.dot_dimension_numbers<[1], [0], [0], [1], [0, 0, 1, 1], [], []>, transpose_lhs_hint = false} : vector<1024x128xf32>, vector<128x512xf32>, vector<1024x512xf32> -> vector<1024x512xf32>
    %get3A_6 = arith.constant 0 : index
    %get3A_7 = arith.constant 0 : index
    %get3A_8 = vector.load %arg3[%get3A_6, %get3A_7] : memref<1x512xf32, #tpu.memory_space<vmem>>, vector<1x512xf32>
    %add3A = vector.broadcast %get3A_8 : vector<1x512xf32> to vector<1024x512xf32>
    %add3A_9 = arith.addf %dot_general3A_5, %add3A : vector<1024x512xf32>
    %slice3A = vector.extract_strided_slice %add3A_9 {offsets = [0, 0], sizes = [1024, 128], strides = [1, 1]} : vector<1024x512xf32> to vector<1024x128xf32>
    %swap3A = arith.constant 0 : index
    %swap3A_10 = arith.constant 0 : index
    %swap3A_11 = vector.load %arg4[%swap3A, %swap3A_10] : memref<1024x128xf32, #tpu.memory_space<vmem>>, vector<1024x128xf32>
    tpu.vector_store %arg4[%swap3A, %swap3A_10], %slice3A {strides = array<i32>} : memref<1024x128xf32, #tpu.memory_space<vmem>>, vector<1024x128xf32>,
    %slice3A_12 = vector.extract_strided_slice %add3A_9 {offsets = [0, 128], sizes = [1024, 128], strides = [1, 1]} : vector<1024x512xf32> to vector<1024x128xf32>
    %swap3A_13 = arith.constant 0 : index
    %swap3A_14 = arith.constant 0 : index
    %swap3A_15 = vector.load %arg5[%swap3A_13, %swap3A_14] : memref<1024x128xf32, #tpu.memory_space<vmem>>, vector<1024x128xf32>
    tpu.vector_store %arg5[%swap3A_13, %swap3A_14], %slice3A_12 {strides = array<i32>} : memref<1024x128xf32, #tpu.memory_space<vmem>>, vector<1024x128xf32>,
    %slice3A_16 = vector.extract_strided_slice %add3A_9 {offsets = [0, 256], sizes = [1024, 256], strides = [1, 1]} : vector<1024x512xf32> to vector<1024x256xf32>
    %convert_element_type3A = arith.truncf %slice3A_16 : vector<1024x256xf32> to vector<1024x256xbf16>
    %swap3A_17 = arith.constant 0 : index
    %swap3A_18 = arith.constant 0 : index
    %swap3A_19 = vector.load %arg6[%swap3A_17, %swap3A_18] : memref<1024x256xbf16, #tpu.memory_space<vmem>>, vector<1024x256xbf16>
    tpu.vector_store %arg6[%swap3A_17, %swap3A_18], %convert_element_type3A {strides = array<i32>} : memref<1024x256xbf16, #tpu.memory_space<vmem>>, vector<1024x256xbf16>,
    return
  }
  func.func @transform_0(%arg0: i32) -> (i32, i32) {
    %c0_i32 = arith.constant 0 : i32
    %c0_i32_0 = arith.constant 0 : i32
    return %arg0, %c0_i32 : i32, i32
  }
  func.func @transform_1(%arg0: i32) -> (i32, i32) {
    %c0_i32 = arith.constant 0 : i32
    %c0_i32_0 = arith.constant 0 : i32
    %c0_i32_1 = arith.constant 0 : i32
    return %c0_i32, %c0_i32_0 : i32, i32
  }
  func.func @transform_2(%arg0: i32) -> (i32, i32) {
    %c0_i32 = arith.constant 0 : i32
    %c0_i32_0 = arith.constant 0 : i32
    %c0_i32_1 = arith.constant 0 : i32
    return %c0_i32, %c0_i32_0 : i32, i32
  }
  func.func @transform_3(%arg0: i32) -> (i32, i32) {
    %c0_i32 = arith.constant 0 : i32
    %c0_i32_0 = arith.constant 0 : i32
    return %arg0, %c0_i32 : i32, i32
  }
  func.func @transform_4(%arg0: i32) -> (i32, i32) {
    %c0_i32 = arith.constant 0 : i32
    %c0_i32_0 = arith.constant 0 : i32
    return %arg0, %c0_i32 : i32, i32
  }
  func.func @transform_5(%arg0: i32) -> (i32, i32) {
    %c0_i32 = arith.constant 0 : i32
    %c0_i32_0 = arith.constant 0 : i32
    return %arg0, %c0_i32 : i32, i32
  }
}

module attributes {stable_mosaic.version = 14 : i64} {
  func.func @_edge_linear_body(%arg0: i32, %arg1: memref<2560x128xf32, #tpu.memory_space<vmem>>, %arg2: memref<128x128xf32, #tpu.memory_space<vmem>>, %arg3: memref<1x128xf32, #tpu.memory_space<vmem>>, %arg4: memref<2560x128xf32, #tpu.memory_space<vmem>>) attributes {dimension_semantics = [#tpu.dimension_semantics<arbitrary>], iteration_bounds = array<i64: 125>, scalar_prefetch = 0 : i64, scratch_operands = 0 : i64, tpu.core_type = #tpu.core_type<tc>, window_params = [{transform_indices = @transform_0, window_bounds = array<i64: 2560, 128>}, {pipeline_mode = #tpu.pipeline_mode<synchronous>, transform_indices = @transform_1, window_bounds = array<i64: 128, 128>}, {pipeline_mode = #tpu.pipeline_mode<synchronous>, transform_indices = @transform_2, window_bounds = array<i64: 1, 128>}, {transform_indices = @transform_3, window_bounds = array<i64: 2560, 128>}]} {
    %get3A = arith.constant 0 : index
    %get3A_0 = arith.constant 0 : index
    %get3A_1 = vector.load %arg1[%get3A, %get3A_0] : memref<2560x128xf32, #tpu.memory_space<vmem>>, vector<2560x128xf32>
    %get3A_2 = arith.constant 0 : index
    %get3A_3 = arith.constant 0 : index
    %get3A_4 = vector.load %arg2[%get3A_2, %get3A_3] : memref<128x128xf32, #tpu.memory_space<vmem>>, vector<128x128xf32>
    %dot_general3A = arith.constant dense<0.000000e+00> : vector<2560x128xf32>
    %dot_general3A_5 = tpu.matmul %get3A_1, %get3A_4, %dot_general3A {dimension_numbers = #tpu.dot_dimension_numbers<[1], [0], [0], [1], [0, 0, 1, 1], [], []>, transpose_lhs_hint = false} : vector<2560x128xf32>, vector<128x128xf32>, vector<2560x128xf32> -> vector<2560x128xf32>
    %get3A_6 = arith.constant 0 : index
    %get3A_7 = arith.constant 0 : index
    %get3A_8 = vector.load %arg3[%get3A_6, %get3A_7] : memref<1x128xf32, #tpu.memory_space<vmem>>, vector<1x128xf32>
    %add3A = vector.broadcast %get3A_8 : vector<1x128xf32> to vector<2560x128xf32>
    %add3A_9 = arith.addf %dot_general3A_5, %add3A : vector<2560x128xf32>
    %swap3A = arith.constant 0 : index
    %swap3A_10 = arith.constant 0 : index
    %swap3A_11 = vector.load %arg4[%swap3A, %swap3A_10] : memref<2560x128xf32, #tpu.memory_space<vmem>>, vector<2560x128xf32>
    tpu.vector_store %arg4[%swap3A, %swap3A_10], %add3A_9 {strides = array<i32>} : memref<2560x128xf32, #tpu.memory_space<vmem>>, vector<2560x128xf32>,
    return
  }
  func.func @transform_0(%arg0: i32) -> (i32, i32) {
    %c0_i32 = arith.constant 0 : i32
    %c0_i32_0 = arith.constant 0 : i32
    return %arg0, %c0_i32 : i32, i32
  }
  func.func @transform_1(%arg0: i32) -> (i32, i32) {
    %c0_i32 = arith.constant 0 : i32
    %c0_i32_0 = arith.constant 0 : i32
    %c0_i32_1 = arith.constant 0 : i32
    return %c0_i32, %c0_i32_0 : i32, i32
  }
  func.func @transform_2(%arg0: i32) -> (i32, i32) {
    %c0_i32 = arith.constant 0 : i32
    %c0_i32_0 = arith.constant 0 : i32
    %c0_i32_1 = arith.constant 0 : i32
    return %c0_i32, %c0_i32_0 : i32, i32
  }
  func.func @transform_3(%arg0: i32) -> (i32, i32) {
    %c0_i32 = arith.constant 0 : i32
    %c0_i32_0 = arith.constant 0 : i32
    return %arg0, %c0_i32 : i32, i32
  }
}

module attributes {stable_mosaic.version = 14 : i64} {
  func.func @_deg_body(%arg0: memref<16x20000xi32, #tpu.memory_space<vmem>>, %arg1: memref<80x128xf32, #tpu.memory_space<vmem>>) attributes {dimension_semantics = [], scalar_prefetch = 0 : i64, scratch_operands = 0 : i64, tpu.core_type = #tpu.core_type<tc>} {
    %iota3A = tpu.iota {dimensions = array<i32: 0>} : vector<80x1xi32>
    %iota3A_0 = tpu.iota {dimensions = array<i32: 0>} : vector<128x1xi32>
    %broadcast_in_dim3A = arith.constant 0.000000e+00 : f32
    %broadcast_in_dim3A_1 = vector.broadcast %broadcast_in_dim3A : f32 to vector<80x128xf32>
    %scan3A = arith.constant 0 : i32
    %scan3A_2 = arith.constant 16 : i32
    %scan3A_3 = arith.addi %scan3A, %scan3A_2 : i32
    %scan3A_4 = arith.constant 1 : i32
    %scan3A_5 = scf.for %scan3A_9 = %scan3A to %scan3A_3 step %scan3A_4 iter_args(%scan3A_10 = %broadcast_in_dim3A_1) -> (vector<80x128xf32>)  : i32 {
      %get3A = arith.index_cast %scan3A_9 : i32 to index
      %get3A_11 = arith.constant 0 : index
      %get3A_12 = vector.load %arg0[%get3A, %get3A_11] : memref<16x20000xi32, #tpu.memory_space<vmem>>, vector<1x20000xi32>
      %shift_right_logical3A = arith.constant 7 : i32
      %shift_right_logical3A_13 = vector.broadcast %shift_right_logical3A : i32 to vector<1x20000xi32>
      %shift_right_logical3A_14 = arith.shrui %get3A_12, %shift_right_logical3A_13 : vector<1x20000xi32>
      %eq3A = vector.broadcast %iota3A : vector<80x1xi32> to vector<80x20000xi32>
      %eq3A_15 = vector.broadcast %shift_right_logical3A_14 : vector<1x20000xi32> to vector<80x20000xi32>
      %eq3A_16 = arith.cmpi eq, %eq3A, %eq3A_15 : vector<80x20000xi32>
      %convert_element_type3A = arith.extui %eq3A_16 : vector<80x20000xi1> to vector<80x20000xi32>
      %convert_element_type3A_17 = arith.sitofp %convert_element_type3A : vector<80x20000xi32> to vector<80x20000xf32>
      %convert_element_type3A_18 = arith.truncf %convert_element_type3A_17 : vector<80x20000xf32> to vector<80x20000xbf16>
      %and3A = arith.constant 127 : i32
      %and3A_19 = vector.broadcast %and3A : i32 to vector<1x20000xi32>
      %and3A_20 = arith.andi %get3A_12, %and3A_19 : vector<1x20000xi32>
      %eq3A_21 = vector.broadcast %iota3A_0 : vector<128x1xi32> to vector<128x20000xi32>
      %eq3A_22 = vector.broadcast %and3A_20 : vector<1x20000xi32> to vector<128x20000xi32>
      %eq3A_23 = arith.cmpi eq, %eq3A_21, %eq3A_22 : vector<128x20000xi32>
      %convert_element_type3A_24 = arith.extui %eq3A_23 : vector<128x20000xi1> to vector<128x20000xi32>
      %convert_element_type3A_25 = arith.sitofp %convert_element_type3A_24 : vector<128x20000xi32> to vector<128x20000xf32>
      %convert_element_type3A_26 = arith.truncf %convert_element_type3A_25 : vector<128x20000xf32> to vector<128x20000xbf16>
      %dot_general3A = arith.constant dense<0.000000e+00> : vector<80x128xf32>
      %dot_general3A_27 = tpu.matmul %convert_element_type3A_18, %convert_element_type3A_26, %dot_general3A {dimension_numbers = #tpu.dot_dimension_numbers<[1], [1], [0], [0], [0, 0, 1, 0], [], []>, transpose_lhs_hint = false} : vector<80x20000xbf16>, vector<128x20000xbf16>, vector<80x128xf32> -> vector<80x128xf32>
      %add3A = arith.addf %scan3A_10, %dot_general3A_27 : vector<80x128xf32>
      scf.yield %add3A : vector<80x128xf32>
    }
    %scan3A_6 = arith.constant 16 : i32
    %swap3A = arith.constant 0 : index
    %swap3A_7 = arith.constant 0 : index
    %swap3A_8 = vector.load %arg1[%swap3A, %swap3A_7] : memref<80x128xf32, #tpu.memory_space<vmem>>, vector<80x128xf32>
    tpu.vector_store %arg1[%swap3A, %swap3A_7], %scan3A_5 {strides = array<i32>} : memref<80x128xf32, #tpu.memory_space<vmem>>, vector<80x128xf32>,
    return
  }
}

module attributes {stable_mosaic.version = 14 : i64} {
  func.func @_final_body(%arg0: memref<10240x128xf32, #tpu.memory_space<vmem>>, %arg1: memref<2x10240x128xf32, #tpu.memory_space<vmem>>, %arg2: memref<10240x1xf32, #tpu.memory_space<vmem>>, %arg3: memref<1x128xf32, #tpu.memory_space<vmem>>, %arg4: memref<1x128xf32, #tpu.memory_space<vmem>>, %arg5: memref<10000x128xf32, #tpu.memory_space<vmem>>) attributes {dimension_semantics = [], scalar_prefetch = 0 : i64, scratch_operands = 0 : i64, tpu.core_type = #tpu.core_type<tc>} {
    %get3A = arith.constant 0 : index
    %get3A_0 = arith.constant 0 : index
    %get3A_1 = arith.constant 0 : index
    %get3A_2 = vector.load %arg1[%get3A, %get3A_0, %get3A_1] : memref<2x10240x128xf32, #tpu.memory_space<vmem>>, vector<1x10000x128xf32>
    %get3A_3 = vector.shape_cast %get3A_2 : vector<1x10000x128xf32> to vector<10000x128xf32>
    %get3A_4 = arith.constant 1 : index
    %get3A_5 = arith.constant 0 : index
    %get3A_6 = arith.constant 0 : index
    %get3A_7 = vector.load %arg1[%get3A_4, %get3A_5, %get3A_6] : memref<2x10240x128xf32, #tpu.memory_space<vmem>>, vector<1x10000x128xf32>
    %get3A_8 = vector.shape_cast %get3A_7 : vector<1x10000x128xf32> to vector<10000x128xf32>
    %add3A = arith.addf %get3A_3, %get3A_8 : vector<10000x128xf32>
    %get3A_9 = arith.constant 0 : index
    %get3A_10 = arith.constant 0 : index
    %get3A_11 = vector.load %arg2[%get3A_9, %get3A_10] : memref<10240x1xf32, #tpu.memory_space<vmem>>, vector<10000x1xf32>
    %max3A = arith.constant 1.000000e+00 : f32
    %max3A_12 = vector.broadcast %max3A : f32 to vector<10000x1xf32>
    %max3A_13 = arith.maximumf %get3A_11, %max3A_12 : vector<10000x1xf32>
    %get3A_14 = arith.constant 0 : index
    %get3A_15 = arith.constant 0 : index
    %get3A_16 = vector.load %arg0[%get3A_14, %get3A_15] : memref<10240x128xf32, #tpu.memory_space<vmem>>, vector<10000x128xf32>
    %div3A = arith.constant 1.000000e+00 : f32
    %div3A_17 = vector.broadcast %div3A : f32 to vector<10000x1xf32>
    %div3A_18 = arith.divf %div3A_17, %max3A_13 : vector<10000x1xf32>
    %mul3A = vector.broadcast %div3A_18 : vector<10000x1xf32> to vector<10000x128xf32>
    %mul3A_19 = arith.mulf %add3A, %mul3A : vector<10000x128xf32>
    %add3A_20 = arith.addf %get3A_16, %mul3A_19 : vector<10000x128xf32>
    %reduce_sum3A = arith.constant dense<0.000000e+00> : vector<128xf32>
    %reduce_sum3A_21 = vector.multi_reduction <add>, %add3A_20, %reduce_sum3A [0] : vector<10000x128xf32> to vector<128xf32>
    %broadcast_in_dim3A = vector.shape_cast %reduce_sum3A_21 : vector<128xf32> to vector<1x128xf32>
    %div3A_22 = arith.constant 1.000000e+04 : f32
    %div3A_23 = vector.broadcast %div3A_22 : f32 to vector<1x128xf32>
    %div3A_24 = arith.divf %broadcast_in_dim3A, %div3A_23 : vector<1x128xf32>
    %sub3A = vector.broadcast %div3A_24 : vector<1x128xf32> to vector<10000x128xf32>
    %sub3A_25 = arith.subf %add3A_20, %sub3A : vector<10000x128xf32>
    %integer_pow3A = arith.mulf %sub3A_25, %sub3A_25 : vector<10000x128xf32>
    %reduce_sum3A_26 = arith.constant dense<0.000000e+00> : vector<128xf32>
    %reduce_sum3A_27 = vector.multi_reduction <add>, %integer_pow3A, %reduce_sum3A_26 [0] : vector<10000x128xf32> to vector<128xf32>
    %broadcast_in_dim3A_28 = vector.shape_cast %reduce_sum3A_27 : vector<128xf32> to vector<1x128xf32>
    %div3A_29 = arith.constant 1.000000e+04 : f32
    %div3A_30 = vector.broadcast %div3A_29 : f32 to vector<1x128xf32>
    %div3A_31 = arith.divf %broadcast_in_dim3A_28, %div3A_30 : vector<1x128xf32>
    %sub3A_32 = vector.broadcast %div3A_24 : vector<1x128xf32> to vector<10000x128xf32>
    %sub3A_33 = arith.subf %add3A_20, %sub3A_32 : vector<10000x128xf32>
    %add3A_34 = arith.constant 9.99999974E-6 : f32
    %add3A_35 = vector.broadcast %add3A_34 : f32 to vector<1x128xf32>
    %add3A_36 = arith.addf %div3A_31, %add3A_35 : vector<1x128xf32>
    %rsqrt3A = math.rsqrt %add3A_36 : vector<1x128xf32>
    %mul3A_37 = vector.broadcast %rsqrt3A : vector<1x128xf32> to vector<10000x128xf32>
    %mul3A_38 = arith.mulf %sub3A_33, %mul3A_37 : vector<10000x128xf32>
    %get3A_39 = arith.constant 0 : index
    %get3A_40 = arith.constant 0 : index
    %get3A_41 = vector.load %arg3[%get3A_39, %get3A_40] : memref<1x128xf32, #tpu.memory_space<vmem>>, vector<1x128xf32>
    %mul3A_42 = vector.broadcast %get3A_41 : vector<1x128xf32> to vector<10000x128xf32>
    %mul3A_43 = arith.mulf %mul3A_38, %mul3A_42 : vector<10000x128xf32>
    %get3A_44 = arith.constant 0 : index
    %get3A_45 = arith.constant 0 : index
    %get3A_46 = vector.load %arg4[%get3A_44, %get3A_45] : memref<1x128xf32, #tpu.memory_space<vmem>>, vector<1x128xf32>
    %add3A_47 = vector.broadcast %get3A_46 : vector<1x128xf32> to vector<10000x128xf32>
    %add3A_48 = arith.addf %mul3A_43, %add3A_47 : vector<10000x128xf32>
    %max3A_49 = arith.constant 0.000000e+00 : f32
    %max3A_50 = vector.broadcast %max3A_49 : f32 to vector<10000x128xf32>
    %max3A_51 = arith.maximumf %add3A_48, %max3A_50 : vector<10000x128xf32>
    %swap3A = arith.constant 0 : index
    %swap3A_52 = arith.constant 0 : index
    %swap3A_53 = vector.load %arg5[%swap3A, %swap3A_52] : memref<10000x128xf32, #tpu.memory_space<vmem>>, vector<10000x128xf32>
    tpu.vector_store %arg5[%swap3A, %swap3A_52], %max3A_51 {strides = array<i32>} : memref<10000x128xf32, #tpu.memory_space<vmem>>, vector<10000x128xf32>,
    return
  }
}

</mosaic_0001>

<sc_bundles>
// kernel: kernel.7.cloned.1.call-start
scs
__scs_entry_jumppad:
0x0: {  	(pc) =	sbr.rel $0x88, $3  }
0x1: {  	(tag) =	ssettag $0x0;
	lr =	simm.s32 $0x1  }
0x2: {  	[smem:$0x3F92] =	sst lr;
	_ =	strace $0xD0000000  }
0x3: {  	_ = 	snop  }
0x4: {  	_ = 	snop  }
0x5: {  	_ = 	snop  }
0x6: {  	_ = 	snop  }
0x7: {  	_ = 	snop  }
__scs_overlays_trampoline_lowered:
0x8: {  	[smem:$0x3FA1] =	sst s0  }
0x9: {  	[smem:$0x3FA2] =	sst s1  }
0xa: {  	[smem:$0x3FA3] =	sst s2  }
0xb: {  	[smem:$0x3FA4] =	sst s3  }
0xc: {  	[smem:$0x3FA5] =	sst s4  }
0xd: {  	[smem:$0x3FA6] =	sst s5  }
0xe: {  	[smem:$0x3FA7] =	sst s6  }
0xf: {  	[smem:$0x3FA8] =	sst s7  }
0x10: {  	[smem:$0x3FA9] =	sst s8  }
0x11: {  	[smem:$0x3FAA] =	sst s9;
	s0 =	simm.s32 @!p0 $0x0  }
0x12: {  	s1 =	sld [smem:$0x3F90];
	s0 =	simm.s32 @p0 $0x1  }
0x13: {  	[smem:$0x3FAB] =	sst s0;
	s0 =	simm.s32 @!p1 $0x0  }
0x14: {  	s2 =	sld [smem:$0x3F8F];
	s0 =	simm.s32 @p1 $0x1  }
0x15: {  	[smem:$0x3FAC] =	sst s0;
	s0 =	simm.s32 @!p2 $0x0  }
0x16: {  	s3 =	sld [smem:$0x3FDB];
	s0 =	simm.s32 @p2 $0x1  }
0x17: {  	s4 =	simm.s32 $0x1BF5;
	[smem:$0x3FAE] =	sst s0  }
0x18: {  	s0 =	sld [smem:$0x3F91];
	_ =	swait.ge [sflag:s4], $0x0  }
0x19: {  	s7 =	sld [smem:$0x3F92]  }
0x1a: {  	s8 =	sadd.s32 $0xFFFFE003, lr  }
0x1b: {  	s9 =	sadd.s32 $0xFFFFFEF7, lr;
	s5 =	simm.s32 $0xFFFFFFFF;
	p2 =	slt.u32 s8, $0xFFFFF086  }
0x1c: {  	p1 =	slt.u32 s9, $0xF7A;
	s5 =	simm.s32 @!p2 $0x0  }
0x1d: {  	s5 =	simm.s32 @p1 $0x1;
	p0 =	seq.s32 s7, s2  }
0x1e: {  	s7 =	smul.u32 @!p0 $0xF7A, s2;
	p2 =	seq.s32 @!p0 s5, $0x0  }
0x1f: {  	s9 =	smul.u32 $0xF7A, s1;
	s8 =	simm.s32 @!p0 $0x1BF5;
	p2 =	por !p2, p0  }
0x20: {  	[sflag:s8] =	ssyncset.s32 @!p0 $0xFFFFF086;
	s6 =	sadd.s32 @!p0 s3, s7;
	s7 =	simm.s32 @!p0 $0x108  }
0x21: {  	s3 =	sadd.s32 s3, s9;
	s6 =	sadd.s32 @!p0 $0x88, s6;
	s7 =	simm.s32 @p2 $0x1082  }
0x22: {  	[simem:s7], [sflag:s8] =	dma.local @!p0 [hbm:s6], $0xF7A  }
0x23: {  	s9 =	sor.u32 $0xD0000000, s2;
	s6 =	simm.s32 $0x108;
	_ =	swait.ge @!p0 [sflag:s8], $0x0  }
0x24: {  	s3 =	sadd.s32 $0x88, s3;
	s6 =	simm.s32 @!p1 $0x1082;
	[sflag:s4] =	ssyncset.s32 $0xFFFFF086  }
0x25: {  	[simem:s6], [sflag:s4] =	dma.local [hbm:s3], $0xF7A  }
0x26: {  	[smem:$0x3F92] =	sst s1;
	(tag) =	ssettag s2;
	_ =	strace s9  }
0x27: {  	s1 =	sld [smem:$0x3FA2]  }
0x28: {  	s2 =	sld [smem:$0x3FA3]  }
0x29: {  	s4 =	sld [smem:$0x3FA5]  }
0x2a: {  	p0 =	seq.s32 s5, $0x0;
	s5 =	sld [smem:$0x3FA6]  }
0x2b: {  	s6 =	sld [smem:$0x3FA7]  }
0x2c: {  	s7 =	sld [smem:$0x3FA8]  }
0x2d: {  	s3 =	simm.s32 $0x108;
	s8 =	sld [smem:$0x3FA9]  }
0x2e: {  	s3 =	simm.s32 @!p0 $0x1082;
	s9 =	sld [smem:$0x3FAA]  }
0x2f: {  	lr =	sadd.s32 s0, s3;
	s0 =	sld [smem:$0x3FA1]  }
0x30: {  	s3 =	sld [smem:$0x3FA4]  }
0x31: {  	[smem:$0x3FAD] =	sst s10  }
0x32: {  	s10 =	sld [smem:$0x3FAB];
	_ =	sdelay $0x3  }
0x33: {  	p0 =	seq.s32 s10, $0x1;
	s10 =	sld [smem:$0x3FAD];
	_ =	sdelay $0x3  }
0x34: {  	[smem:$0x3FAD] =	sst s10  }
0x35: {  	s10 =	sld [smem:$0x3FAC];
	_ =	sdelay $0x3  }
0x36: {  	p1 =	seq.s32 s10, $0x1;
	s10 =	sld [smem:$0x3FAD];
	_ =	sdelay $0x3  }
0x37: {  	[smem:$0x3FAD] =	sst s10  }
0x38: {  	s10 =	sld [smem:$0x3FAE]  }
0x39: {  	_ = 	snop;
	(pc) =	sbr.ind lr, $3  }
0x3a: {  	_ = 	snop  }
0x3b: {  	_ = 	snop  }
0x3c: {  	p2 =	seq.s32 s10, $0x1;
	s10 =	sld [smem:$0x3FAD]  }
0x3d: {  	_ =	shalt  }
0x3e: {  	_ =	shalt  }
0x3f: {  	_ =	shalt  }
0x40: {  	_ =	shalt  }
0x41: {  	_ =	shalt  }
0x42: {  	_ =	shalt  }
0x43: {  	_ =	shalt  }
0x44: {  	_ =	shalt  }
0x45: {  	_ =	shalt  }
0x46: {  	_ =	shalt  }
0x47: {  	_ =	shalt  }
0x48: {  	_ =	shalt  }
0x49: {  	_ =	shalt  }
0x4a: {  	_ =	shalt  }
0x4b: {  	_ =	shalt  }
0x4c: {  	_ =	shalt  }
0x4d: {  	_ =	shalt  }
0x4e: {  	_ =	shalt  }
0x4f: {  	_ =	shalt  }
0x50: {  	_ =	shalt  }
0x51: {  	_ =	shalt  }
0x52: {  	_ =	shalt  }
0x53: {  	_ =	shalt  }
0x54: {  	_ =	shalt  }
0x55: {  	_ =	shalt  }
0x56: {  	_ =	shalt  }
0x57: {  	_ =	shalt  }
0x58: {  	_ =	shalt  }
0x59: {  	_ =	shalt  }
0x5a: {  	_ =	shalt  }
0x5b: {  	_ =	shalt  }
0x5c: {  	_ =	shalt  }
0x5d: {  	_ =	shalt  }
0x5e: {  	_ =	shalt  }
0x5f: {  	_ =	shalt  }
0x60: {  	_ =	shalt  }
0x61: {  	_ =	shalt  }
0x62: {  	_ =	shalt  }
0x63: {  	_ =	shalt  }
0x64: {  	_ =	shalt  }
0x65: {  	_ =	shalt  }
0x66: {  	_ =	shalt  }
0x67: {  	_ =	shalt  }
0x68: {  	_ =	shalt  }
0x69: {  	_ =	shalt  }
0x6a: {  	_ =	shalt  }
0x6b: {  	_ =	shalt  }
0x6c: {  	_ =	shalt  }
0x6d: {  	_ =	shalt  }
0x6e: {  	_ =	shalt  }
0x6f: {  	_ =	shalt  }
0x70: {  	_ =	shalt  }
0x71: {  	_ =	shalt  }
0x72: {  	_ =	shalt  }
0x73: {  	_ =	shalt  }
0x74: {  	_ =	shalt  }
0x75: {  	_ =	shalt  }
0x76: {  	_ =	shalt  }
0x77: {  	_ =	shalt  }
0x78: {  	_ =	shalt  }
0x79: {  	_ =	shalt  }
0x7a: {  	_ =	shalt  }
0x7b: {  	_ =	shalt  }
0x7c: {  	_ =	shalt  }
0x7d: {  	_ =	shalt  }
0x7e: {  	_ =	shalt  }
0x7f: {  	_ =	shalt  }
0x80: {  	_ =	shalt  }
0x81: {  	_ =	shalt  }
0x82: {  	_ =	shalt  }
0x83: {  	_ =	shalt  }
0x84: {  	_ =	shalt  }
0x85: {  	_ =	shalt  }
0x86: {  	_ =	shalt  }
0x87: {  	_ =	shalt  }
.Lfunc_end0:
.L_simem_size_0:
called_computation_lowered:
.L_overlay_start_0:
0x88: {  	s2 =	sld [smem:$0x3FD9]  }
0x89: {  	s3 =	sld [smem:$0x3FFE];
	_ =	sdelay $0x1  }
0x8a: {  	s1 =	srdreg.scid  }
0x8b: {  	s0 =	sand.u32 $0x1, s1  }
0x8c: {  	s14 =	sshll.u32 s0, $0xA;
	s2 =	sadd.s32 s3, s2  }
0x8d: {  	s2 =	sadd.s32 s2, s14  }
0x8e: {  	[smem:$0x3FB9] =	sst s2  }
0x8f: {  	_ = 	snop  }
0x90: {  	s2 =	sld [smem:$0x3FD0];
	_ =	sdelay $0x2  }
0x91: {  	s15 =	simm.s32 $0xA;
	s4 =	simm.s32 $0x10  }
0x92: {  	[smem:s4], [sflag:s15] =	dma.local [hbm:s2], $0x1  }
0x93: {  	_ =	swait.eq [sflag:s15], $0x1  }
0x94: {  	[sflag:s15] =	ssyncset.done $0x0  }
0x95: {  	s16 =	sld [smem:$0x10];
	[sflag:s15] =	ssyncadd.s32 $0xFFFFFFFF  }
0x96: {  	s17 =	sld [smem:$0x11];
	(tm) =	ssettm $0x1  }
0x97: {  	s18 =	sld [smem:$0x3FFB];
	_ =	sdelay $0x3  }
0x98: {  	_ =	strace s18  }
0x99: {  	s4 =	sld [smem:$0x3FFC];
	_ =	sdelay $0x3  }
0x9a: {  	_ =	strace s4  }
0x9b: {  	s4 =	sld [smem:$0x3FFD];
	_ =	sdelay $0x3  }
0x9c: {  	_ =	strace s4  }
0x9d: {  	_ =	strace $0x8FFFFFFF  }
0x9e: {  	s19 =	sld [smem:$0x3FDB];
	_ =	sdelay $0x1  }
0x9f: {  	s5 =	simm.s32 $_scs_section_size  }
0xa0: {  	s6 =	simm.s32 $_size__tile_overlayer_lowered;
	s7 =	simm.s32 $_tile_overlayer_lowered  }
0xa1: {  	s22 =	simm.s32 $0x1BFF;
	s21 =	sshll.u32 s7, $0x1;
	s4 =	sadd.s32 s5, s19  }
0xa2: {  	s8 =	simm.s32 $0x0;
	s20 =	sshll.u32 s6, $0x1;
	s6 =	sadd.s32 s21, s4  }
0xa3: {  	[timem:s8], [sflag:s22] =	dma.local [hbm:s6], s20  }
0xa4: {  	_ =	swait.ge [sflag:s22], s20  }
0xa5: {  	s5 =	ssub.s32 $0x0, s20;
	[sflag:s22] =	ssyncset.done $0x0  }
0xa6: {  	[sflag:s22] =	ssyncadd.s32 s5;
	_ =	sdelay $0x1  }
0xa7: {  	s23 =	simm.s32 $0x1B8B  }
0xa8: {  	_ =	swait.ge [sflag:s23], $0x1  }
0xa9: {  	[sflag:s23] =	ssyncset.done $0x0  }
0xaa: {  	s25 =	simm.s32 $0x1B8E;
	s24 =	sld [smem:$0x3FFE];
	[sflag:s23] =	ssyncadd.s32 $0xFFFFFFFF  }
0xab: {  	s26 =	simm.s32 $execute0_lowered;
	[smem:$0x3FD2] =	sst s25  }
0xac: {  	s6 =	sshll.u32 s26, $0x1;
	_ =	strace $0x80000046;
	[dreg:$0x1] =	wrdreg $0xFFFFFFFF  }
0xad: {  	s28 =	simm.s32 $_size_execute0_lowered;
	s4 =	sadd.s32 s4, s6;
	[dreg:$0x0] =	wrdreg $0x0  }
0xae: {  	s6 =	sshll.u32 s28, $0x1;
	[dreg:$0x2] =	wrdreg s4  }
0xaf: {  	[dreg:$0x3] =	wrdreg s6  }
0xb0: {  	[dreg:$0x4] =	wrdreg $0xC0  }
0xb1: {  	_ =	task [dreg:s8], $0x5FFFF  }
0xb2: {  	[dreg:$0x1] =	wrdreg $0xFFFFFFFF  }
0xb3: {  	[dreg:$0x0] =	wrdreg $0x60  }
0xb4: {  	[dreg:$0x2] =	wrdreg s17  }
0xb5: {  	[dreg:$0x3] =	wrdreg s24  }
0xb6: {  	[dreg:$0x4] =	wrdreg s16  }
0xb7: {  	[dreg:$0x5] =	wrdreg $0x88800  }
0xb8: {  	[dreg:$0x6] =	wrdreg $0x9  }
0xb9: {  	_ =	task.clear_ibuf [dreg:s8], $0x7FFFF;
	_ =	strace $0x90000046  }
0xba: {  	s29 =	simm.s32 $0x9;
	_ =	strace $0x80000048  }
0xbb: {  	_ =	swait.ge [sflag:s29], $0x1  }
0xbc: {  	[sflag:s29] =	ssyncadd.s32 $0xFFFFFFFF  }
0xbd: {  	_ =	strace $0x90000048  }
0xbe: {  	_ =	sfence  }
0xbf: {  	s30 =	sld [smem:$0x0];
	_ =	sdelay $0x2  }
0xc0: {  	s31 =	sshll.u32 s1, $0xD;
	s1 =	sshrl.u32 s1, $0x2  }
0xc1: {  	s3 =	sand.u32 $0x4000, s31;
	s1 =	sadd.s32 s1, s30  }
0xc2: {  	s0 =	sor.u32 s3, s0;
	s1 =	sshll.u32 s1, $0x11  }
0xc3: {  	s0 =	sor.u32 s1, s0  }
0xc4: {  	s0 =	sadd.s32 $0x8F2B, s0  }
0xc5: {  	[sflag:s0] =	ssyncadd.remote.s32 $0x1  }
0xc6: {  	_ =	sfence.sel $0xFFFF  }
0xc7: {  	[dreg:$0x0] =	wrdreg $0xFFFFFFFF;
	(pc) =	sbr.abs _section_cstart, $3  }
0xc8: {  	[dreg:$0x1] =	wrdreg $0xFFFFFFFF  }
0xc9: {  	_ =	task.clear_ibuf [dreg:s8], $0x2FFFF;
	_ =	strace $0x9FFFFFFF  }
0xca: {  	(tm) =	ssettm $0x7FFFFFFF  }
0xcb: {  	_ =	shalt  }
tec
execute0_lowered:
.L_overlay_start_1:
0x0: {  	(tag) =	ssettag $0x1  }
0x1: {  	s31 =	rddreg [dreg:$0x0]  }
0x2: {  	s0 =	rddreg [dreg:$0x1]  }
0x3: {  	s8 =	rddreg [dreg:$0x3];
	s2 =	simm.s32 $0x0;
	s7 =	stileid.u32  }
0x4: {  	s1 =	srdreg.scid;
	s15 =	simm.s32 $0x7;
	[smem:$0x7FF] =	sst s2  }
0x5: {  	s20 =	smul.u32 $0x14000, s7;
	s1 =	sand.u32 $0x1, s1;
	s3 =	sadd.s32 $0xE00, s0  }
0x6: {  	s4 =	sadd.s32 $0xAC00, s0;
	s22 =	sadd.s32 $0x5AC00, s0;
	s5 =	smul.u32 $0x50000, s7  }
0x7: {  	s28 =	sshll.u32 s7, $0x6;
	_ =	strace $0x80000047;
	[dreg:$0x5] =	wrdreg s3  }
0x8: {  	s29 =	sshll.u32 s7, $0x1;
	s21 =	smul.u32 $0x140000, s1;
	[dreg:$0x6] =	wrdreg s4  }
0x9: {  	[dreg:$0x7] =	wrdreg s22;
	s24 =	ssub.s32 $0x2, s1;
	s1 =	sor.u32 s1, s29  }
0xa: {  	s23 =	sshrl.u32 s20, $0x3;
	s6 =	sshrl.u32 s24, $0x1;
	s1 =	smul.u32 $0x5, s1  }
0xb: {  	s26 =	sshrl.u32 s5, $0x2;
	s2 =	sadd.s32 s20, s21;
	s4 =	sadd.s32 s23, s0  }
0xc: {  	s25 =	ssub.s32 s24, s6;
	s4 =	sadd.s32 $0x82C00, s4;
	[dreg:$0xa] =	wrdreg s1  }
0xd: {  	s3 =	sadd.s32 s26, s8;
	s30 =	smax.u32 s25, $0x1;
	[dreg:$0x8] =	wrdreg s4  }
0xe: {  	s2 =	sshrl.u32 s2, $0x3;
	s1 =	sshrl.u32 s3, $0x3;
	[dreg:$0xc] =	wrdreg s30  }
0xf: {  	s0 =	sadd.s32 s2, s0;
	s4 =	sor.u32 $0x1C07, s28;
	[dreg:$0xd] =	wrdreg s1  }
0x10: {  	s17 =	simm.s32 $0x28;
	s0 =	sadd.s32 $0xAAC00, s0;
	[dreg:$0x9] =	wrdreg s4  }
0x11: {  	s5 =	simm.s32 $0x7480;
	s2 =	simm.s32 $0x0;
	[dreg:$0xb] =	wrdreg s0  }
.LBB2_1:
0x12: {  	[dreg:$0xe] =	wrdreg s2  }
0x13: {  	s0 =	rddreg [dreg:$0x8]  }
0x14: {  	[spmem:s1], [sflag:s4] =	dma.local [hbm:s0], $0x2800  }
0x15: {  	_ =	swait.ge [sflag:s15], $0x2800  }
0x16: {  	[sflag:s15] =	ssyncset.done $0x0  }
0x17: {  	[sflag:s15] =	ssyncadd.s32 $0xFFFFD800  }
0x18: {  	s1 =	simm.s32 $0x0;
	[bflag:$0x0] =	sbarrier.arrive $0xFFFF  }
.LBB2_2:
0x19: {  	s0 =	rddreg [dreg:$0xa]  }
0x1a: {  	s0 =	sadd.s32 s0, s1  }
0x1b: {  	[dreg:$0xf] =	wrdreg s1;
	s1 =	smul.u32 $0xFA, s0  }
0x1c: {  	s2 =	rddreg [dreg:$0x2]  }
0x1d: {  	s9 =	simm.s32 $0x0;
	s2 =	sadd.s32 s2, s1  }
0x1e: {  	[tilespmem:s9], [sflag:$0x7] =	stream.linear.gather [hbm4b:s2+s9], $0x7D0, $0x38;
	[tilespmem:$0x1C880] =	vst v63  }
0x1f: {  	_ =	swait.ge [sflag:s15], $0x7D0  }
0x20: {  	[sflag:s15] =	ssyncset.done $0x0;
	s24 =	rddreg [dreg:$0x5]  }
0x21: {  	s3 =	simm.s32 $0x800;
	[sflag:s15] =	ssyncadd.s32 $0xFFFFF830;
	s1 =	sadd.s32 s24, s1  }
0x22: {  	[tilespmem:s3], [sflag:$0x7] =	stream.linear.gather [hbm4b:s1+s9], $0x7D0, $0x38;
	[tilespmem:$0x1C880] =	vst v63  }
0x23: {  	_ =	swait.ge [sflag:s15], $0x7D0  }
0x24: {  	[sflag:s15] =	ssyncset.done $0x0  }
0x25: {  	s26 =	simm.s32 $0x1080;
	s25 =	rddreg [dreg:$0x6];
	[sflag:s15] =	ssyncadd.s32 $0xFFFFF830  }
0x26: {  	[tilespmem:s26], [sflag:$0x1] =	stream.indirect.gather [hbm4b:s25+s17], $0x80, s9, s17, $0xb8;
	[tilespmem:$0x1C880] =	vst v63  }
0x27: {  	s4 =	simm.s32 $0x3880;
	s28 =	smul.u32 $0x7D00, s0;
	s29 =	rddreg [dreg:$0x7]  }
0x28: {  	[tilespmem:s4], [sflag:$0x3] =	stream.indirect.gather [hbm4b:s29+s17], $0x80, s3, s17, $0xb8;
	[tilespmem:$0x1C880] =	vst v63  }
0x29: {  	s30 =	simm.s32 $0x6080;
	s12 =	smul.u32 $0x32, s0;
	s1 =	sadd.s32 s31, s28  }
0x2a: {  	[tilespmem:s30], [sflag:$0x5] =	stream.linear.gather [hbm4b:s1+s9], $0x1400, $0x38;
	[tilespmem:$0x1C880] =	vst v63  }
.LBB2_3:
0x2b: {  	s0 =	sshllo.u32 s9, $0x1  }
0x2c: {  	s1 =	rddreg [dreg:$0x6];
	s13 =	smul.u32 $0x28, s0  }
0x2d: {  	s2 =	simm.s32 $0x2480;
	s26 =	rddreg [dreg:$0x7];
	s0 =	sadd.s32 s12, s0  }
0x2e: {  	[tilespmem:s2], [sflag:$0x2] =	stream.indirect.gather [hbm4b:s1+s17], $0x80, s13, s17, $0xb8;
	[tilespmem:$0x1C880] =	vst v63  }
0x2f: {  	s3 =	simm.s32 $0x4C80;
	s0 =	smul.u32 $0x280, s0;
	s25 =	sadd.s32 $0x800, s13  }
0x30: {  	[tilespmem:s3], [sflag:$0x4] =	stream.indirect.gather [hbm4b:s26+s17], $0x80, s25, s17, $0xb8;
	[tilespmem:$0x1C880] =	vst v63  }
0x31: {  	s4 =	simm.s32 $0x1;
	s0 =	sadd.s32 s31, s0;
	s3 =	simm.s32 $0x0  }
0x32: {  	[tilespmem:s5], [sflag:$0x6] =	stream.linear.gather [hbm4b:s0+s3], $0x1400, $0x38;
	[tilespmem:$0x1C880] =	vst v63  }
0x33: {  	_ =	swait.ge [sflag:s4], $0x1400  }
0x34: {  	[sflag:s4] =	ssyncset.done $0x0  }
0x35: {  	s5 =	simm.s32 $0x3;
	[sflag:s4] =	ssyncadd.s32 $0xFFFFEC00  }
0x36: {  	_ =	swait.ge [sflag:s5], $0x1400  }
0x37: {  	[sflag:s5] =	ssyncset.done $0x0  }
0x38: {  	s6 =	simm.s32 $0x5;
	[sflag:s5] =	ssyncadd.s32 $0xFFFFEC00  }
0x39: {  	_ =	swait.ge [sflag:s6], $0x1400  }
0x3a: {  	[sflag:s6] =	ssyncset.done $0x0  }
0x3b: {  	s18 =	simm.s32 $0x6100;
	[sflag:s6] =	ssyncadd.s32 $0xFFFFEC00  }
0x3c: {  	s26 =	simm.s32 $0x1100;
	v0 =	vld [tilespmem:s18+$0x0]  }
0x3d: {  	s24 =	simm.s32 $0x3900;
	v1 =	vld [tilespmem:s26+$0x0]  }
0x3e: {  	v2 =	vld [tilespmem:s24+$0x0];
	_ =	sdelay $0x3  }
0x3f: {  	v0 =	vadd.f32 v1, v0  }
0x40: {  	v1 =	vshll.u32 v2, $0x10  }
0x41: {  	v0 =	vadd.f32 v1, v0;
	_ =	sdelay $0x1  }
0x42: {  	v3 =	vld [tilespmem:s26+$0xFFFFFF80];
	v0 =	vsub.f32 $0.0e+00, v0  }
0x43: {  	v1 =	vld [tilespmem:s18+$0xFFFFFF80]  }
0x44: {  	v4 =	vld [tilespmem:s24+$0xFFFFFF80];
	v0 =	vmul.f32 $1.442695020e+00, v0;
	_ =	sdelay $0x1  }
0x45: {  	(erf) = vpow2.f32 v0;
	_ =	sdelay $0x1  }
0x46: {  	v0 =	vadd.f32 v3, v1  }
0x47: {  	v1 =	vshll.u32 v4, $0x10  }
0x48: {  	v0 =	vadd.f32 v1, v0;
	_ =	sdelay $0x1  }
0x49: {  	v0 =	vsub.f32 $0.0e+00, v0;
	_ =	sdelay $0x1  }
0x4a: {  	v0 =	vmul.f32 $1.442695020e+00, v0  }
0x4b: {  	v1 =	vpop (erf)  }
0x4c: {  	(erf) = vpow2.f32 v0;
	v1 =	vadd.f32 $1.000000000e+00, v1;
	_ =	sdelay $0x1  }
0x4d: {  	(erf) = vrcp.f32 v1;
	_ =	sdelay $0x6  }
0x4e: {  	v0 =	vpop (erf)  }
0x4f: {  	v0 =	vadd.f32 $1.000000000e+00, v0  }
0x50: {  	v1 =	vand.u32 $0xFFFF0000, v2;
	v2 =	vpop (erf)  }
0x51: {  	(erf) = vrcp.f32 v0;
	v1 =	vmul.f32 v1, v2;
	_ =	sdelay $0x1  }
0x52: {  	v0 =	vld [tilespmem:s18+$0x10];
	[tilespmem:s18+$0x0] =	vst v1  }
0x53: {  	v2 =	vld [tilespmem:s26+$0x10]  }
0x54: {  	v3 =	vld [tilespmem:s24+$0x10];
	_ =	sdelay $0x3  }
0x55: {  	v7 =	vadd.f32 v2, v0  }
0x56: {  	v4 =	vand.u32 $0xFFFF0000, v4;
	v8 =	vshll.u32 v3, $0x10;
	v9 =	vpop (erf)  }
0x57: {  	v4 =	vmul.f32 v4, v9;
	v7 =	vadd.f32 v8, v7;
	_ =	sdelay $0x1  }
0x58: {  	v5 =	vld [tilespmem:s18+$0xFFFFFF90];
	[tilespmem:s18+$0xFFFFFF80] =	vst v4;
	v7 =	vsub.f32 $0.0e+00, v7  }
0x59: {  	v4 =	vld [tilespmem:s26+$0xFFFFFF90]  }
0x5a: {  	v9 =	vld [tilespmem:s24+$0xFFFFFF90];
	v7 =	vmul.f32 $1.442695020e+00, v7;
	_ =	sdelay $0x1  }
0x5b: {  	(erf) = vpow2.f32 v7  }
0x5c: {  	s10 =	simm.s32 $0x6200  }
0x5d: {  	s25 =	simm.s32 $0x1200;
	v7 =	vld [tilespmem:s10+$0x0];
	v4 =	vadd.f32 v4, v5  }
0x5e: {  	s7 =	simm.s32 $0x3A00;
	v5 =	vld [tilespmem:s25+$0x0];
	v10 =	vshll.u32 v9, $0x10  }
0x5f: {  	v11 =	vld [tilespmem:s7+$0x0];
	v4 =	vadd.f32 v10, v4;
	_ =	sdelay $0x1  }
0x60: {  	v4 =	vsub.f32 $0.0e+00, v4;
	_ =	sdelay $0x1  }
0x61: {  	v5 =	vadd.f32 v5, v7;
	v4 =	vmul.f32 $1.442695020e+00, v4  }
0x62: {  	v12 =	vld [tilespmem:s10+$0xFFFFFF80];
	v7 =	vshll.u32 v11, $0x10;
	v10 =	vpop (erf)  }
0x63: {  	v5 =	vadd.f32 v7, v5;
	(erf) = vpow2.f32 v4;
	v4 =	vld [tilespmem:s25+$0xFFFFFF80];
	v7 =	vadd.f32 $1.000000000e+00, v10  }
0x64: {  	v10 =	vld [tilespmem:s7+$0xFFFFFF80]  }
0x65: {  	v5 =	vsub.f32 $0.0e+00, v5;
	(erf) = vrcp.f32 v7;
	_ =	sdelay $0x1  }
0x66: {  	v5 =	vmul.f32 $1.442695020e+00, v5  }
0x67: {  	v4 =	vadd.f32 v4, v12  }
0x68: {  	(erf) = vpow2.f32 v5;
	v5 =	vshll.u32 v10, $0x10  }
0x69: {  	v4 =	vadd.f32 v5, v4;
	_ =	sdelay $0x1  }
0x6a: {  	v5 =	vpop (erf);
	v4 =	vsub.f32 $0.0e+00, v4  }
0x6b: {  	v5 =	vadd.f32 $1.000000000e+00, v5  }
0x6c: {  	v3 =	vand.u32 $0xFFFF0000, v3;
	v4 =	vmul.f32 $1.442695020e+00, v4;
	v7 =	vpop (erf)  }
0x6d: {  	(erf) = vrcp.f32 v5;
	v3 =	vmul.f32 v3, v7  }
0x6e: {  	(erf) = vpow2.f32 v4;
	_ =	sdelay $0x1  }
0x6f: {  	v4 =	vld [tilespmem:s18+$0x20];
	[tilespmem:s18+$0x10] =	vst v3  }
0x70: {  	v5 =	vld [tilespmem:s26+$0x20];
	v3 =	vpop (erf)  }
0x71: {  	v7 =	vld [tilespmem:s24+$0x20];
	v3 =	vadd.f32 $1.000000000e+00, v3;
	_ =	sdelay $0x1  }
0x72: {  	(erf) = vrcp.f32 v3;
	_ =	sdelay $0x1  }
0x73: {  	v3 =	vadd.f32 v5, v4;
	v4 =	vpop (erf)  }
0x74: {  	v5 =	vshll.u32 v7, $0x10;
	v12 =	vpop (erf)  }
0x75: {  	v9 =	vand.u32 $0xFFFF0000, v9;
	v3 =	vadd.f32 v5, v3;
	v5 =	vadd.f32 $1.000000000e+00, v12  }
0x76: {  	v4 =	vmul.f32 v9, v4  }
0x77: {  	(erf) = vrcp.f32 v5  }
0x78: {  	v6 =	vld [tilespmem:s18+$0xFFFFFFA0];
	[tilespmem:s18+$0xFFFFFF90] =	vst v4;
	v3 =	vsub.f32 $0.0e+00, v3  }
0x79: {  	v4 =	vld [tilespmem:s26+$0xFFFFFFA0]  }
0x7a: {  	v5 =	vand.u32 $0xFFFF0000, v11;
	v14 =	vld [tilespmem:s24+$0xFFFFFFA0];
	v3 =	vmul.f32 $1.442695020e+00, v3;
	v11 =	vpop (erf)  }
0x7b: {  	v5 =	vmul.f32 v5, v11  }
0x7c: {  	(erf) = vpow2.f32 v3  }
0x7d: {  	v11 =	vld [tilespmem:s10+$0x10];
	[tilespmem:s10+$0x0] =	vst v5  }
0x7e: {  	v5 =	vadd.f32 v4, v6;
	v6 =	vld [tilespmem:s25+$0x10]  }
0x7f: {  	v15 =	vshll.u32 v14, $0x10;
	v16 =	vld [tilespmem:s7+$0x10]  }
0x80: {  	v10 =	vand.u32 $0xFFFF0000, v10;
	v15 =	vadd.f32 v15, v5;
	v18 =	vpop (erf)  }
0x81: {  	v18 =	vmul.f32 v10, v18  }
0x82: {  	v15 =	vsub.f32 $0.0e+00, v15  }
0x83: {  	v6 =	vadd.f32 v6, v11  }
0x84: {  	v9 =	vld [tilespmem:s10+$0xFFFFFF90];
	[tilespmem:s10+$0xFFFFFF80] =	vst v18;
	v11 =	vmul.f32 $1.442695020e+00, v15;
	v15 =	vshll.u32 v16, $0x10  }
0x85: {  	v19 =	vld [tilespmem:s25+$0xFFFFFF90];
	v18 =	vpop (erf);
	v6 =	vadd.f32 v15, v6  }
0x86: {  	v15 =	vadd.f32 $1.000000000e+00, v18;
	v18 =	vld [tilespmem:s7+$0xFFFFFF90]  }
0x87: {  	(erf) = vpow2.f32 v11;
	v6 =	vsub.f32 $0.0e+00, v6  }
0x88: {  	(erf) = vrcp.f32 v15  }
0x89: {  	v6 =	vmul.f32 $1.442695020e+00, v6  }
0x8a: {  	v9 =	vadd.f32 v19, v9  }
0x8b: {  	v11 =	vshll.u32 v18, $0x10;
	(erf) = vpow2.f32 v6  }
0x8c: {  	v6 =	vadd.f32 v11, v9  }
0x8d: {  	s14 =	simm.s32 $0x6300  }
0x8e: {  	s16 =	simm.s32 $0x1300;
	v9 =	vld [tilespmem:s14+$0x0];
	v6 =	vsub.f32 $0.0e+00, v6  }
0x8f: {  	s11 =	simm.s32 $0x3B00;
	v11 =	vld [tilespmem:s16+$0x0]  }
0x90: {  	v19 =	vld [tilespmem:s11+$0x0];
	v15 =	vpop (erf);
	v6 =	vmul.f32 $1.442695020e+00, v6  }
0x91: {  	v21 =	vld [tilespmem:s14+$0xFFFFFF80];
	v7 =	vand.u32 $0xFFFF0000, v7;
	v15 =	vadd.f32 $1.000000000e+00, v15;
	v20 =	vpop (erf)  }
0x92: {  	v7 =	vmul.f32 v7, v20;
	(erf) = vpow2.f32 v6;
	v6 =	vld [tilespmem:s16+$0xFFFFFF80]  }
0x93: {  	(erf) = vrcp.f32 v15;
	v15 =	vld [tilespmem:s11+$0xFFFFFF80]  }
0x94: {  	[tilespmem:s18+$0x20] =	vst v7;
	v7 =	vadd.f32 v11, v9;
	v11 =	vld [tilespmem:s18+$0x30];
	v9 =	vpop (erf)  }
0x95: {  	v20 =	vshll.u32 v19, $0x10;
	v22 =	vld [tilespmem:s26+$0x30];
	v9 =	vadd.f32 $1.000000000e+00, v9  }
0x96: {  	v7 =	vadd.f32 v20, v7;
	v20 =	vld [tilespmem:s24+$0x30]  }
0x97: {  	v6 =	vadd.f32 v6, v21;
	(erf) = vrcp.f32 v9  }
0x98: {  	v7 =	vsub.f32 $0.0e+00, v7;
	v9 =	vshll.u32 v15, $0x10  }
0x99: {  	v6 =	vadd.f32 v9, v6  }
0x9a: {  	v7 =	vmul.f32 $1.442695020e+00, v7;
	v9 =	vadd.f32 v22, v11  }
0x9b: {  	v11 =	vand.u32 $0xFFFF0000, v14;
	v14 =	vpop (erf);
	v21 =	vshll.u32 v20, $0x10;
	v6 =	vsub.f32 $0.0e+00, v6  }
0x9c: {  	v22 =	vpop (erf);
	(erf) = vpow2.f32 v7;
	v7 =	vadd.f32 v21, v9;
	v9 =	vadd.f32 $1.000000000e+00, v14  }
0x9d: {  	v11 =	vmul.f32 v11, v22  }
0x9e: {  	v6 =	vmul.f32 $1.442695020e+00, v6  }
0x9f: {  	v1 =	vld [tilespmem:s18+$0xFFFFFFB0];
	v7 =	vsub.f32 $0.0e+00, v7;
	(erf) = vrcp.f32 v9;
	[tilespmem:s18+$0xFFFFFFA0] =	vst v11  }
0xa0: {  	(erf) = vpow2.f32 v6;
	v6 =	vand.u32 $0xFFFF0000, v16;
	v11 =	vld [tilespmem:s26+$0xFFFFFFB0];
	v9 =	vpop (erf)  }
0xa1: {  	v7 =	vmul.f32 $1.442695020e+00, v7;
	v6 =	vmul.f32 v6, v9;
	v9 =	vld [tilespmem:s24+$0xFFFFFFB0];
	_ =	sdelay $0x1  }
0xa2: {  	(erf) = vpow2.f32 v7;
	_ =	sdelay $0x1  }
0xa3: {  	[tilespmem:s10+$0x10] =	vst v6;
	v6 =	vld [tilespmem:s10+$0x20];
	v7 =	vpop (erf)  }
0xa4: {  	v14 =	vld [tilespmem:s25+$0x20];
	v1 =	vadd.f32 v11, v1;
	v7 =	vadd.f32 $1.000000000e+00, v7;
	v11 =	vshll.u32 v9, $0x10  }
0xa5: {  	v16 =	vld [tilespmem:s7+$0x20]  }
0xa6: {  	v1 =	vadd.f32 v11, v1  }
0xa7: {  	v18 =	vand.u32 $0xFFFF0000, v18;
	v11 =	vpop (erf)  }
0xa8: {  	(erf) = vrcp.f32 v7;
	v1 =	vsub.f32 $0.0e+00, v1;
	v7 =	vpop (erf)  }
0xa9: {  	v6 =	vadd.f32 v14, v6;
	v11 =	vmul.f32 v18, v11;
	v7 =	vadd.f32 $1.000000000e+00, v7  }
0xaa: {  	v14 =	vshll.u32 v16, $0x10;
	v1 =	vmul.f32 $1.442695020e+00, v1;
	v18 =	vpop (erf)  }
0xab: {  	v12 =	vld [tilespmem:s10+$0xFFFFFFA0];
	v6 =	vadd.f32 v14, v6;
	v14 =	vadd.f32 $1.000000000e+00, v18;
	[tilespmem:s10+$0xFFFFFF90] =	vst v11;
	(erf) = vrcp.f32 v7  }
0xac: {  	v22 =	vld [tilespmem:s25+$0xFFFFFFA0];
	(erf) = vpow2.f32 v1  }
0xad: {  	v23 =	vld [tilespmem:s7+$0xFFFFFFA0];
	(erf) = vrcp.f32 v14  }
0xae: {  	v1 =	vsub.f32 $0.0e+00, v6;
	_ =	sdelay $0x1  }
0xaf: {  	v1 =	vmul.f32 $1.442695020e+00, v1  }
0xb0: {  	v14 =	vand.u32 $0xFFFF0000, v19  }
0xb1: {  	v19 =	vpop (erf);
	(erf) = vpow2.f32 v1;
	v12 =	vadd.f32 v22, v12;
	v22 =	vshll.u32 v23, $0x10  }
0xb2: {  	v19 =	vmul.f32 v14, v19  }
0xb3: {  	v15 =	vand.u32 $0xFFFF0000, v15;
	v24 =	vpop (erf)  }
0xb4: {  	[tilespmem:s14+$0x0] =	vst v19;
	v19 =	vld [tilespmem:s14+$0x10];
	v12 =	vadd.f32 v22, v12;
	v15 =	vmul.f32 v15, v24;
	v22 =	vpop (erf)  }
0xb5: {  	v20 =	vand.u32 $0xFFFF0000, v20;
	v25 =	vld [tilespmem:s16+$0x10];
	v26 =	vpop (erf)  }
0xb6: {  	v24 =	vld [tilespmem:s11+$0x10];
	[tilespmem:s14+$0xFFFFFF80] =	vst v15;
	v15 =	vmul.f32 v20, v26;
	v20 =	vadd.f32 $1.000000000e+00, v22  }
0xb7: {  	v21 =	vld [tilespmem:s14+$0xFFFFFF90]  }
0xb8: {  	v12 =	vsub.f32 $0.0e+00, v12;
	v22 =	vld [tilespmem:s16+$0xFFFFFF90]  }
0xb9: {  	v26 =	vld [tilespmem:s11+$0xFFFFFF90]  }
0xba: {  	v13 =	vld [tilespmem:s18+$0xFFFFFFF0];
	v12 =	vmul.f32 $1.442695020e+00, v12;
	[tilespmem:s18+$0x30] =	vst v15;
	v15 =	vadd.f32 v25, v19;
	(erf) = vrcp.f32 v20;
	v20 =	vpop (erf)  }
0xbb: {  	v19 =	vld [tilespmem:s18+$0x40];
	v25 =	vshll.u32 v24, $0x10;
	v20 =	vadd.f32 $1.000000000e+00, v20  }
0xbc: {  	(erf) = vpow2.f32 v12;
	v12 =	vld [tilespmem:s26+$0x40];
	v15 =	vadd.f32 v25, v15  }
0xbd: {  	v25 =	vld [tilespmem:s24+$0x40];
	(erf) = vrcp.f32 v20;
	v20 =	vadd.f32 v22, v21  }
0xbe: {  	s6 =	simm.s32 $0x3C00;
	v17 =	vld [tilespmem:s10+$0xFFFFFFE0];
	v15 =	vsub.f32 $0.0e+00, v15;
	v21 =	vshll.u32 v26, $0x10  }
0xbf: {  	s0 =	simm.s32 $0x6400;
	v27 =	vld [tilespmem:s6+$0x0];
	v20 =	vadd.f32 v21, v20  }
0xc0: {  	v28 =	vld [tilespmem:s0+$0xFFFFFF80];
	v15 =	vmul.f32 $1.442695020e+00, v15  }
0xc1: {  	v0 =	vld [tilespmem:s18+$0xFFFFFFC0];
	v12 =	vadd.f32 v12, v19;
	v20 =	vsub.f32 $0.0e+00, v20  }
0xc2: {  	v2 =	vld [tilespmem:s18+$0xFFFFFFD0];
	v19 =	vshll.u32 v25, $0x10;
	(erf) = vpow2.f32 v15  }
0xc3: {  	s19 =	simm.s32 $0x1400;
	v8 =	vld [tilespmem:s18+$0xFFFFFFE0];
	v12 =	vadd.f32 v19, v12;
	v20 =	vmul.f32 $1.442695020e+00, v20  }
0xc4: {  	v22 =	vld [tilespmem:s19+$0x0];
	v15 =	vpop (erf)  }
0xc5: {  	v19 =	vld [tilespmem:s0+$0x0];
	v12 =	vsub.f32 $0.0e+00, v12;
	v21 =	vpop (erf)  }
0xc6: {  	v3 =	vld [tilespmem:s10+$0xFFFFFFB0];
	v21 =	vadd.f32 $1.000000000e+00, v21  }
0xc7: {  	v4 =	vld [tilespmem:s10+$0xFFFFFFC0];
	v16 =	vand.u32 $0xFFFF0000, v16;
	v12 =	vmul.f32 $1.442695020e+00, v12;
	(erf) = vpow2.f32 v20;
	v20 =	vpop (erf)  }
0xc8: {  	(erf) = vrcp.f32 v21;
	v21 =	vld [tilespmem:s6+$0xFFFFFF80];
	v16 =	vmul.f32 v16, v20  }
0xc9: {  	(erf) = vpow2.f32 v12;
	v20 =	vld [tilespmem:s19+$0xFFFFFF80]  }
0xca: {  	v12 =	vadd.f32 v22, v19;
	[tilespmem:s10+$0x20] =	vst v16;
	v16 =	vld [tilespmem:s10+$0x30]  }
0xcb: {  	v19 =	vshll.u32 v27, $0x10;
	v22 =	vpop (erf);
	v29 =	vld [tilespmem:s25+$0x30]  }
0xcc: {  	v12 =	vadd.f32 v19, v12;
	v19 =	vadd.f32 $1.000000000e+00, v22;
	v22 =	vld [tilespmem:s7+$0x30]  }
0xcd: {  	v5 =	vld [tilespmem:s10+$0xFFFFFFD0]  }
0xce: {  	v10 =	vld [tilespmem:s10+$0xFFFFFFF0];
	v12 =	vsub.f32 $0.0e+00, v12;
	v20 =	vadd.f32 v20, v28  }
0xcf: {  	v18 =	vld [tilespmem:s14+$0xFFFFFFA0];
	(erf) = vrcp.f32 v19;
	v19 =	vshll.u32 v21, $0x10  }
0xd0: {  	v11 =	vld [tilespmem:s14+$0xFFFFFFD0];
	v12 =	vmul.f32 $1.442695020e+00, v12;
	v28 =	vpop (erf);
	v19 =	vadd.f32 v19, v20;
	v16 =	vadd.f32 v29, v16  }
0xd1: {  	v7 =	vld [tilespmem:s14+$0xFFFFFFB0];
	v20 =	vand.u32 $0xFFFF0000, v23;
	v23 =	vpop (erf);
	v28 =	vadd.f32 $1.000000000e+00, v28;
	v29 =	vshll.u32 v22, $0x10  }
0xd2: {  	v6 =	vld [tilespmem:s14+$0xFFFFFFC0];
	(erf) = vpow2.f32 v12;
	v30 =	vpop (erf);
	v19 =	vsub.f32 $0.0e+00, v19;
	v12 =	vadd.f32 v29, v16  }
0xd3: {  	v9 =	vand.u32 $0xFFFF0000, v9;
	v14 =	vld [tilespmem:s14+$0xFFFFFFE0];
	v20 =	vmul.f32 v20, v23;
	v16 =	vadd.f32 $1.000000000e+00, v30  }
0xd4: {  	v1 =	vld [tilespmem:s14+$0xFFFFFFF0];
	(erf) = vrcp.f32 v28;
	v19 =	vmul.f32 $1.442695020e+00, v19;
	v12 =	vsub.f32 $0.0e+00, v12  }
0xd5: {  	v9 =	vmul.f32 v9, v15;
	v15 =	vld [tilespmem:s0+$0xFFFFFFA0];
	[tilespmem:s10+$0xFFFFFFA0] =	vst v20;
	(erf) = vrcp.f32 v16  }
0xd6: {  	(erf) = vpow2.f32 v19;
	v19 =	vld [tilespmem:s25+$0xFFFFFFB0];
	v12 =	vmul.f32 $1.442695020e+00, v12  }
0xd7: {  	[tilespmem:s18+$0xFFFFFFB0] =	vst v9;
	v20 =	vld [tilespmem:s7+$0xFFFFFFB0]  }
0xd8: {  	v9 =	vand.u32 $0xFFFF0000, v24;
	v24 =	vld [tilespmem:s26+$0xFFFFFFC0];
	v16 =	vpop (erf);
	(erf) = vpow2.f32 v12  }
0xd9: {  	v28 =	vmul.f32 v9, v16;
	v16 =	vld [tilespmem:s24+$0xFFFFFFC0]  }
0xda: {  	v23 =	vld [tilespmem:s0+$0xFFFFFF90]  }
0xdb: {  	[tilespmem:s14+$0x10] =	vst v28;
	v28 =	vld [tilespmem:s14+$0x20];
	v12 =	vpop (erf);
	v3 =	vadd.f32 v19, v3  }
0xdc: {  	v29 =	vld [tilespmem:s16+$0x20];
	v19 =	vadd.f32 $1.000000000e+00, v12;
	v12 =	vshll.u32 v20, $0x10  }
0xdd: {  	v26 =	vand.u32 $0xFFFF0000, v26;
	v0 =	vadd.f32 v24, v0;
	v24 =	vld [tilespmem:s11+$0x20];
	v30 =	vpop (erf);
	v3 =	vadd.f32 v12, v3  }
0xde: {  	v25 =	vand.u32 $0xFFFF0000, v25;
	v9 =	vld [tilespmem:s0+$0xFFFFFFB0];
	v32 =	vshll.u32 v16, $0x10;
	v31 =	vpop (erf);
	(erf) = vrcp.f32 v19  }
0xdf: {  	v12 =	vld [tilespmem:s0+$0xFFFFFFC0];
	v0 =	vadd.f32 v32, v0;
	v25 =	vmul.f32 v25, v31;
	v31 =	vpop (erf);
	v43 =	vsub.f32 $0.0e+00, v3  }
0xe0: {  	v26 =	vmul.f32 v26, v30;
	v19 =	vld [tilespmem:s0+$0xFFFFFFD0];
	v30 =	vadd.f32 $1.000000000e+00, v31  }
0xe1: {  	v0 =	vsub.f32 $0.0e+00, v0;
	[tilespmem:s18+$0x40] =	vst v25;
	v25 =	vadd.f32 v29, v28;
	v28 =	vld [tilespmem:s18+$0x50];
	v29 =	vmul.f32 $1.442695020e+00, v43;
	v31 =	vpop (erf)  }
0xe2: {  	(erf) = vrcp.f32 v30;
	v30 =	vshll.u32 v24, $0x10;
	v44 =	vld [tilespmem:s26+$0x50];
	v31 =	vadd.f32 $1.000000000e+00, v31  }
0xe3: {  	[tilespmem:s14+$0xFFFFFF90] =	vst v26;
	v26 =	vld [tilespmem:s24+$0x50];
	v25 =	vadd.f32 v30, v25;
	(erf) = vpow2.f32 v29  }
0xe4: {  	v0 =	vmul.f32 $1.442695020e+00, v0;
	v30 =	vld [tilespmem:s11+$0xFFFFFFA0];
	(erf) = vrcp.f32 v31  }
0xe5: {  	v29 =	vld [tilespmem:s16+$0xFFFFFFA0];
	v25 =	vsub.f32 $0.0e+00, v25  }
0xe6: {  	v3 =	vld [tilespmem:s0+$0xFFFFFFE0];
	(erf) = vpow2.f32 v0  }
0xe7: {  	v0 =	vand.u32 $0xFFFF0000, v27;
	v27 =	vpop (erf);
	v25 =	vmul.f32 $1.442695020e+00, v25;
	v28 =	vadd.f32 v44, v28  }
0xe8: {  	v27 =	vmul.f32 v0, v27;
	v0 =	vshll.u32 v26, $0x10  }
0xe9: {  	(erf) = vpow2.f32 v25;
	v25 =	vadd.f32 v0, v28;
	v28 =	vshll.u32 v30, $0x10  }
0xea: {  	v18 =	vadd.f32 v29, v18;
	[tilespmem:s0+$0x0] =	vst v27;
	v27 =	vld [tilespmem:s0+$0x10]  }
0xeb: {  	v21 =	vand.u32 $0xFFFF0000, v21;
	v29 =	vpop (erf);
	v31 =	vld [tilespmem:s19+$0x10]  }
0xec: {  	v18 =	vadd.f32 v28, v18;
	v25 =	vsub.f32 $0.0e+00, v25;
	v21 =	vmul.f32 v21, v29;
	v28 =	vpop (erf);
	v29 =	vld [tilespmem:s6+$0x10]  }
0xed: {  	v22 =	vand.u32 $0xFFFF0000, v22;
	v45 =	vpop (erf)  }
0xee: {  	v33 =	vsub.f32 $0.0e+00, v18;
	v25 =	vmul.f32 $1.442695020e+00, v25;
	[tilespmem:s0+$0xFFFFFF80] =	vst v21;
	v21 =	vmul.f32 v22, v45  }
0xef: {  	v22 =	vadd.f32 $1.000000000e+00, v28;
	v28 =	vld [tilespmem:s19+$0xFFFFFF90]  }
0xf0: {  	(erf) = vpow2.f32 v25;
	v18 =	vld [tilespmem:s6+$0xFFFFFF90];
	v25 =	vmul.f32 $1.442695020e+00, v33;
	v27 =	vadd.f32 v31, v27  }
0xf1: {  	[tilespmem:s10+$0x30] =	vst v21;
	(erf) = vrcp.f32 v22;
	v22 =	vld [tilespmem:s10+$0x40];
	v31 =	vshll.u32 v29, $0x10  }
0xf2: {  	v27 =	vadd.f32 v31, v27;
	v31 =	vld [tilespmem:s7+$0x40];
	v21 =	vpop (erf);
	(erf) = vpow2.f32 v25  }
0xf3: {  	v46 =	vld [tilespmem:s25+$0x40];
	v21 =	vadd.f32 $1.000000000e+00, v21  }
0xf4: {  	v25 =	vpop (erf)  }
0xf5: {  	v25 =	vadd.f32 $1.000000000e+00, v25;
	(erf) = vrcp.f32 v21;
	v21 =	vadd.f32 v28, v23  }
0xf6: {  	v23 =	vsub.f32 $0.0e+00, v27;
	v27 =	vshll.u32 v18, $0x10  }
0xf7: {  	(erf) = vrcp.f32 v25;
	v25 =	vshll.u32 v31, $0x10;
	v21 =	vadd.f32 v27, v21  }
0xf8: {  	v22 =	vadd.f32 v46, v22;
	v23 =	vmul.f32 $1.442695020e+00, v23  }
0xf9: {  	v27 =	vpop (erf);
	v21 =	vsub.f32 $0.0e+00, v21  }
0xfa: {  	v22 =	vadd.f32 v25, v22;
	(erf) = vpow2.f32 v23;
	v23 =	vadd.f32 $1.000000000e+00, v27;
	v25 =	vpop (erf)  }
0xfb: {  	v21 =	vmul.f32 $1.442695020e+00, v21;
	v47 =	vpop (erf)  }
0xfc: {  	(erf) = vrcp.f32 v23;
	v23 =	vadd.f32 $1.000000000e+00, v47  }
0xfd: {  	s2 =	simm.s32 $0x1500  }
0xfe: {  	s3 =	simm.s32 $0x6500;
	v28 =	vld [tilespmem:s2+$0x0];
	v22 =	vsub.f32 $0.0e+00, v22  }
0xff: {  	s5 =	simm.s32 $0x3D00;
	v27 =	vld [tilespmem:s3+$0x0];
	(erf) = vpow2.f32 v21;
	v21 =	vpop (erf)  }
0x100: {  	v24 =	vand.u32 $0xFFFF0000, v24;
	v48 =	vld [tilespmem:s5+$0x0];
	v22 =	vmul.f32 $1.442695020e+00, v22;
	(erf) = vrcp.f32 v23;
	v23 =	vpop (erf)  }
0x101: {  	v49 =	vld [tilespmem:s3+$0xFFFFFF80];
	v23 =	vmul.f32 v24, v23  }
0x102: {  	v34 =	vld [tilespmem:s2+$0xFFFFFF80];
	(erf) = vpow2.f32 v22  }
0x103: {  	v35 =	vld [tilespmem:s5+$0xFFFFFF80]  }
0x104: {  	v22 =	vadd.f32 v28, v27  }
0x105: {  	v27 =	vld [tilespmem:s14+$0x30];
	v24 =	vshll.u32 v48, $0x10;
	[tilespmem:s14+$0x20] =	vst v23;
	v23 =	vpop (erf)  }
0x106: {  	v24 =	vadd.f32 v24, v22;
	v28 =	vld [tilespmem:s16+$0x30];
	v23 =	vadd.f32 $1.000000000e+00, v23  }
0x107: {  	v26 =	vand.u32 $0xFFFF0000, v26;
	v32 =	vadd.f32 v34, v49  }
0x108: {  	v22 =	vld [tilespmem:s11+$0x30];
	v24 =	vsub.f32 $0.0e+00, v24;
	v50 =	vpop (erf);
	(erf) = vrcp.f32 v23;
	v23 =	vshll.u32 v35, $0x10  }
0x109: {  	v26 =	vmul.f32 v26, v50;
	v51 =	vpop (erf);
	v23 =	vadd.f32 v23, v32  }
0x10a: {  	v20 =	vand.u32 $0xFFFF0000, v20;
	v24 =	vmul.f32 $1.442695020e+00, v24;
	v52 =	vadd.f32 $1.000000000e+00, v51;
	v53 =	vpop (erf)  }
0x10b: {  	v20 =	vmul.f32 v20, v25;
	[tilespmem:s18+$0x50] =	vst v26;
	v25 =	vadd.f32 v28, v27;
	v26 =	vld [tilespmem:s18+$0x60];
	v27 =	vpop (erf);
	v23 =	vsub.f32 $0.0e+00, v23  }
0x10c: {  	(erf) = vpow2.f32 v24;
	v36 =	vld [tilespmem:s26+$0x60];
	v27 =	vadd.f32 $1.000000000e+00, v27  }
0x10d: {  	v24 =	vshll.u32 v22, $0x10;
	(erf) = vrcp.f32 v52;
	v28 =	vld [tilespmem:s24+$0x60];
	v23 =	vmul.f32 $1.442695020e+00, v23  }
0x10e: {  	v30 =	vand.u32 $0xFFFF0000, v30;
	[tilespmem:s10+$0xFFFFFFB0] =	vst v20;
	v24 =	vadd.f32 v24, v25;
	(erf) = vrcp.f32 v27  }
0x10f: {  	v20 =	vmul.f32 v30, v53;
	v25 =	vld [tilespmem:s25+$0xFFFFFFC0];
	(erf) = vpow2.f32 v23  }
0x110: {  	v27 =	vsub.f32 $0.0e+00, v24;
	v24 =	vld [tilespmem:s7+$0xFFFFFFC0]  }
0x111: {  	[tilespmem:s14+$0xFFFFFFA0] =	vst v20;
	v26 =	vadd.f32 v36, v26  }
0x112: {  	v20 =	vand.u32 $0xFFFF0000, v29;
	v29 =	vld [tilespmem:s16+$0xFFFFFFB0];
	v27 =	vmul.f32 $1.442695020e+00, v27;
	v30 =	vshll.u32 v28, $0x10;
	v23 =	vpop (erf)  }
0x113: {  	v16 =	vand.u32 $0xFFFF0000, v16;
	v26 =	vadd.f32 v30, v26;
	v23 =	vmul.f32 v20, v23;
	v20 =	vld [tilespmem:s11+$0xFFFFFFB0]  }
0x114: {  	v16 =	vmul.f32 v16, v21;
	(erf) = vpow2.f32 v27  }
0x115: {  	v4 =	vadd.f32 v25, v4;
	v21 =	vpop (erf);
	v25 =	vsub.f32 $0.0e+00, v26;
	v26 =	vshll.u32 v24, $0x10  }
0x116: {  	v54 =	vadd.f32 $1.000000000e+00, v21;
	v56 =	vpop (erf);
	[tilespmem:s0+$0x10] =	vst v23;
	v23 =	vld [tilespmem:s0+$0x20]  }
0x117: {  	v31 =	vand.u32 $0xFFFF0000, v31;
	v7 =	vadd.f32 v29, v7;
	v4 =	vadd.f32 v26, v4;
	v55 =	vld [tilespmem:s19+$0x20];
	v37 =	vpop (erf)  }
0x118: {  	v27 =	vld [tilespmem:s6+$0x20];
	v25 =	vmul.f32 $1.442695020e+00, v25;
	(erf) = vrcp.f32 v54;
	v29 =	vshll.u32 v20, $0x10;
	v26 =	vpop (erf)  }
0x119: {  	[tilespmem:s18+$0xFFFFFFC0] =	vst v16;
	v16 =	vmul.f32 v31, v37;
	v31 =	vld [tilespmem:s10+$0x50];
	v7 =	vadd.f32 v29, v7;
	v26 =	vadd.f32 $1.000000000e+00, v26  }
0x11a: {  	(erf) = vpow2.f32 v25;
	v25 =	vld [tilespmem:s24+$0xFFFFFFD0]  }
0x11b: {  	v29 =	vld [tilespmem:s26+$0xFFFFFFD0];
	[tilespmem:s10+$0x40] =	vst v16;
	v7 =	vsub.f32 $0.0e+00, v7  }
0x11c: {  	v16 =	vand.u32 $0xFFFF0000, v18;
	v57 =	vld [tilespmem:s25+$0x50];
	v18 =	vadd.f32 v55, v23;
	(erf) = vrcp.f32 v26  }
0x11d: {  	v58 =	vmul.f32 v16, v56;
	v59 =	vld [tilespmem:s7+$0x50];
	v23 =	vshll.u32 v27, $0x10;
	v7 =	vmul.f32 $1.442695020e+00, v7;
	v26 =	vpop (erf)  }
0x11e: {  	v23 =	vadd.f32 v23, v18;
	v26 =	vadd.f32 $1.000000000e+00, v26  }
0x11f: {  	v4 =	vsub.f32 $0.0e+00, v4;
	[tilespmem:s0+$0xFFFFFF90] =	vst v58;
	(erf) = vpow2.f32 v7  }
0x120: {  	v2 =	vadd.f32 v29, v2;
	v7 =	vsub.f32 $0.0e+00, v23;
	(erf) = vrcp.f32 v26;
	v26 =	vld [tilespmem:s19+$0xFFFFFFA0]  }
0x121: {  	v4 =	vmul.f32 $1.442695020e+00, v4;
	v60 =	vshll.u32 v25, $0x10;
	v31 =	vadd.f32 v57, v31  }
0x122: {  	v23 =	vld [tilespmem:s6+$0xFFFFFFA0];
	v29 =	vpop (erf);
	v62 =	vadd.f32 v60, v2;
	v2 =	vshll.u32 v59, $0x10;
	v61 =	vmul.f32 $1.442695020e+00, v7  }
0x123: {  	v63 =	vpop (erf);
	v31 =	vadd.f32 v2, v31;
	(erf) = vpow2.f32 v4;
	v4 =	vand.u32 $0xFFFF0000, v48  }
0x124: {  	v36 =	vadd.f32 $1.000000000e+00, v63;
	v29 =	vmul.f32 v4, v29;
	(erf) = vpow2.f32 v61  }
0x125: {  	v38 =	vand.u32 $0xFFFF0000, v35;
	v32 =	vsub.f32 $0.0e+00, v62;
	v15 =	vadd.f32 v26, v15;
	v26 =	vpop (erf)  }
0x126: {  	v31 =	vsub.f32 $0.0e+00, v31;
	[tilespmem:s3+$0x0] =	vst v29;
	v29 =	vld [tilespmem:s3+$0x10];
	v26 =	vmul.f32 v38, v26  }
0x127: {  	v39 =	vshll.u32 v23, $0x10;
	v32 =	vmul.f32 $1.442695020e+00, v32;
	(erf) = vrcp.f32 v36;
	v40 =	vld [tilespmem:s2+$0x10]  }
0x128: {  	v38 =	vld [tilespmem:s5+$0x10];
	v15 =	vadd.f32 v39, v15  }
0x129: {  	v31 =	vmul.f32 $1.442695020e+00, v31;
	(erf) = vpow2.f32 v32;
	v41 =	vpop (erf)  }
0x12a: {  	v22 =	vand.u32 $0xFFFF0000, v22;
	v30 =	vld [tilespmem:s3+$0xFFFFFF90];
	[tilespmem:s3+$0xFFFFFF80] =	vst v26;
	v15 =	vsub.f32 $0.0e+00, v15;
	v26 =	vpop (erf)  }
0x12b: {  	(erf) = vpow2.f32 v31;
	v31 =	vadd.f32 $1.000000000e+00, v41;
	v42 =	vld [tilespmem:s2+$0xFFFFFF90];
	v22 =	vmul.f32 v22, v26  }
0x12c: {  	v29 =	vadd.f32 v40, v29;
	v43 =	vpop (erf);
	v26 =	vld [tilespmem:s5+$0xFFFFFF90];
	v15 =	vmul.f32 $1.442695020e+00, v15  }
0x12d: {  	(erf) = vrcp.f32 v31;
	v31 =	vld [tilespmem:s14+$0x40];
	v33 =	vadd.f32 $1.000000000e+00, v43;
	v44 =	vpop (erf);
	[tilespmem:s14+$0x30] =	vst v22;
	v22 =	vshll.u32 v38, $0x10  }
0x12e: {  	(erf) = vpow2.f32 v15;
	v34 =	vadd.f32 $1.000000000e+00, v44;
	v22 =	vadd.f32 v22, v29;
	v29 =	vld [tilespmem:s16+$0x40]  }
0x12f: {  	(erf) = vrcp.f32 v33  }
0x130: {  	v28 =	vand.u32 $0xFFFF0000, v28;
	v15 =	vld [tilespmem:s11+$0x40];
	v30 =	vadd.f32 v42, v30;
	v45 =	vpop (erf);
	(erf) = vrcp.f32 v34  }
0x131: {  	v28 =	vmul.f32 v28, v45;
	v22 =	vsub.f32 $0.0e+00, v22;
	v46 =	vshll.u32 v26, $0x10  }
0x132: {  	v47 =	vpop (erf);
	v30 =	vadd.f32 v46, v30  }
0x133: {  	s21 =	simm.s32 $0x6600;
	[tilespmem:s18+$0x60] =	vst v28;
	v22 =	vmul.f32 $1.442695020e+00, v22;
	v28 =	vadd.f32 v29, v31;
	v29 =	vadd.f32 $1.000000000e+00, v47  }
0x134: {  	v50 =	vld [tilespmem:s21+$0x0];
	v30 =	vsub.f32 $0.0e+00, v30  }
0x135: {  	v49 =	vld [tilespmem:s26+$0x70];
	(erf) = vpow2.f32 v22;
	v22 =	vshll.u32 v15, $0x10  }
0x136: {  	s22 =	simm.s32 $0x1600;
	v48 =	vpop (erf);
	v31 =	vld [tilespmem:s18+$0x70];
	v28 =	vadd.f32 v22, v28;
	v30 =	vmul.f32 $1.442695020e+00, v30  }
0x137: {  	v51 =	vld [tilespmem:s22+$0x0];
	v32 =	vadd.f32 $1.000000000e+00, v48;
	(erf) = vrcp.f32 v29;
	v29 =	vpop (erf)  }
0x138: {  	s20 =	simm.s32 $0x3E00;
	v22 =	vld [tilespmem:s24+$0x70];
	v28 =	vsub.f32 $0.0e+00, v28;
	v52 =	vpop (erf)  }
0x139: {  	v36 =	vld [tilespmem:s20+$0x0];
	(erf) = vrcp.f32 v32;
	v34 =	vadd.f32 $1.000000000e+00, v52;
	v39 =	vpop (erf)  }
0x13a: {  	v27 =	vand.u32 $0xFFFF0000, v27;
	(erf) = vpow2.f32 v30;
	v28 =	vmul.f32 $1.442695020e+00, v28;
	v30 =	vpop (erf)  }
0x13b: {  	(erf) = vrcp.f32 v34;
	v27 =	vmul.f32 v27, v30;
	v30 =	vadd.f32 v49, v31  }
0x13c: {  	v40 =	vld [tilespmem:s21+$0xFFFFFF80];
	(erf) = vpow2.f32 v28  }
0x13d: {  	v32 =	vadd.f32 v51, v50;
	v31 =	vld [tilespmem:s22+$0xFFFFFF80];
	v28 =	vshll.u32 v22, $0x10  }
0x13e: {  	v34 =	vld [tilespmem:s20+$0xFFFFFF80];
	[tilespmem:s0+$0x20] =	vst v27;
	v27 =	vadd.f32 v28, v30;
	v28 =	vshll.u32 v36, $0x10  }
0x13f: {  	v53 =	vld [tilespmem:s0+$0x30];
	v28 =	vadd.f32 v28, v32;
	v30 =	vpop (erf)  }
0x140: {  	v54 =	vld [tilespmem:s19+$0x30];
	v27 =	vsub.f32 $0.0e+00, v27;
	v30 =	vadd.f32 $1.000000000e+00, v30  }
0x141: {  	v37 =	vand.u32 $0xFFFF0000, v59;
	v33 =	vld [tilespmem:s6+$0x30];
	v41 =	vpop (erf);
	v28 =	vsub.f32 $0.0e+00, v28  }
0x142: {  	v31 =	vadd.f32 v31, v40;
	v42 =	vpop (erf);
	v27 =	vmul.f32 $1.442695020e+00, v27;
	(erf) = vrcp.f32 v30  }
0x143: {  	v37 =	vmul.f32 v37, v42;
	v30 =	vshll.u32 v34, $0x10;
	v55 =	vpop (erf);
	v28 =	vmul.f32 $1.442695020e+00, v28  }
0x144: {  	v23 =	vand.u32 $0xFFFF0000, v23;
	v30 =	vadd.f32 v30, v31;
	(erf) = vpow2.f32 v27;
	v56 =	vpop (erf)  }
0x145: {  	v57 =	vld [tilespmem:s10+$0x60];
	v27 =	vadd.f32 $1.000000000e+00, v55;
	v31 =	vadd.f32 v54, v53;
	[tilespmem:s10+$0x50] =	vst v37;
	(erf) = vpow2.f32 v28;
	v58 =	vpop (erf)  }
0x146: {  	v28 =	vshll.u32 v33, $0x10;
	v30 =	vsub.f32 $0.0e+00, v30;
	v59 =	vld [tilespmem:s25+$0x60];
	v37 =	vadd.f32 $1.000000000e+00, v58  }
0x147: {  	v28 =	vadd.f32 v28, v31;
	v31 =	vld [tilespmem:s7+$0x60];
	(erf) = vrcp.f32 v27;
	v27 =	vmul.f32 v23, v56  }
0x148: {  	v0 =	vld [tilespmem:s0+$0xFFFFFFF0];
	v20 =	vand.u32 $0xFFFF0000, v20;
	v30 =	vmul.f32 $1.442695020e+00, v30;
	(erf) = vrcp.f32 v37  }
0x149: {  	v24 =	vand.u32 $0xFFFF0000, v24;
	v45 =	vld [tilespmem:s3+$0x20];
	v20 =	vmul.f32 v20, v29;
	v28 =	vsub.f32 $0.0e+00, v28;
	[tilespmem:s0+$0xFFFFFFA0] =	vst v27  }
0x14a: {  	v24 =	vmul.f32 v24, v39;
	(erf) = vpow2.f32 v30;
	v30 =	vld [tilespmem:s19+$0xFFFFFFB0]  }
0x14b: {  	v60 =	vand.u32 $0xFFFF0000, v38;
	[tilespmem:s14+$0xFFFFFFB0] =	vst v20;
	v29 =	vld [tilespmem:s6+$0xFFFFFFB0];
	v27 =	vmul.f32 $1.442695020e+00, v28;
	v28 =	vadd.f32 v59, v57;
	v61 =	vpop (erf)  }
0x14c: {  	v63 =	vld [tilespmem:s16+$0xFFFFFFC0];
	[tilespmem:s10+$0xFFFFFFC0] =	vst v24;
	v62 =	vshll.u32 v31, $0x10;
	v35 =	vmul.f32 v60, v61  }
0x14d: {  	v52 =	vld [tilespmem:s25+$0xFFFFFFD0];
	(erf) = vpow2.f32 v27;
	v28 =	vadd.f32 v62, v28;
	v43 =	vpop (erf)  }
0x14e: {  	v25 =	vand.u32 $0xFFFF0000, v25;
	v27 =	vld [tilespmem:s11+$0xFFFFFFC0];
	v38 =	vadd.f32 $1.000000000e+00, v43;
	[tilespmem:s3+$0x10] =	vst v35  }
0x14f: {  	v26 =	vand.u32 $0xFFFF0000, v26;
	v44 =	vpop (erf);
	v28 =	vsub.f32 $0.0e+00, v28;
	v9 =	vadd.f32 v30, v9;
	v47 =	vld [tilespmem:s2+$0x20]  }
0x150: {  	v50 =	vand.u32 $0xFFFF0000, v15;
	v49 =	vshll.u32 v29, $0x10;
	v46 =	vadd.f32 $1.000000000e+00, v44;
	v48 =	vpop (erf);
	v30 =	vld [tilespmem:s5+$0x20]  }
0x151: {  	(erf) = vrcp.f32 v38;
	v28 =	vmul.f32 $1.442695020e+00, v28;
	v9 =	vadd.f32 v49, v9;
	v51 =	vpop (erf)  }
0x152: {  	v6 =	vadd.f32 v63, v6;
	(erf) = vrcp.f32 v46;
	v24 =	vmul.f32 v50, v51  }
0x153: {  	v53 =	vshll.u32 v27, $0x10;
	(erf) = vpow2.f32 v28;
	v54 =	vpop (erf);
	v9 =	vsub.f32 $0.0e+00, v9;
	v28 =	vld [tilespmem:s7+$0xFFFFFFD0]  }
0x154: {  	v21 =	vld [tilespmem:s3+$0xFFFFFFA0];
	v55 =	vadd.f32 $1.000000000e+00, v54;
	[tilespmem:s14+$0x40] =	vst v24;
	v24 =	vmul.f32 v26, v48;
	v26 =	vadd.f32 v47, v45  }
0x155: {  	v5 =	vadd.f32 v52, v5;
	v56 =	vld [tilespmem:s14+$0x50];
	v6 =	vadd.f32 v53, v6;
	v58 =	vshll.u32 v30, $0x10  }
0x156: {  	v9 =	vmul.f32 $1.442695020e+00, v9;
	v57 =	vpop (erf);
	(erf) = vrcp.f32 v55;
	v59 =	vld [tilespmem:s16+$0x50];
	v26 =	vadd.f32 v58, v26  }
0x157: {  	v25 =	vmul.f32 v25, v41;
	v6 =	vsub.f32 $0.0e+00, v6;
	v60 =	vadd.f32 $1.000000000e+00, v57;
	v35 =	vld [tilespmem:s11+$0x50];
	[tilespmem:s3+$0xFFFFFF90] =	vst v24  }
0x158: {  	(erf) = vpow2.f32 v9;
	v61 =	vld [tilespmem:s2+$0xFFFFFFA0];
	v62 =	vshll.u32 v28, $0x10;
	v26 =	vsub.f32 $0.0e+00, v26  }
0x159: {  	[tilespmem:s18+$0xFFFFFFD0] =	vst v25;
	v25 =	vmul.f32 $1.442695020e+00, v6;
	(erf) = vrcp.f32 v60;
	v41 =	vld [tilespmem:s5+$0xFFFFFFA0];
	v5 =	vadd.f32 v62, v5  }
0x15a: {  	v6 =	vand.u32 $0xFFFF0000, v36;
	v24 =	vpop (erf);
	v46 =	vmul.f32 $1.442695020e+00, v26  }
0x15b: {  	(erf) = vpow2.f32 v25;
	v63 =	vpop (erf);
	v38 =	vadd.f32 v59, v56;
	v5 =	vsub.f32 $0.0e+00, v5  }
0x15c: {  	v45 =	vld [tilespmem:s26+$0xFFFFFFE0];
	v36 =	vmul.f32 v6, v63;
	v25 =	vshll.u32 v35, $0x10;
	v26 =	vpop (erf);
	(erf) = vpow2.f32 v46  }
0x15d: {  	v48 =	vld [tilespmem:s21+$0x10];
	v25 =	vadd.f32 v25, v38;
	v47 =	vadd.f32 $1.000000000e+00, v26  }
0x15e: {  	v34 =	vand.u32 $0xFFFF0000, v34;
	[tilespmem:s21+$0x0] =	vst v36;
	v21 =	vadd.f32 v61, v21;
	v49 =	vshll.u32 v41, $0x10;
	v26 =	vld [tilespmem:s24+$0xFFFFFFE0]  }
0x15f: {  	v50 =	vmul.f32 $1.442695020e+00, v5;
	v51 =	vld [tilespmem:s22+$0x10];
	v5 =	vpop (erf);
	v25 =	vsub.f32 $0.0e+00, v25;
	(erf) = vrcp.f32 v47  }
0x160: {  	v37 =	vadd.f32 v49, v21;
	v21 =	vld [tilespmem:s20+$0x10];
	v34 =	vmul.f32 v34, v5  }
0x161: {  	v33 =	vand.u32 $0xFFFF0000, v33;
	v8 =	vadd.f32 v45, v8;
	v52 =	vpop (erf);
	v25 =	vmul.f32 $1.442695020e+00, v25  }
0x162: {  	v32 =	vld [tilespmem:s21+$0xFFFFFF90];
	(erf) = vpow2.f32 v50;
	v53 =	vpop (erf);
	v37 =	vsub.f32 $0.0e+00, v37;
	v55 =	vadd.f32 $1.000000000e+00, v52;
	[tilespmem:s21+$0xFFFFFF80] =	vst v34  }
0x163: {  	v33 =	vmul.f32 v33, v53;
	v54 =	vshll.u32 v26, $0x10;
	v56 =	vld [tilespmem:s22+$0xFFFFFF90];
	(erf) = vpow2.f32 v25  }
0x164: {  	v58 =	vpop (erf);
	v57 =	vmul.f32 $1.442695020e+00, v37;
	v36 =	vadd.f32 v51, v48;
	v25 =	vadd.f32 v54, v8;
	v8 =	vld [tilespmem:s20+$0xFFFFFF90]  }
0x165: {  	v60 =	vld [tilespmem:s0+$0x40];
	[tilespmem:s0+$0x30] =	vst v33;
	(erf) = vrcp.f32 v55;
	v59 =	vshll.u32 v21, $0x10;
	v33 =	vadd.f32 $1.000000000e+00, v58;
	v61 =	vpop (erf)  }
0x166: {  	(erf) = vpow2.f32 v57;
	v62 =	vld [tilespmem:s19+$0x40];
	v36 =	vadd.f32 v59, v36;
	v34 =	vadd.f32 $1.000000000e+00, v61  }
0x167: {  	v31 =	vand.u32 $0xFFFF0000, v31;
	v37 =	vld [tilespmem:s6+$0x40];
	v25 =	vsub.f32 $0.0e+00, v25;
	(erf) = vrcp.f32 v33  }
0x168: {  	v45 =	vsub.f32 $0.0e+00, v36;
	v32 =	vadd.f32 v56, v32;
	v63 =	vpop (erf);
	(erf) = vrcp.f32 v34  }
0x169: {  	v25 =	vmul.f32 $1.442695020e+00, v25;
	v46 =	vshll.u32 v8, $0x10;
	v31 =	vmul.f32 v31, v63  }
0x16a: {  	v32 =	vadd.f32 v46, v32  }
0x16b: {  	s4 =	simm.s32 $0x6700;
	v49 =	vld [tilespmem:s10+$0x70];
	v47 =	vpop (erf);
	v48 =	vadd.f32 v62, v60;
	(erf) = vpow2.f32 v25;
	[tilespmem:s10+$0x60] =	vst v31;
	v31 =	vmul.f32 $1.442695020e+00, v45  }
0x16c: {  	v54 =	vld [tilespmem:s4+$0x0];
	v25 =	vshll.u32 v37, $0x10;
	v34 =	vadd.f32 $1.000000000e+00, v47;
	v32 =	vsub.f32 $0.0e+00, v32;
	v50 =	vpop (erf)  }
0x16d: {  	v51 =	vld [tilespmem:s25+$0x70];
	v52 =	vadd.f32 $1.000000000e+00, v50;
	(erf) = vpow2.f32 v31;
	v31 =	vadd.f32 v25, v48  }
0x16e: {  	s23 =	simm.s32 $0x1700;
	v53 =	vpop (erf);
	v25 =	vld [tilespmem:s7+$0x70];
	(erf) = vrcp.f32 v34  }
0x16f: {  	s28 =	simm.s32 $0x3F00;
	v55 =	vld [tilespmem:s23+$0x0];
	v32 =	vmul.f32 $1.442695020e+00, v32;
	v43 =	vpop (erf);
	v31 =	vsub.f32 $0.0e+00, v31;
	(erf) = vrcp.f32 v52  }
0x170: {  	v34 =	vld [tilespmem:s28+$0x0];
	v56 =	vadd.f32 $1.000000000e+00, v43;
	v43 =	vpop (erf)  }
0x171: {  	v44 =	vld [tilespmem:s23+$0xFFFFFF80];
	v30 =	vand.u32 $0xFFFF0000, v30;
	(erf) = vpow2.f32 v32;
	v31 =	vmul.f32 $1.442695020e+00, v31;
	v58 =	vpop (erf)  }
0x172: {  	v57 =	vld [tilespmem:s4+$0xFFFFFF80];
	v39 =	vadd.f32 v51, v49;
	(erf) = vrcp.f32 v56;
	v30 =	vmul.f32 v30, v58  }
0x173: {  	v16 =	vld [tilespmem:s3+$0xFFFFFFB0];
	v45 =	vshll.u32 v25, $0x10;
	(erf) = vpow2.f32 v31  }
0x174: {  	v18 =	vld [tilespmem:s3+$0xFFFFFFC0];
	v59 =	vadd.f32 v55, v54;
	v31 =	vadd.f32 v45, v39  }
0x175: {  	v29 =	vand.u32 $0xFFFF0000, v29;
	v36 =	vld [tilespmem:s28+$0xFFFFFF80];
	v60 =	vpop (erf);
	v61 =	vshll.u32 v34, $0x10  }
0x176: {  	v35 =	vand.u32 $0xFFFF0000, v35;
	v62 =	vld [tilespmem:s3+$0x30];
	[tilespmem:s3+$0x20] =	vst v30;
	v33 =	vadd.f32 v61, v59;
	v31 =	vsub.f32 $0.0e+00, v31;
	v30 =	vpop (erf)  }
0x177: {  	v63 =	vand.u32 $0xFFFF0000, v41;
	v44 =	vadd.f32 v44, v57;
	v48 =	vld [tilespmem:s2+$0x30];
	v30 =	vadd.f32 $1.000000000e+00, v30;
	v45 =	vpop (erf)  }
0x178: {  	v29 =	vmul.f32 v29, v53;
	v32 =	vld [tilespmem:s5+$0x30];
	v33 =	vsub.f32 $0.0e+00, v33;
	v31 =	vmul.f32 $1.442695020e+00, v31;
	v46 =	vpop (erf)  }
0x179: {  	v7 =	vld [tilespmem:s3+$0xFFFFFFD0];
	v49 =	vadd.f32 $1.000000000e+00, v60;
	(erf) = vrcp.f32 v30;
	v35 =	vmul.f32 v35, v46  }
0x17a: {  	v2 =	vld [tilespmem:s3+$0xFFFFFFF0];
	v30 =	vshll.u32 v36, $0x10;
	v50 =	vpop (erf);
	(erf) = vpow2.f32 v31;
	v31 =	vmul.f32 $1.442695020e+00, v33  }
0x17b: {  	v4 =	vld [tilespmem:s3+$0xFFFFFFE0];
	[tilespmem:s0+$0xFFFFFFB0] =	vst v29;
	v30 =	vadd.f32 v30, v44;
	v51 =	vadd.f32 $1.000000000e+00, v50;
	v52 =	vpop (erf);
	(erf) = vrcp.f32 v49  }
0x17c: {  	v54 =	vld [tilespmem:s14+$0x60];
	v53 =	vadd.f32 v48, v62;
	[tilespmem:s14+$0x50] =	vst v35;
	v29 =	vmul.f32 v63, v52;
	v55 =	vpop (erf);
	(erf) = vpow2.f32 v31  }
0x17d: {  	v30 =	vsub.f32 $0.0e+00, v30;
	v31 =	vshll.u32 v32, $0x10;
	v56 =	vld [tilespmem:s16+$0x60];
	v38 =	vadd.f32 $1.000000000e+00, v55  }
0x17e: {  	v33 =	vld [tilespmem:s11+$0x60];
	(erf) = vrcp.f32 v51;
	v31 =	vadd.f32 v31, v53  }
0x17f: {  	v15 =	vld [tilespmem:s21+$0xFFFFFFC0];
	[tilespmem:s3+$0xFFFFFFA0] =	vst v29;
	v30 =	vmul.f32 $1.442695020e+00, v30;
	(erf) = vrcp.f32 v38  }
0x180: {  	v59 =	vld [tilespmem:s2+$0xFFFFFFB0];
	v58 =	vsub.f32 $0.0e+00, v31  }
0x181: {  	v27 =	vand.u32 $0xFFFF0000, v27;
	v57 =	vld [tilespmem:s19+$0xFFFFFFC0];
	(erf) = vpow2.f32 v30  }
0x182: {  	v21 =	vand.u32 $0xFFFF0000, v21;
	v30 =	vld [tilespmem:s5+$0xFFFFFFB0];
	v39 =	vmul.f32 $1.442695020e+00, v58;
	v41 =	vadd.f32 v56, v54;
	v29 =	vpop (erf)  }
0x183: {  	v20 =	vld [tilespmem:s21+$0xFFFFFFB0];
	v28 =	vand.u32 $0xFFFF0000, v28;
	v60 =	vmul.f32 v21, v29;
	v21 =	vshll.u32 v33, $0x10;
	v61 =	vpop (erf)  }
0x184: {  	v63 =	vmul.f32 v27, v43;
	v31 =	vld [tilespmem:s6+$0xFFFFFFC0];
	(erf) = vpow2.f32 v39;
	v62 =	vadd.f32 v21, v41;
	v43 =	vpop (erf)  }
0x185: {  	v26 =	vand.u32 $0xFFFF0000, v26;
	v54 =	vld [tilespmem:s21+$0x20];
	v40 =	vadd.f32 v59, v16;
	v27 =	vadd.f32 $1.000000000e+00, v61;
	[tilespmem:s21+$0x10] =	vst v60;
	v53 =	vpop (erf)  }
0x186: {  	v37 =	vand.u32 $0xFFFF0000, v37;
	v39 =	vsub.f32 $0.0e+00, v62;
	v42 =	vadd.f32 $1.000000000e+00, v53;
	v55 =	vld [tilespmem:s22+$0x20]  }
0x187: {  	v12 =	vadd.f32 v57, v12;
	v48 =	vshll.u32 v30, $0x10;
	(erf) = vrcp.f32 v27;
	v47 =	vpop (erf);
	v27 =	vld [tilespmem:s20+$0x20]  }
0x188: {  	v23 =	vld [tilespmem:s21+$0xFFFFFFA0];
	v40 =	vadd.f32 v48, v40;
	v39 =	vmul.f32 $1.442695020e+00, v39;
	v49 =	vpop (erf);
	(erf) = vrcp.f32 v42  }
0x189: {  	v8 =	vand.u32 $0xFFFF0000, v8;
	[tilespmem:s14+$0xFFFFFFC0] =	vst v63;
	v58 =	vld [tilespmem:s0+$0x50];
	v52 =	vshll.u32 v31, $0x10;
	v37 =	vmul.f32 v37, v49  }
0x18a: {  	v41 =	vld [tilespmem:s16+$0xFFFFFFD0];
	v12 =	vadd.f32 v52, v12;
	v40 =	vsub.f32 $0.0e+00, v40;
	v56 =	vpop (erf);
	(erf) = vpow2.f32 v39  }
0x18b: {  	v8 =	vmul.f32 v8, v47;
	v39 =	vld [tilespmem:s11+$0xFFFFFFD0];
	v38 =	vadd.f32 $1.000000000e+00, v56;
	[tilespmem:s0+$0x40] =	vst v37;
	v57 =	vadd.f32 v55, v54  }
0x18c: {  	v45 =	vmul.f32 v28, v45;
	v12 =	vsub.f32 $0.0e+00, v12;
	v59 =	vshll.u32 v27, $0x10;
	v61 =	vld [tilespmem:s19+$0x50]  }
0x18d: {  	[tilespmem:s21+$0xFFFFFF90] =	vst v8;
	v40 =	vmul.f32 $1.442695020e+00, v40;
	(erf) = vrcp.f32 v38;
	v60 =	vpop (erf);
	v28 =	vld [tilespmem:s6+$0x50];
	v8 =	vadd.f32 v59, v57  }
0x18e: {  	v34 =	vand.u32 $0xFFFF0000, v34;
	v36 =	vand.u32 $0xFFFF0000, v36;
	[tilespmem:s10+$0xFFFFFFD0] =	vst v45;
	v63 =	vld [tilespmem:s22+$0xFFFFFFA0];
	v62 =	vadd.f32 $1.000000000e+00, v60  }
0x18f: {  	v50 =	vld [tilespmem:s25+$0xFFFFFFE0];
	v48 =	vmul.f32 $1.442695020e+00, v12;
	(erf) = vpow2.f32 v40;
	v8 =	vsub.f32 $0.0e+00, v8  }
0x190: {  	v11 =	vadd.f32 v41, v11;
	v41 =	vld [tilespmem:s20+$0xFFFFFFA0];
	v49 =	vshll.u32 v39, $0x10;
	(erf) = vrcp.f32 v62;
	v37 =	vpop (erf)  }
0x191: {  	(erf) = vpow2.f32 v48;
	v51 =	vpop (erf);
	v8 =	vmul.f32 $1.442695020e+00, v8;
	v42 =	vadd.f32 v61, v58  }
0x192: {  	v47 =	vld [tilespmem:s7+$0xFFFFFFE0];
	v40 =	vadd.f32 v49, v11;
	v52 =	vshll.u32 v28, $0x10;
	v34 =	vmul.f32 v34, v51  }
0x193: {  	v23 =	vadd.f32 v63, v23;
	v53 =	vpop (erf);
	(erf) = vpow2.f32 v8;
	v42 =	vadd.f32 v52, v42  }
0x194: {  	v32 =	vand.u32 $0xFFFF0000, v32;
	v56 =	vld [tilespmem:s4+$0x10];
	v40 =	vsub.f32 $0.0e+00, v40;
	v54 =	vadd.f32 $1.000000000e+00, v53;
	[tilespmem:s4+$0x0] =	vst v34  }
0x195: {  	v17 =	vadd.f32 v50, v17;
	v55 =	vshll.u32 v41, $0x10;
	v42 =	vsub.f32 $0.0e+00, v42;
	v58 =	vld [tilespmem:s23+$0x10]  }
0x196: {  	v40 =	vmul.f32 $1.442695020e+00, v40;
	v34 =	vadd.f32 v55, v23;
	v57 =	vpop (erf);
	v23 =	vld [tilespmem:s28+$0x10];
	(erf) = vrcp.f32 v54  }
0x197: {  	v60 =	vshll.u32 v47, $0x10;
	v36 =	vmul.f32 v36, v57;
	v42 =	vmul.f32 $1.442695020e+00, v42  }
0x198: {  	v9 =	vld [tilespmem:s21+$0xFFFFFFD0];
	v17 =	vadd.f32 v60, v17;
	v63 =	vand.u32 $0xFFFF0000, v22;
	v59 =	vpop (erf);
	(erf) = vpow2.f32 v40  }
0x199: {  	v35 =	vld [tilespmem:s4+$0xFFFFFF90];
	v48 =	vmul.f32 v26, v43;
	v34 =	vsub.f32 $0.0e+00, v34;
	[tilespmem:s4+$0xFFFFFF80] =	vst v36;
	v61 =	vpop (erf);
	(erf) = vpow2.f32 v42  }
0x19a: {  	v40 =	vadd.f32 $1.000000000e+00, v59;
	v62 =	vld [tilespmem:s23+$0xFFFFFF90];
	v32 =	vmul.f32 v32, v61;
	v38 =	vadd.f32 v58, v56  }
0x19b: {  	v17 =	vsub.f32 $0.0e+00, v17;
	v34 =	vmul.f32 $1.442695020e+00, v34;
	v26 =	vpop (erf);
	v22 =	vld [tilespmem:s28+$0xFFFFFF90];
	v49 =	vshll.u32 v23, $0x10  }
0x19c: {  	v50 =	vld [tilespmem:s3+$0x40];
	(erf) = vrcp.f32 v40;
	v51 =	vadd.f32 $1.000000000e+00, v26;
	[tilespmem:s3+$0x30] =	vst v32;
	v26 =	vpop (erf);
	v32 =	vadd.f32 v49, v38  }
0x19d: {  	(erf) = vpow2.f32 v34;
	v52 =	vld [tilespmem:s2+$0x40];
	v53 =	vadd.f32 $1.000000000e+00, v26  }
0x19e: {  	v17 =	vmul.f32 $1.442695020e+00, v17;
	(erf) = vrcp.f32 v51;
	v26 =	vld [tilespmem:s5+$0x40];
	v32 =	vsub.f32 $0.0e+00, v32  }
0x19f: {  	v33 =	vand.u32 $0xFFFF0000, v33;
	v60 =	vld [tilespmem:s14+$0x70];
	[tilespmem:s18+$0xFFFFFFE0] =	vst v48;
	v54 =	vadd.f32 v62, v35;
	v55 =	vpop (erf);
	(erf) = vrcp.f32 v53  }
0x1a0: {  	v42 =	vld [tilespmem:s24+$0xFFFFFFF0];
	v56 =	vshll.u32 v22, $0x10;
	v33 =	vmul.f32 v33, v55;
	v32 =	vmul.f32 $1.442695020e+00, v32  }
0x1a1: {  	s24 =	simm.s32 $0x6800;
	v35 =	vmul.f32 v63, v24;
	v24 =	vld [tilespmem:s26+$0xFFFFFFF0];
	v57 =	vpop (erf);
	v36 =	vadd.f32 v56, v54;
	(erf) = vpow2.f32 v17  }
0x1a2: {  	v58 =	vadd.f32 v52, v50;
	v59 =	vadd.f32 $1.000000000e+00, v57;
	v50 =	vld [tilespmem:s24+$0x0];
	[tilespmem:s14+$0x60] =	vst v33;
	v17 =	vpop (erf);
	(erf) = vpow2.f32 v32  }
0x1a3: {  	v61 =	vshll.u32 v26, $0x10;
	v36 =	vsub.f32 $0.0e+00, v36;
	v62 =	vld [tilespmem:s16+$0x70];
	v63 =	vadd.f32 $1.000000000e+00, v17  }
0x1a4: {  	s29 =	simm.s32 $0x1800;
	v25 =	vand.u32 $0xFFFF0000, v25;
	v32 =	vadd.f32 v61, v58;
	v17 =	vld [tilespmem:s11+$0x70];
	(erf) = vrcp.f32 v59  }
0x1a5: {  	s30 =	simm.s32 $0x4000;
	v27 =	vand.u32 $0xFFFF0000, v27;
	v52 =	vld [tilespmem:s29+$0x0];
	v49 =	vpop (erf);
	v51 =	vmul.f32 $1.442695020e+00, v36;
	(erf) = vrcp.f32 v63  }
0x1a6: {  	v48 =	vand.u32 $0xFFFF0000, v30;
	v30 =	vld [tilespmem:s30+$0x0];
	v53 =	vpop (erf);
	v36 =	vmul.f32 v25, v37;
	v32 =	vsub.f32 $0.0e+00, v32  }
0x1a7: {  	v6 =	vld [tilespmem:s21+$0xFFFFFFE0];
	v25 =	vand.u32 $0xFFFF0000, v41;
	v54 =	vadd.f32 $1.000000000e+00, v53;
	v41 =	vpop (erf);
	(erf) = vpow2.f32 v51  }
0x1a8: {  	v46 =	vld [tilespmem:s30+$0xFFFFFF80];
	v13 =	vadd.f32 v24, v13;
	v32 =	vmul.f32 $1.442695020e+00, v32;
	v56 =	vpop (erf);
	v38 =	vadd.f32 v62, v60  }
0x1a9: {  	v55 =	vld [tilespmem:s24+$0xFFFFFF80];
	(erf) = vrcp.f32 v54;
	v24 =	vshll.u32 v17, $0x10;
	v27 =	vmul.f32 v27, v56  }
0x1aa: {  	v57 =	vld [tilespmem:s29+$0xFFFFFF80];
	v59 =	vadd.f32 v52, v50;
	(erf) = vpow2.f32 v32;
	v24 =	vadd.f32 v24, v38  }
0x1ab: {  	v31 =	vand.u32 $0xFFFF0000, v31;
	v45 =	vand.u32 $0xFFFF0000, v47;
	v62 =	vld [tilespmem:s21+$0x30];
	v60 =	vpop (erf);
	[tilespmem:s21+$0x20] =	vst v27;
	v27 =	vshll.u32 v30, $0x10  }
0x1ac: {  	v28 =	vand.u32 $0xFFFF0000, v28;
	v61 =	vpop (erf);
	v24 =	vsub.f32 $0.0e+00, v24;
	v27 =	vadd.f32 v27, v59;
	v63 =	vld [tilespmem:s22+$0x30]  }
0x1ad: {  	v58 =	vshll.u32 v42, $0x10;
	v33 =	vmul.f32 v48, v49;
	v48 =	vpop (erf);
	v32 =	vadd.f32 $1.000000000e+00, v61;
	v38 =	vld [tilespmem:s20+$0x30]  }
0x1ae: {  	v5 =	vld [tilespmem:s21+$0xFFFFFFF0];
	v13 =	vadd.f32 v58, v13;
	v53 =	vpop (erf);
	v24 =	vmul.f32 $1.442695020e+00, v24;
	v27 =	vsub.f32 $0.0e+00, v27  }
0x1af: {  	v29 =	vld [tilespmem:s4+$0xFFFFFFA0];
	v54 =	vadd.f32 $1.000000000e+00, v60;
	(erf) = vrcp.f32 v32;
	v28 =	vmul.f32 v28, v53  }
0x1b0: {  	v16 =	vld [tilespmem:s4+$0xFFFFFFC0];
	v52 =	vadd.f32 v57, v55;
	v56 =	vpop (erf);
	(erf) = vpow2.f32 v24;
	v27 =	vmul.f32 $1.442695020e+00, v27  }
0x1b1: {  	v21 =	vld [tilespmem:s4+$0xFFFFFFB0];
	v55 =	vshll.u32 v46, $0x10;
	v57 =	vadd.f32 v63, v62;
	(erf) = vrcp.f32 v54  }
0x1b2: {  	v59 =	vld [tilespmem:s0+$0x60];
	v24 =	vadd.f32 v55, v52;
	[tilespmem:s0+$0x50] =	vst v28;
	v58 =	vpop (erf);
	(erf) = vpow2.f32 v27;
	v27 =	vshll.u32 v38, $0x10  }
0x1b3: {  	v39 =	vand.u32 $0xFFFF0000, v39;
	v28 =	vadd.f32 $1.000000000e+00, v56;
	v60 =	vpop (erf);
	v61 =	vld [tilespmem:s19+$0x60];
	v27 =	vadd.f32 v27, v57  }
0x1b4: {  	v31 =	vmul.f32 v31, v41;
	v24 =	vsub.f32 $0.0e+00, v24;
	v37 =	vld [tilespmem:s6+$0x60];
	v62 =	vadd.f32 $1.000000000e+00, v60  }
0x1b5: {  	v12 =	vld [tilespmem:s4+$0xFFFFFFD0];
	[tilespmem:s3+$0xFFFFFFB0] =	vst v33;
	v25 =	vmul.f32 v25, v58;
	(erf) = vrcp.f32 v28;
	v27 =	vsub.f32 $0.0e+00, v27  }
0x1b6: {  	v13 =	vsub.f32 $0.0e+00, v13;
	v28 =	vld [tilespmem:s2+$0xFFFFFFC0];
	v24 =	vmul.f32 $1.442695020e+00, v24;
	(erf) = vrcp.f32 v62  }
0x1b7: {  	v11 =	vld [tilespmem:s4+$0xFFFFFFE0];
	v63 =	vand.u32 $0xFFFF0000, v22;
	[tilespmem:s21+$0xFFFFFFA0] =	vst v25;
	v22 =	vmul.f32 $1.442695020e+00, v27;
	v27 =	vand.u32 $0xFFFF0000, v23  }
0x1b8: {  	v13 =	vmul.f32 $1.442695020e+00, v13;
	v25 =	vld [tilespmem:s22+$0xFFFFFFB0];
	(erf) = vpow2.f32 v24;
	v24 =	vadd.f32 v61, v59  }
0x1b9: {  	v43 =	vand.u32 $0xFFFF0000, v46;
	v39 =	vmul.f32 v39, v48;
	v48 =	vld [tilespmem:s20+$0xFFFFFFB0];
	v47 =	vpop (erf);
	v49 =	vshll.u32 v37, $0x10  }
0x1ba: {  	v8 =	vld [tilespmem:s4+$0xFFFFFFF0];
	(erf) = vpow2.f32 v13;
	v13 =	vmul.f32 v27, v47;
	v50 =	vadd.f32 v49, v24;
	v27 =	vpop (erf)  }
0x1bb: {  	v26 =	vand.u32 $0xFFFF0000, v26;
	v33 =	vld [tilespmem:s5+$0xFFFFFFC0];
	[tilespmem:s0+$0xFFFFFFC0] =	vst v31;
	v18 =	vadd.f32 v28, v18;
	(erf) = vpow2.f32 v22;
	v31 =	vpop (erf)  }
0x1bc: {  	v17 =	vand.u32 $0xFFFF0000, v17;
	v52 =	vld [tilespmem:s4+$0x20];
	[tilespmem:s4+$0x10] =	vst v13;
	v27 =	vadd.f32 $1.000000000e+00, v27;
	v13 =	vsub.f32 $0.0e+00, v50;
	v51 =	vpop (erf)  }
0x1bd: {  	v30 =	vand.u32 $0xFFFF0000, v30;
	v20 =	vadd.f32 v25, v20;
	v53 =	vld [tilespmem:s23+$0x20];
	v44 =	vadd.f32 $1.000000000e+00, v51  }
0x1be: {  	v55 =	vshll.u32 v48, $0x10;
	(erf) = vrcp.f32 v27;
	v54 =	vpop (erf);
	v13 =	vmul.f32 $1.442695020e+00, v13;
	v27 =	vld [tilespmem:s28+$0x20]  }
0x1bf: {  	v34 =	vld [tilespmem:s24+$0xFFFFFF90];
	v56 =	vadd.f32 v55, v20;
	v57 =	vpop (erf);
	v32 =	vmul.f32 v63, v54;
	(erf) = vrcp.f32 v44  }
0x1c0: {  	v28 =	vshll.u32 v33, $0x10;
	v24 =	vand.u32 $0xFFFF0000, v42;
	v42 =	vld [tilespmem:s6+$0xFFFFFFD0];
	v26 =	vmul.f32 v26, v57  }
0x1c1: {  	v28 =	vadd.f32 v28, v18;
	v58 =	vpop (erf);
	v44 =	vsub.f32 $0.0e+00, v56;
	(erf) = vpow2.f32 v13;
	v13 =	vld [tilespmem:s19+$0xFFFFFFD0];
	[tilespmem:s4+$0xFFFFFF90] =	vst v32  }
0x1c2: {  	v38 =	vand.u32 $0xFFFF0000, v38;
	v59 =	vadd.f32 $1.000000000e+00, v58;
	[tilespmem:s3+$0x40] =	vst v26;
	v26 =	vadd.f32 v53, v52;
	v55 =	vld [tilespmem:s23+$0xFFFFFFA0]  }
0x1c3: {  	v61 =	vld [tilespmem:s3+$0x50];
	v25 =	vand.u32 $0xFFFF0000, v33;
	v28 =	vsub.f32 $0.0e+00, v28;
	v33 =	vpop (erf);
	v63 =	vshll.u32 v27, $0x10  }
0x1c4: {  	v44 =	vmul.f32 $1.442695020e+00, v44;
	v62 =	vpop (erf);
	(erf) = vrcp.f32 v59;
	v52 =	vld [tilespmem:s2+$0x50];
	v53 =	vadd.f32 v63, v26  }
0x1c5: {  	v60 =	vshll.u32 v42, $0x10;
	v54 =	vmul.f32 $1.442695020e+00, v28;
	v28 =	vld [tilespmem:s5+$0x50];
	v46 =	vadd.f32 $1.000000000e+00, v62  }
0x1c6: {  	v56 =	vld [tilespmem:s28+$0xFFFFFFA0];
	(erf) = vpow2.f32 v44;
	v13 =	vadd.f32 v13, v19;
	v32 =	vsub.f32 $0.0e+00, v53  }
0x1c7: {  	[tilespmem:s18+$0x70] =	vst v35;
	v35 =	vld [tilespmem:s0+$0x70];
	v26 =	vand.u32 $0xFFFF0000, v42;
	v19 =	vpop (erf);
	(erf) = vrcp.f32 v46;
	v29 =	vadd.f32 v55, v29  }
0x1c8: {  	v23 =	vld [tilespmem:s24+$0xFFFFFFA0];
	v42 =	vmul.f32 v17, v19;
	v13 =	vadd.f32 v60, v13;
	v32 =	vmul.f32 $1.442695020e+00, v32;
	v57 =	vpop (erf)  }
0x1c9: {  	[tilespmem:s14+$0xFFFFFFD0] =	vst v39;
	v22 =	vld [tilespmem:s24+$0xFFFFFFB0];
	(erf) = vpow2.f32 v54;
	v40 =	vadd.f32 v52, v61;
	v30 =	vmul.f32 v30, v57  }
0x1ca: {  	v19 =	vld [tilespmem:s16+$0xFFFFFFE0];
	v60 =	vshll.u32 v28, $0x10;
	v58 =	vpop (erf);
	v13 =	vsub.f32 $0.0e+00, v13;
	(erf) = vpow2.f32 v32  }
0x1cb: {  	v59 =	vld [tilespmem:s11+$0xFFFFFFE0];
	v40 =	vadd.f32 v60, v40;
	v41 =	vadd.f32 $1.000000000e+00, v58;
	[tilespmem:s24+$0x0] =	vst v30;
	v30 =	vshll.u32 v56, $0x10  }
0x1cc: {  	v45 =	vmul.f32 v45, v31;
	v31 =	vand.u32 $0xFFFF0000, v48;
	v62 =	vld [tilespmem:s24+$0x10];
	v29 =	vadd.f32 v30, v29  }
0x1cd: {  	v13 =	vmul.f32 $1.442695020e+00, v13;
	v48 =	vpop (erf);
	v40 =	vsub.f32 $0.0e+00, v40;
	(erf) = vrcp.f32 v41;
	v63 =	vld [tilespmem:s29+$0x10]  }
0x1ce: {  	v37 =	vand.u32 $0xFFFF0000, v37;
	v41 =	vmul.f32 v43, v48;
	v30 =	vld [tilespmem:s30+$0x10];
	v29 =	vsub.f32 $0.0e+00, v29  }
0x1cf: {  	v18 =	vld [tilespmem:s24+$0xFFFFFFD0];
	[tilespmem:s10+$0xFFFFFFE0] =	vst v45;
	v14 =	vadd.f32 v19, v14;
	v19 =	vpop (erf);
	(erf) = vpow2.f32 v13;
	v40 =	vmul.f32 $1.442695020e+00, v40  }
0x1d0: {  	v61 =	vld [tilespmem:s25+$0xFFFFFFF0];
	v50 =	vshll.u32 v59, $0x10;
	v51 =	vadd.f32 $1.000000000e+00, v19;
	[tilespmem:s24+$0xFFFFFF80] =	vst v41;
	v49 =	vpop (erf);
	v29 =	vmul.f32 $1.442695020e+00, v29  }
0x1d1: {  	v32 =	vand.u32 $0xFFFF0000, v56;
	v52 =	vld [tilespmem:s29+$0xFFFFFF90];
	(erf) = vpow2.f32 v40;
	v38 =	vmul.f32 v38, v49  }
0x1d2: {  	v14 =	vadd.f32 v50, v14;
	v54 =	vld [tilespmem:s30+$0xFFFFFF90];
	v53 =	vpop (erf);
	(erf) = vrcp.f32 v51;
	v39 =	vadd.f32 v63, v62  }
0x1d3: {  	v56 =	vld [tilespmem:s21+$0x40];
	v19 =	vand.u32 $0xFFFF0000, v59;
	v55 =	vshll.u32 v30, $0x10;
	v40 =	vadd.f32 $1.000000000e+00, v53;
	[tilespmem:s21+$0x30] =	vst v38  }
0x1d4: {  	v14 =	vsub.f32 $0.0e+00, v14;
	(erf) = vpow2.f32 v29;
	v39 =	vadd.f32 v55, v39;
	v57 =	vld [tilespmem:s22+$0x40];
	v29 =	vpop (erf)  }
0x1d5: {  	v38 =	vadd.f32 v61, v10;
	(erf) = vrcp.f32 v40;
	v10 =	vadd.f32 $1.000000000e+00, v29;
	v29 =	vld [tilespmem:s20+$0x40]  }
0x1d6: {  	v20 =	vld [tilespmem:s24+$0xFFFFFFC0];
	v14 =	vmul.f32 $1.442695020e+00, v14;
	v43 =	vadd.f32 v52, v34;
	v58 =	vpop (erf);
	v39 =	vsub.f32 $0.0e+00, v39  }
0x1d7: {  	v59 =	vshll.u32 v54, $0x10;
	v37 =	vmul.f32 v37, v58;
	(erf) = vrcp.f32 v10;
	v10 =	vld [tilespmem:s7+$0xFFFFFFF0]  }
0x1d8: {  	v17 =	vld [tilespmem:s24+$0xFFFFFFE0];
	v34 =	vand.u32 $0xFFFF0000, v54;
	v60 =	vpop (erf);
	v40 =	vadd.f32 v59, v43;
	v61 =	vmul.f32 $1.442695020e+00, v39  }
0x1d9: {  	v13 =	vld [tilespmem:s24+$0xFFFFFFF0];
	v44 =	vadd.f32 $1.000000000e+00, v60;
	[tilespmem:s0+$0x60] =	vst v37;
	v62 =	vadd.f32 v57, v56;
	(erf) = vpow2.f32 v14  }
0x1da: {  	s8 =	smov.u32 s31;
	s1 =	sshll.u32 s9, $0x1;
	s31 =	simm.s32 $0xE;
	[tilespmem:s10+$0x70] =	vst v36;
	v39 =	vsub.f32 $0.0e+00, v40;
	v63 =	vpop (erf);
	(erf) = vpow2.f32 v61;
	v36 =	vld [tilespmem:s19+$0x70];
	v14 =	vshll.u32 v29, $0x10  }
0x1db: {  	s26 =	simm.s32 $0x4000;
	s25 =	simm.s32 $0x1800;
	[tilespmem:s14+$0x70] =	vst v42;
	s7 =	simm.s32 $0x6900;
	v41 =	vadd.f32 $1.000000000e+00, v63;
	v37 =	vpop (erf);
	(erf) = vrcp.f32 v44;
	v40 =	vadd.f32 v14, v62;
	v14 =	vld [tilespmem:s6+$0x70]  }
.LBB2_4:
0x1dc: {  	v42 =	vld [tilespmem:s7+$0x0];
	v39 =	vmul.f32 $1.442695020e+00, v39;
	s29 =	sadd.s32 $0x100, s29;
	v45 =	vmul.f32 v31, v37;
	v37 =	vshll.u32 v10, $0x10  }
0x1dd: {  	s30 =	sadd.s32 $0x100, s30;
	v43 =	vld [tilespmem:s29+$0x0];
	v44 =	vpop (erf);
	v40 =	vsub.f32 $0.0e+00, v40;
	(erf) = vrcp.f32 v41;
	v37 =	vadd.f32 v37, v38  }
0x1de: {  	s31 =	sadd.s32 $0x2, s31;
	v33 =	vadd.f32 $1.000000000e+00, v33;
	v38 =	vld [tilespmem:s30+$0x0];
	(erf) = vpow2.f32 v39;
	v39 =	vadd.f32 $1.000000000e+00, v44;
	[tilespmem:s21+$0xFFFFFFB0] =	vst v45;
	v31 =	vpop (erf)  }
0x1df: {  	p0 =	slt.u32 s31, $0x26;
	v41 =	vld [tilespmem:s7+$0xFFFFFF80];
	v40 =	vmul.f32 $1.442695020e+00, v40;
	v25 =	vmul.f32 v25, v31;
	v31 =	vadd.f32 v36, v35  }
0x1e0: {  	v27 =	vand.u32 $0xFFFF0000, v27;
	v36 =	vld [tilespmem:s29+$0xFFFFFF80];
	(erf) = vrcp.f32 v39;
	v35 =	vpop (erf);
	v45 =	vshll.u32 v14, $0x10  }
0x1e1: {  	v44 =	vld [tilespmem:s30+$0xFFFFFF80];
	v27 =	vmul.f32 v27, v35;
	(erf) = vpow2.f32 v40;
	[tilespmem:s3+$0xFFFFFFC0] =	vst v25;
	v25 =	vadd.f32 v45, v31  }
0x1e2: {  	v37 =	vsub.f32 $0.0e+00, v37;
	v35 =	vld [tilespmem:s7+$0xFFFFFF90];
	v31 =	vadd.f32 v43, v42;
	v39 =	vpop (erf);
	(erf) = vrcp.f32 v33  }
0x1e3: {  	v33 =	vshll.u32 v38, $0x10;
	v40 =	vpop (erf);
	[tilespmem:s4+$0x20] =	vst v27;
	v27 =	vld [tilespmem:s4+$0x30];
	v25 =	vsub.f32 $0.0e+00, v25;
	v42 =	vadd.f32 $1.000000000e+00, v39  }
0x1e4: {  	v45 =	vmul.f32 $1.442695020e+00, v37;
	v31 =	vadd.f32 v33, v31;
	v46 =	vadd.f32 $1.000000000e+00, v40;
	v43 =	vld [tilespmem:s23+$0x30];
	v39 =	vpop (erf)  }
0x1e5: {  	v36 =	vadd.f32 v36, v41;
	v37 =	vld [tilespmem:s28+$0x30];
	v26 =	vmul.f32 v26, v39;
	v25 =	vmul.f32 $1.442695020e+00, v25  }
0x1e6: {  	v28 =	vand.u32 $0xFFFF0000, v28;
	v40 =	vld [tilespmem:s7+$0xFFFFFFA0];
	v31 =	vsub.f32 $0.0e+00, v31;
	(erf) = vrcp.f32 v46;
	v33 =	vpop (erf)  }
0x1e7: {  	v48 =	vshll.u32 v44, $0x10;
	v46 =	vld [tilespmem:s7+$0xFFFFFFB0];
	v47 =	vpop (erf);
	v28 =	vmul.f32 v28, v33;
	[tilespmem:s0+$0xFFFFFFD0] =	vst v26;
	(erf) = vpow2.f32 v25  }
0x1e8: {  	v39 =	vand.u32 $0xFFFF0000, v44;
	v25 =	vadd.f32 v48, v36;
	v26 =	vmul.f32 $1.442695020e+00, v31;
	v31 =	vld [tilespmem:s22+$0xFFFFFFC0]  }
0x1e9: {  	v44 =	vadd.f32 $1.000000000e+00, v47;
	v27 =	vadd.f32 v43, v27;
	v41 =	vpop (erf);
	[tilespmem:s3+$0x50] =	vst v28;
	v28 =	vld [tilespmem:s3+$0x60];
	(erf) = vrcp.f32 v42  }
0x1ea: {  	v25 =	vsub.f32 $0.0e+00, v25;
	(erf) = vpow2.f32 v26;
	v26 =	vshll.u32 v37, $0x10;
	v36 =	vpop (erf);
	v42 =	vld [tilespmem:s2+$0x60]  }
0x1eb: {  	(erf) = vrcp.f32 v44;
	v26 =	vadd.f32 v26, v27;
	v27 =	vadd.f32 $1.000000000e+00, v36;
	v36 =	vld [tilespmem:s5+$0x60];
	v33 =	vpop (erf)  }
0x1ec: {  	v10 =	vand.u32 $0xFFFF0000, v10;
	v32 =	vmul.f32 v32, v41;
	v44 =	vmul.f32 $1.442695020e+00, v25;
	v43 =	vld [tilespmem:s7+$0xFFFFFFC0]  }
0x1ed: {  	v26 =	vsub.f32 $0.0e+00, v26;
	v41 =	vld [tilespmem:s20+$0xFFFFFFC0];
	v31 =	vadd.f32 v31, v15;
	(erf) = vrcp.f32 v27;
	v15 =	vmovc v16;
	v16 =	vmovc v20  }
0x1ee: {  	(erf) = vpow2.f32 v44;
	[tilespmem:s4+$0xFFFFFFA0] =	vst v32;
	v32 =	vld [tilespmem:s2+$0xFFFFFFD0];
	v44 =	vmul.f32 v24, v33;
	v24 =	vmov v10  }
0x1ef: {  	v10 =	vand.u32 $0xFFFF0000, v30;
	v25 =	vpop (erf);
	v27 =	vld [tilespmem:s23+$0xFFFFFFB0];
	v26 =	vmul.f32 $1.442695020e+00, v26;
	v28 =	vadd.f32 v42, v28  }
0x1f0: {  	v10 =	vmul.f32 v10, v25;
	v30 =	vld [tilespmem:s28+$0xFFFFFFB0];
	v25 =	vshll.u32 v36, $0x10;
	v33 =	vpop (erf);
	(erf) = vpow2.f32 v45;
	[tilespmem:s18+$0xFFFFFFF0] =	vst v44;
	s18 =	smov.u32 s10;
	s10 =	smov.u32 s14;
	s14 =	smov.u32 s0  }
0x1f1: {  	s0 =	smov.u32 s3;
	s3 =	smov.u32 s21;
	s21 =	smov.u32 s4;
	v42 =	vld [tilespmem:s7+$0xFFFFFFD0];
	(erf) = vpow2.f32 v26;
	v26 =	vadd.f32 v25, v28;
	v28 =	vadd.f32 $1.000000000e+00, v33;
	v20 =	vmovc v43  }
0x1f2: {  	s4 =	smov.u32 s24;
	s24 =	smov.u32 s7;
	v33 =	vshll.u32 v41, $0x10;
	v25 =	vand.u32 $0xFFFF0000, v41;
	v41 =	vld [tilespmem:s5+$0xFFFFFFD0];
	v43 =	vpop (erf)  }
0x1f3: {  	v44 =	vpop (erf);
	[tilespmem:s4+$0x10] =	vst v10;
	v10 =	vld [tilespmem:s4+$0x20];
	v33 =	vadd.f32 v33, v31;
	v26 =	vsub.f32 $0.0e+00, v26;
	(erf) = vrcp.f32 v28  }
0x1f4: {  	v47 =	vmul.f32 v19, v43;
	v28 =	vadd.f32 $1.000000000e+00, v44;
	v44 =	vld [tilespmem:s25+$0x20];
	v31 =	vpop (erf);
	v45 =	vadd.f32 v27, v21  }
0x1f5: {  	v21 =	vmovc v22;
	v22 =	vmovc v46;
	v31 =	vmul.f32 v34, v31;
	v27 =	vld [tilespmem:s26+$0x20];
	v43 =	vshll.u32 v30, $0x10;
	v26 =	vmul.f32 $1.442695020e+00, v26  }
0x1f6: {  	v29 =	vand.u32 $0xFFFF0000, v29;
	(erf) = vrcp.f32 v28;
	v28 =	vadd.f32 v43, v45;
	v34 =	vpop (erf);
	v43 =	vld [tilespmem:s19+$0xFFFFFFE0];
	[tilespmem:s10+$0xFFFFFFE0] =	vst v47  }
0x1f7: {  	v45 =	vld [tilespmem:s7+$0xFFFFFFE0];
	v19 =	vpop (erf);
	[tilespmem:s4+$0xFFFFFF90] =	vst v31;
	v31 =	vand.u32 $0xFFFF0000, v30;
	v29 =	vmul.f32 v29, v34;
	(erf) = vpow2.f32 v26  }
0x1f8: {  	v34 =	vshll.u32 v41, $0x10;
	v19 =	vadd.f32 $1.000000000e+00, v19;
	v30 =	vld [tilespmem:s25+$0xFFFFFFA0];
	v46 =	vsub.f32 $0.0e+00, v28  }
0x1f9: {  	v26 =	vand.u32 $0xFFFF0000, v41;
	v10 =	vadd.f32 v44, v10;
	v44 =	vsub.f32 $0.0e+00, v33;
	[tilespmem:s3+$0x40] =	vst v29;
	v29 =	vld [tilespmem:s3+$0x50];
	v33 =	vpop (erf)  }
0x1fa: {  	(erf) = vrcp.f32 v19;
	v19 =	vshll.u32 v27, $0x10;
	v41 =	vmul.f32 $1.442695020e+00, v46;
	v28 =	vpop (erf);
	v46 =	vld [tilespmem:s22+$0x50]  }
0x1fb: {  	v10 =	vadd.f32 v19, v10;
	v19 =	vadd.f32 $1.000000000e+00, v28;
	v44 =	vmul.f32 $1.442695020e+00, v44;
	v28 =	vld [tilespmem:s20+$0x50]  }
0x1fc: {  	v32 =	vadd.f32 v32, v7;
	v47 =	vld [tilespmem:s26+$0xFFFFFFA0];
	(erf) = vpow2.f32 v41;
	v41 =	vand.u32 $0xFFFF0000, v14;
	v14 =	vpop (erf)  }
0x1fd: {  	v7 =	vmovc v9;
	v9 =	vmovc v12;
	v10 =	vsub.f32 $0.0e+00, v10;
	(erf) = vrcp.f32 v19;
	v19 =	vld [tilespmem:s6+$0xFFFFFFE0];
	v14 =	vmul.f32 v41, v14  }
0x1fe: {  	v12 =	vmovc v18;
	v30 =	vadd.f32 v30, v23;
	v23 =	vmovc v40;
	(erf) = vpow2.f32 v44;
	v44 =	vadd.f32 v34, v32;
	v34 =	vld [tilespmem:s16+$0xFFFFFFF0];
	s16 =	smov.u32 s19;
	s19 =	smov.u32 s2;
	s2 =	smov.u32 s22  }
0x1ff: {  	v48 =	vand.u32 $0xFFFF0000, v38;
	s22 =	smov.u32 s23;
	s23 =	smov.u32 s25;
	s25 =	smov.u32 s29;
	v40 =	vld [tilespmem:s7+$0xFFFFFFF0];
	v38 =	vpop (erf);
	v41 =	vmul.f32 $1.442695020e+00, v10;
	v29 =	vadd.f32 v46, v29;
	[tilespmem:s14+$0x70] =	vst v14  }
0x200: {  	v14 =	vmul.f32 v48, v38;
	v46 =	vshll.u32 v28, $0x10;
	v38 =	vsub.f32 $0.0e+00, v44;
	v32 =	vpop (erf);
	v10 =	vld [tilespmem:s11+$0xFFFFFFF0];
	s11 =	smov.u32 s6;
	s6 =	smov.u32 s5;
	s5 =	smov.u32 s20  }
0x201: {  	v18 =	vmovc v42;
	s20 =	smov.u32 s28;
	s28 =	smov.u32 s26;
	s26 =	smov.u32 s30;
	(erf) = vpow2.f32 v41;
	v29 =	vadd.f32 v46, v29;
	v41 =	vadd.f32 $1.000000000e+00, v32  }
0x202: {  	v42 =	vshll.u32 v47, $0x10;
	v32 =	vand.u32 $0xFFFF0000, v47;
	[tilespmem:s7+$0x0] =	vst v14;
	v14 =	vld [tilespmem:s7+$0x10];
	v38 =	vmul.f32 $1.442695020e+00, v38  }
0x203: {  	v42 =	vadd.f32 v42, v30;
	v44 =	vld [tilespmem:s29+$0x10];
	v46 =	vpop (erf);
	v29 =	vsub.f32 $0.0e+00, v29;
	(erf) = vrcp.f32 v41  }
0x204: {  	v39 =	vmul.f32 v39, v46;
	v30 =	vld [tilespmem:s30+$0x10];
	(erf) = vpow2.f32 v38;
	v38 =	vadd.f32 v43, v3;
	v3 =	vmovc v4;
	v4 =	vmovc v6  }
0x205: {  	v46 =	vsub.f32 $0.0e+00, v42;
	v42 =	vshll.u32 v19, $0x10;
	v41 =	vpop (erf);
	v29 =	vmul.f32 $1.442695020e+00, v29  }
0x206: {  	v37 =	vand.u32 $0xFFFF0000, v37;
	[tilespmem:s7+$0xFFFFFF80] =	vst v39;
	v39 =	vadd.f32 $1.000000000e+00, v41;
	v41 =	vpop (erf);
	v38 =	vadd.f32 v42, v38  }
0x207: {  	v19 =	vand.u32 $0xFFFF0000, v19;
	v42 =	vld [tilespmem:s29+$0xFFFFFF90];
	v37 =	vmul.f32 v37, v41;
	v41 =	vpop (erf);
	(erf) = vpow2.f32 v29  }
0x208: {  	v6 =	vmovc v11;
	v11 =	vmovc v17;
	v46 =	vmul.f32 $1.442695020e+00, v46;
	v43 =	vld [tilespmem:s30+$0xFFFFFF90];
	v14 =	vadd.f32 v44, v14;
	(erf) = vrcp.f32 v39  }
0x209: {  	v17 =	vmovc v45;
	v41 =	vadd.f32 $1.000000000e+00, v41;
	v44 =	vsub.f32 $0.0e+00, v38;
	v39 =	vshll.u32 v30, $0x10;
	[tilespmem:s21+$0x30] =	vst v37;
	v37 =	vld [tilespmem:s21+$0x40]  }
0x20a: {  	v38 =	vadd.f32 v34, v1;
	v14 =	vadd.f32 v39, v14;
	(erf) = vpow2.f32 v46;
	v29 =	vpop (erf);
	v39 =	vld [tilespmem:s22+$0x40]  }
0x20b: {  	v1 =	vmovc v0;
	v0 =	vmovc v2;
	v34 =	vadd.f32 $1.000000000e+00, v29;
	v29 =	vld [tilespmem:s20+$0x40];
	(erf) = vrcp.f32 v41;
	v41 =	vmul.f32 $1.442695020e+00, v44  }
0x20c: {  	v44 =	vadd.f32 v42, v35;
	v14 =	vsub.f32 $0.0e+00, v14;
	v35 =	vand.u32 $0xFFFF0000, v36;
	v36 =	vpop (erf)  }
.Ltmp0:
0x20d: {  	v42 =	vshll.u32 v43, $0x10;
	(erf) = vrcp.f32 v34;
	v35 =	vmul.f32 v35, v36;
	v36 =	vpop (erf);
	(pc) =	sbr.rel @p0 .LBB2_4-.Ltmp0, $4  }
0x20e: {  	v2 =	vmovc v5;
	v5 =	vmovc v8;
	v34 =	vand.u32 $0xFFFF0000, v43;
	v42 =	vadd.f32 v42, v44;
	v14 =	vmul.f32 $1.442695020e+00, v14  }
0x20f: {  	v8 =	vmovc v13;
	v13 =	vmovc v40;
	v43 =	vadd.f32 $1.000000000e+00, v36;
	v44 =	vadd.f32 v39, v37;
	[tilespmem:s0+$0x60] =	vst v35;
	v35 =	vld [tilespmem:s0+$0x70];
	(erf) = vpow2.f32 v41  }
0x210: {  	v39 =	vsub.f32 $0.0e+00, v42;
	(erf) = vpow2.f32 v14;
	v14 =	vshll.u32 v29, $0x10;
	v41 =	vpop (erf);
	v36 =	vld [tilespmem:s19+$0x70]  }
0x211: {  	s7 =	sadd.s32 $0x100, s7;
	v40 =	vadd.f32 v14, v44;
	v37 =	vpop (erf);
	v41 =	vadd.f32 $1.000000000e+00, v41;
	v14 =	vld [tilespmem:s6+$0x70];
	(erf) = vrcp.f32 v43  }
0x212: {  	_ =	sdelay $0x1  }
0x213: {  	v39 =	vmul.f32 $1.442695020e+00, v39;
	v42 =	vpop (erf)  }
0x214: {  	(erf) = vrcp.f32 v41;
	v40 =	vsub.f32 $0.0e+00, v40;
	v60 =	vpop (erf)  }
0x215: {  	v27 =	vand.u32 $0xFFFF0000, v27;
	(erf) = vpow2.f32 v39;
	v61 =	vadd.f32 $1.000000000e+00, v42;
	v62 =	vpop (erf)  }
0x216: {  	v40 =	vmul.f32 $1.442695020e+00, v40;
	v27 =	vmul.f32 v27, v62  }
0x217: {  	(erf) = vrcp.f32 v61  }
0x218: {  	(erf) = vpow2.f32 v40  }
0x219: {  	v35 =	vadd.f32 v36, v35;
	v45 =	vpop (erf)  }
0x21a: {  	v33 =	vadd.f32 $1.000000000e+00, v33;
	v63 =	vshll.u32 v14, $0x10;
	[tilespmem:s4+$0x20] =	vst v27;
	v27 =	vpop (erf)  }
0x21b: {  	v31 =	vmul.f32 v31, v37;
	v35 =	vadd.f32 v63, v35;
	v27 =	vadd.f32 $1.000000000e+00, v27  }
0x21c: {  	v46 =	vld [tilespmem:s4+$0x30];
	(erf) = vrcp.f32 v33;
	v48 =	vpop (erf)  }
0x21d: {  	v35 =	vsub.f32 $0.0e+00, v35;
	v47 =	vld [tilespmem:s23+$0x30];
	(erf) = vrcp.f32 v27;
	v27 =	vand.u32 $0xFFFF0000, v28;
	v28 =	vpop (erf)  }
0x21e: {  	v49 =	vld [tilespmem:s28+$0x30];
	v27 =	vmul.f32 v27, v28  }
0x21f: {  	[tilespmem:s21+$0xFFFFFFB0] =	vst v31;
	v35 =	vmul.f32 $1.442695020e+00, v35;
	v31 =	vpop (erf)  }
0x220: {  	v50 =	vshll.u32 v10, $0x10;
	v52 =	vpop (erf);
	[tilespmem:s3+$0x50] =	vst v27;
	v27 =	vadd.f32 $1.000000000e+00, v45  }
0x221: {  	v38 =	vadd.f32 v50, v38;
	(erf) = vpow2.f32 v35;
	v31 =	vadd.f32 $1.000000000e+00, v31;
	v55 =	vpop (erf)  }
0x222: {  	v53 =	vld [tilespmem:s3+$0x60];
	v33 =	vadd.f32 v47, v46;
	(erf) = vrcp.f32 v27;
	v27 =	vadd.f32 $1.000000000e+00, v55  }
0x223: {  	v25 =	vmul.f32 v25, v60;
	v54 =	vshll.u32 v49, $0x10;
	v56 =	vld [tilespmem:s2+$0x60];
	(erf) = vrcp.f32 v31  }
0x224: {  	v26 =	vmul.f32 v26, v48;
	v33 =	vadd.f32 v54, v33;
	v57 =	vld [tilespmem:s5+$0x60];
	(erf) = vrcp.f32 v27  }
0x225: {  	v51 =	vld [tilespmem:s22+$0xFFFFFFC0];
	[tilespmem:s3+$0xFFFFFFC0] =	vst v25;
	v28 =	vsub.f32 $0.0e+00, v38;
	v32 =	vmul.f32 v32, v52;
	v31 =	vpop (erf)  }
0x226: {  	v25 =	vld [tilespmem:s20+$0xFFFFFFC0];
	[tilespmem:s0+$0xFFFFFFD0] =	vst v26;
	v33 =	vsub.f32 $0.0e+00, v33;
	v24 =	vmul.f32 v24, v31  }
0x227: {  	v26 =	vand.u32 $0xFFFF0000, v30;
	v28 =	vmul.f32 $1.442695020e+00, v28;
	[tilespmem:s4+$0xFFFFFFA0] =	vst v32;
	v27 =	vld [tilespmem:s2+$0xFFFFFFD0];
	v30 =	vpop (erf)  }
0x228: {  	v31 =	vld [tilespmem:s23+$0xFFFFFFB0];
	v58 =	vmul.f32 $1.442695020e+00, v33;
	[tilespmem:s18+$0xFFFFFFF0] =	vst v24;
	v24 =	vadd.f32 v56, v53;
	v30 =	vmul.f32 v26, v30  }
0x229: {  	(erf) = vpow2.f32 v28;
	v28 =	vshll.u32 v57, $0x10;
	v26 =	vld [tilespmem:s28+$0xFFFFFFB0]  }
0x22a: {  	v59 =	vpop (erf);
	(erf) = vpow2.f32 v58;
	v24 =	vadd.f32 v28, v24;
	[tilespmem:s24+$0x10] =	vst v30;
	v30 =	vld [tilespmem:s24+$0x20]  }
0x22b: {  	v28 =	vld [tilespmem:s25+$0x20];
	v60 =	vpop (erf)  }
0x22c: {  	v24 =	vsub.f32 $0.0e+00, v24;
	v61 =	vpop (erf)  }
0x22d: {  	v29 =	vand.u32 $0xFFFF0000, v29;
	v33 =	vadd.f32 $1.000000000e+00, v59;
	v21 =	vadd.f32 v31, v21;
	v31 =	vld [tilespmem:s26+$0x20];
	v63 =	vpop (erf)  }
0x22e: {  	v62 =	vshll.u32 v26, $0x10;
	v42 =	vmul.f32 $1.442695020e+00, v24;
	v29 =	vmul.f32 v29, v63  }
0x22f: {  	(erf) = vrcp.f32 v33;
	v21 =	vadd.f32 v62, v21  }
0x230: {  	v15 =	vadd.f32 v51, v15;
	(erf) = vpow2.f32 v42  }
0x231: {  	v40 =	vshll.u32 v25, $0x10;
	v44 =	vld [tilespmem:s21+$0x50];
	v21 =	vsub.f32 $0.0e+00, v21;
	v28 =	vadd.f32 v28, v30  }
0x232: {  	v15 =	vadd.f32 v40, v15;
	v24 =	vld [tilespmem:s5+$0xFFFFFFD0];
	v30 =	vshll.u32 v31, $0x10;
	[tilespmem:s21+$0x40] =	vst v29;
	v29 =	vpop (erf)  }
0x233: {  	v43 =	vmul.f32 v34, v61;
	v21 =	vmul.f32 $1.442695020e+00, v21;
	v28 =	vadd.f32 v30, v28;
	v30 =	vld [tilespmem:s22+$0x50];
	v45 =	vpop (erf)  }
0x234: {  	v15 =	vsub.f32 $0.0e+00, v15;
	v46 =	vld [tilespmem:s20+$0x50];
	v35 =	vadd.f32 $1.000000000e+00, v45  }
0x235: {  	v27 =	vadd.f32 v27, v7;
	[tilespmem:s24+$0xFFFFFF90] =	vst v43;
	(erf) = vpow2.f32 v21;
	v21 =	vsub.f32 $0.0e+00, v28  }
0x236: {  	v15 =	vmul.f32 $1.442695020e+00, v15;
	v28 =	vld [tilespmem:s25+$0xFFFFFFA0];
	(erf) = vrcp.f32 v35  }
0x237: {  	v47 =	vld [tilespmem:s26+$0xFFFFFFA0];
	v21 =	vmul.f32 $1.442695020e+00, v21  }
0x238: {  	v7 =	vpop (erf);
	v30 =	vadd.f32 v30, v44;
	(erf) = vpow2.f32 v15;
	v15 =	vshll.u32 v24, $0x10  }
0x239: {  	(erf) = vpow2.f32 v21;
	v15 =	vadd.f32 v15, v27;
	v21 =	vshll.u32 v46, $0x10;
	v27 =	vpop (erf)  }
0x23a: {  	v21 =	vadd.f32 v21, v30;
	v27 =	vadd.f32 $1.000000000e+00, v27  }
0x23b: {  	v23 =	vadd.f32 v28, v23;
	v15 =	vsub.f32 $0.0e+00, v15  }
0x23c: {  	v28 =	vshll.u32 v47, $0x10;
	v21 =	vsub.f32 $0.0e+00, v21  }
0x23d: {  	v23 =	vadd.f32 v28, v23;
	v15 =	vmul.f32 $1.442695020e+00, v15  }
0x23e: {  	v28 =	vld [tilespmem:s19+$0xFFFFFFE0];
	(erf) = vrcp.f32 v27;
	v27 =	vpop (erf);
	v30 =	vmul.f32 $1.442695020e+00, v21  }
0x23f: {  	v48 =	vand.u32 $0xFFFF0000, v49;
	v23 =	vsub.f32 $0.0e+00, v23;
	v21 =	vld [tilespmem:s6+$0xFFFFFFE0];
	(erf) = vpow2.f32 v15;
	v49 =	vpop (erf)  }
0x240: {  	v15 =	vadd.f32 $1.000000000e+00, v27;
	(erf) = vpow2.f32 v30;
	v27 =	vmul.f32 v48, v49  }
0x241: {  	v23 =	vmul.f32 $1.442695020e+00, v23;
	v50 =	vpop (erf)  }
0x242: {  	(erf) = vrcp.f32 v15;
	v15 =	vadd.f32 $1.000000000e+00, v50;
	v30 =	vpop (erf);
	[tilespmem:s4+$0x30] =	vst v27;
	v27 =	vld [tilespmem:s4+$0x40]  }
0x243: {  	v3 =	vadd.f32 v28, v3;
	(erf) = vpow2.f32 v23;
	v23 =	vadd.f32 $1.000000000e+00, v30;
	v28 =	vld [tilespmem:s23+$0x40]  }
0x244: {  	(erf) = vrcp.f32 v15;
	v15 =	vshll.u32 v21, $0x10  }
0x245: {  	(erf) = vrcp.f32 v23  }
0x246: {  	v30 =	vld [tilespmem:s28+$0x40];
	v3 =	vadd.f32 v15, v3  }
0x247: {  	v15 =	vpop (erf)  }
0x248: {  	v19 =	vmul.f32 v19, v60;
	v3 =	vsub.f32 $0.0e+00, v3;
	v23 =	vpop (erf);
	v27 =	vadd.f32 v28, v27  }
0x249: {  	v51 =	vand.u32 $0xFFFF0000, v57;
	v28 =	vpop (erf)  }
0x24a: {  	[tilespmem:s14+$0xFFFFFFE0] =	vst v19;
	v15 =	vmul.f32 v51, v15;
	v3 =	vmul.f32 $1.442695020e+00, v3;
	v19 =	vadd.f32 $1.000000000e+00, v28  }
0x24b: {  	v23 =	vadd.f32 $1.000000000e+00, v23;
	v52 =	vshll.u32 v30, $0x10;
	v53 =	vpop (erf)  }
0x24c: {  	v28 =	vld [tilespmem:s16+$0xFFFFFFF0];
	[tilespmem:s3+$0x60] =	vst v15;
	(erf) = vpow2.f32 v3;
	v3 =	vadd.f32 v52, v27;
	v27 =	vpop (erf)  }
0x24d: {  	v15 =	vand.u32 $0xFFFF0000, v31;
	v31 =	vld [tilespmem:s2+$0x70];
	(erf) = vrcp.f32 v23;
	v54 =	vpop (erf)  }
0x24e: {  	v23 =	vld [tilespmem:s3+$0x70];
	(erf) = vrcp.f32 v19;
	v19 =	vpop (erf)  }
0x24f: {  	v3 =	vsub.f32 $0.0e+00, v3;
	v27 =	vadd.f32 $1.000000000e+00, v27;
	v19 =	vmul.f32 v15, v19;
	v15 =	vld [tilespmem:s5+$0x70];
	_ =	sdelay $0x1  }
0x250: {  	v55 =	vmul.f32 $1.442695020e+00, v3;
	(erf) = vrcp.f32 v27  }
0x251: {  	v3 =	vld [tilespmem:s11+$0xFFFFFFF0]  }
0x252: {  	(erf) = vpow2.f32 v55;
	[tilespmem:s24+$0x20] =	vst v19;
	v19 =	vld [tilespmem:s24+$0x30]  }
0x253: {  	v1 =	vadd.f32 v28, v1;
	v23 =	vadd.f32 v31, v23;
	v27 =	vld [tilespmem:s25+$0x30];
	v28 =	vshll.u32 v15, $0x10  }
0x254: {  	v31 =	vld [tilespmem:s26+$0x30]  }
0x255: {  	v29 =	vadd.f32 $1.000000000e+00, v29;
	v56 =	vpop (erf);
	v23 =	vadd.f32 v28, v23  }
0x256: {  	v33 =	vand.u32 $0xFFFF0000, v46;
	v28 =	vpop (erf)  }
0x257: {  	(erf) = vrcp.f32 v29;
	v57 =	vshll.u32 v3, $0x10;
	v23 =	vsub.f32 $0.0e+00, v23;
	v58 =	vpop (erf)  }
0x258: {  	v1 =	vadd.f32 v57, v1;
	v19 =	vadd.f32 v27, v19;
	v33 =	vmul.f32 v33, v58  }
0x259: {  	v27 =	vand.u32 $0xFFFF0000, v47;
	v59 =	vshll.u32 v31, $0x10;
	v23 =	vmul.f32 $1.442695020e+00, v23;
	v60 =	vpop (erf)  }
0x25a: {  	v61 =	vld [tilespmem:s21+$0x60];
	v29 =	vadd.f32 $1.000000000e+00, v56;
	v19 =	vadd.f32 v59, v19;
	v27 =	vmul.f32 v27, v60;
	[tilespmem:s21+$0x50] =	vst v33  }
0x25b: {  	v1 =	vsub.f32 $0.0e+00, v1;
	v62 =	vpop (erf);
	(erf) = vpow2.f32 v23;
	v63 =	vld [tilespmem:s22+$0x60]  }
0x25c: {  	v23 =	vadd.f32 $1.000000000e+00, v62;
	v19 =	vsub.f32 $0.0e+00, v19;
	(erf) = vrcp.f32 v29;
	v29 =	vld [tilespmem:s20+$0x60];
	[tilespmem:s24+$0xFFFFFFA0] =	vst v27  }
0x25d: {  	v1 =	vmul.f32 $1.442695020e+00, v1;
	v27 =	vld [tilespmem:s25+$0xFFFFFFB0]  }
0x25e: {  	(erf) = vrcp.f32 v23;
	v19 =	vmul.f32 $1.442695020e+00, v19;
	v23 =	vld [tilespmem:s26+$0xFFFFFFB0]  }
0x25f: {  	(erf) = vpow2.f32 v1  }
0x260: {  	(erf) = vpow2.f32 v19  }
0x261: {  	v1 =	vand.u32 $0xFFFF0000, v26;
	v19 =	vadd.f32 v63, v61  }
0x262: {  	v26 =	vshll.u32 v29, $0x10  }
0x263: {  	v22 =	vadd.f32 v27, v22;
	v19 =	vadd.f32 v26, v19;
	v26 =	vshll.u32 v23, $0x10  }
0x264: {  	v27 =	vmul.f32 v1, v53;
	v1 =	vpop (erf)  }
0x265: {  	v25 =	vand.u32 $0xFFFF0000, v25;
	v39 =	vpop (erf);
	v22 =	vadd.f32 v26, v22  }
0x266: {  	v25 =	vmul.f32 v25, v54;
	[tilespmem:s4+$0xFFFFFFB0] =	vst v27;
	v19 =	vsub.f32 $0.0e+00, v19;
	v40 =	vadd.f32 $1.000000000e+00, v39;
	v26 =	vpop (erf)  }
0x267: {  	v27 =	vld [tilespmem:s23+$0xFFFFFFC0];
	v22 =	vsub.f32 $0.0e+00, v22;
	v41 =	vpop (erf)  }
0x268: {  	v30 =	vand.u32 $0xFFFF0000, v30;
	[tilespmem:s21+$0xFFFFFFC0] =	vst v25;
	v25 =	vld [tilespmem:s28+$0xFFFFFFC0];
	v19 =	vmul.f32 $1.442695020e+00, v19;
	(erf) = vrcp.f32 v40;
	v42 =	vpop (erf)  }
0x269: {  	v43 =	vld [tilespmem:s22+$0xFFFFFFD0];
	v30 =	vmul.f32 v30, v41;
	v44 =	vmul.f32 $1.442695020e+00, v22;
	v45 =	vpop (erf)  }
0x26a: {  	v22 =	vld [tilespmem:s20+$0xFFFFFFD0];
	(erf) = vpow2.f32 v19;
	v19 =	vadd.f32 $1.000000000e+00, v45  }
0x26b: {  	[tilespmem:s4+$0x40] =	vst v30;
	v30 =	vld [tilespmem:s4+$0x50];
	(erf) = vpow2.f32 v44  }
0x26c: {  	v16 =	vadd.f32 v27, v16;
	v27 =	vld [tilespmem:s23+$0x50];
	(erf) = vrcp.f32 v19  }
0x26d: {  	v46 =	vld [tilespmem:s28+$0x50];
	v19 =	vshll.u32 v25, $0x10  }
0x26e: {  	v9 =	vadd.f32 v43, v9;
	v16 =	vadd.f32 v19, v16;
	_ =	sdelay $0x1  }
0x26f: {  	v19 =	vshll.u32 v22, $0x10;
	v16 =	vsub.f32 $0.0e+00, v16  }
0x270: {  	v24 =	vand.u32 $0xFFFF0000, v24;
	v19 =	vadd.f32 v19, v9;
	v27 =	vadd.f32 v27, v30  }
0x271: {  	v24 =	vmul.f32 v24, v28;
	v9 =	vpop (erf);
	v30 =	vshll.u32 v46, $0x10;
	v16 =	vmul.f32 $1.442695020e+00, v16  }
0x272: {  	v19 =	vsub.f32 $0.0e+00, v19;
	v28 =	vpop (erf);
	v27 =	vadd.f32 v30, v27  }
0x273: {  	[tilespmem:s3+$0xFFFFFFD0] =	vst v24;
	(erf) = vpow2.f32 v16;
	v16 =	vadd.f32 $1.000000000e+00, v28;
	v28 =	vpop (erf)  }
0x274: {  	v24 =	vmul.f32 $1.442695020e+00, v19;
	v19 =	vand.u32 $0xFFFF0000, v31;
	v31 =	vld [tilespmem:s2+$0xFFFFFFE0];
	v27 =	vsub.f32 $0.0e+00, v27;
	v30 =	vpop (erf)  }
0x275: {  	(erf) = vrcp.f32 v16;
	v16 =	vmul.f32 v19, v30;
	v19 =	vld [tilespmem:s5+$0xFFFFFFE0]  }
0x276: {  	v27 =	vmul.f32 $1.442695020e+00, v27  }
0x277: {  	(erf) = vpow2.f32 v24  }
0x278: {  	[tilespmem:s24+$0x30] =	vst v16;
	(erf) = vpow2.f32 v27;
	v16 =	vld [tilespmem:s24+$0x40]  }
0x279: {  	v24 =	vld [tilespmem:s25+$0x40]  }
0x27a: {  	v4 =	vadd.f32 v31, v4;
	v27 =	vld [tilespmem:s26+$0x40];
	v30 =	vshll.u32 v19, $0x10;
	_ =	sdelay $0x1  }
0x27b: {  	v28 =	vadd.f32 $1.000000000e+00, v28;
	v4 =	vadd.f32 v30, v4  }
0x27c: {  	v30 =	vpop (erf)  }
0x27d: {  	v29 =	vand.u32 $0xFFFF0000, v29;
	v4 =	vsub.f32 $0.0e+00, v4;
	v16 =	vadd.f32 v24, v16;
	v31 =	vpop (erf)  }
0x27e: {  	v24 =	vadd.f32 $1.000000000e+00, v30;
	v30 =	vshll.u32 v27, $0x10;
	v29 =	vmul.f32 v29, v31  }
0x27f: {  	(erf) = vrcp.f32 v28;
	v4 =	vmul.f32 $1.442695020e+00, v4;
	v28 =	vpop (erf);
	v16 =	vadd.f32 v30, v16  }
0x280: {  	(erf) = vrcp.f32 v24;
	v24 =	vadd.f32 $1.000000000e+00, v28;
	v28 =	vpop (erf);
	[tilespmem:s21+$0x60] =	vst v29;
	v29 =	vld [tilespmem:s21+$0x70]  }
0x281: {  	(erf) = vpow2.f32 v4;
	v28 =	vadd.f32 $1.000000000e+00, v28;
	v16 =	vsub.f32 $0.0e+00, v16;
	v30 =	vld [tilespmem:s22+$0x70]  }
0x282: {  	(erf) = vrcp.f32 v24;
	v4 =	vld [tilespmem:s20+$0x70]  }
0x283: {  	(erf) = vrcp.f32 v28;
	v16 =	vmul.f32 $1.442695020e+00, v16;
	_ =	sdelay $0x1  }
0x284: {  	(erf) = vpow2.f32 v16;
	_ =	sdelay $0x1  }
0x285: {  	v16 =	vadd.f32 v30, v29;
	v28 =	vshll.u32 v4, $0x10  }
0x286: {  	v24 =	vpop (erf)  }
0x287: {  	v21 =	vand.u32 $0xFFFF0000, v21;
	v29 =	vpop (erf);
	v16 =	vadd.f32 v28, v16  }
0x288: {  	v21 =	vmul.f32 v21, v26;
	v30 =	vadd.f32 $1.000000000e+00, v42;
	v28 =	vpop (erf)  }
0x289: {  	v16 =	vsub.f32 $0.0e+00, v16;
	v26 =	vpop (erf)  }
0x28a: {  	[tilespmem:s0+$0xFFFFFFE0] =	vst v21;
	v31 =	vand.u32 $0xFFFF0000, v46;
	v47 =	vpop (erf)  }
0x28b: {  	v48 =	vld [tilespmem:s19+$0xFFFFFFF0];
	v21 =	vmul.f32 $1.442695020e+00, v16;
	v31 =	vmul.f32 v31, v47  }
0x28c: {  	(erf) = vrcp.f32 v30;
	v28 =	vadd.f32 $1.000000000e+00, v28;
	v16 =	vld [tilespmem:s6+$0xFFFFFFF0];
	v30 =	vpop (erf)  }
0x28d: {  	(erf) = vpow2.f32 v21;
	[tilespmem:s4+$0x50] =	vst v31;
	v21 =	vadd.f32 $1.000000000e+00, v30;
	v30 =	vld [tilespmem:s4+$0x60]  }
0x28e: {  	(erf) = vrcp.f32 v28;
	v28 =	vld [tilespmem:s23+$0x60]  }
0x28f: {  	(erf) = vrcp.f32 v21;
	v21 =	vld [tilespmem:s28+$0x60]  }
0x290: {  	v0 =	vadd.f32 v48, v0  }
0x291: {  	v31 =	vshll.u32 v16, $0x10  }
0x292: {  	v31 =	vadd.f32 v31, v0  }
0x293: {  	v23 =	vand.u32 $0xFFFF0000, v23;
	v25 =	vand.u32 $0xFFFF0000, v25;
	v28 =	vadd.f32 v28, v30  }
0x294: {  	v23 =	vmul.f32 v23, v24;
	v30 =	vsub.f32 $0.0e+00, v31;
	v24 =	vshll.u32 v21, $0x10  }
0x295: {  	v0 =	vpop (erf);
	v24 =	vadd.f32 v24, v28  }
0x296: {  	[tilespmem:s24+$0xFFFFFFB0] =	vst v23;
	v23 =	vmul.f32 v25, v29;
	v28 =	vmul.f32 $1.442695020e+00, v30;
	v31 =	vpop (erf)  }
0x297: {  	v29 =	vld [tilespmem:s25+$0xFFFFFFC0];
	v25 =	vpop (erf);
	v24 =	vsub.f32 $0.0e+00, v24  }
0x298: {  	v27 =	vand.u32 $0xFFFF0000, v27;
	[tilespmem:s4+$0xFFFFFFC0] =	vst v23;
	v23 =	vld [tilespmem:s26+$0xFFFFFFC0];
	v31 =	vadd.f32 $1.000000000e+00, v31;
	(erf) = vpow2.f32 v28;
	v30 =	vpop (erf)  }
0x299: {  	v27 =	vmul.f32 v27, v30;
	v30 =	vld [tilespmem:s23+$0xFFFFFFD0];
	v24 =	vmul.f32 $1.442695020e+00, v24  }
0x29a: {  	v28 =	vld [tilespmem:s28+$0xFFFFFFD0];
	(erf) = vrcp.f32 v31  }
0x29b: {  	[tilespmem:s24+$0x40] =	vst v27;
	(erf) = vpow2.f32 v24;
	v24 =	vld [tilespmem:s24+$0x50]  }
0x29c: {  	v20 =	vadd.f32 v29, v20;
	v27 =	vld [tilespmem:s25+$0x50]  }
0x29d: {  	v29 =	vshll.u32 v23, $0x10;
	v31 =	vld [tilespmem:s26+$0x50]  }
0x29e: {  	v20 =	vadd.f32 v29, v20;
	v12 =	vadd.f32 v30, v12  }
0x29f: {  	v29 =	vshll.u32 v28, $0x10  }
0x2a0: {  	v20 =	vsub.f32 $0.0e+00, v20;
	v29 =	vadd.f32 v29, v12  }
0x2a1: {  	v22 =	vand.u32 $0xFFFF0000, v22;
	v24 =	vadd.f32 v27, v24  }
0x2a2: {  	v22 =	vmul.f32 v22, v26;
	v20 =	vmul.f32 $1.442695020e+00, v20;
	v27 =	vpop (erf);
	v30 =	vshll.u32 v31, $0x10  }
0x2a3: {  	v12 =	vpop (erf);
	v26 =	vsub.f32 $0.0e+00, v29;
	v24 =	vadd.f32 v30, v24  }
0x2a4: {  	[tilespmem:s21+$0xFFFFFFD0] =	vst v22;
	(erf) = vpow2.f32 v20;
	v29 =	vpop (erf)  }
0x2a5: {  	v20 =	vmul.f32 $1.442695020e+00, v26;
	v26 =	vld [tilespmem:s20+$0xFFFFFFE0];
	v22 =	vadd.f32 $1.000000000e+00, v29;
	v24 =	vsub.f32 $0.0e+00, v24  }
0x2a6: {  	v29 =	vld [tilespmem:s22+$0xFFFFFFE0]  }
0x2a7: {  	(erf) = vrcp.f32 v22;
	v22 =	vmul.f32 $1.442695020e+00, v24  }
0x2a8: {  	(erf) = vpow2.f32 v20  }
0x2a9: {  	(erf) = vpow2.f32 v22  }
0x2aa: {  	v20 =	vshll.u32 v26, $0x10  }
0x2ab: {  	v6 =	vadd.f32 v29, v6;
	_ =	sdelay $0x1  }
0x2ac: {  	v6 =	vadd.f32 v20, v6;
	v20 =	vpop (erf)  }
0x2ad: {  	v20 =	vadd.f32 $1.000000000e+00, v20  }
0x2ae: {  	v6 =	vsub.f32 $0.0e+00, v6  }
0x2af: {  	v21 =	vand.u32 $0xFFFF0000, v21;
	(erf) = vrcp.f32 v20;
	v22 =	vpop (erf)  }
0x2b0: {  	v6 =	vmul.f32 $1.442695020e+00, v6;
	v24 =	vpop (erf);
	v20 =	vmul.f32 v21, v22  }
0x2b1: {  	v21 =	vadd.f32 $1.000000000e+00, v24;
	v22 =	vpop (erf)  }
0x2b2: {  	(erf) = vpow2.f32 v6;
	v6 =	vadd.f32 $1.000000000e+00, v22;
	[tilespmem:s4+$0x60] =	vst v20;
	v20 =	vld [tilespmem:s4+$0x70]  }
0x2b3: {  	(erf) = vrcp.f32 v21;
	v21 =	vld [tilespmem:s23+$0x70]  }
0x2b4: {  	(erf) = vrcp.f32 v6;
	v6 =	vld [tilespmem:s28+$0x70];
	_ =	sdelay $0x4  }
0x2b5: {  	v20 =	vadd.f32 v21, v20;
	v21 =	vshll.u32 v6, $0x10  }
0x2b6: {  	v19 =	vand.u32 $0xFFFF0000, v19;
	v22 =	vpop (erf)  }
0x2b7: {  	v19 =	vmul.f32 v19, v25;
	v24 =	vpop (erf)  }
0x2b8: {  	v20 =	vadd.f32 v21, v20;
	v21 =	vpop (erf)  }
0x2b9: {  	[tilespmem:s3+$0xFFFFFFE0] =	vst v19;
	v25 =	vand.u32 $0xFFFF0000, v31;
	v29 =	vpop (erf)  }
0x2ba: {  	v20 =	vsub.f32 $0.0e+00, v20;
	v25 =	vmul.f32 v25, v29;
	v29 =	vld [tilespmem:s2+$0xFFFFFFF0]  }
0x2bb: {  	v19 =	vld [tilespmem:s5+$0xFFFFFFF0];
	v27 =	vadd.f32 $1.000000000e+00, v27  }
0x2bc: {  	v20 =	vmul.f32 $1.442695020e+00, v20  }
0x2bd: {  	(erf) = vrcp.f32 v27;
	[tilespmem:s24+$0x50] =	vst v25;
	v25 =	vld [tilespmem:s24+$0x60]  }
0x2be: {  	(erf) = vpow2.f32 v20;
	v20 =	vld [tilespmem:s25+$0x60]  }
0x2bf: {  	v27 =	vld [tilespmem:s26+$0x60];
	v2 =	vadd.f32 v29, v2  }
0x2c0: {  	v29 =	vshll.u32 v19, $0x10  }
0x2c1: {  	v2 =	vadd.f32 v29, v2;
	_ =	sdelay $0x1  }
0x2c2: {  	v20 =	vadd.f32 v20, v25;
	v29 =	vsub.f32 $0.0e+00, v2  }
0x2c3: {  	v25 =	vshll.u32 v27, $0x10  }
0x2c4: {  	v20 =	vadd.f32 v25, v20  }
0x2c5: {  	v24 =	vadd.f32 $1.000000000e+00, v24;
	v2 =	vpop (erf)  }
0x2c6: {  	v23 =	vand.u32 $0xFFFF0000, v23;
	v25 =	vmul.f32 $1.442695020e+00, v29;
	v20 =	vsub.f32 $0.0e+00, v20;
	v29 =	vpop (erf)  }
0x2c7: {  	v22 =	vmul.f32 v23, v22;
	(erf) = vrcp.f32 v24;
	v23 =	vadd.f32 $1.000000000e+00, v29  }
0x2c8: {  	(erf) = vpow2.f32 v25;
	v20 =	vmul.f32 $1.442695020e+00, v20  }
0x2c9: {  	[tilespmem:s24+$0xFFFFFFC0] =	vst v22;
	(erf) = vrcp.f32 v23  }
0x2ca: {  	(erf) = vpow2.f32 v20;
	v20 =	vld [tilespmem:s25+$0xFFFFFFD0]  }
0x2cb: {  	v22 =	vld [tilespmem:s26+$0xFFFFFFD0];
	_ =	sdelay $0x3  }
0x2cc: {  	v18 =	vadd.f32 v20, v18  }
0x2cd: {  	v23 =	vpop (erf);
	v20 =	vshll.u32 v22, $0x10  }
0x2ce: {  	v25 =	vand.u32 $0xFFFF0000, v28;
	v24 =	vpop (erf);
	v18 =	vadd.f32 v20, v18  }
0x2cf: {  	v20 =	vmul.f32 v25, v21;
	v28 =	vpop (erf)  }
0x2d0: {  	v21 =	vpop (erf);
	v18 =	vsub.f32 $0.0e+00, v18  }
0x2d1: {  	[tilespmem:s4+$0xFFFFFFD0] =	vst v20;
	v21 =	vadd.f32 $1.000000000e+00, v21  }
0x2d2: {  	v20 =	vld [tilespmem:s23+$0xFFFFFFE0];
	v18 =	vmul.f32 $1.442695020e+00, v18  }
0x2d3: {  	(erf) = vrcp.f32 v21;
	v21 =	vld [tilespmem:s28+$0xFFFFFFE0]  }
0x2d4: {  	(erf) = vpow2.f32 v18;
	_ =	sdelay $0x2  }
0x2d5: {  	v11 =	vadd.f32 v20, v11  }
0x2d6: {  	v18 =	vshll.u32 v21, $0x10  }
0x2d7: {  	v11 =	vadd.f32 v18, v11;
	_ =	sdelay $0x1  }
0x2d8: {  	v11 =	vsub.f32 $0.0e+00, v11  }
0x2d9: {  	v18 =	vand.u32 $0xFFFF0000, v27;
	v20 =	vpop (erf)  }
0x2da: {  	v18 =	vmul.f32 v18, v20;
	v11 =	vmul.f32 $1.442695020e+00, v11;
	v20 =	vpop (erf)  }
0x2db: {  	v20 =	vadd.f32 $1.000000000e+00, v20  }
0x2dc: {  	[tilespmem:s24+$0x60] =	vst v18;
	v18 =	vld [tilespmem:s24+$0x70];
	(erf) = vpow2.f32 v11  }
0x2dd: {  	v11 =	vld [tilespmem:s25+$0x70];
	(erf) = vrcp.f32 v20  }
0x2de: {  	v20 =	vld [tilespmem:s26+$0x70];
	_ =	sdelay $0x3  }
0x2df: {  	v11 =	vadd.f32 v11, v18  }
0x2e0: {  	v25 =	vand.u32 $0xFFFF0000, v26;
	v18 =	vshll.u32 v20, $0x10  }
0x2e1: {  	v11 =	vadd.f32 v18, v11  }
0x2e2: {  	v18 =	vmul.f32 v25, v23;
	v23 =	vpop (erf)  }
0x2e3: {  	v22 =	vand.u32 $0xFFFF0000, v22;
	v11 =	vsub.f32 $0.0e+00, v11;
	v25 =	vpop (erf)  }
0x2e4: {  	[tilespmem:s21+$0xFFFFFFE0] =	vst v18;
	v18 =	vadd.f32 $1.000000000e+00, v24;
	v22 =	vmul.f32 v22, v25  }
0x2e5: {  	v24 =	vld [tilespmem:s22+$0xFFFFFFF0];
	v11 =	vmul.f32 $1.442695020e+00, v11  }
0x2e6: {  	v25 =	vld [tilespmem:s20+$0xFFFFFFF0];
	(erf) = vrcp.f32 v18;
	[tilespmem:s24+$0xFFFFFFD0] =	vst v22  }
0x2e7: {  	(erf) = vpow2.f32 v11;
	v11 =	vld [tilespmem:s25+$0xFFFFFFE0]  }
0x2e8: {  	v18 =	vld [tilespmem:s26+$0xFFFFFFE0];
	_ =	sdelay $0x1  }
0x2e9: {  	v5 =	vadd.f32 v24, v5  }
0x2ea: {  	v22 =	vshll.u32 v25, $0x10  }
0x2eb: {  	v5 =	vadd.f32 v22, v5;
	v11 =	vadd.f32 v11, v17  }
0x2ec: {  	v17 =	vshll.u32 v18, $0x10  }
0x2ed: {  	v5 =	vsub.f32 $0.0e+00, v5;
	v11 =	vadd.f32 v17, v11  }
0x2ee: {  	v17 =	vadd.f32 $1.000000000e+00, v23;
	v22 =	vpop (erf)  }
0x2ef: {  	v5 =	vmul.f32 $1.442695020e+00, v5;
	v23 =	vpop (erf);
	v11 =	vsub.f32 $0.0e+00, v11  }
0x2f0: {  	(erf) = vrcp.f32 v17;
	v17 =	vadd.f32 $1.000000000e+00, v23  }
0x2f1: {  	(erf) = vpow2.f32 v5;
	v5 =	vmul.f32 $1.442695020e+00, v11  }
0x2f2: {  	(erf) = vrcp.f32 v17  }
0x2f3: {  	(erf) = vpow2.f32 v5;
	_ =	sdelay $0x5  }
0x2f4: {  	v17 =	vand.u32 $0xFFFF0000, v21;
	v5 =	vpop (erf)  }
0x2f5: {  	v11 =	vpop (erf)  }
0x2f6: {  	v5 =	vmul.f32 v17, v5;
	v21 =	vpop (erf)  }
0x2f7: {  	v11 =	vadd.f32 $1.000000000e+00, v11;
	v17 =	vpop (erf)  }
0x2f8: {  	[tilespmem:s4+$0xFFFFFFE0] =	vst v5;
	v17 =	vadd.f32 $1.000000000e+00, v17  }
0x2f9: {  	(erf) = vrcp.f32 v11;
	v5 =	vld [tilespmem:s23+$0xFFFFFFF0]  }
0x2fa: {  	v11 =	vld [tilespmem:s28+$0xFFFFFFF0];
	(erf) = vrcp.f32 v17;
	_ =	sdelay $0x4  }
0x2fb: {  	v5 =	vadd.f32 v5, v8;
	v8 =	vshll.u32 v11, $0x10;
	_ =	sdelay $0x1  }
0x2fc: {  	v5 =	vadd.f32 v8, v5  }
0x2fd: {  	v8 =	vpop (erf)  }
0x2fe: {  	v17 =	vand.u32 $0xFFFF0000, v18;
	v5 =	vsub.f32 $0.0e+00, v5;
	v18 =	vpop (erf)  }
0x2ff: {  	v17 =	vmul.f32 v17, v18  }
0x300: {  	v5 =	vmul.f32 $1.442695020e+00, v5  }
0x301: {  	[tilespmem:s24+$0xFFFFFFE0] =	vst v17  }
0x302: {  	(erf) = vpow2.f32 v5;
	v5 =	vld [tilespmem:s25+$0xFFFFFFF0]  }
0x303: {  	v17 =	vld [tilespmem:s26+$0xFFFFFFF0];
	_ =	sdelay $0x3  }
0x304: {  	v5 =	vadd.f32 v5, v13  }
0x305: {  	v13 =	vshll.u32 v17, $0x10  }
0x306: {  	v5 =	vadd.f32 v13, v5;
	_ =	sdelay $0x1  }
0x307: {  	v13 =	vpop (erf);
	v5 =	vsub.f32 $0.0e+00, v5  }
0x308: {  	v13 =	vadd.f32 $1.000000000e+00, v13  }
0x309: {  	v5 =	vmul.f32 $1.442695020e+00, v5  }
0x30a: {  	(erf) = vrcp.f32 v13  }
0x30b: {  	(erf) = vpow2.f32 v5;
	_ =	sdelay $0x7  }
0x30c: {  	v5 =	vpop (erf)  }
0x30d: {  	v13 =	vpop (erf)  }
0x30e: {  	v14 =	vand.u32 $0xFFFF0000, v14;
	v13 =	vadd.f32 $1.000000000e+00, v13  }
0x30f: {  	v10 =	vand.u32 $0xFFFF0000, v10;
	v7 =	vmul.f32 v14, v7  }
0x310: {  	v1 =	vmul.f32 v10, v1;
	v10 =	vand.u32 $0xFFFF0000, v15;
	(erf) = vrcp.f32 v13  }
0x311: {  	[tilespmem:s0+$0x70] =	vst v7;
	v3 =	vand.u32 $0xFFFF0000, v3;
	v7 =	vmul.f32 v10, v9  }
0x312: {  	[tilespmem:s10+$0xFFFFFFF0] =	vst v1;
	v1 =	vand.u32 $0xFFFF0000, v4;
	v0 =	vmul.f32 v3, v0  }
0x313: {  	[tilespmem:s3+$0x70] =	vst v7;
	v3 =	vand.u32 $0xFFFF0000, v16;
	v1 =	vmul.f32 v1, v12  }
0x314: {  	[tilespmem:s14+$0xFFFFFFF0] =	vst v0;
	v0 =	vmul.f32 v3, v2;
	v2 =	vand.u32 $0xFFFF0000, v6  }
0x315: {  	[tilespmem:s21+$0x70] =	vst v1;
	v1 =	vand.u32 $0xFFFF0000, v19;
	v2 =	vmul.f32 v2, v28  }
0x316: {  	[tilespmem:s0+$0xFFFFFFF0] =	vst v0;
	v0 =	vmul.f32 v1, v22;
	v1 =	vand.u32 $0xFFFF0000, v20  }
0x317: {  	[tilespmem:s4+$0x70] =	vst v2;
	v2 =	vand.u32 $0xFFFF0000, v25;
	v1 =	vmul.f32 v1, v21  }
0x318: {  	[tilespmem:s3+$0xFFFFFFF0] =	vst v0;
	v0 =	vand.u32 $0xFFFF0000, v11;
	v2 =	vmul.f32 v2, v8  }
0x319: {  	[tilespmem:s24+$0x70] =	vst v1;
	v1 =	vand.u32 $0xFFFF0000, v17;
	v0 =	vmul.f32 v0, v5;
	v3 =	vpop (erf)  }
0x31a: {  	s18 =	smul.u32 $0x140, s9;
	[tilespmem:s21+$0xFFFFFFF0] =	vst v2;
	v1 =	vmul.f32 v1, v3  }
0x31b: {  	[tilespmem:s4+$0xFFFFFFF0] =	vst v0  }
0x31c: {  	s0 =	sshra.s32 s18, $0x2;
	[tilespmem:s24+$0xFFFFFFF0] =	vst v1  }
0x31d: {  	v0 =	vld [tilespmem:s0+$0x0];
	_ =	sdelay $0x4  }
0x31e: {  	[tilespmem:$0x1000] =	vst v0  }
0x31f: {  	v0 =	vld [tilespmem:s0+$0x10];
	_ =	sdelay $0x4  }
0x320: {  	[tilespmem:$0x1010] =	vst v0  }
0x321: {  	v0 =	vld [tilespmem:s0+$0x18];
	_ =	sdelay $0x2  }
0x322: {  	p0 =	seq.s32 s9, $0x18  }
0x323: {  	s19 =	rddreg [dreg:$0x3];
	s2 =	simm.s32 @!p0 $0x28  }
0x324: {  	s20 =	simm.s32 $0x6080;
	s22 =	simm.s32 $0x2;
	s21 =	simm.s32 $0x1000;
	[tilespmem:$0x1018] =	vst v0  }
0x325: {  	[spmem:s19] =	stream.indirect.scatter.add.f32 [tilespmem:s20], [sflag:$0x7], $0x80, s21, s17, $0xb8;
	[tilespmem:$0x1C880] =	vst v63  }
0x326: {  	s3 =	simm.s32 @!p0 $0x1080;
	s0 =	sadd.s32 @!p0 $0x2, s1;
	_ =	swait.ge [sflag:s15], $0x1400  }
0x327: {  	s1 =	smul.u32 @!p0 $0x28, s0;
	s0 =	sadd.s32 @!p0 s12, s0;
	[sflag:s15] =	ssyncset.done $0x0  }
0x328: {  	s0 =	smul.u32 @!p0 $0x280, s0;
	s4 =	rddreg [dreg:$0x6];
	[sflag:s15] =	ssyncadd.s32 $0xFFFFEC00  }
0x329: {  	[tilespmem:s3], [sflag:$0x1] =	stream.indirect.gather @!p0 [hbm4b:s4+s2], $0x80, s1, s2, $0xb8;
	[tilespmem:$0x1C880] =	vst v63  }
0x32a: {  	s1 =	sadd.s32 @!p0 $0x800, s1;
	s3 =	simm.s32 @!p0 $0x3880;
	s4 =	rddreg [dreg:$0x7]  }
0x32b: {  	[tilespmem:s3], [sflag:$0x3] =	stream.indirect.gather @!p0 [hbm4b:s4+s2], $0x80, s1, s2, $0xb8;
	[tilespmem:$0x1C880] =	vst v63  }
0x32c: {  	s0 =	sadd.s32 @!p0 s8, s0;
	s1 =	simm.s32 @!p0 $0x0;
	s2 =	simm.s32 @!p0 $0x6080  }
0x32d: {  	[tilespmem:s2], [sflag:$0x5] =	stream.linear.gather @!p0 [hbm4b:s0+s1], $0x1400, $0x38;
	[tilespmem:$0x1C880] =	vst v63  }
0x32e: {  	_ =	swait.ge [sflag:s22], $0x1400  }
0x32f: {  	[sflag:s22] =	ssyncset.done $0x0  }
0x330: {  	s23 =	simm.s32 $0x4;
	[sflag:s22] =	ssyncadd.s32 $0xFFFFEC00  }
0x331: {  	_ =	swait.ge [sflag:s23], $0x1400  }
0x332: {  	[sflag:s23] =	ssyncset.done $0x0  }
0x333: {  	s24 =	simm.s32 $0x6;
	[sflag:s23] =	ssyncadd.s32 $0xFFFFEC00  }
0x334: {  	_ =	swait.ge [sflag:s24], $0x1400  }
0x335: {  	[sflag:s24] =	ssyncset.done $0x0  }
0x336: {  	s10 =	simm.s32 $0x7570;
	[sflag:s24] =	ssyncadd.s32 $0xFFFFEC00  }
0x337: {  	s25 =	simm.s32 $0x2570;
	v0 =	vld [tilespmem:s10+$0xFFFFFF90]  }
0x338: {  	s1 =	simm.s32 $0x4D70;
	v1 =	vld [tilespmem:s25+$0xFFFFFF90]  }
0x339: {  	v2 =	vld [tilespmem:s1+$0xFFFFFF90];
	_ =	sdelay $0x3  }
0x33a: {  	v0 =	vadd.f32 v1, v0  }
0x33b: {  	v1 =	vshll.u32 v2, $0x10  }
0x33c: {  	v0 =	vadd.f32 v1, v0;
	_ =	sdelay $0x1  }
0x33d: {  	v3 =	vld [tilespmem:s25+$0xFFFFFF10];
	v0 =	vsub.f32 $0.0e+00, v0  }
0x33e: {  	v1 =	vld [tilespmem:s10+$0xFFFFFF10]  }
0x33f: {  	v4 =	vld [tilespmem:s1+$0xFFFFFF10];
	v0 =	vmul.f32 $1.442695020e+00, v0;
	_ =	sdelay $0x1  }
0x340: {  	(erf) = vpow2.f32 v0;
	_ =	sdelay $0x1  }
0x341: {  	v0 =	vadd.f32 v3, v1  }
0x342: {  	v1 =	vshll.u32 v4, $0x10  }
0x343: {  	v0 =	vadd.f32 v1, v0;
	_ =	sdelay $0x1  }
0x344: {  	v0 =	vsub.f32 $0.0e+00, v0;
	_ =	sdelay $0x1  }
0x345: {  	v0 =	vmul.f32 $1.442695020e+00, v0  }
0x346: {  	v1 =	vpop (erf)  }
0x347: {  	(erf) = vpow2.f32 v0;
	v1 =	vadd.f32 $1.000000000e+00, v1;
	_ =	sdelay $0x1  }
0x348: {  	(erf) = vrcp.f32 v1;
	_ =	sdelay $0x6  }
0x349: {  	v0 =	vpop (erf)  }
0x34a: {  	v0 =	vadd.f32 $1.000000000e+00, v0  }
0x34b: {  	v1 =	vand.u32 $0xFFFF0000, v2;
	v2 =	vpop (erf)  }
0x34c: {  	(erf) = vrcp.f32 v0;
	v1 =	vmul.f32 v1, v2;
	_ =	sdelay $0x1  }
0x34d: {  	v0 =	vld [tilespmem:s10+$0xFFFFFFA0];
	[tilespmem:s10+$0xFFFFFF90] =	vst v1  }
0x34e: {  	v2 =	vld [tilespmem:s25+$0xFFFFFFA0]  }
0x34f: {  	v3 =	vld [tilespmem:s1+$0xFFFFFFA0];
	_ =	sdelay $0x3  }
0x350: {  	v7 =	vadd.f32 v2, v0  }
0x351: {  	v4 =	vand.u32 $0xFFFF0000, v4;
	v9 =	vpop (erf);
	v8 =	vshll.u32 v3, $0x10  }
0x352: {  	v4 =	vmul.f32 v4, v9;
	v7 =	vadd.f32 v8, v7;
	_ =	sdelay $0x1  }
0x353: {  	v5 =	vld [tilespmem:s10+$0xFFFFFF20];
	[tilespmem:s10+$0xFFFFFF10] =	vst v4;
	v7 =	vsub.f32 $0.0e+00, v7  }
0x354: {  	v4 =	vld [tilespmem:s25+$0xFFFFFF20]  }
0x355: {  	v9 =	vld [tilespmem:s1+$0xFFFFFF20];
	v7 =	vmul.f32 $1.442695020e+00, v7;
	_ =	sdelay $0x1  }
0x356: {  	(erf) = vpow2.f32 v7  }
0x357: {  	s14 =	simm.s32 $0x7670  }
0x358: {  	s7 =	simm.s32 $0x2670;
	v7 =	vld [tilespmem:s14+$0xFFFFFF90];
	v4 =	vadd.f32 v4, v5  }
0x359: {  	s31 =	smov.u32 s8;
	s8 =	simm.s32 $0x4E70;
	v5 =	vld [tilespmem:s7+$0xFFFFFF90];
	v10 =	vshll.u32 v9, $0x10  }
0x35a: {  	v11 =	vld [tilespmem:s8+$0xFFFFFF90];
	v4 =	vadd.f32 v10, v4;
	_ =	sdelay $0x1  }
0x35b: {  	v4 =	vsub.f32 $0.0e+00, v4;
	_ =	sdelay $0x1  }
0x35c: {  	v5 =	vadd.f32 v5, v7;
	v4 =	vmul.f32 $1.442695020e+00, v4  }
0x35d: {  	v13 =	vld [tilespmem:s14+$0xFFFFFF10];
	v7 =	vshll.u32 v11, $0x10;
	v10 =	vpop (erf)  }
0x35e: {  	v5 =	vadd.f32 v7, v5;
	(erf) = vpow2.f32 v4;
	v4 =	vld [tilespmem:s7+$0xFFFFFF10];
	v7 =	vadd.f32 $1.000000000e+00, v10  }
0x35f: {  	v10 =	vld [tilespmem:s8+$0xFFFFFF10]  }
0x360: {  	v5 =	vsub.f32 $0.0e+00, v5;
	(erf) = vrcp.f32 v7;
	_ =	sdelay $0x1  }
0x361: {  	v5 =	vmul.f32 $1.442695020e+00, v5  }
0x362: {  	v4 =	vadd.f32 v4, v13  }
0x363: {  	(erf) = vpow2.f32 v5;
	v5 =	vshll.u32 v10, $0x10  }
0x364: {  	v4 =	vadd.f32 v5, v4;
	_ =	sdelay $0x1  }
0x365: {  	v5 =	vpop (erf);
	v4 =	vsub.f32 $0.0e+00, v4  }
0x366: {  	v5 =	vadd.f32 $1.000000000e+00, v5  }
0x367: {  	v3 =	vand.u32 $0xFFFF0000, v3;
	v4 =	vmul.f32 $1.442695020e+00, v4;
	v7 =	vpop (erf)  }
0x368: {  	(erf) = vrcp.f32 v5;
	v3 =	vmul.f32 v3, v7  }
0x369: {  	(erf) = vpow2.f32 v4;
	_ =	sdelay $0x1  }
0x36a: {  	v4 =	vld [tilespmem:s10+$0xFFFFFFB0];
	[tilespmem:s10+$0xFFFFFFA0] =	vst v3  }
0x36b: {  	v5 =	vld [tilespmem:s25+$0xFFFFFFB0];
	v3 =	vpop (erf)  }
0x36c: {  	v7 =	vld [tilespmem:s1+$0xFFFFFFB0];
	v3 =	vadd.f32 $1.000000000e+00, v3;
	_ =	sdelay $0x1  }
0x36d: {  	(erf) = vrcp.f32 v3;
	_ =	sdelay $0x1  }
0x36e: {  	v3 =	vadd.f32 v5, v4;
	v4 =	vpop (erf)  }
0x36f: {  	v5 =	vshll.u32 v7, $0x10;
	v13 =	vpop (erf)  }
0x370: {  	v9 =	vand.u32 $0xFFFF0000, v9;
	v3 =	vadd.f32 v5, v3;
	v5 =	vadd.f32 $1.000000000e+00, v13  }
0x371: {  	v4 =	vmul.f32 v9, v4  }
0x372: {  	(erf) = vrcp.f32 v5  }
0x373: {  	v6 =	vld [tilespmem:s10+$0xFFFFFF30];
	[tilespmem:s10+$0xFFFFFF20] =	vst v4;
	v3 =	vsub.f32 $0.0e+00, v3  }
0x374: {  	v4 =	vld [tilespmem:s25+$0xFFFFFF30]  }
0x375: {  	v5 =	vand.u32 $0xFFFF0000, v11;
	v14 =	vld [tilespmem:s1+$0xFFFFFF30];
	v3 =	vmul.f32 $1.442695020e+00, v3;
	v11 =	vpop (erf)  }
0x376: {  	v5 =	vmul.f32 v5, v11  }
0x377: {  	(erf) = vpow2.f32 v3  }
0x378: {  	v11 =	vld [tilespmem:s14+$0xFFFFFFA0];
	[tilespmem:s14+$0xFFFFFF90] =	vst v5  }
0x379: {  	v5 =	vadd.f32 v4, v6;
	v6 =	vld [tilespmem:s7+$0xFFFFFFA0]  }
0x37a: {  	v15 =	vshll.u32 v14, $0x10;
	v16 =	vld [tilespmem:s8+$0xFFFFFFA0]  }
0x37b: {  	v10 =	vand.u32 $0xFFFF0000, v10;
	v15 =	vadd.f32 v15, v5;
	v18 =	vpop (erf)  }
0x37c: {  	v18 =	vmul.f32 v10, v18  }
0x37d: {  	v15 =	vsub.f32 $0.0e+00, v15  }
0x37e: {  	v6 =	vadd.f32 v6, v11  }
0x37f: {  	v9 =	vld [tilespmem:s14+$0xFFFFFF20];
	[tilespmem:s14+$0xFFFFFF10] =	vst v18;
	v11 =	vmul.f32 $1.442695020e+00, v15;
	v15 =	vshll.u32 v16, $0x10  }
0x380: {  	v19 =	vld [tilespmem:s7+$0xFFFFFF20];
	v18 =	vpop (erf);
	v6 =	vadd.f32 v15, v6  }
0x381: {  	v15 =	vadd.f32 $1.000000000e+00, v18;
	v18 =	vld [tilespmem:s8+$0xFFFFFF20]  }
0x382: {  	(erf) = vpow2.f32 v11;
	v6 =	vsub.f32 $0.0e+00, v6  }
0x383: {  	(erf) = vrcp.f32 v15  }
0x384: {  	v6 =	vmul.f32 $1.442695020e+00, v6  }
0x385: {  	v9 =	vadd.f32 v19, v9  }
0x386: {  	v11 =	vshll.u32 v18, $0x10;
	(erf) = vpow2.f32 v6  }
0x387: {  	v6 =	vadd.f32 v11, v9  }
0x388: {  	s0 =	simm.s32 $0x7770  }
0x389: {  	s16 =	simm.s32 $0x2770;
	v9 =	vld [tilespmem:s0+$0xFFFFFF90];
	v6 =	vsub.f32 $0.0e+00, v6  }
0x38a: {  	s11 =	simm.s32 $0x4F70;
	v11 =	vld [tilespmem:s16+$0xFFFFFF90]  }
0x38b: {  	v19 =	vld [tilespmem:s11+$0xFFFFFF90];
	v15 =	vpop (erf);
	v6 =	vmul.f32 $1.442695020e+00, v6  }
0x38c: {  	v21 =	vld [tilespmem:s0+$0xFFFFFF10];
	v7 =	vand.u32 $0xFFFF0000, v7;
	v15 =	vadd.f32 $1.000000000e+00, v15;
	v20 =	vpop (erf)  }
0x38d: {  	v7 =	vmul.f32 v7, v20;
	(erf) = vpow2.f32 v6;
	v6 =	vld [tilespmem:s16+$0xFFFFFF10]  }
0x38e: {  	(erf) = vrcp.f32 v15;
	v15 =	vld [tilespmem:s11+$0xFFFFFF10]  }
0x38f: {  	[tilespmem:s10+$0xFFFFFFB0] =	vst v7;
	v7 =	vadd.f32 v11, v9;
	v11 =	vld [tilespmem:s10+$0xFFFFFFC0];
	v9 =	vpop (erf)  }
0x390: {  	v20 =	vshll.u32 v19, $0x10;
	v22 =	vld [tilespmem:s25+$0xFFFFFFC0];
	v9 =	vadd.f32 $1.000000000e+00, v9  }
0x391: {  	v7 =	vadd.f32 v20, v7;
	v20 =	vld [tilespmem:s1+$0xFFFFFFC0]  }
0x392: {  	v6 =	vadd.f32 v6, v21;
	(erf) = vrcp.f32 v9  }
0x393: {  	v7 =	vsub.f32 $0.0e+00, v7;
	v9 =	vshll.u32 v15, $0x10  }
0x394: {  	v6 =	vadd.f32 v9, v6  }
0x395: {  	v7 =	vmul.f32 $1.442695020e+00, v7;
	v9 =	vadd.f32 v22, v11  }
0x396: {  	v11 =	vand.u32 $0xFFFF0000, v14;
	v14 =	vpop (erf);
	v21 =	vshll.u32 v20, $0x10;
	v6 =	vsub.f32 $0.0e+00, v6  }
0x397: {  	v22 =	vpop (erf);
	(erf) = vpow2.f32 v7;
	v7 =	vadd.f32 v21, v9;
	v9 =	vadd.f32 $1.000000000e+00, v14  }
0x398: {  	v11 =	vmul.f32 v11, v22  }
0x399: {  	v6 =	vmul.f32 $1.442695020e+00, v6  }
0x39a: {  	v1 =	vld [tilespmem:s10+$0xFFFFFF40];
	v7 =	vsub.f32 $0.0e+00, v7;
	(erf) = vrcp.f32 v9;
	[tilespmem:s10+$0xFFFFFF30] =	vst v11  }
0x39b: {  	(erf) = vpow2.f32 v6;
	v6 =	vand.u32 $0xFFFF0000, v16;
	v11 =	vld [tilespmem:s25+$0xFFFFFF40];
	v9 =	vpop (erf)  }
0x39c: {  	v7 =	vmul.f32 $1.442695020e+00, v7;
	v6 =	vmul.f32 v6, v9;
	v9 =	vld [tilespmem:s1+$0xFFFFFF40];
	_ =	sdelay $0x1  }
0x39d: {  	(erf) = vpow2.f32 v7;
	_ =	sdelay $0x1  }
0x39e: {  	[tilespmem:s14+$0xFFFFFFA0] =	vst v6;
	v6 =	vld [tilespmem:s14+$0xFFFFFFB0];
	v7 =	vpop (erf)  }
0x39f: {  	v14 =	vld [tilespmem:s7+$0xFFFFFFB0];
	v1 =	vadd.f32 v11, v1;
	v7 =	vadd.f32 $1.000000000e+00, v7;
	v11 =	vshll.u32 v9, $0x10  }
0x3a0: {  	v16 =	vld [tilespmem:s8+$0xFFFFFFB0]  }
0x3a1: {  	v1 =	vadd.f32 v11, v1  }
0x3a2: {  	v18 =	vand.u32 $0xFFFF0000, v18;
	v11 =	vpop (erf)  }
0x3a3: {  	(erf) = vrcp.f32 v7;
	v1 =	vsub.f32 $0.0e+00, v1;
	v7 =	vpop (erf)  }
0x3a4: {  	v6 =	vadd.f32 v14, v6;
	v11 =	vmul.f32 v18, v11;
	v7 =	vadd.f32 $1.000000000e+00, v7  }
0x3a5: {  	v14 =	vshll.u32 v16, $0x10;
	v1 =	vmul.f32 $1.442695020e+00, v1;
	v18 =	vpop (erf)  }
0x3a6: {  	v13 =	vld [tilespmem:s14+$0xFFFFFF30];
	v6 =	vadd.f32 v14, v6;
	v14 =	vadd.f32 $1.000000000e+00, v18;
	[tilespmem:s14+$0xFFFFFF20] =	vst v11;
	(erf) = vrcp.f32 v7  }
0x3a7: {  	v22 =	vld [tilespmem:s7+$0xFFFFFF30];
	(erf) = vpow2.f32 v1  }
0x3a8: {  	v23 =	vld [tilespmem:s8+$0xFFFFFF30];
	(erf) = vrcp.f32 v14  }
0x3a9: {  	v1 =	vsub.f32 $0.0e+00, v6;
	_ =	sdelay $0x1  }
0x3aa: {  	v1 =	vmul.f32 $1.442695020e+00, v1  }
0x3ab: {  	v14 =	vand.u32 $0xFFFF0000, v19  }
0x3ac: {  	v19 =	vpop (erf);
	(erf) = vpow2.f32 v1;
	v13 =	vadd.f32 v22, v13;
	v22 =	vshll.u32 v23, $0x10  }
0x3ad: {  	v19 =	vmul.f32 v14, v19  }
0x3ae: {  	v15 =	vand.u32 $0xFFFF0000, v15;
	v24 =	vpop (erf)  }
0x3af: {  	[tilespmem:s0+$0xFFFFFF90] =	vst v19;
	v19 =	vld [tilespmem:s0+$0xFFFFFFA0];
	v13 =	vadd.f32 v22, v13;
	v15 =	vmul.f32 v15, v24;
	v22 =	vpop (erf)  }
0x3b0: {  	v20 =	vand.u32 $0xFFFF0000, v20;
	v25 =	vld [tilespmem:s16+$0xFFFFFFA0];
	v26 =	vpop (erf)  }
0x3b1: {  	v24 =	vld [tilespmem:s11+$0xFFFFFFA0];
	[tilespmem:s0+$0xFFFFFF10] =	vst v15;
	v15 =	vmul.f32 v20, v26;
	v20 =	vadd.f32 $1.000000000e+00, v22  }
0x3b2: {  	v21 =	vld [tilespmem:s0+$0xFFFFFF20]  }
0x3b3: {  	v13 =	vsub.f32 $0.0e+00, v13;
	v22 =	vld [tilespmem:s16+$0xFFFFFF20]  }
0x3b4: {  	v26 =	vld [tilespmem:s11+$0xFFFFFF20]  }
0x3b5: {  	v12 =	vld [tilespmem:s10+$0xFFFFFF80];
	v13 =	vmul.f32 $1.442695020e+00, v13;
	[tilespmem:s10+$0xFFFFFFC0] =	vst v15;
	v15 =	vadd.f32 v25, v19;
	(erf) = vrcp.f32 v20;
	v20 =	vpop (erf)  }
0x3b6: {  	v19 =	vld [tilespmem:s10+$0xFFFFFFD0];
	v25 =	vshll.u32 v24, $0x10;
	v20 =	vadd.f32 $1.000000000e+00, v20  }
0x3b7: {  	(erf) = vpow2.f32 v13;
	v13 =	vld [tilespmem:s25+$0xFFFFFFD0];
	v15 =	vadd.f32 v25, v15  }
0x3b8: {  	v25 =	vld [tilespmem:s1+$0xFFFFFFD0];
	(erf) = vrcp.f32 v20;
	v20 =	vadd.f32 v22, v21  }
0x3b9: {  	s19 =	simm.s32 $0x5070;
	v17 =	vld [tilespmem:s14+$0xFFFFFF70];
	v15 =	vsub.f32 $0.0e+00, v15;
	v21 =	vshll.u32 v26, $0x10  }
0x3ba: {  	s3 =	simm.s32 $0x7870;
	v27 =	vld [tilespmem:s19+$0xFFFFFF90];
	v20 =	vadd.f32 v21, v20  }
0x3bb: {  	v28 =	vld [tilespmem:s3+$0xFFFFFF10];
	v15 =	vmul.f32 $1.442695020e+00, v15  }
0x3bc: {  	v0 =	vld [tilespmem:s10+$0xFFFFFF50];
	v13 =	vadd.f32 v13, v19;
	v20 =	vsub.f32 $0.0e+00, v20  }
0x3bd: {  	v2 =	vld [tilespmem:s10+$0xFFFFFF60];
	v19 =	vshll.u32 v25, $0x10;
	(erf) = vpow2.f32 v15  }
0x3be: {  	s6 =	simm.s32 $0x2870;
	v8 =	vld [tilespmem:s10+$0xFFFFFF70];
	v13 =	vadd.f32 v19, v13;
	v20 =	vmul.f32 $1.442695020e+00, v20  }
0x3bf: {  	v22 =	vld [tilespmem:s6+$0xFFFFFF90];
	v15 =	vpop (erf)  }
0x3c0: {  	v19 =	vld [tilespmem:s3+$0xFFFFFF90];
	v13 =	vsub.f32 $0.0e+00, v13;
	v21 =	vpop (erf)  }
0x3c1: {  	v3 =	vld [tilespmem:s14+$0xFFFFFF40];
	v21 =	vadd.f32 $1.000000000e+00, v21  }
0x3c2: {  	v4 =	vld [tilespmem:s14+$0xFFFFFF50];
	v16 =	vand.u32 $0xFFFF0000, v16;
	v13 =	vmul.f32 $1.442695020e+00, v13;
	(erf) = vpow2.f32 v20;
	v20 =	vpop (erf)  }
0x3c3: {  	(erf) = vrcp.f32 v21;
	v21 =	vld [tilespmem:s19+$0xFFFFFF10];
	v16 =	vmul.f32 v16, v20  }
0x3c4: {  	(erf) = vpow2.f32 v13;
	v20 =	vld [tilespmem:s6+$0xFFFFFF10]  }
0x3c5: {  	v13 =	vadd.f32 v22, v19;
	[tilespmem:s14+$0xFFFFFFB0] =	vst v16;
	v16 =	vld [tilespmem:s14+$0xFFFFFFC0]  }
0x3c6: {  	v19 =	vshll.u32 v27, $0x10;
	v22 =	vpop (erf);
	v29 =	vld [tilespmem:s7+$0xFFFFFFC0]  }
0x3c7: {  	v13 =	vadd.f32 v19, v13;
	v19 =	vadd.f32 $1.000000000e+00, v22;
	v22 =	vld [tilespmem:s8+$0xFFFFFFC0]  }
0x3c8: {  	v5 =	vld [tilespmem:s14+$0xFFFFFF60]  }
0x3c9: {  	v10 =	vld [tilespmem:s14+$0xFFFFFF80];
	v13 =	vsub.f32 $0.0e+00, v13;
	v20 =	vadd.f32 v20, v28  }
0x3ca: {  	v18 =	vld [tilespmem:s0+$0xFFFFFF30];
	(erf) = vrcp.f32 v19;
	v19 =	vshll.u32 v21, $0x10  }
0x3cb: {  	v11 =	vld [tilespmem:s0+$0xFFFFFF60];
	v13 =	vmul.f32 $1.442695020e+00, v13;
	v28 =	vpop (erf);
	v19 =	vadd.f32 v19, v20;
	v16 =	vadd.f32 v29, v16  }
0x3cc: {  	v7 =	vld [tilespmem:s0+$0xFFFFFF40];
	v20 =	vand.u32 $0xFFFF0000, v23;
	v23 =	vpop (erf);
	v28 =	vadd.f32 $1.000000000e+00, v28;
	v29 =	vshll.u32 v22, $0x10  }
0x3cd: {  	v6 =	vld [tilespmem:s0+$0xFFFFFF50];
	(erf) = vpow2.f32 v13;
	v30 =	vpop (erf);
	v19 =	vsub.f32 $0.0e+00, v19;
	v13 =	vadd.f32 v29, v16  }
0x3ce: {  	v9 =	vand.u32 $0xFFFF0000, v9;
	v14 =	vld [tilespmem:s0+$0xFFFFFF70];
	v20 =	vmul.f32 v20, v23;
	v16 =	vadd.f32 $1.000000000e+00, v30  }
0x3cf: {  	v1 =	vld [tilespmem:s0+$0xFFFFFF80];
	(erf) = vrcp.f32 v28;
	v19 =	vmul.f32 $1.442695020e+00, v19;
	v13 =	vsub.f32 $0.0e+00, v13  }
0x3d0: {  	v9 =	vmul.f32 v9, v15;
	v15 =	vld [tilespmem:s3+$0xFFFFFF30];
	[tilespmem:s14+$0xFFFFFF30] =	vst v20;
	(erf) = vrcp.f32 v16  }
0x3d1: {  	(erf) = vpow2.f32 v19;
	v19 =	vld [tilespmem:s7+$0xFFFFFF40];
	v13 =	vmul.f32 $1.442695020e+00, v13  }
0x3d2: {  	[tilespmem:s10+$0xFFFFFF40] =	vst v9;
	v20 =	vld [tilespmem:s8+$0xFFFFFF40]  }
0x3d3: {  	v9 =	vand.u32 $0xFFFF0000, v24;
	v24 =	vld [tilespmem:s25+$0xFFFFFF50];
	v16 =	vpop (erf);
	(erf) = vpow2.f32 v13  }
0x3d4: {  	v28 =	vmul.f32 v9, v16;
	v16 =	vld [tilespmem:s1+$0xFFFFFF50]  }
0x3d5: {  	v23 =	vld [tilespmem:s3+$0xFFFFFF20]  }
0x3d6: {  	[tilespmem:s0+$0xFFFFFFA0] =	vst v28;
	v28 =	vld [tilespmem:s0+$0xFFFFFFB0];
	v13 =	vpop (erf);
	v3 =	vadd.f32 v19, v3  }
0x3d7: {  	v29 =	vld [tilespmem:s16+$0xFFFFFFB0];
	v19 =	vadd.f32 $1.000000000e+00, v13;
	v13 =	vshll.u32 v20, $0x10  }
0x3d8: {  	v26 =	vand.u32 $0xFFFF0000, v26;
	v0 =	vadd.f32 v24, v0;
	v24 =	vld [tilespmem:s11+$0xFFFFFFB0];
	v30 =	vpop (erf);
	v3 =	vadd.f32 v13, v3  }
0x3d9: {  	v25 =	vand.u32 $0xFFFF0000, v25;
	v9 =	vld [tilespmem:s3+$0xFFFFFF40];
	v49 =	vshll.u32 v16, $0x10;
	v31 =	vpop (erf);
	(erf) = vrcp.f32 v19  }
0x3da: {  	v13 =	vld [tilespmem:s3+$0xFFFFFF50];
	v0 =	vadd.f32 v49, v0;
	v25 =	vmul.f32 v25, v31;
	v31 =	vpop (erf);
	v50 =	vsub.f32 $0.0e+00, v3  }
0x3db: {  	v26 =	vmul.f32 v26, v30;
	v19 =	vld [tilespmem:s3+$0xFFFFFF60];
	v30 =	vadd.f32 $1.000000000e+00, v31  }
0x3dc: {  	v0 =	vsub.f32 $0.0e+00, v0;
	[tilespmem:s10+$0xFFFFFFD0] =	vst v25;
	v25 =	vadd.f32 v29, v28;
	v28 =	vld [tilespmem:s10+$0xFFFFFFE0];
	v29 =	vmul.f32 $1.442695020e+00, v50;
	v31 =	vpop (erf)  }
0x3dd: {  	(erf) = vrcp.f32 v30;
	v30 =	vshll.u32 v24, $0x10;
	v51 =	vld [tilespmem:s25+$0xFFFFFFE0];
	v31 =	vadd.f32 $1.000000000e+00, v31  }
0x3de: {  	[tilespmem:s0+$0xFFFFFF20] =	vst v26;
	v26 =	vld [tilespmem:s1+$0xFFFFFFE0];
	v25 =	vadd.f32 v30, v25;
	(erf) = vpow2.f32 v29  }
0x3df: {  	v0 =	vmul.f32 $1.442695020e+00, v0;
	v30 =	vld [tilespmem:s11+$0xFFFFFF30];
	(erf) = vrcp.f32 v31  }
0x3e0: {  	v29 =	vld [tilespmem:s16+$0xFFFFFF30];
	v25 =	vsub.f32 $0.0e+00, v25  }
0x3e1: {  	v3 =	vld [tilespmem:s3+$0xFFFFFF70];
	(erf) = vpow2.f32 v0  }
0x3e2: {  	v0 =	vand.u32 $0xFFFF0000, v27;
	v27 =	vpop (erf);
	v25 =	vmul.f32 $1.442695020e+00, v25;
	v28 =	vadd.f32 v51, v28  }
0x3e3: {  	v27 =	vmul.f32 v0, v27;
	v0 =	vshll.u32 v26, $0x10  }
0x3e4: {  	(erf) = vpow2.f32 v25;
	v25 =	vadd.f32 v0, v28;
	v28 =	vshll.u32 v30, $0x10  }
0x3e5: {  	v18 =	vadd.f32 v29, v18;
	[tilespmem:s3+$0xFFFFFF90] =	vst v27;
	v27 =	vld [tilespmem:s3+$0xFFFFFFA0]  }
0x3e6: {  	v21 =	vand.u32 $0xFFFF0000, v21;
	v29 =	vpop (erf);
	v31 =	vld [tilespmem:s6+$0xFFFFFFA0]  }
0x3e7: {  	v18 =	vadd.f32 v28, v18;
	v25 =	vsub.f32 $0.0e+00, v25;
	v21 =	vmul.f32 v21, v29;
	v28 =	vpop (erf);
	v29 =	vld [tilespmem:s19+$0xFFFFFFA0]  }
0x3e8: {  	v22 =	vand.u32 $0xFFFF0000, v22;
	v52 =	vpop (erf)  }
0x3e9: {  	v53 =	vsub.f32 $0.0e+00, v18;
	v25 =	vmul.f32 $1.442695020e+00, v25;
	[tilespmem:s3+$0xFFFFFF10] =	vst v21;
	v21 =	vmul.f32 v22, v52  }
0x3ea: {  	v22 =	vadd.f32 $1.000000000e+00, v28;
	v28 =	vld [tilespmem:s6+$0xFFFFFF20]  }
0x3eb: {  	(erf) = vpow2.f32 v25;
	v18 =	vld [tilespmem:s19+$0xFFFFFF20];
	v25 =	vmul.f32 $1.442695020e+00, v53;
	v27 =	vadd.f32 v31, v27  }
0x3ec: {  	[tilespmem:s14+$0xFFFFFFC0] =	vst v21;
	(erf) = vrcp.f32 v22;
	v22 =	vld [tilespmem:s14+$0xFFFFFFD0];
	v31 =	vshll.u32 v29, $0x10  }
0x3ed: {  	v27 =	vadd.f32 v31, v27;
	v31 =	vld [tilespmem:s8+$0xFFFFFFD0];
	v21 =	vpop (erf);
	(erf) = vpow2.f32 v25  }
0x3ee: {  	v54 =	vld [tilespmem:s7+$0xFFFFFFD0];
	v21 =	vadd.f32 $1.000000000e+00, v21  }
0x3ef: {  	v25 =	vpop (erf)  }
0x3f0: {  	v25 =	vadd.f32 $1.000000000e+00, v25;
	(erf) = vrcp.f32 v21;
	v21 =	vadd.f32 v28, v23  }
0x3f1: {  	v23 =	vsub.f32 $0.0e+00, v27;
	v27 =	vshll.u32 v18, $0x10  }
0x3f2: {  	(erf) = vrcp.f32 v25;
	v25 =	vshll.u32 v31, $0x10;
	v21 =	vadd.f32 v27, v21  }
0x3f3: {  	v22 =	vadd.f32 v54, v22;
	v23 =	vmul.f32 $1.442695020e+00, v23  }
0x3f4: {  	v27 =	vpop (erf);
	v21 =	vsub.f32 $0.0e+00, v21  }
0x3f5: {  	v22 =	vadd.f32 v25, v22;
	(erf) = vpow2.f32 v23;
	v23 =	vadd.f32 $1.000000000e+00, v27;
	v25 =	vpop (erf)  }
0x3f6: {  	v21 =	vmul.f32 $1.442695020e+00, v21;
	v55 =	vpop (erf)  }
0x3f7: {  	(erf) = vrcp.f32 v23;
	v23 =	vadd.f32 $1.000000000e+00, v55  }
0x3f8: {  	s2 =	simm.s32 $0x2970  }
0x3f9: {  	s18 =	simm.s32 $0x7970;
	v28 =	vld [tilespmem:s2+$0xFFFFFF90];
	v22 =	vsub.f32 $0.0e+00, v22  }
0x3fa: {  	s5 =	simm.s32 $0x5170;
	v27 =	vld [tilespmem:s18+$0xFFFFFF90];
	(erf) = vpow2.f32 v21;
	v21 =	vpop (erf)  }
0x3fb: {  	v24 =	vand.u32 $0xFFFF0000, v24;
	v56 =	vld [tilespmem:s5+$0xFFFFFF90];
	v22 =	vmul.f32 $1.442695020e+00, v22;
	(erf) = vrcp.f32 v23;
	v23 =	vpop (erf)  }
0x3fc: {  	v57 =	vld [tilespmem:s18+$0xFFFFFF10];
	v23 =	vmul.f32 v24, v23  }
0x3fd: {  	v58 =	vld [tilespmem:s2+$0xFFFFFF10];
	(erf) = vpow2.f32 v22  }
0x3fe: {  	v59 =	vld [tilespmem:s5+$0xFFFFFF10]  }
0x3ff: {  	v22 =	vadd.f32 v28, v27  }
0x400: {  	v27 =	vld [tilespmem:s0+$0xFFFFFFC0];
	v24 =	vshll.u32 v56, $0x10;
	[tilespmem:s0+$0xFFFFFFB0] =	vst v23;
	v23 =	vpop (erf)  }
0x401: {  	v24 =	vadd.f32 v24, v22;
	v28 =	vld [tilespmem:s16+$0xFFFFFFC0];
	v23 =	vadd.f32 $1.000000000e+00, v23  }
0x402: {  	v26 =	vand.u32 $0xFFFF0000, v26;
	v32 =	vadd.f32 v58, v57  }
0x403: {  	v22 =	vld [tilespmem:s11+$0xFFFFFFC0];
	v24 =	vsub.f32 $0.0e+00, v24;
	v60 =	vpop (erf);
	(erf) = vrcp.f32 v23;
	v23 =	vshll.u32 v59, $0x10  }
0x404: {  	v26 =	vmul.f32 v26, v60;
	v61 =	vpop (erf);
	v23 =	vadd.f32 v23, v32  }
0x405: {  	v20 =	vand.u32 $0xFFFF0000, v20;
	v24 =	vmul.f32 $1.442695020e+00, v24;
	v62 =	vadd.f32 $1.000000000e+00, v61;
	v63 =	vpop (erf)  }
0x406: {  	v20 =	vmul.f32 v20, v25;
	[tilespmem:s10+$0xFFFFFFE0] =	vst v26;
	v25 =	vadd.f32 v28, v27;
	v26 =	vld [tilespmem:s10+$0xFFFFFFF0];
	v27 =	vpop (erf);
	v23 =	vsub.f32 $0.0e+00, v23  }
0x407: {  	(erf) = vpow2.f32 v24;
	v40 =	vld [tilespmem:s25+$0xFFFFFFF0];
	v27 =	vadd.f32 $1.000000000e+00, v27  }
0x408: {  	v24 =	vshll.u32 v22, $0x10;
	(erf) = vrcp.f32 v62;
	v28 =	vld [tilespmem:s1+$0xFFFFFFF0];
	v23 =	vmul.f32 $1.442695020e+00, v23  }
0x409: {  	v30 =	vand.u32 $0xFFFF0000, v30;
	[tilespmem:s14+$0xFFFFFF40] =	vst v20;
	v24 =	vadd.f32 v24, v25;
	(erf) = vrcp.f32 v27  }
0x40a: {  	v20 =	vmul.f32 v30, v63;
	v25 =	vld [tilespmem:s7+$0xFFFFFF50];
	(erf) = vpow2.f32 v23  }
0x40b: {  	v27 =	vsub.f32 $0.0e+00, v24;
	v24 =	vld [tilespmem:s8+$0xFFFFFF50]  }
0x40c: {  	[tilespmem:s0+$0xFFFFFF30] =	vst v20;
	v26 =	vadd.f32 v40, v26  }
0x40d: {  	v20 =	vand.u32 $0xFFFF0000, v29;
	v29 =	vld [tilespmem:s16+$0xFFFFFF40];
	v27 =	vmul.f32 $1.442695020e+00, v27;
	v30 =	vshll.u32 v28, $0x10;
	v23 =	vpop (erf)  }
0x40e: {  	v16 =	vand.u32 $0xFFFF0000, v16;
	v26 =	vadd.f32 v30, v26;
	v23 =	vmul.f32 v20, v23;
	v20 =	vld [tilespmem:s11+$0xFFFFFF40]  }
0x40f: {  	v16 =	vmul.f32 v16, v21;
	(erf) = vpow2.f32 v27  }
0x410: {  	v4 =	vadd.f32 v25, v4;
	v21 =	vpop (erf);
	v25 =	vsub.f32 $0.0e+00, v26;
	v26 =	vshll.u32 v24, $0x10  }
0x411: {  	v41 =	vadd.f32 $1.000000000e+00, v21;
	v43 =	vpop (erf);
	[tilespmem:s3+$0xFFFFFFA0] =	vst v23;
	v23 =	vld [tilespmem:s3+$0xFFFFFFB0]  }
0x412: {  	v31 =	vand.u32 $0xFFFF0000, v31;
	v7 =	vadd.f32 v29, v7;
	v4 =	vadd.f32 v26, v4;
	v42 =	vld [tilespmem:s6+$0xFFFFFFB0];
	v44 =	vpop (erf)  }
0x413: {  	v27 =	vld [tilespmem:s19+$0xFFFFFFB0];
	v25 =	vmul.f32 $1.442695020e+00, v25;
	(erf) = vrcp.f32 v41;
	v29 =	vshll.u32 v20, $0x10;
	v26 =	vpop (erf)  }
0x414: {  	[tilespmem:s10+$0xFFFFFF50] =	vst v16;
	v16 =	vmul.f32 v31, v44;
	v31 =	vld [tilespmem:s14+$0xFFFFFFE0];
	v7 =	vadd.f32 v29, v7;
	v26 =	vadd.f32 $1.000000000e+00, v26  }
0x415: {  	(erf) = vpow2.f32 v25;
	v25 =	vld [tilespmem:s1+$0xFFFFFF60]  }
0x416: {  	v29 =	vld [tilespmem:s25+$0xFFFFFF60];
	[tilespmem:s14+$0xFFFFFFD0] =	vst v16;
	v7 =	vsub.f32 $0.0e+00, v7  }
0x417: {  	v16 =	vand.u32 $0xFFFF0000, v18;
	v45 =	vld [tilespmem:s7+$0xFFFFFFE0];
	v18 =	vadd.f32 v42, v23;
	(erf) = vrcp.f32 v26  }
0x418: {  	v46 =	vmul.f32 v16, v43;
	v37 =	vld [tilespmem:s8+$0xFFFFFFE0];
	v23 =	vshll.u32 v27, $0x10;
	v7 =	vmul.f32 $1.442695020e+00, v7;
	v26 =	vpop (erf)  }
0x419: {  	v23 =	vadd.f32 v23, v18;
	v26 =	vadd.f32 $1.000000000e+00, v26  }
0x41a: {  	v4 =	vsub.f32 $0.0e+00, v4;
	[tilespmem:s3+$0xFFFFFF20] =	vst v46;
	(erf) = vpow2.f32 v7  }
0x41b: {  	v2 =	vadd.f32 v29, v2;
	v7 =	vsub.f32 $0.0e+00, v23;
	(erf) = vrcp.f32 v26;
	v26 =	vld [tilespmem:s6+$0xFFFFFF30]  }
0x41c: {  	v4 =	vmul.f32 $1.442695020e+00, v4;
	v47 =	vshll.u32 v25, $0x10;
	v31 =	vadd.f32 v45, v31  }
0x41d: {  	v23 =	vld [tilespmem:s19+$0xFFFFFF30];
	v29 =	vpop (erf);
	v49 =	vadd.f32 v47, v2;
	v2 =	vshll.u32 v37, $0x10;
	v48 =	vmul.f32 $1.442695020e+00, v7  }
0x41e: {  	v50 =	vpop (erf);
	v31 =	vadd.f32 v2, v31;
	(erf) = vpow2.f32 v4;
	v4 =	vand.u32 $0xFFFF0000, v56  }
0x41f: {  	v51 =	vadd.f32 $1.000000000e+00, v50;
	v29 =	vmul.f32 v4, v29;
	(erf) = vpow2.f32 v48  }
0x420: {  	v52 =	vand.u32 $0xFFFF0000, v59;
	v32 =	vsub.f32 $0.0e+00, v49;
	v15 =	vadd.f32 v26, v15;
	v26 =	vpop (erf)  }
0x421: {  	v31 =	vsub.f32 $0.0e+00, v31;
	[tilespmem:s18+$0xFFFFFF90] =	vst v29;
	v29 =	vld [tilespmem:s18+$0xFFFFFFA0];
	v26 =	vmul.f32 v52, v26  }
0x422: {  	v53 =	vshll.u32 v23, $0x10;
	v32 =	vmul.f32 $1.442695020e+00, v32;
	(erf) = vrcp.f32 v51;
	v54 =	vld [tilespmem:s2+$0xFFFFFFA0]  }
0x423: {  	v38 =	vld [tilespmem:s5+$0xFFFFFFA0];
	v15 =	vadd.f32 v53, v15  }
0x424: {  	v31 =	vmul.f32 $1.442695020e+00, v31;
	(erf) = vpow2.f32 v32;
	v55 =	vpop (erf)  }
0x425: {  	v22 =	vand.u32 $0xFFFF0000, v22;
	v30 =	vld [tilespmem:s18+$0xFFFFFF20];
	[tilespmem:s18+$0xFFFFFF10] =	vst v26;
	v15 =	vsub.f32 $0.0e+00, v15;
	v26 =	vpop (erf)  }
0x426: {  	(erf) = vpow2.f32 v31;
	v31 =	vadd.f32 $1.000000000e+00, v55;
	v56 =	vld [tilespmem:s2+$0xFFFFFF20];
	v22 =	vmul.f32 v22, v26  }
0x427: {  	v29 =	vadd.f32 v54, v29;
	v57 =	vpop (erf);
	v26 =	vld [tilespmem:s5+$0xFFFFFF20];
	v15 =	vmul.f32 $1.442695020e+00, v15  }
0x428: {  	(erf) = vrcp.f32 v31;
	v31 =	vld [tilespmem:s0+$0xFFFFFFD0];
	v33 =	vadd.f32 $1.000000000e+00, v57;
	v58 =	vpop (erf);
	[tilespmem:s0+$0xFFFFFFC0] =	vst v22;
	v22 =	vshll.u32 v38, $0x10  }
0x429: {  	(erf) = vpow2.f32 v15;
	v34 =	vadd.f32 $1.000000000e+00, v58;
	v22 =	vadd.f32 v22, v29;
	v29 =	vld [tilespmem:s16+$0xFFFFFFD0]  }
0x42a: {  	(erf) = vrcp.f32 v33  }
0x42b: {  	v28 =	vand.u32 $0xFFFF0000, v28;
	v15 =	vld [tilespmem:s11+$0xFFFFFFD0];
	v30 =	vadd.f32 v56, v30;
	v59 =	vpop (erf);
	(erf) = vrcp.f32 v34  }
0x42c: {  	v28 =	vmul.f32 v28, v59;
	v22 =	vsub.f32 $0.0e+00, v22;
	v60 =	vshll.u32 v26, $0x10  }
0x42d: {  	v61 =	vpop (erf);
	v30 =	vadd.f32 v60, v30  }
0x42e: {  	[tilespmem:s10+$0xFFFFFFF0] =	vst v28;
	v22 =	vmul.f32 $1.442695020e+00, v22;
	v28 =	vadd.f32 v29, v31;
	v29 =	vadd.f32 $1.000000000e+00, v61  }
0x42f: {  	v30 =	vsub.f32 $0.0e+00, v30  }
0x430: {  	v63 =	vld [tilespmem:s25+$0x0];
	(erf) = vpow2.f32 v22;
	v22 =	vshll.u32 v15, $0x10  }
0x431: {  	s21 =	simm.s32 $0x7A70;
	v62 =	vpop (erf);
	v31 =	vld [tilespmem:s10+$0x0];
	v28 =	vadd.f32 v22, v28;
	v30 =	vmul.f32 $1.442695020e+00, v30  }
0x432: {  	s20 =	simm.s32 $0x2A70;
	v44 =	vld [tilespmem:s21+$0xFFFFFF90];
	v32 =	vadd.f32 $1.000000000e+00, v62;
	(erf) = vrcp.f32 v29;
	v29 =	vpop (erf)  }
0x433: {  	v45 =	vld [tilespmem:s20+$0xFFFFFF90];
	v28 =	vsub.f32 $0.0e+00, v28;
	v46 =	vpop (erf)  }
0x434: {  	s22 =	simm.s32 $0x5270;
	v22 =	vld [tilespmem:s1+$0x0];
	(erf) = vrcp.f32 v32;
	v34 =	vadd.f32 $1.000000000e+00, v46;
	v47 =	vpop (erf)  }
0x435: {  	v36 =	vld [tilespmem:s22+$0xFFFFFF90];
	v27 =	vand.u32 $0xFFFF0000, v27;
	(erf) = vpow2.f32 v30;
	v28 =	vmul.f32 $1.442695020e+00, v28;
	v30 =	vpop (erf)  }
0x436: {  	(erf) = vrcp.f32 v34;
	v27 =	vmul.f32 v27, v30;
	v30 =	vadd.f32 v63, v31  }
0x437: {  	v48 =	vld [tilespmem:s21+$0xFFFFFF10];
	(erf) = vpow2.f32 v28  }
0x438: {  	v31 =	vld [tilespmem:s20+$0xFFFFFF10]  }
0x439: {  	v32 =	vadd.f32 v45, v44;
	v34 =	vld [tilespmem:s22+$0xFFFFFF10];
	v28 =	vshll.u32 v22, $0x10  }
0x43a: {  	v49 =	vld [tilespmem:s3+$0xFFFFFFC0];
	[tilespmem:s3+$0xFFFFFFB0] =	vst v27;
	v27 =	vadd.f32 v28, v30;
	v28 =	vshll.u32 v36, $0x10;
	v30 =	vpop (erf)  }
0x43b: {  	v20 =	vand.u32 $0xFFFF0000, v20;
	v28 =	vadd.f32 v28, v32;
	v50 =	vld [tilespmem:s6+$0xFFFFFFC0];
	v30 =	vadd.f32 $1.000000000e+00, v30  }
0x43c: {  	v37 =	vand.u32 $0xFFFF0000, v37;
	v23 =	vand.u32 $0xFFFF0000, v23;
	v33 =	vld [tilespmem:s19+$0xFFFFFFC0];
	v27 =	vsub.f32 $0.0e+00, v27;
	v41 =	vpop (erf)  }
0x43d: {  	v31 =	vadd.f32 v31, v48;
	v28 =	vsub.f32 $0.0e+00, v28;
	v51 =	vpop (erf);
	(erf) = vrcp.f32 v30  }
0x43e: {  	v27 =	vmul.f32 $1.442695020e+00, v27;
	v37 =	vmul.f32 v37, v51;
	v30 =	vshll.u32 v34, $0x10;
	v52 =	vpop (erf)  }
0x43f: {  	v20 =	vmul.f32 v20, v29;
	v28 =	vmul.f32 $1.442695020e+00, v28;
	v30 =	vadd.f32 v30, v31;
	v53 =	vpop (erf)  }
0x440: {  	v54 =	vld [tilespmem:s14+$0xFFFFFFF0];
	(erf) = vpow2.f32 v27;
	v27 =	vadd.f32 $1.000000000e+00, v52;
	v31 =	vadd.f32 v50, v49;
	[tilespmem:s14+$0xFFFFFFE0] =	vst v37;
	v55 =	vpop (erf)  }
0x441: {  	(erf) = vpow2.f32 v28;
	v28 =	vshll.u32 v33, $0x10;
	v56 =	vld [tilespmem:s7+$0xFFFFFFF0];
	v37 =	vadd.f32 $1.000000000e+00, v55  }
0x442: {  	v30 =	vsub.f32 $0.0e+00, v30;
	v28 =	vadd.f32 v28, v31;
	v31 =	vld [tilespmem:s8+$0xFFFFFFF0];
	(erf) = vrcp.f32 v27  }
0x443: {  	v27 =	vmul.f32 v23, v53;
	(erf) = vrcp.f32 v37  }
0x444: {  	v0 =	vld [tilespmem:s3+$0xFFFFFF80];
	[tilespmem:s0+$0xFFFFFF40] =	vst v20;
	v30 =	vmul.f32 $1.442695020e+00, v30;
	v28 =	vsub.f32 $0.0e+00, v28  }
0x445: {  	v57 =	vand.u32 $0xFFFF0000, v38;
	v60 =	vld [tilespmem:s16+$0xFFFFFF50];
	[tilespmem:s3+$0xFFFFFF30] =	vst v27  }
0x446: {  	(erf) = vpow2.f32 v30;
	v30 =	vld [tilespmem:s6+$0xFFFFFF40];
	v27 =	vmul.f32 $1.442695020e+00, v28;
	v28 =	vadd.f32 v56, v54;
	v58 =	vpop (erf)  }
0x447: {  	v29 =	vld [tilespmem:s19+$0xFFFFFF40];
	v59 =	vshll.u32 v31, $0x10;
	v35 =	vmul.f32 v57, v58  }
0x448: {  	v63 =	vld [tilespmem:s18+$0xFFFFFFB0];
	(erf) = vpow2.f32 v27;
	v28 =	vadd.f32 v59, v28  }
0x449: {  	v24 =	vand.u32 $0xFFFF0000, v24;
	v25 =	vand.u32 $0xFFFF0000, v25;
	v26 =	vand.u32 $0xFFFF0000, v26;
	v27 =	vld [tilespmem:s11+$0xFFFFFF50];
	v61 =	vpop (erf);
	[tilespmem:s18+$0xFFFFFFA0] =	vst v35  }
0x44a: {  	v24 =	vmul.f32 v24, v47;
	v38 =	vadd.f32 $1.000000000e+00, v61;
	v62 =	vpop (erf);
	v28 =	vsub.f32 $0.0e+00, v28;
	v46 =	vld [tilespmem:s2+$0xFFFFFFB0]  }
0x44b: {  	v49 =	vand.u32 $0xFFFF0000, v15;
	v45 =	vadd.f32 $1.000000000e+00, v62;
	v9 =	vadd.f32 v30, v9;
	v47 =	vpop (erf);
	v30 =	vld [tilespmem:s5+$0xFFFFFFB0]  }
0x44c: {  	v48 =	vshll.u32 v29, $0x10;
	(erf) = vrcp.f32 v38;
	v28 =	vmul.f32 $1.442695020e+00, v28;
	v50 =	vpop (erf)  }
0x44d: {  	[tilespmem:s14+$0xFFFFFF50] =	vst v24;
	(erf) = vrcp.f32 v45;
	v9 =	vadd.f32 v48, v9;
	v24 =	vmul.f32 v49, v50  }
0x44e: {  	v6 =	vadd.f32 v60, v6;
	v51 =	vld [tilespmem:s7+$0xFFFFFF60];
	v52 =	vshll.u32 v27, $0x10;
	(erf) = vpow2.f32 v28  }
0x44f: {  	v53 =	vpop (erf);
	v9 =	vsub.f32 $0.0e+00, v9;
	v28 =	vld [tilespmem:s8+$0xFFFFFF60];
	[tilespmem:s0+$0xFFFFFFD0] =	vst v24;
	v24 =	vmul.f32 v26, v47;
	v26 =	vadd.f32 v46, v63  }
0x450: {  	v55 =	vld [tilespmem:s0+$0xFFFFFFE0];
	v6 =	vadd.f32 v52, v6;
	v54 =	vadd.f32 $1.000000000e+00, v53;
	v57 =	vshll.u32 v30, $0x10  }
0x451: {  	v25 =	vmul.f32 v25, v41;
	v9 =	vmul.f32 $1.442695020e+00, v9;
	v56 =	vpop (erf);
	v58 =	vld [tilespmem:s16+$0xFFFFFFE0];
	v26 =	vadd.f32 v57, v26  }
0x452: {  	v21 =	vld [tilespmem:s18+$0xFFFFFF30];
	v6 =	vsub.f32 $0.0e+00, v6;
	(erf) = vrcp.f32 v54;
	v59 =	vadd.f32 $1.000000000e+00, v56  }
0x453: {  	v5 =	vadd.f32 v51, v5;
	v35 =	vld [tilespmem:s11+$0xFFFFFFE0];
	(erf) = vpow2.f32 v9;
	[tilespmem:s18+$0xFFFFFF20] =	vst v24;
	v26 =	vsub.f32 $0.0e+00, v26  }
0x454: {  	[tilespmem:s10+$0xFFFFFF60] =	vst v25;
	v25 =	vmul.f32 $1.442695020e+00, v6;
	(erf) = vrcp.f32 v59;
	v60 =	vld [tilespmem:s2+$0xFFFFFF30];
	v61 =	vshll.u32 v28, $0x10  }
0x455: {  	v41 =	vld [tilespmem:s5+$0xFFFFFF30];
	v24 =	vpop (erf);
	v5 =	vadd.f32 v61, v5;
	v45 =	vmul.f32 $1.442695020e+00, v26  }
0x456: {  	v6 =	vand.u32 $0xFFFF0000, v36;
	(erf) = vpow2.f32 v25;
	v62 =	vpop (erf);
	v38 =	vadd.f32 v58, v55  }
0x457: {  	v63 =	vld [tilespmem:s25+$0xFFFFFF70];
	v36 =	vmul.f32 v6, v62;
	v5 =	vsub.f32 $0.0e+00, v5;
	v26 =	vpop (erf);
	(erf) = vpow2.f32 v45  }
0x458: {  	v47 =	vld [tilespmem:s21+$0xFFFFFFA0];
	v25 =	vshll.u32 v35, $0x10;
	v46 =	vadd.f32 $1.000000000e+00, v26  }
0x459: {  	v25 =	vadd.f32 v25, v38;
	[tilespmem:s21+$0xFFFFFF90] =	vst v36;
	v21 =	vadd.f32 v60, v21;
	v26 =	vld [tilespmem:s1+$0xFFFFFF70]  }
0x45a: {  	v34 =	vand.u32 $0xFFFF0000, v34;
	v48 =	vshll.u32 v41, $0x10;
	v50 =	vld [tilespmem:s20+$0xFFFFFFA0];
	(erf) = vrcp.f32 v46  }
0x45b: {  	v49 =	vmul.f32 $1.442695020e+00, v5;
	v5 =	vpop (erf);
	v25 =	vsub.f32 $0.0e+00, v25;
	v37 =	vadd.f32 v48, v21  }
0x45c: {  	v33 =	vand.u32 $0xFFFF0000, v33;
	v8 =	vadd.f32 v63, v8;
	v21 =	vld [tilespmem:s22+$0xFFFFFFA0];
	v34 =	vmul.f32 v34, v5;
	v51 =	vpop (erf)  }
0x45d: {  	v32 =	vld [tilespmem:s21+$0xFFFFFF20];
	(erf) = vpow2.f32 v49;
	v25 =	vmul.f32 $1.442695020e+00, v25;
	v52 =	vpop (erf);
	v37 =	vsub.f32 $0.0e+00, v37  }
0x45e: {  	v59 =	vld [tilespmem:s3+$0xFFFFFFD0];
	v54 =	vadd.f32 $1.000000000e+00, v51;
	[tilespmem:s21+$0xFFFFFF10] =	vst v34;
	v33 =	vmul.f32 v33, v52;
	v53 =	vshll.u32 v26, $0x10  }
0x45f: {  	v57 =	vpop (erf);
	v55 =	vld [tilespmem:s20+$0xFFFFFF20];
	(erf) = vpow2.f32 v25;
	v56 =	vmul.f32 $1.442695020e+00, v37;
	v36 =	vadd.f32 v50, v47  }
0x460: {  	v25 =	vadd.f32 v53, v8;
	v8 =	vld [tilespmem:s22+$0xFFFFFF20];
	[tilespmem:s3+$0xFFFFFFC0] =	vst v33;
	(erf) = vrcp.f32 v54;
	v33 =	vadd.f32 $1.000000000e+00, v57;
	v60 =	vpop (erf)  }
0x461: {  	v58 =	vshll.u32 v21, $0x10;
	(erf) = vpow2.f32 v56;
	v61 =	vld [tilespmem:s6+$0xFFFFFFD0];
	v34 =	vadd.f32 $1.000000000e+00, v60  }
0x462: {  	v36 =	vadd.f32 v58, v36;
	v37 =	vld [tilespmem:s19+$0xFFFFFFD0];
	(erf) = vrcp.f32 v33  }
0x463: {  	v31 =	vand.u32 $0xFFFF0000, v31;
	v25 =	vsub.f32 $0.0e+00, v25;
	v62 =	vpop (erf);
	(erf) = vrcp.f32 v34  }
0x464: {  	v63 =	vsub.f32 $0.0e+00, v36;
	v32 =	vadd.f32 v55, v32;
	v31 =	vmul.f32 v31, v62  }
0x465: {  	v25 =	vmul.f32 $1.442695020e+00, v25;
	v42 =	vshll.u32 v8, $0x10  }
0x466: {  	v16 =	vld [tilespmem:s18+$0xFFFFFF40];
	v43 =	vpop (erf);
	v32 =	vadd.f32 v42, v32;
	v44 =	vadd.f32 v61, v59;
	[tilespmem:s14+$0xFFFFFFF0] =	vst v31;
	v31 =	vmul.f32 $1.442695020e+00, v63  }
0x467: {  	v45 =	vld [tilespmem:s14+$0x0];
	(erf) = vpow2.f32 v25;
	v25 =	vshll.u32 v37, $0x10;
	v34 =	vadd.f32 $1.000000000e+00, v43  }
0x468: {  	v32 =	vsub.f32 $0.0e+00, v32;
	v46 =	vpop (erf);
	v47 =	vld [tilespmem:s7+$0x0];
	(erf) = vpow2.f32 v31;
	v31 =	vadd.f32 v25, v44  }
0x469: {  	s23 =	simm.s32 $0x2B70;
	v48 =	vadd.f32 $1.000000000e+00, v46;
	v49 =	vpop (erf);
	v25 =	vld [tilespmem:s8+$0x0]  }
0x46a: {  	s4 =	simm.s32 $0x7B70;
	v51 =	vld [tilespmem:s23+$0xFFFFFF90];
	v32 =	vmul.f32 $1.442695020e+00, v32;
	v43 =	vpop (erf);
	(erf) = vrcp.f32 v34;
	v31 =	vsub.f32 $0.0e+00, v31  }
0x46b: {  	s28 =	simm.s32 $0x5370;
	v50 =	vld [tilespmem:s4+$0xFFFFFF90];
	v52 =	vadd.f32 $1.000000000e+00, v43;
	v43 =	vpop (erf);
	(erf) = vrcp.f32 v48  }
0x46c: {  	v30 =	vand.u32 $0xFFFF0000, v30;
	v34 =	vld [tilespmem:s28+$0xFFFFFF90];
	(erf) = vpow2.f32 v32;
	v31 =	vmul.f32 $1.442695020e+00, v31;
	v54 =	vpop (erf)  }
0x46d: {  	v53 =	vld [tilespmem:s4+$0xFFFFFF10];
	v39 =	vadd.f32 v47, v45;
	(erf) = vrcp.f32 v52;
	v30 =	vmul.f32 v30, v54  }
0x46e: {  	v44 =	vld [tilespmem:s23+$0xFFFFFF10];
	v45 =	vshll.u32 v25, $0x10;
	(erf) = vpow2.f32 v31  }
0x46f: {  	v36 =	vld [tilespmem:s28+$0xFFFFFF10];
	v31 =	vadd.f32 v45, v39  }
0x470: {  	v29 =	vand.u32 $0xFFFF0000, v29;
	v35 =	vand.u32 $0xFFFF0000, v35;
	v58 =	vld [tilespmem:s18+$0xFFFFFFC0];
	v55 =	vadd.f32 v51, v50;
	v56 =	vpop (erf);
	[tilespmem:s18+$0xFFFFFFB0] =	vst v30  }
0x471: {  	v59 =	vand.u32 $0xFFFF0000, v41;
	v57 =	vshll.u32 v34, $0x10;
	v31 =	vsub.f32 $0.0e+00, v31;
	v60 =	vld [tilespmem:s2+$0xFFFFFFC0];
	v30 =	vpop (erf)  }
0x472: {  	v18 =	vld [tilespmem:s18+$0xFFFFFF50];
	v29 =	vmul.f32 v29, v49;
	v33 =	vadd.f32 v57, v55;
	v30 =	vadd.f32 $1.000000000e+00, v30  }
0x473: {  	v44 =	vadd.f32 v44, v53;
	v61 =	vadd.f32 $1.000000000e+00, v56;
	v32 =	vld [tilespmem:s5+$0xFFFFFFC0];
	v45 =	vpop (erf);
	v31 =	vmul.f32 $1.442695020e+00, v31  }
0x474: {  	v7 =	vld [tilespmem:s18+$0xFFFFFF60];
	v33 =	vsub.f32 $0.0e+00, v33;
	v46 =	vpop (erf);
	(erf) = vrcp.f32 v30;
	v30 =	vshll.u32 v36, $0x10  }
0x475: {  	v2 =	vld [tilespmem:s18+$0xFFFFFF80];
	v35 =	vmul.f32 v35, v46;
	v62 =	vpop (erf);
	v30 =	vadd.f32 v30, v44;
	(erf) = vpow2.f32 v31  }
0x476: {  	v4 =	vld [tilespmem:s18+$0xFFFFFF70];
	[tilespmem:s3+$0xFFFFFF40] =	vst v29;
	v31 =	vmul.f32 $1.442695020e+00, v33;
	v63 =	vadd.f32 $1.000000000e+00, v62;
	v46 =	vpop (erf);
	v47 =	vadd.f32 v60, v58  }
0x477: {  	v48 =	vld [tilespmem:s0+$0xFFFFFFF0];
	[tilespmem:s0+$0xFFFFFFE0] =	vst v35;
	(erf) = vrcp.f32 v61;
	v29 =	vmul.f32 v59, v46;
	v30 =	vsub.f32 $0.0e+00, v30;
	v49 =	vpop (erf)  }
0x478: {  	(erf) = vpow2.f32 v31;
	v31 =	vshll.u32 v32, $0x10;
	v50 =	vld [tilespmem:s16+$0xFFFFFFF0];
	v38 =	vadd.f32 $1.000000000e+00, v49  }
0x479: {  	v33 =	vld [tilespmem:s11+$0xFFFFFFF0];
	(erf) = vrcp.f32 v63;
	v31 =	vadd.f32 v31, v47;
	v30 =	vmul.f32 $1.442695020e+00, v30  }
0x47a: {  	v20 =	vld [tilespmem:s21+$0xFFFFFF40];
	(erf) = vrcp.f32 v38  }
0x47b: {  	v51 =	vld [tilespmem:s6+$0xFFFFFF50];
	v52 =	vsub.f32 $0.0e+00, v31;
	(erf) = vpow2.f32 v30  }
0x47c: {  	v15 =	vld [tilespmem:s21+$0xFFFFFF50];
	v28 =	vand.u32 $0xFFFF0000, v28;
	v26 =	vand.u32 $0xFFFF0000, v26;
	[tilespmem:s18+$0xFFFFFF30] =	vst v29  }
0x47d: {  	v21 =	vand.u32 $0xFFFF0000, v21;
	v30 =	vld [tilespmem:s2+$0xFFFFFF40];
	v39 =	vmul.f32 $1.442695020e+00, v52;
	v53 =	vadd.f32 v50, v48;
	v29 =	vpop (erf)  }
0x47e: {  	v8 =	vand.u32 $0xFFFF0000, v8;
	v54 =	vmul.f32 v21, v29;
	v29 =	vld [tilespmem:s5+$0xFFFFFF40];
	v21 =	vshll.u32 v33, $0x10  }
0x47f: {  	v55 =	vand.u32 $0xFFFF0000, v27;
	v62 =	vld [tilespmem:s21+$0xFFFFFFB0];
	v56 =	vpop (erf);
	(erf) = vpow2.f32 v39;
	v57 =	vadd.f32 v21, v53  }
0x480: {  	v37 =	vand.u32 $0xFFFF0000, v37;
	v13 =	vadd.f32 v51, v13;
	v58 =	vmul.f32 v55, v43;
	v31 =	vld [tilespmem:s19+$0xFFFFFF50];
	v43 =	vpop (erf);
	[tilespmem:s21+$0xFFFFFFA0] =	vst v54  }
0x481: {  	v25 =	vand.u32 $0xFFFF0000, v25;
	v59 =	vadd.f32 $1.000000000e+00, v56;
	v61 =	vpop (erf);
	v39 =	vsub.f32 $0.0e+00, v57;
	v63 =	vld [tilespmem:s20+$0xFFFFFFB0]  }
0x482: {  	v45 =	vmul.f32 v28, v45;
	v47 =	vadd.f32 v30, v16;
	v41 =	vadd.f32 $1.000000000e+00, v61;
	v52 =	vpop (erf);
	v30 =	vld [tilespmem:s22+$0xFFFFFFB0]  }
0x483: {  	v23 =	vld [tilespmem:s21+$0xFFFFFF30];
	[tilespmem:s0+$0xFFFFFF50] =	vst v58;
	(erf) = vrcp.f32 v59;
	v48 =	vshll.u32 v29, $0x10;
	v39 =	vmul.f32 $1.442695020e+00, v39;
	v49 =	vpop (erf)  }
0x484: {  	v54 =	vld [tilespmem:s16+$0xFFFFFF60];
	(erf) = vrcp.f32 v41;
	v53 =	vadd.f32 v48, v47;
	v37 =	vmul.f32 v37, v49;
	v55 =	vpop (erf)  }
0x485: {  	v60 =	vshll.u32 v31, $0x10;
	v57 =	vld [tilespmem:s3+$0xFFFFFFE0];
	(erf) = vpow2.f32 v39;
	v38 =	vadd.f32 $1.000000000e+00, v55  }
0x486: {  	v8 =	vmul.f32 v8, v52;
	v39 =	vld [tilespmem:s11+$0xFFFFFF60];
	v40 =	vsub.f32 $0.0e+00, v53;
	[tilespmem:s3+$0xFFFFFFD0] =	vst v37;
	v56 =	vadd.f32 v63, v62  }
0x487: {  	v34 =	vand.u32 $0xFFFF0000, v34;
	[tilespmem:s14+$0xFFFFFF60] =	vst v45;
	v13 =	vadd.f32 v60, v13;
	v58 =	vshll.u32 v30, $0x10;
	v60 =	vld [tilespmem:s6+$0xFFFFFFE0]  }
0x488: {  	[tilespmem:s21+$0xFFFFFF20] =	vst v8;
	(erf) = vrcp.f32 v38;
	v59 =	vpop (erf);
	v28 =	vld [tilespmem:s19+$0xFFFFFFE0];
	v40 =	vmul.f32 $1.442695020e+00, v40;
	v8 =	vadd.f32 v58, v56  }
0x489: {  	v36 =	vand.u32 $0xFFFF0000, v36;
	v13 =	vsub.f32 $0.0e+00, v13;
	v49 =	vld [tilespmem:s7+$0xFFFFFF70];
	v61 =	vadd.f32 $1.000000000e+00, v59  }
0x48a: {  	v11 =	vadd.f32 v54, v11;
	v41 =	vld [tilespmem:s22+$0xFFFFFF30];
	(erf) = vpow2.f32 v40;
	v8 =	vsub.f32 $0.0e+00, v8  }
0x48b: {  	v62 =	vld [tilespmem:s20+$0xFFFFFF30];
	v63 =	vmul.f32 $1.442695020e+00, v13;
	v48 =	vshll.u32 v39, $0x10;
	(erf) = vrcp.f32 v61  }
0x48c: {  	v32 =	vand.u32 $0xFFFF0000, v32;
	v37 =	vpop (erf);
	v40 =	vadd.f32 v48, v11;
	v8 =	vmul.f32 $1.442695020e+00, v8  }
0x48d: {  	v47 =	vld [tilespmem:s8+$0xFFFFFF70];
	(erf) = vpow2.f32 v63;
	v50 =	vpop (erf);
	v42 =	vadd.f32 v60, v57;
	v51 =	vshll.u32 v28, $0x10  }
0x48e: {  	v34 =	vmul.f32 v34, v50;
	v40 =	vsub.f32 $0.0e+00, v40;
	v52 =	vpop (erf);
	(erf) = vpow2.f32 v8  }
0x48f: {  	v33 =	vand.u32 $0xFFFF0000, v33;
	v42 =	vadd.f32 v51, v42;
	v53 =	vadd.f32 $1.000000000e+00, v52  }
0x490: {  	v55 =	vld [tilespmem:s4+$0xFFFFFFA0];
	v17 =	vadd.f32 v49, v17;
	v54 =	vshll.u32 v41, $0x10;
	v23 =	vadd.f32 v62, v23;
	[tilespmem:s4+$0xFFFFFF90] =	vst v34  }
0x491: {  	v40 =	vmul.f32 $1.442695020e+00, v40;
	v56 =	vpop (erf);
	v42 =	vsub.f32 $0.0e+00, v42;
	v57 =	vld [tilespmem:s23+$0xFFFFFFA0];
	(erf) = vrcp.f32 v53  }
0x492: {  	v59 =	vshll.u32 v47, $0x10;
	v34 =	vadd.f32 v54, v23;
	v23 =	vld [tilespmem:s28+$0xFFFFFFA0];
	v36 =	vmul.f32 v36, v56  }
0x493: {  	v9 =	vld [tilespmem:s21+$0xFFFFFF60];
	v62 =	vand.u32 $0xFFFF0000, v22;
	(erf) = vpow2.f32 v40;
	v42 =	vmul.f32 $1.442695020e+00, v42;
	v58 =	vpop (erf)  }
0x494: {  	v35 =	vld [tilespmem:s4+$0xFFFFFF20];
	v17 =	vadd.f32 v59, v17;
	v63 =	vmul.f32 v26, v43;
	v34 =	vsub.f32 $0.0e+00, v34;
	[tilespmem:s4+$0xFFFFFF10] =	vst v36;
	v60 =	vpop (erf)  }
0x495: {  	v40 =	vadd.f32 $1.000000000e+00, v58;
	v61 =	vld [tilespmem:s23+$0xFFFFFF20];
	(erf) = vpow2.f32 v42;
	v32 =	vmul.f32 v32, v60  }
0x496: {  	v17 =	vsub.f32 $0.0e+00, v17;
	v34 =	vmul.f32 $1.442695020e+00, v34;
	v22 =	vld [tilespmem:s28+$0xFFFFFF20];
	v26 =	vpop (erf);
	v38 =	vadd.f32 v57, v55  }
0x497: {  	v49 =	vld [tilespmem:s18+$0xFFFFFFD0];
	v48 =	vshll.u32 v23, $0x10;
	(erf) = vrcp.f32 v40;
	v50 =	vadd.f32 $1.000000000e+00, v26;
	[tilespmem:s18+$0xFFFFFFC0] =	vst v32;
	v26 =	vpop (erf)  }
0x498: {  	v32 =	vadd.f32 v48, v38;
	(erf) = vpow2.f32 v34;
	v51 =	vld [tilespmem:s2+$0xFFFFFFD0];
	v52 =	vadd.f32 $1.000000000e+00, v26  }
0x499: {  	s29 =	simm.s32 $0x5470;
	v29 =	vand.u32 $0xFFFF0000, v29;
	v17 =	vmul.f32 $1.442695020e+00, v17;
	v26 =	vld [tilespmem:s5+$0xFFFFFFD0];
	(erf) = vrcp.f32 v50  }
0x49a: {  	v46 =	vld [tilespmem:s29+$0xFFFFFF10];
	[tilespmem:s10+$0xFFFFFF70] =	vst v63;
	v53 =	vadd.f32 v61, v35;
	v32 =	vsub.f32 $0.0e+00, v32;
	v54 =	vpop (erf);
	(erf) = vrcp.f32 v52  }
0x49b: {  	v42 =	vld [tilespmem:s1+$0xFFFFFF80];
	v38 =	vand.u32 $0xFFFF0000, v31;
	v55 =	vshll.u32 v22, $0x10;
	v33 =	vmul.f32 v33, v54  }
0x49c: {  	v57 =	vld [tilespmem:s0+$0x0];
	v35 =	vmul.f32 v62, v24;
	v31 =	vpop (erf);
	v36 =	vadd.f32 v55, v53;
	v32 =	vmul.f32 $1.442695020e+00, v32  }
0x49d: {  	v24 =	vld [tilespmem:s25+$0xFFFFFF80];
	(erf) = vpow2.f32 v17;
	v31 =	vadd.f32 $1.000000000e+00, v31;
	[tilespmem:s0+$0xFFFFFFF0] =	vst v33;
	v56 =	vadd.f32 v51, v49  }
0x49e: {  	v17 =	vpop (erf);
	(erf) = vpow2.f32 v32;
	v58 =	vshll.u32 v26, $0x10;
	v36 =	vsub.f32 $0.0e+00, v36;
	v59 =	vld [tilespmem:s16+$0x0]  }
0x49f: {  	s26 =	simm.s32 $0x2C70;
	v30 =	vand.u32 $0xFFFF0000, v30;
	v60 =	vadd.f32 $1.000000000e+00, v17;
	v17 =	vld [tilespmem:s11+$0x0];
	v32 =	vadd.f32 v58, v56  }
0x4a0: {  	s24 =	simm.s32 $0x7C70;
	v44 =	vand.u32 $0xFFFF0000, v47;
	v48 =	vld [tilespmem:s26+$0xFFFFFF90];
	(erf) = vrcp.f32 v31;
	v61 =	vpop (erf);
	v63 =	vmul.f32 $1.442695020e+00, v36  }
0x4a1: {  	v62 =	vld [tilespmem:s24+$0xFFFFFF90];
	v36 =	vmul.f32 v25, v37;
	(erf) = vrcp.f32 v60;
	v49 =	vpop (erf);
	v32 =	vsub.f32 $0.0e+00, v32  }
0x4a2: {  	v31 =	vld [tilespmem:s29+$0xFFFFFF90];
	v25 =	vand.u32 $0xFFFF0000, v41;
	v50 =	vadd.f32 $1.000000000e+00, v49;
	v41 =	vpop (erf);
	(erf) = vpow2.f32 v63  }
0x4a3: {  	v53 =	vld [tilespmem:s26+$0xFFFFFF10];
	v12 =	vadd.f32 v24, v12;
	v32 =	vmul.f32 $1.442695020e+00, v32;
	v52 =	vpop (erf);
	v34 =	vadd.f32 v59, v57  }
0x4a4: {  	v51 =	vld [tilespmem:s24+$0xFFFFFF10];
	(erf) = vrcp.f32 v50;
	v24 =	vshll.u32 v17, $0x10;
	v30 =	vmul.f32 v30, v52  }
0x4a5: {  	v6 =	vld [tilespmem:s21+$0xFFFFFF70];
	v28 =	vand.u32 $0xFFFF0000, v28;
	(erf) = vpow2.f32 v32;
	v24 =	vadd.f32 v24, v34  }
0x4a6: {  	v54 =	vshll.u32 v42, $0x10;
	v33 =	vand.u32 $0xFFFF0000, v39;
	v55 =	vadd.f32 v48, v62;
	v58 =	vld [tilespmem:s21+$0xFFFFFFC0];
	v56 =	vpop (erf);
	[tilespmem:s21+$0xFFFFFFB0] =	vst v30  }
0x4a7: {  	v12 =	vadd.f32 v54, v12;
	v30 =	vshll.u32 v31, $0x10;
	v57 =	vpop (erf);
	v24 =	vsub.f32 $0.0e+00, v24;
	v59 =	vld [tilespmem:s20+$0xFFFFFFC0]  }
0x4a8: {  	v62 =	vshll.u32 v46, $0x10;
	v34 =	vadd.f32 v30, v55;
	v32 =	vadd.f32 $1.000000000e+00, v57;
	v30 =	vld [tilespmem:s22+$0xFFFFFFC0]  }
0x4a9: {  	v5 =	vld [tilespmem:s21+$0xFFFFFF80];
	v29 =	vmul.f32 v29, v61;
	v40 =	vadd.f32 v53, v51;
	v60 =	vpop (erf);
	v24 =	vmul.f32 $1.442695020e+00, v24  }
0x4aa: {  	v27 =	vld [tilespmem:s4+$0xFFFFFF30];
	v38 =	vmul.f32 v38, v41;
	v61 =	vpop (erf);
	v34 =	vsub.f32 $0.0e+00, v34;
	(erf) = vrcp.f32 v32  }
0x4ab: {  	v21 =	vld [tilespmem:s4+$0xFFFFFF40];
	v37 =	vadd.f32 $1.000000000e+00, v56;
	v28 =	vmul.f32 v28, v61;
	v63 =	vpop (erf);
	(erf) = vpow2.f32 v24  }
0x4ac: {  	v16 =	vld [tilespmem:s4+$0xFFFFFF50];
	v24 =	vadd.f32 v62, v40;
	v48 =	vmul.f32 $1.442695020e+00, v34;
	v49 =	vadd.f32 v59, v58  }
0x4ad: {  	v51 =	vld [tilespmem:s3+$0xFFFFFFF0];
	[tilespmem:s3+$0xFFFFFFE0] =	vst v28;
	v28 =	vadd.f32 $1.000000000e+00, v63;
	v50 =	vpop (erf);
	(erf) = vrcp.f32 v37;
	v52 =	vshll.u32 v30, $0x10  }
0x4ae: {  	v24 =	vsub.f32 $0.0e+00, v24;
	(erf) = vpow2.f32 v48;
	v54 =	vld [tilespmem:s6+$0xFFFFFFF0];
	v53 =	vpop (erf);
	v32 =	vadd.f32 v52, v49  }
0x4af: {  	[tilespmem:s18+$0xFFFFFF40] =	vst v29;
	v12 =	vsub.f32 $0.0e+00, v12;
	v37 =	vld [tilespmem:s19+$0xFFFFFFF0];
	v25 =	vmul.f32 v25, v50;
	v55 =	vadd.f32 $1.000000000e+00, v53  }
0x4b0: {  	v57 =	vld [tilespmem:s5+$0xFFFFFF50];
	(erf) = vrcp.f32 v28;
	v24 =	vmul.f32 $1.442695020e+00, v24;
	v29 =	vsub.f32 $0.0e+00, v32  }
0x4b1: {  	v26 =	vand.u32 $0xFFFF0000, v26;
	v12 =	vmul.f32 $1.442695020e+00, v12;
	v28 =	vld [tilespmem:s2+$0xFFFFFF50];
	[tilespmem:s21+$0xFFFFFF30] =	vst v25;
	(erf) = vrcp.f32 v55  }
0x4b2: {  	v56 =	vand.u32 $0xFFFF0000, v22;
	(erf) = vpow2.f32 v24;
	v24 =	vld [tilespmem:s20+$0xFFFFFF40];
	v22 =	vmul.f32 $1.442695020e+00, v29  }
0x4b3: {  	[tilespmem:s3+$0xFFFFFF50] =	vst v38;
	v39 =	vmul.f32 v33, v60;
	v59 =	vld [tilespmem:s22+$0xFFFFFF40];
	v25 =	vadd.f32 v54, v51;
	v58 =	vpop (erf);
	(erf) = vpow2.f32 v12  }
0x4b4: {  	v43 =	vld [tilespmem:s19+$0xFFFFFF60];
	v29 =	vand.u32 $0xFFFF0000, v23;
	v60 =	vshll.u32 v37, $0x10;
	v61 =	vpop (erf);
	(erf) = vpow2.f32 v22  }
0x4b5: {  	v13 =	vld [tilespmem:s4+$0xFFFFFF60];
	v29 =	vmul.f32 v29, v58;
	v25 =	vadd.f32 v60, v25;
	v40 =	vadd.f32 $1.000000000e+00, v61  }
0x4b6: {  	v11 =	vld [tilespmem:s4+$0xFFFFFF70];
	v38 =	vand.u32 $0xFFFF0000, v46;
	v12 =	vand.u32 $0xFFFF0000, v42;
	v18 =	vadd.f32 v28, v18;
	v62 =	vpop (erf)  }
0x4b7: {  	v48 =	vld [tilespmem:s4+$0xFFFFFFB0];
	[tilespmem:s4+$0xFFFFFFA0] =	vst v29;
	v63 =	vpop (erf);
	v29 =	vsub.f32 $0.0e+00, v25;
	(erf) = vrcp.f32 v40;
	v20 =	vadd.f32 v24, v20  }
0x4b8: {  	v55 =	vld [tilespmem:s6+$0xFFFFFF60];
	v28 =	vshll.u32 v57, $0x10;
	v52 =	vshll.u32 v59, $0x10;
	v49 =	vadd.f32 $1.000000000e+00, v63  }
0x4b9: {  	v58 =	vshll.u32 v43, $0x10;
	v50 =	vld [tilespmem:s23+$0xFFFFFFB0];
	v51 =	vpop (erf);
	v29 =	vmul.f32 $1.442695020e+00, v29;
	v53 =	vadd.f32 v52, v20  }
0x4ba: {  	v28 =	vadd.f32 v28, v18;
	v25 =	vand.u32 $0xFFFF0000, v57;
	v24 =	vld [tilespmem:s28+$0xFFFFFFB0];
	(erf) = vrcp.f32 v49;
	v54 =	vpop (erf)  }
0x4bb: {  	v8 =	vld [tilespmem:s4+$0xFFFFFF80];
	v32 =	vmul.f32 v56, v51;
	(erf) = vpow2.f32 v29;
	v56 =	vpop (erf);
	v40 =	vsub.f32 $0.0e+00, v53  }
0x4bc: {  	[tilespmem:s10+$0x0] =	vst v35;
	v35 =	vld [tilespmem:s3+$0x0];
	v42 =	vmul.f32 v44, v62;
	v26 =	vmul.f32 v26, v54;
	v57 =	vadd.f32 $1.000000000e+00, v56;
	v33 =	vpop (erf)  }
0x4bd: {  	v28 =	vsub.f32 $0.0e+00, v28;
	v29 =	vand.u32 $0xFFFF0000, v59;
	v59 =	vld [tilespmem:s18+$0xFFFFFFE0];
	[tilespmem:s4+$0xFFFFFF20] =	vst v32;
	v40 =	vmul.f32 $1.442695020e+00, v40;
	v60 =	vpop (erf)  }
0x4be: {  	[tilespmem:s18+$0xFFFFFFD0] =	vst v26;
	v26 =	vadd.f32 v50, v48;
	v50 =	vld [tilespmem:s23+$0xFFFFFF30];
	(erf) = vrcp.f32 v57;
	v46 =	vadd.f32 $1.000000000e+00, v60  }
0x4bf: {  	v19 =	vadd.f32 v55, v19;
	v61 =	vshll.u32 v24, $0x10;
	v62 =	vld [tilespmem:s2+$0xFFFFFFE0];
	(erf) = vpow2.f32 v40  }
0x4c0: {  	v49 =	vmul.f32 $1.442695020e+00, v28;
	v28 =	vld [tilespmem:s5+$0xFFFFFFE0];
	v63 =	vadd.f32 v61, v26;
	v51 =	vpop (erf);
	(erf) = vrcp.f32 v46  }
0x4c1: {  	v19 =	vadd.f32 v58, v19;
	v52 =	vld [tilespmem:s28+$0xFFFFFF30]  }
0x4c2: {  	v17 =	vand.u32 $0xFFFF0000, v17;
	v31 =	vand.u32 $0xFFFF0000, v31;
	v34 =	vld [tilespmem:s24+$0xFFFFFF20];
	v32 =	vsub.f32 $0.0e+00, v63  }
0x4c3: {  	[tilespmem:s0+$0xFFFFFF60] =	vst v39;
	v30 =	vand.u32 $0xFFFF0000, v30;
	v23 =	vld [tilespmem:s24+$0xFFFFFF30];
	v19 =	vsub.f32 $0.0e+00, v19;
	(erf) = vpow2.f32 v49;
	v54 =	vpop (erf)  }
0x4c4: {  	v53 =	vld [tilespmem:s16+$0xFFFFFF70];
	v32 =	vmul.f32 $1.442695020e+00, v32;
	v55 =	vadd.f32 v62, v59;
	v31 =	vmul.f32 v31, v54;
	v56 =	vpop (erf)  }
0x4c5: {  	v57 =	vld [tilespmem:s11+$0xFFFFFF70];
	v27 =	vadd.f32 v50, v27;
	v58 =	vshll.u32 v28, $0x10;
	v41 =	vadd.f32 $1.000000000e+00, v56  }
0x4c6: {  	v60 =	vld [tilespmem:s24+$0xFFFFFFA0];
	(erf) = vpow2.f32 v32;
	v44 =	vadd.f32 v58, v55;
	[tilespmem:s24+$0xFFFFFF90] =	vst v31;
	v31 =	vshll.u32 v52, $0x10  }
0x4c7: {  	v19 =	vmul.f32 $1.442695020e+00, v19;
	v26 =	vand.u32 $0xFFFF0000, v43;
	v27 =	vadd.f32 v31, v27;
	v31 =	vld [tilespmem:s29+$0xFFFFFFA0];
	v62 =	vpop (erf)  }
0x4c8: {  	v43 =	vmul.f32 v17, v51;
	(erf) = vrcp.f32 v41;
	v61 =	vld [tilespmem:s26+$0xFFFFFFA0];
	v44 =	vsub.f32 $0.0e+00, v44;
	v63 =	vpop (erf)  }
0x4c9: {  	v22 =	vld [tilespmem:s24+$0xFFFFFF40];
	(erf) = vpow2.f32 v19;
	v19 =	vadd.f32 v53, v14;
	v38 =	vmul.f32 v38, v62;
	v49 =	vpop (erf)  }
0x4ca: {  	v18 =	vld [tilespmem:s24+$0xFFFFFF60];
	[tilespmem:s14+$0xFFFFFF70] =	vst v42;
	v48 =	vsub.f32 $0.0e+00, v27;
	v27 =	vmul.f32 $1.442695020e+00, v44;
	v30 =	vmul.f32 v30, v49  }
0x4cb: {  	v59 =	vld [tilespmem:s7+$0xFFFFFF80];
	v50 =	vshll.u32 v57, $0x10;
	v32 =	vand.u32 $0xFFFF0000, v52;
	v51 =	vadd.f32 $1.000000000e+00, v63;
	[tilespmem:s24+$0xFFFFFF10] =	vst v38  }
0x4cc: {  	v19 =	vadd.f32 v50, v19;
	v52 =	vld [tilespmem:s26+$0xFFFFFF20];
	(erf) = vpow2.f32 v27;
	[tilespmem:s21+$0xFFFFFFC0] =	vst v30;
	v30 =	vshll.u32 v31, $0x10  }
0x4cd: {  	v53 =	vpop (erf);
	v55 =	vmul.f32 $1.442695020e+00, v48;
	v54 =	vld [tilespmem:s29+$0xFFFFFF20];
	v39 =	vadd.f32 v61, v60;
	(erf) = vrcp.f32 v51  }
0x4ce: {  	v37 =	vand.u32 $0xFFFF0000, v37;
	v56 =	vld [tilespmem:s21+$0xFFFFFFD0];
	v27 =	vand.u32 $0xFFFF0000, v57;
	v42 =	vadd.f32 $1.000000000e+00, v53  }
0x4cf: {  	v19 =	vsub.f32 $0.0e+00, v19;
	v39 =	vadd.f32 v30, v39;
	(erf) = vpow2.f32 v55;
	v57 =	vld [tilespmem:s20+$0xFFFFFFD0];
	v30 =	vpop (erf)  }
0x4d0: {  	v38 =	vadd.f32 v59, v10;
	(erf) = vrcp.f32 v42;
	v10 =	vadd.f32 $1.000000000e+00, v30;
	v30 =	vld [tilespmem:s22+$0xFFFFFFD0]  }
0x4d1: {  	v20 =	vld [tilespmem:s24+$0xFFFFFF50];
	v19 =	vmul.f32 $1.442695020e+00, v19;
	v39 =	vsub.f32 $0.0e+00, v39;
	v58 =	vpop (erf);
	v41 =	vadd.f32 v52, v34  }
0x4d2: {  	v59 =	vshll.u32 v54, $0x10;
	v37 =	vmul.f32 v37, v58;
	(erf) = vrcp.f32 v10;
	v10 =	vld [tilespmem:s8+$0xFFFFFF80]  }
0x4d3: {  	v17 =	vld [tilespmem:s24+$0xFFFFFF70];
	v34 =	vand.u32 $0xFFFF0000, v54;
	v60 =	vpop (erf);
	v61 =	vmul.f32 $1.442695020e+00, v39;
	v40 =	vadd.f32 v59, v41  }
0x4d4: {  	v14 =	vld [tilespmem:s24+$0xFFFFFF80];
	v62 =	vadd.f32 v57, v56;
	v42 =	vadd.f32 $1.000000000e+00, v60;
	[tilespmem:s3+$0xFFFFFFF0] =	vst v37;
	(erf) = vpow2.f32 v19  }
0x4d5: {  	s30 =	simm.s32 $0xE;
	[tilespmem:s14+$0x0] =	vst v36;
	v39 =	vsub.f32 $0.0e+00, v40;
	(erf) = vpow2.f32 v61;
	v63 =	vpop (erf);
	v36 =	vld [tilespmem:s6+$0x0];
	v19 =	vshll.u32 v30, $0x10  }
0x4d6: {  	s1 =	simm.s32 $0x5470;
	s25 =	simm.s32 $0x2C70;
	[tilespmem:s0+$0x0] =	vst v43;
	s7 =	simm.s32 $0x7D70;
	v37 =	vpop (erf);
	v41 =	vadd.f32 $1.000000000e+00, v63;
	(erf) = vrcp.f32 v42;
	v40 =	vadd.f32 v19, v62;
	v19 =	vld [tilespmem:s19+$0x0]  }
.LBB2_6:
0x4d7: {  	v42 =	vld [tilespmem:s7+$0xFFFFFF90];
	v39 =	vmul.f32 $1.442695020e+00, v39;
	s26 =	sadd.s32 $0x100, s26;
	v45 =	vmul.f32 v29, v37;
	v37 =	vshll.u32 v10, $0x10  }
0x4d8: {  	s29 =	sadd.s32 $0x100, s29;
	v43 =	vld [tilespmem:s26+$0xFFFFFF90];
	v44 =	vpop (erf);
	v40 =	vsub.f32 $0.0e+00, v40;
	(erf) = vrcp.f32 v41;
	v37 =	vadd.f32 v37, v38  }
0x4d9: {  	s30 =	sadd.s32 $0x2, s30;
	v33 =	vadd.f32 $1.000000000e+00, v33;
	v38 =	vld [tilespmem:s29+$0xFFFFFF90];
	(erf) = vpow2.f32 v39;
	v39 =	vadd.f32 $1.000000000e+00, v44;
	[tilespmem:s21+$0xFFFFFF40] =	vst v45;
	v29 =	vpop (erf)  }
0x4da: {  	p0 =	slt.u32 s30, $0x26;
	v41 =	vld [tilespmem:s7+$0xFFFFFF10];
	v40 =	vmul.f32 $1.442695020e+00, v40;
	v25 =	vmul.f32 v25, v29;
	v29 =	vadd.f32 v36, v35  }
0x4db: {  	v24 =	vand.u32 $0xFFFF0000, v24;
	v36 =	vld [tilespmem:s26+$0xFFFFFF10];
	(erf) = vrcp.f32 v39;
	v35 =	vpop (erf);
	v45 =	vshll.u32 v19, $0x10  }
0x4dc: {  	v44 =	vld [tilespmem:s29+$0xFFFFFF10];
	v24 =	vmul.f32 v24, v35;
	(erf) = vpow2.f32 v40;
	[tilespmem:s18+$0xFFFFFF50] =	vst v25;
	v25 =	vadd.f32 v45, v29  }
0x4dd: {  	v37 =	vsub.f32 $0.0e+00, v37;
	v35 =	vld [tilespmem:s7+$0xFFFFFF20];
	v29 =	vadd.f32 v43, v42;
	v39 =	vpop (erf);
	(erf) = vrcp.f32 v33  }
0x4de: {  	v33 =	vshll.u32 v38, $0x10;
	v40 =	vpop (erf);
	[tilespmem:s4+$0xFFFFFFB0] =	vst v24;
	v24 =	vld [tilespmem:s4+$0xFFFFFFC0];
	v25 =	vsub.f32 $0.0e+00, v25;
	v42 =	vadd.f32 $1.000000000e+00, v39  }
0x4df: {  	v45 =	vmul.f32 $1.442695020e+00, v37;
	v29 =	vadd.f32 v33, v29;
	v46 =	vadd.f32 $1.000000000e+00, v40;
	v43 =	vld [tilespmem:s23+$0xFFFFFFC0];
	v39 =	vpop (erf)  }
0x4e0: {  	v36 =	vadd.f32 v36, v41;
	v37 =	vld [tilespmem:s28+$0xFFFFFFC0];
	v26 =	vmul.f32 v26, v39;
	v25 =	vmul.f32 $1.442695020e+00, v25  }
0x4e1: {  	v28 =	vand.u32 $0xFFFF0000, v28;
	v40 =	vld [tilespmem:s7+$0xFFFFFF30];
	v29 =	vsub.f32 $0.0e+00, v29;
	(erf) = vrcp.f32 v46;
	v33 =	vpop (erf)  }
0x4e2: {  	v48 =	vshll.u32 v44, $0x10;
	v46 =	vld [tilespmem:s7+$0xFFFFFF40];
	v47 =	vpop (erf);
	v28 =	vmul.f32 v28, v33;
	[tilespmem:s3+$0xFFFFFF60] =	vst v26;
	(erf) = vpow2.f32 v25  }
0x4e3: {  	v39 =	vand.u32 $0xFFFF0000, v44;
	v25 =	vadd.f32 v48, v36;
	v26 =	vmul.f32 $1.442695020e+00, v29;
	v29 =	vld [tilespmem:s20+$0xFFFFFF50]  }
0x4e4: {  	v44 =	vadd.f32 $1.000000000e+00, v47;
	v24 =	vadd.f32 v43, v24;
	v41 =	vpop (erf);
	[tilespmem:s18+$0xFFFFFFE0] =	vst v28;
	v28 =	vld [tilespmem:s18+$0xFFFFFFF0];
	(erf) = vrcp.f32 v42  }
0x4e5: {  	v25 =	vsub.f32 $0.0e+00, v25;
	(erf) = vpow2.f32 v26;
	v26 =	vshll.u32 v37, $0x10;
	v36 =	vpop (erf);
	v42 =	vld [tilespmem:s2+$0xFFFFFFF0]  }
0x4e6: {  	(erf) = vrcp.f32 v44;
	v24 =	vadd.f32 v26, v24;
	v26 =	vadd.f32 $1.000000000e+00, v36;
	v36 =	vld [tilespmem:s5+$0xFFFFFFF0];
	v33 =	vpop (erf)  }
0x4e7: {  	v10 =	vand.u32 $0xFFFF0000, v10;
	v32 =	vmul.f32 v32, v41;
	v44 =	vmul.f32 $1.442695020e+00, v25;
	v43 =	vld [tilespmem:s7+$0xFFFFFF50]  }
0x4e8: {  	v24 =	vsub.f32 $0.0e+00, v24;
	v41 =	vld [tilespmem:s22+$0xFFFFFF50];
	v29 =	vadd.f32 v29, v15;
	(erf) = vrcp.f32 v26;
	v15 =	vmovc v16;
	v16 =	vmovc v20  }
0x4e9: {  	(erf) = vpow2.f32 v44;
	[tilespmem:s4+$0xFFFFFF30] =	vst v32;
	v32 =	vld [tilespmem:s2+$0xFFFFFF60];
	v44 =	vmul.f32 v12, v33;
	v12 =	vmov v10  }
0x4ea: {  	v10 =	vand.u32 $0xFFFF0000, v31;
	v25 =	vpop (erf);
	v26 =	vld [tilespmem:s23+$0xFFFFFF40];
	v24 =	vmul.f32 $1.442695020e+00, v24;
	v28 =	vadd.f32 v42, v28  }
0x4eb: {  	v10 =	vmul.f32 v10, v25;
	v31 =	vld [tilespmem:s28+$0xFFFFFF40];
	v25 =	vshll.u32 v36, $0x10;
	v33 =	vpop (erf);
	(erf) = vpow2.f32 v45;
	[tilespmem:s10+$0xFFFFFF80] =	vst v44;
	s10 =	smov.u32 s14;
	s14 =	smov.u32 s0;
	s0 =	smov.u32 s3  }
0x4ec: {  	s3 =	smov.u32 s18;
	s18 =	smov.u32 s21;
	s21 =	smov.u32 s4;
	v42 =	vld [tilespmem:s7+$0xFFFFFF60];
	(erf) = vpow2.f32 v24;
	v45 =	vadd.f32 v25, v28;
	v28 =	vadd.f32 $1.000000000e+00, v33;
	v20 =	vmovc v43  }
0x4ed: {  	s4 =	smov.u32 s24;
	s24 =	smov.u32 s7;
	v33 =	vshll.u32 v41, $0x10;
	v25 =	vand.u32 $0xFFFF0000, v41;
	v41 =	vld [tilespmem:s5+$0xFFFFFF60];
	v43 =	vpop (erf)  }
0x4ee: {  	v44 =	vpop (erf);
	[tilespmem:s4+$0xFFFFFFA0] =	vst v10;
	v10 =	vld [tilespmem:s4+$0xFFFFFFB0];
	v33 =	vadd.f32 v33, v29;
	v29 =	vsub.f32 $0.0e+00, v45;
	(erf) = vrcp.f32 v28  }
0x4ef: {  	v47 =	vmul.f32 v27, v43;
	v28 =	vadd.f32 $1.000000000e+00, v44;
	v44 =	vld [tilespmem:s25+$0xFFFFFFB0];
	v24 =	vpop (erf);
	v26 =	vadd.f32 v26, v21  }
0x4f0: {  	v21 =	vmovc v22;
	v22 =	vmovc v46;
	v34 =	vmul.f32 v34, v24;
	v24 =	vld [tilespmem:s1+$0xFFFFFFB0];
	v43 =	vshll.u32 v31, $0x10;
	v45 =	vmul.f32 $1.442695020e+00, v29  }
0x4f1: {  	(erf) = vrcp.f32 v28;
	v26 =	vadd.f32 v43, v26;
	v28 =	vand.u32 $0xFFFF0000, v30;
	v30 =	vpop (erf);
	v43 =	vld [tilespmem:s6+$0xFFFFFF70];
	[tilespmem:s14+$0xFFFFFF70] =	vst v47  }
0x4f2: {  	v29 =	vand.u32 $0xFFFF0000, v31;
	v46 =	vld [tilespmem:s7+$0xFFFFFF70];
	v27 =	vpop (erf);
	[tilespmem:s4+$0xFFFFFF20] =	vst v34;
	v47 =	vmul.f32 v28, v30;
	(erf) = vpow2.f32 v45  }
0x4f3: {  	v34 =	vshll.u32 v41, $0x10;
	v27 =	vadd.f32 $1.000000000e+00, v27;
	v30 =	vld [tilespmem:s25+$0xFFFFFF30];
	v31 =	vsub.f32 $0.0e+00, v26  }
0x4f4: {  	v26 =	vand.u32 $0xFFFF0000, v41;
	v10 =	vadd.f32 v44, v10;
	v44 =	vsub.f32 $0.0e+00, v33;
	[tilespmem:s18+$0xFFFFFFD0] =	vst v47;
	v45 =	vld [tilespmem:s18+$0xFFFFFFE0];
	v33 =	vpop (erf)  }
0x4f5: {  	(erf) = vrcp.f32 v27;
	v27 =	vshll.u32 v24, $0x10;
	v31 =	vmul.f32 $1.442695020e+00, v31;
	v28 =	vpop (erf);
	v41 =	vld [tilespmem:s20+$0xFFFFFFE0]  }
0x4f6: {  	v10 =	vadd.f32 v27, v10;
	v27 =	vadd.f32 $1.000000000e+00, v28;
	v44 =	vmul.f32 $1.442695020e+00, v44;
	v28 =	vld [tilespmem:s22+$0xFFFFFFE0]  }
0x4f7: {  	v47 =	vld [tilespmem:s1+$0xFFFFFF30];
	(erf) = vpow2.f32 v31;
	v31 =	vadd.f32 v32, v7;
	v32 =	vand.u32 $0xFFFF0000, v19;
	v19 =	vpop (erf)  }
0x4f8: {  	v7 =	vmovc v9;
	v9 =	vmovc v13;
	v10 =	vsub.f32 $0.0e+00, v10;
	(erf) = vrcp.f32 v27;
	v27 =	vld [tilespmem:s19+$0xFFFFFF70];
	v19 =	vmul.f32 v32, v19  }
0x4f9: {  	v13 =	vmovc v18;
	v30 =	vadd.f32 v30, v23;
	v23 =	vmovc v40;
	(erf) = vpow2.f32 v44;
	v31 =	vadd.f32 v34, v31;
	v34 =	vld [tilespmem:s16+$0xFFFFFF80];
	s16 =	smov.u32 s6;
	s6 =	smov.u32 s2;
	s2 =	smov.u32 s20  }
0x4fa: {  	v49 =	vand.u32 $0xFFFF0000, v38;
	s20 =	smov.u32 s23;
	s23 =	smov.u32 s25;
	s25 =	smov.u32 s26;
	v40 =	vld [tilespmem:s7+$0xFFFFFF80];
	v32 =	vpop (erf);
	v38 =	vmul.f32 $1.442695020e+00, v10;
	v41 =	vadd.f32 v41, v45;
	[tilespmem:s0+$0x0] =	vst v19  }
0x4fb: {  	v19 =	vmul.f32 v49, v32;
	v44 =	vshll.u32 v28, $0x10;
	v48 =	vsub.f32 $0.0e+00, v31;
	v32 =	vpop (erf);
	v10 =	vld [tilespmem:s11+$0xFFFFFF80];
	s11 =	smov.u32 s19;
	s19 =	smov.u32 s5;
	s5 =	smov.u32 s22  }
0x4fc: {  	v18 =	vmovc v42;
	s22 =	smov.u32 s28;
	s28 =	smov.u32 s1;
	s1 =	smov.u32 s29;
	(erf) = vpow2.f32 v38;
	v38 =	vadd.f32 v44, v41;
	v41 =	vadd.f32 $1.000000000e+00, v32  }
0x4fd: {  	v42 =	vshll.u32 v47, $0x10;
	v32 =	vand.u32 $0xFFFF0000, v47;
	[tilespmem:s7+$0xFFFFFF90] =	vst v19;
	v19 =	vld [tilespmem:s7+$0xFFFFFFA0];
	v44 =	vmul.f32 $1.442695020e+00, v48  }
0x4fe: {  	v42 =	vadd.f32 v42, v30;
	v45 =	vld [tilespmem:s26+$0xFFFFFFA0];
	v31 =	vpop (erf);
	v38 =	vsub.f32 $0.0e+00, v38;
	(erf) = vrcp.f32 v41  }
0x4ff: {  	v41 =	vadd.f32 v43, v3;
	v3 =	vmovc v4;
	v4 =	vmovc v6;
	v47 =	vmul.f32 v39, v31;
	v31 =	vld [tilespmem:s29+$0xFFFFFFA0];
	(erf) = vpow2.f32 v44  }
0x500: {  	v44 =	vsub.f32 $0.0e+00, v42;
	v42 =	vshll.u32 v27, $0x10;
	v30 =	vpop (erf);
	v38 =	vmul.f32 $1.442695020e+00, v38  }
0x501: {  	v37 =	vand.u32 $0xFFFF0000, v37;
	v41 =	vadd.f32 v42, v41;
	[tilespmem:s7+$0xFFFFFF10] =	vst v47;
	v30 =	vadd.f32 $1.000000000e+00, v30;
	v39 =	vpop (erf)  }
0x502: {  	v27 =	vand.u32 $0xFFFF0000, v27;
	v42 =	vld [tilespmem:s26+$0xFFFFFF20];
	v37 =	vmul.f32 v37, v39;
	v39 =	vpop (erf);
	(erf) = vpow2.f32 v38  }
0x503: {  	v6 =	vmovc v11;
	v11 =	vmovc v17;
	v38 =	vmul.f32 $1.442695020e+00, v44;
	v43 =	vld [tilespmem:s29+$0xFFFFFF20];
	v19 =	vadd.f32 v45, v19;
	(erf) = vrcp.f32 v30  }
0x504: {  	v17 =	vmovc v46;
	v41 =	vsub.f32 $0.0e+00, v41;
	v39 =	vadd.f32 $1.000000000e+00, v39;
	v44 =	vshll.u32 v31, $0x10;
	[tilespmem:s21+$0xFFFFFFC0] =	vst v37;
	v37 =	vld [tilespmem:s21+$0xFFFFFFD0]  }
0x505: {  	v19 =	vadd.f32 v44, v19;
	(erf) = vpow2.f32 v38;
	v30 =	vpop (erf);
	v44 =	vld [tilespmem:s20+$0xFFFFFFD0];
	v38 =	vadd.f32 v34, v1  }
0x506: {  	v1 =	vmovc v0;
	v0 =	vmovc v2;
	v34 =	vadd.f32 $1.000000000e+00, v30;
	v30 =	vld [tilespmem:s22+$0xFFFFFFD0];
	(erf) = vrcp.f32 v39;
	v39 =	vmul.f32 $1.442695020e+00, v41  }
0x507: {  	v42 =	vadd.f32 v42, v35;
	v19 =	vsub.f32 $0.0e+00, v19;
	v35 =	vand.u32 $0xFFFF0000, v36;
	v36 =	vpop (erf)  }
.Ltmp1:
0x508: {  	v41 =	vshll.u32 v43, $0x10;
	(erf) = vrcp.f32 v34;
	v35 =	vmul.f32 v35, v36;
	v36 =	vpop (erf);
	(pc) =	sbr.rel @p0 .LBB2_6-.Ltmp1, $4  }
0x509: {  	v2 =	vmovc v5;
	v5 =	vmovc v8;
	v34 =	vand.u32 $0xFFFF0000, v43;
	v43 =	vadd.f32 v41, v42;
	v19 =	vmul.f32 $1.442695020e+00, v19  }
0x50a: {  	v8 =	vmovc v14;
	v14 =	vmovc v40;
	v42 =	vadd.f32 $1.000000000e+00, v36;
	v44 =	vadd.f32 v44, v37;
	[tilespmem:s3+$0xFFFFFFF0] =	vst v35;
	v35 =	vld [tilespmem:s3+$0x0];
	(erf) = vpow2.f32 v39  }
0x50b: {  	v39 =	vsub.f32 $0.0e+00, v43;
	(erf) = vpow2.f32 v19;
	v19 =	vshll.u32 v30, $0x10;
	v41 =	vpop (erf);
	v36 =	vld [tilespmem:s6+$0x0]  }
0x50c: {  	s7 =	sadd.s32 $0x100, s7;
	v40 =	vadd.f32 v19, v44;
	v37 =	vpop (erf);
	v41 =	vadd.f32 $1.000000000e+00, v41;
	v19 =	vld [tilespmem:s19+$0x0];
	(erf) = vrcp.f32 v42  }
0x50d: {  	_ =	sdelay $0x2  }
0x50e: {  	v39 =	vmul.f32 $1.442695020e+00, v39;
	v42 =	vpop (erf);
	v40 =	vsub.f32 $0.0e+00, v40  }
0x50f: {  	(erf) = vrcp.f32 v41;
	v52 =	vadd.f32 $1.000000000e+00, v42;
	v42 =	vpop (erf)  }
0x510: {  	(erf) = vpow2.f32 v39;
	v53 =	vmul.f32 $1.442695020e+00, v40;
	v54 =	vpop (erf)  }
0x511: {  	(erf) = vrcp.f32 v52;
	v55 =	vpop (erf)  }
0x512: {  	v24 =	vand.u32 $0xFFFF0000, v24;
	v33 =	vadd.f32 $1.000000000e+00, v33;
	(erf) = vpow2.f32 v53;
	v56 =	vpop (erf)  }
0x513: {  	v35 =	vadd.f32 v36, v35;
	v24 =	vmul.f32 v24, v54;
	v36 =	vadd.f32 $1.000000000e+00, v56  }
0x514: {  	v57 =	vshll.u32 v19, $0x10  }
0x515: {  	(erf) = vrcp.f32 v33;
	[tilespmem:s4+$0xFFFFFFB0] =	vst v24;
	v24 =	vadd.f32 v57, v35  }
0x516: {  	v58 =	vld [tilespmem:s4+$0xFFFFFFC0]  }
0x517: {  	v59 =	vld [tilespmem:s23+$0xFFFFFFC0];
	v24 =	vsub.f32 $0.0e+00, v24;
	(erf) = vrcp.f32 v36;
	v36 =	vpop (erf)  }
0x518: {  	v35 =	vld [tilespmem:s28+$0xFFFFFFC0];
	v43 =	vpop (erf)  }
0x519: {  	v60 =	vshll.u32 v10, $0x10;
	v24 =	vmul.f32 $1.442695020e+00, v24;
	v61 =	vpop (erf)  }
0x51a: {  	v28 =	vand.u32 $0xFFFF0000, v28;
	v29 =	vmul.f32 v29, v37;
	v62 =	vadd.f32 $1.000000000e+00, v55;
	v63 =	vpop (erf)  }
0x51b: {  	v28 =	vmul.f32 v28, v43;
	(erf) = vpow2.f32 v24;
	v44 =	vadd.f32 $1.000000000e+00, v61;
	v46 =	vpop (erf)  }
0x51c: {  	v33 =	vadd.f32 v59, v58;
	(erf) = vrcp.f32 v62;
	v48 =	vadd.f32 $1.000000000e+00, v46  }
0x51d: {  	v47 =	vld [tilespmem:s18+$0xFFFFFFF0];
	v38 =	vadd.f32 v60, v38;
	v45 =	vshll.u32 v35, $0x10;
	[tilespmem:s18+$0xFFFFFFE0] =	vst v28;
	(erf) = vrcp.f32 v44  }
0x51e: {  	v28 =	vadd.f32 v45, v33;
	v32 =	vmul.f32 v32, v63;
	v50 =	vld [tilespmem:s2+$0xFFFFFFF0];
	v24 =	vpop (erf);
	(erf) = vrcp.f32 v48  }
0x51f: {  	[tilespmem:s21+$0xFFFFFF40] =	vst v29;
	v49 =	vsub.f32 $0.0e+00, v38;
	v39 =	vld [tilespmem:s5+$0xFFFFFFF0]  }
0x520: {  	v52 =	vld [tilespmem:s20+$0xFFFFFF50];
	v28 =	vsub.f32 $0.0e+00, v28;
	[tilespmem:s4+$0xFFFFFF30] =	vst v32  }
0x521: {  	v51 =	vmul.f32 $1.442695020e+00, v49;
	v53 =	vand.u32 $0xFFFF0000, v31;
	v54 =	vpop (erf);
	v32 =	vld [tilespmem:s23+$0xFFFFFF40]  }
0x522: {  	v29 =	vld [tilespmem:s28+$0xFFFFFF40];
	v55 =	vmul.f32 $1.442695020e+00, v28;
	v31 =	vmul.f32 v53, v54  }
0x523: {  	(erf) = vpow2.f32 v51;
	v28 =	vld [tilespmem:s22+$0xFFFFFF50];
	v56 =	vadd.f32 v50, v47  }
0x524: {  	v58 =	vld [tilespmem:s24+$0xFFFFFFB0];
	(erf) = vpow2.f32 v55;
	[tilespmem:s24+$0xFFFFFFA0] =	vst v31;
	v57 =	vshll.u32 v39, $0x10;
	v59 =	vpop (erf)  }
0x525: {  	v60 =	vld [tilespmem:s25+$0xFFFFFFB0];
	v31 =	vadd.f32 v57, v56;
	v41 =	vpop (erf)  }
0x526: {  	v25 =	vmul.f32 v25, v42;
	v15 =	vadd.f32 v52, v15;
	v21 =	vadd.f32 v32, v21;
	v32 =	vld [tilespmem:s1+$0xFFFFFFB0];
	v61 =	vpop (erf)  }
0x527: {  	v30 =	vand.u32 $0xFFFF0000, v30;
	v40 =	vadd.f32 $1.000000000e+00, v59;
	v31 =	vsub.f32 $0.0e+00, v31;
	v63 =	vpop (erf)  }
0x528: {  	[tilespmem:s18+$0xFFFFFF50] =	vst v25;
	v62 =	vshll.u32 v29, $0x10;
	v45 =	vshll.u32 v28, $0x10;
	v30 =	vmul.f32 v30, v63  }
0x529: {  	v25 =	vld [tilespmem:s5+$0xFFFFFF60];
	v21 =	vadd.f32 v62, v21;
	(erf) = vrcp.f32 v40;
	v31 =	vmul.f32 $1.442695020e+00, v31  }
0x52a: {  	v46 =	vld [tilespmem:s2+$0xFFFFFF60];
	v15 =	vadd.f32 v45, v15;
	v34 =	vmul.f32 v34, v61;
	v33 =	vadd.f32 v60, v58  }
0x52b: {  	v48 =	vld [tilespmem:s21+$0xFFFFFFE0];
	v21 =	vsub.f32 $0.0e+00, v21;
	v47 =	vshll.u32 v32, $0x10;
	(erf) = vpow2.f32 v31;
	[tilespmem:s21+$0xFFFFFFD0] =	vst v30  }
0x52c: {  	v31 =	vadd.f32 v47, v33;
	v50 =	vld [tilespmem:s20+$0xFFFFFFE0];
	v30 =	vpop (erf)  }
0x52d: {  	v15 =	vsub.f32 $0.0e+00, v15;
	[tilespmem:s24+$0xFFFFFF20] =	vst v34;
	v21 =	vmul.f32 $1.442695020e+00, v21;
	v34 =	vld [tilespmem:s22+$0xFFFFFFE0];
	v49 =	vpop (erf)  }
0x52e: {  	v51 =	vsub.f32 $0.0e+00, v31;
	v38 =	vadd.f32 $1.000000000e+00, v49  }
0x52f: {  	v52 =	vld [tilespmem:s25+$0xFFFFFF30];
	v15 =	vmul.f32 $1.442695020e+00, v15;
	(erf) = vpow2.f32 v21  }
0x530: {  	v53 =	vadd.f32 v46, v7;
	v21 =	vmul.f32 $1.442695020e+00, v51;
	(erf) = vrcp.f32 v38;
	v38 =	vld [tilespmem:s1+$0xFFFFFF30]  }
0x531: {  	v54 =	vshll.u32 v25, $0x10;
	v33 =	vadd.f32 v50, v48;
	(erf) = vpow2.f32 v15  }
0x532: {  	v55 =	vshll.u32 v34, $0x10;
	v15 =	vadd.f32 v54, v53;
	(erf) = vpow2.f32 v21  }
0x533: {  	v7 =	vpop (erf);
	v21 =	vadd.f32 v55, v33  }
0x534: {  	v26 =	vmul.f32 v26, v36;
	v23 =	vadd.f32 v52, v23;
	v56 =	vpop (erf);
	v15 =	vsub.f32 $0.0e+00, v15  }
0x535: {  	v31 =	vadd.f32 $1.000000000e+00, v56;
	v21 =	vsub.f32 $0.0e+00, v21;
	v57 =	vshll.u32 v38, $0x10  }
0x536: {  	v15 =	vmul.f32 $1.442695020e+00, v15;
	v23 =	vadd.f32 v57, v23  }
0x537: {  	[tilespmem:s3+$0xFFFFFF60] =	vst v26;
	(erf) = vrcp.f32 v31;
	v60 =	vmul.f32 $1.442695020e+00, v21  }
0x538: {  	v59 =	vld [tilespmem:s6+$0xFFFFFF70];
	v58 =	vpop (erf);
	(erf) = vpow2.f32 v15;
	v23 =	vsub.f32 $0.0e+00, v23  }
0x539: {  	v35 =	vand.u32 $0xFFFF0000, v35;
	v62 =	vadd.f32 $1.000000000e+00, v58;
	v21 =	vld [tilespmem:s19+$0xFFFFFF70];
	(erf) = vpow2.f32 v60;
	v61 =	vpop (erf)  }
0x53a: {  	v63 =	vmul.f32 v35, v61;
	v36 =	vpop (erf);
	v23 =	vmul.f32 $1.442695020e+00, v23  }
0x53b: {  	(erf) = vrcp.f32 v62;
	v37 =	vadd.f32 $1.000000000e+00, v36;
	v40 =	vpop (erf)  }
0x53c: {  	v43 =	vld [tilespmem:s4+$0xFFFFFFD0];
	[tilespmem:s4+$0xFFFFFFC0] =	vst v63;
	(erf) = vpow2.f32 v23;
	v42 =	vadd.f32 $1.000000000e+00, v40  }
0x53d: {  	v3 =	vadd.f32 v59, v3;
	(erf) = vrcp.f32 v37;
	v45 =	vld [tilespmem:s23+$0xFFFFFFD0]  }
0x53e: {  	v44 =	vshll.u32 v21, $0x10;
	v23 =	vld [tilespmem:s28+$0xFFFFFFD0];
	(erf) = vrcp.f32 v42  }
0x53f: {  	v3 =	vadd.f32 v44, v3  }
0x540: {  	v46 =	vpop (erf)  }
0x541: {  	v3 =	vsub.f32 $0.0e+00, v3;
	v47 =	vpop (erf)  }
0x542: {  	v48 =	vand.u32 $0xFFFF0000, v39;
	v33 =	vadd.f32 $1.000000000e+00, v47;
	v26 =	vadd.f32 v45, v43  }
0x543: {  	v15 =	vmul.f32 v48, v46;
	v3 =	vmul.f32 $1.442695020e+00, v3;
	v49 =	vpop (erf);
	v50 =	vshll.u32 v23, $0x10  }
0x544: {  	v27 =	vmul.f32 v27, v41;
	v36 =	vpop (erf);
	v51 =	vadd.f32 v50, v26  }
0x545: {  	v55 =	vld [tilespmem:s18+$0x0];
	[tilespmem:s18+$0xFFFFFFF0] =	vst v15;
	(erf) = vpow2.f32 v3;
	v52 =	vadd.f32 $1.000000000e+00, v49;
	v53 =	vpop (erf)  }
0x546: {  	[tilespmem:s0+$0xFFFFFF70] =	vst v27;
	v59 =	vld [tilespmem:s2+$0x0];
	(erf) = vrcp.f32 v33;
	v33 =	vpop (erf);
	v56 =	vsub.f32 $0.0e+00, v51  }
0x547: {  	v54 =	vld [tilespmem:s16+$0xFFFFFF80];
	v57 =	vand.u32 $0xFFFF0000, v32;
	(erf) = vrcp.f32 v52;
	v27 =	vadd.f32 $1.000000000e+00, v53;
	v58 =	vpop (erf)  }
0x548: {  	v3 =	vld [tilespmem:s5+$0x0];
	v26 =	vmul.f32 v57, v58;
	v60 =	vmul.f32 $1.442695020e+00, v56  }
0x549: {  	v15 =	vld [tilespmem:s11+$0xFFFFFF80];
	(erf) = vrcp.f32 v27  }
0x54a: {  	v61 =	vld [tilespmem:s24+$0xFFFFFFC0];
	[tilespmem:s24+$0xFFFFFFB0] =	vst v26;
	(erf) = vpow2.f32 v60  }
0x54b: {  	v32 =	vadd.f32 v59, v55;
	v62 =	vld [tilespmem:s25+$0xFFFFFFC0]  }
0x54c: {  	v35 =	vld [tilespmem:s1+$0xFFFFFFC0]  }
0x54d: {  	v1 =	vadd.f32 v54, v1;
	v63 =	vshll.u32 v3, $0x10  }
0x54e: {  	v43 =	vshll.u32 v15, $0x10;
	v31 =	vadd.f32 v63, v32;
	v42 =	vpop (erf)  }
0x54f: {  	v30 =	vadd.f32 $1.000000000e+00, v30;
	v1 =	vadd.f32 v43, v1;
	v32 =	vpop (erf)  }
0x550: {  	v34 =	vand.u32 $0xFFFF0000, v34;
	v31 =	vsub.f32 $0.0e+00, v31;
	v44 =	vpop (erf);
	v26 =	vadd.f32 v62, v61  }
0x551: {  	v45 =	vand.u32 $0xFFFF0000, v38;
	v34 =	vmul.f32 v34, v44;
	v46 =	vshll.u32 v35, $0x10  }
0x552: {  	v1 =	vsub.f32 $0.0e+00, v1;
	v31 =	vmul.f32 $1.442695020e+00, v31;
	v47 =	vpop (erf);
	v26 =	vadd.f32 v46, v26  }
0x553: {  	v49 =	vld [tilespmem:s21+$0xFFFFFFF0];
	(erf) = vrcp.f32 v30;
	v48 =	vadd.f32 $1.000000000e+00, v42;
	[tilespmem:s21+$0xFFFFFFE0] =	vst v34;
	v27 =	vmul.f32 v45, v47;
	v50 =	vpop (erf)  }
0x554: {  	(erf) = vpow2.f32 v31;
	v51 =	vld [tilespmem:s20+$0xFFFFFFF0];
	v37 =	vadd.f32 $1.000000000e+00, v50;
	v26 =	vsub.f32 $0.0e+00, v26  }
0x555: {  	v1 =	vmul.f32 $1.442695020e+00, v1;
	(erf) = vrcp.f32 v48;
	v30 =	vld [tilespmem:s22+$0xFFFFFFF0];
	[tilespmem:s24+$0xFFFFFF30] =	vst v27  }
0x556: {  	v27 =	vld [tilespmem:s25+$0xFFFFFF40];
	(erf) = vrcp.f32 v37;
	v52 =	vmul.f32 $1.442695020e+00, v26  }
0x557: {  	v26 =	vld [tilespmem:s1+$0xFFFFFF40];
	(erf) = vpow2.f32 v1  }
0x558: {  	(erf) = vpow2.f32 v52  }
0x559: {  	v31 =	vadd.f32 v51, v49  }
0x55a: {  	v28 =	vand.u32 $0xFFFF0000, v28;
	v53 =	vand.u32 $0xFFFF0000, v29;
	v54 =	vshll.u32 v30, $0x10  }
0x55b: {  	v55 =	vmul.f32 v53, v36;
	v29 =	vadd.f32 v54, v31;
	v22 =	vadd.f32 v27, v22  }
0x55c: {  	v58 =	vmul.f32 v28, v33;
	v1 =	vpop (erf);
	v56 =	vshll.u32 v26, $0x10  }
0x55d: {  	[tilespmem:s4+$0xFFFFFF40] =	vst v55;
	v57 =	vpop (erf);
	v29 =	vsub.f32 $0.0e+00, v29;
	v22 =	vadd.f32 v56, v22  }
0x55e: {  	v59 =	vld [tilespmem:s23+$0xFFFFFF50];
	[tilespmem:s21+$0xFFFFFF50] =	vst v58;
	v28 =	vpop (erf);
	v60 =	vadd.f32 $1.000000000e+00, v57  }
0x55f: {  	v23 =	vand.u32 $0xFFFF0000, v23;
	v62 =	vld [tilespmem:s20+$0xFFFFFF60];
	v29 =	vmul.f32 $1.442695020e+00, v29;
	v22 =	vsub.f32 $0.0e+00, v22;
	v61 =	vpop (erf)  }
0x560: {  	v27 =	vld [tilespmem:s28+$0xFFFFFF50];
	(erf) = vrcp.f32 v60;
	v34 =	vmul.f32 v23, v61;
	v36 =	vpop (erf)  }
0x561: {  	v39 =	vld [tilespmem:s4+$0xFFFFFFE0];
	(erf) = vpow2.f32 v29;
	v22 =	vmul.f32 $1.442695020e+00, v22;
	v63 =	vpop (erf)  }
0x562: {  	v23 =	vld [tilespmem:s22+$0xFFFFFF60];
	[tilespmem:s4+$0xFFFFFFD0] =	vst v34;
	v38 =	vadd.f32 $1.000000000e+00, v63  }
0x563: {  	(erf) = vpow2.f32 v22;
	v40 =	vld [tilespmem:s23+$0xFFFFFFE0]  }
0x564: {  	v16 =	vadd.f32 v59, v16;
	v31 =	vld [tilespmem:s28+$0xFFFFFFE0];
	(erf) = vrcp.f32 v38  }
0x565: {  	v9 =	vadd.f32 v62, v9;
	v41 =	vshll.u32 v27, $0x10  }
0x566: {  	v16 =	vadd.f32 v41, v16;
	_ =	sdelay $0x1  }
0x567: {  	v16 =	vsub.f32 $0.0e+00, v16;
	v42 =	vshll.u32 v23, $0x10;
	v22 =	vadd.f32 v40, v39  }
0x568: {  	v25 =	vand.u32 $0xFFFF0000, v25;
	v29 =	vadd.f32 v42, v9;
	v9 =	vpop (erf);
	v43 =	vshll.u32 v31, $0x10  }
0x569: {  	v25 =	vmul.f32 v25, v32;
	v16 =	vmul.f32 $1.442695020e+00, v16;
	v44 =	vpop (erf);
	v22 =	vadd.f32 v43, v22  }
0x56a: {  	v29 =	vsub.f32 $0.0e+00, v29;
	v45 =	vadd.f32 $1.000000000e+00, v44  }
0x56b: {  	[tilespmem:s18+$0xFFFFFF60] =	vst v25;
	(erf) = vpow2.f32 v16;
	v46 =	vpop (erf);
	v48 =	vsub.f32 $0.0e+00, v22  }
0x56c: {  	v49 =	vand.u32 $0xFFFF0000, v35;
	v51 =	vld [tilespmem:s2+$0xFFFFFF70];
	v47 =	vmul.f32 $1.442695020e+00, v29;
	(erf) = vrcp.f32 v45;
	v50 =	vpop (erf)  }
0x56d: {  	v22 =	vld [tilespmem:s5+$0xFFFFFF70];
	v52 =	vmul.f32 v49, v50;
	v29 =	vmul.f32 $1.442695020e+00, v48  }
0x56e: {  	(erf) = vpow2.f32 v47  }
0x56f: {  	v53 =	vld [tilespmem:s24+$0xFFFFFFD0];
	[tilespmem:s24+$0xFFFFFFC0] =	vst v52;
	(erf) = vpow2.f32 v29  }
0x570: {  	v54 =	vld [tilespmem:s25+$0xFFFFFFD0]  }
0x571: {  	v4 =	vadd.f32 v51, v4;
	v29 =	vld [tilespmem:s1+$0xFFFFFFD0]  }
0x572: {  	v55 =	vshll.u32 v22, $0x10  }
0x573: {  	v4 =	vadd.f32 v55, v4  }
0x574: {  	v32 =	vadd.f32 $1.000000000e+00, v46  }
0x575: {  	v30 =	vand.u32 $0xFFFF0000, v30;
	v56 =	vpop (erf);
	v4 =	vsub.f32 $0.0e+00, v4;
	v16 =	vadd.f32 v54, v53  }
0x576: {  	v58 =	vadd.f32 $1.000000000e+00, v56;
	(erf) = vrcp.f32 v32;
	v57 =	vpop (erf);
	v59 =	vshll.u32 v29, $0x10  }
0x577: {  	v30 =	vmul.f32 v30, v57;
	v60 =	vpop (erf);
	v4 =	vmul.f32 $1.442695020e+00, v4;
	v16 =	vadd.f32 v59, v16  }
0x578: {  	(erf) = vrcp.f32 v58;
	v61 =	vadd.f32 $1.000000000e+00, v60;
	v62 =	vpop (erf)  }
0x579: {  	v63 =	vld [tilespmem:s21+$0x0];
	[tilespmem:s21+$0xFFFFFFF0] =	vst v30;
	(erf) = vpow2.f32 v4;
	v30 =	vadd.f32 $1.000000000e+00, v62;
	v16 =	vsub.f32 $0.0e+00, v16  }
0x57a: {  	v37 =	vld [tilespmem:s20+$0x0];
	(erf) = vrcp.f32 v61  }
0x57b: {  	v4 =	vld [tilespmem:s22+$0x0];
	(erf) = vrcp.f32 v30;
	v16 =	vmul.f32 $1.442695020e+00, v16;
	_ =	sdelay $0x1  }
0x57c: {  	(erf) = vpow2.f32 v16;
	_ =	sdelay $0x1  }
0x57d: {  	v38 =	vadd.f32 v37, v63  }
0x57e: {  	v39 =	vpop (erf);
	v40 =	vshll.u32 v4, $0x10  }
0x57f: {  	v21 =	vand.u32 $0xFFFF0000, v21;
	v41 =	vpop (erf);
	v16 =	vadd.f32 v40, v38  }
0x580: {  	v21 =	vmul.f32 v21, v28;
	v42 =	vpop (erf)  }
0x581: {  	v16 =	vsub.f32 $0.0e+00, v16;
	v43 =	vpop (erf)  }
0x582: {  	[tilespmem:s3+$0xFFFFFF70] =	vst v21;
	v31 =	vand.u32 $0xFFFF0000, v31;
	v44 =	vadd.f32 $1.000000000e+00, v36;
	v45 =	vpop (erf)  }
0x583: {  	v47 =	vld [tilespmem:s6+$0xFFFFFF80];
	v46 =	vmul.f32 $1.442695020e+00, v16;
	v31 =	vmul.f32 v31, v45  }
0x584: {  	(erf) = vrcp.f32 v44;
	v30 =	vadd.f32 $1.000000000e+00, v42;
	v16 =	vld [tilespmem:s19+$0xFFFFFF80];
	v48 =	vpop (erf)  }
0x585: {  	v50 =	vld [tilespmem:s4+$0xFFFFFFF0];
	(erf) = vpow2.f32 v46;
	[tilespmem:s4+$0xFFFFFFE0] =	vst v31;
	v49 =	vadd.f32 $1.000000000e+00, v48  }
0x586: {  	(erf) = vrcp.f32 v30;
	v51 =	vld [tilespmem:s23+$0xFFFFFFF0]  }
0x587: {  	v52 =	vld [tilespmem:s28+$0xFFFFFFF0];
	(erf) = vrcp.f32 v49  }
0x588: {  	v0 =	vadd.f32 v47, v0  }
0x589: {  	v53 =	vshll.u32 v16, $0x10  }
0x58a: {  	v33 =	vadd.f32 v53, v0  }
0x58b: {  	v26 =	vand.u32 $0xFFFF0000, v26;
	v30 =	vadd.f32 v51, v50  }
0x58c: {  	v27 =	vand.u32 $0xFFFF0000, v27;
	v55 =	vsub.f32 $0.0e+00, v33;
	v54 =	vshll.u32 v52, $0x10  }
0x58d: {  	v25 =	vmul.f32 v26, v39;
	v0 =	vpop (erf);
	v26 =	vadd.f32 v54, v30  }
0x58e: {  	v58 =	vmul.f32 $1.442695020e+00, v55;
	v56 =	vpop (erf)  }
0x58f: {  	v62 =	vld [tilespmem:s24+$0xFFFFFFE0];
	v57 =	vmul.f32 v27, v41;
	[tilespmem:s24+$0xFFFFFF40] =	vst v25;
	v27 =	vpop (erf);
	v26 =	vsub.f32 $0.0e+00, v26  }
0x590: {  	v29 =	vand.u32 $0xFFFF0000, v29;
	v59 =	vld [tilespmem:s25+$0xFFFFFF50];
	v33 =	vadd.f32 $1.000000000e+00, v56;
	(erf) = vpow2.f32 v58;
	v60 =	vpop (erf)  }
0x591: {  	[tilespmem:s4+$0xFFFFFF50] =	vst v57;
	v25 =	vld [tilespmem:s1+$0xFFFFFF50];
	v29 =	vmul.f32 v29, v60;
	v26 =	vmul.f32 $1.442695020e+00, v26  }
0x592: {  	v61 =	vld [tilespmem:s23+$0xFFFFFF60];
	(erf) = vrcp.f32 v33  }
0x593: {  	v30 =	vld [tilespmem:s28+$0xFFFFFF60];
	[tilespmem:s24+$0xFFFFFFD0] =	vst v29;
	(erf) = vpow2.f32 v26  }
0x594: {  	v29 =	vld [tilespmem:s25+$0xFFFFFFE0]  }
0x595: {  	v63 =	vld [tilespmem:s1+$0xFFFFFFE0]  }
0x596: {  	v20 =	vadd.f32 v59, v20  }
0x597: {  	v34 =	vshll.u32 v25, $0x10;
	v13 =	vadd.f32 v61, v13  }
0x598: {  	v20 =	vadd.f32 v34, v20  }
0x599: {  	v23 =	vand.u32 $0xFFFF0000, v23;
	v35 =	vshll.u32 v30, $0x10;
	v26 =	vadd.f32 v29, v62  }
0x59a: {  	v20 =	vsub.f32 $0.0e+00, v20;
	v31 =	vadd.f32 v35, v13;
	v36 =	vpop (erf);
	v37 =	vshll.u32 v63, $0x10  }
0x59b: {  	v23 =	vmul.f32 v23, v43;
	v13 =	vpop (erf);
	v26 =	vadd.f32 v37, v26  }
0x59c: {  	v20 =	vmul.f32 $1.442695020e+00, v20;
	v38 =	vsub.f32 $0.0e+00, v31;
	v39 =	vpop (erf)  }
0x59d: {  	[tilespmem:s21+$0xFFFFFF60] =	vst v23;
	v40 =	vadd.f32 $1.000000000e+00, v39;
	v26 =	vsub.f32 $0.0e+00, v26  }
0x59e: {  	v41 =	vld [tilespmem:s20+$0xFFFFFF70];
	(erf) = vpow2.f32 v20;
	v42 =	vmul.f32 $1.442695020e+00, v38  }
0x59f: {  	v28 =	vld [tilespmem:s22+$0xFFFFFF70];
	(erf) = vrcp.f32 v40;
	v43 =	vmul.f32 $1.442695020e+00, v26  }
0x5a0: {  	(erf) = vpow2.f32 v42  }
0x5a1: {  	(erf) = vpow2.f32 v43;
	_ =	sdelay $0x1  }
0x5a2: {  	v6 =	vadd.f32 v41, v6  }
0x5a3: {  	v44 =	vshll.u32 v28, $0x10  }
0x5a4: {  	v6 =	vadd.f32 v44, v6;
	_ =	sdelay $0x1  }
0x5a5: {  	v6 =	vsub.f32 $0.0e+00, v6;
	v45 =	vpop (erf)  }
0x5a6: {  	v20 =	vadd.f32 $1.000000000e+00, v45;
	v46 =	vpop (erf)  }
0x5a7: {  	v21 =	vand.u32 $0xFFFF0000, v52;
	v6 =	vmul.f32 $1.442695020e+00, v6;
	v47 =	vpop (erf)  }
0x5a8: {  	(erf) = vrcp.f32 v20;
	v48 =	vmul.f32 v21, v46;
	v49 =	vadd.f32 $1.000000000e+00, v47;
	v50 =	vpop (erf)  }
0x5a9: {  	(erf) = vpow2.f32 v6;
	v51 =	vadd.f32 $1.000000000e+00, v50  }
0x5aa: {  	v52 =	vld [tilespmem:s4+$0x0];
	[tilespmem:s4+$0xFFFFFFF0] =	vst v48;
	(erf) = vrcp.f32 v49  }
0x5ab: {  	v53 =	vld [tilespmem:s23+$0x0];
	(erf) = vrcp.f32 v51  }
0x5ac: {  	v6 =	vld [tilespmem:s28+$0x0];
	_ =	sdelay $0x3  }
0x5ad: {  	v20 =	vadd.f32 v53, v52  }
0x5ae: {  	v55 =	vand.u32 $0xFFFF0000, v22;
	v54 =	vpop (erf);
	v56 =	vshll.u32 v6, $0x10  }
0x5af: {  	v21 =	vmul.f32 v55, v27;
	v57 =	vpop (erf);
	v20 =	vadd.f32 v56, v20  }
0x5b0: {  	v58 =	vpop (erf)  }
0x5b1: {  	v59 =	vand.u32 $0xFFFF0000, v63;
	[tilespmem:s18+$0xFFFFFF70] =	vst v21;
	v61 =	vsub.f32 $0.0e+00, v20;
	v60 =	vpop (erf)  }
0x5b2: {  	v29 =	vadd.f32 $1.000000000e+00, v36;
	v62 =	vld [tilespmem:s2+$0xFFFFFF80];
	v27 =	vmul.f32 v59, v60  }
0x5b3: {  	v20 =	vld [tilespmem:s5+$0xFFFFFF80];
	v21 =	vmul.f32 $1.442695020e+00, v61  }
0x5b4: {  	v63 =	vld [tilespmem:s24+$0xFFFFFFF0];
	(erf) = vrcp.f32 v29;
	[tilespmem:s24+$0xFFFFFFE0] =	vst v27  }
0x5b5: {  	(erf) = vpow2.f32 v21;
	v33 =	vld [tilespmem:s25+$0xFFFFFFF0]  }
0x5b6: {  	v34 =	vld [tilespmem:s1+$0xFFFFFFF0]  }
0x5b7: {  	v2 =	vadd.f32 v62, v2  }
0x5b8: {  	v35 =	vshll.u32 v20, $0x10  }
0x5b9: {  	v2 =	vadd.f32 v35, v2  }
0x5ba: {  	v21 =	vadd.f32 v33, v63  }
0x5bb: {  	v36 =	vshll.u32 v34, $0x10  }
0x5bc: {  	v31 =	vsub.f32 $0.0e+00, v2;
	v21 =	vadd.f32 v36, v21  }
0x5bd: {  	v26 =	vadd.f32 $1.000000000e+00, v57;
	v2 =	vpop (erf)  }
0x5be: {  	v25 =	vand.u32 $0xFFFF0000, v25;
	v37 =	vmul.f32 $1.442695020e+00, v31;
	v38 =	vpop (erf);
	v21 =	vsub.f32 $0.0e+00, v21  }
0x5bf: {  	v23 =	vmul.f32 v25, v54;
	(erf) = vrcp.f32 v26;
	v39 =	vadd.f32 $1.000000000e+00, v38  }
0x5c0: {  	(erf) = vpow2.f32 v37;
	v21 =	vmul.f32 $1.442695020e+00, v21  }
0x5c1: {  	[tilespmem:s24+$0xFFFFFF50] =	vst v23;
	(erf) = vrcp.f32 v39  }
0x5c2: {  	v40 =	vld [tilespmem:s25+$0xFFFFFF60];
	(erf) = vpow2.f32 v21  }
0x5c3: {  	v23 =	vld [tilespmem:s1+$0xFFFFFF60];
	_ =	sdelay $0x3  }
0x5c4: {  	v21 =	vadd.f32 v40, v18  }
0x5c5: {  	v42 =	vshll.u32 v23, $0x10;
	v41 =	vpop (erf)  }
0x5c6: {  	v30 =	vand.u32 $0xFFFF0000, v30;
	v21 =	vadd.f32 v42, v21;
	v27 =	vpop (erf)  }
0x5c7: {  	v22 =	vmul.f32 v30, v58;
	v18 =	vpop (erf)  }
0x5c8: {  	v21 =	vsub.f32 $0.0e+00, v21;
	v43 =	vpop (erf)  }
0x5c9: {  	[tilespmem:s4+$0xFFFFFF60] =	vst v22;
	v26 =	vadd.f32 $1.000000000e+00, v43  }
0x5ca: {  	v22 =	vld [tilespmem:s23+$0xFFFFFF70];
	v21 =	vmul.f32 $1.442695020e+00, v21  }
0x5cb: {  	v44 =	vld [tilespmem:s28+$0xFFFFFF70];
	(erf) = vrcp.f32 v26  }
0x5cc: {  	(erf) = vpow2.f32 v21;
	_ =	sdelay $0x2  }
0x5cd: {  	v11 =	vadd.f32 v22, v11  }
0x5ce: {  	v45 =	vshll.u32 v44, $0x10  }
0x5cf: {  	v11 =	vadd.f32 v45, v11;
	_ =	sdelay $0x1  }
0x5d0: {  	v11 =	vsub.f32 $0.0e+00, v11  }
0x5d1: {  	v46 =	vand.u32 $0xFFFF0000, v34;
	v47 =	vpop (erf)  }
0x5d2: {  	v11 =	vmul.f32 $1.442695020e+00, v11;
	v21 =	vmul.f32 v46, v47;
	v48 =	vpop (erf)  }
0x5d3: {  	v22 =	vadd.f32 $1.000000000e+00, v48  }
0x5d4: {  	v49 =	vld [tilespmem:s24+$0x0];
	(erf) = vpow2.f32 v11;
	[tilespmem:s24+$0xFFFFFFF0] =	vst v21  }
0x5d5: {  	v50 =	vld [tilespmem:s25+$0x0];
	(erf) = vrcp.f32 v22  }
0x5d6: {  	v22 =	vld [tilespmem:s1+$0x0];
	_ =	sdelay $0x3  }
0x5d7: {  	v11 =	vadd.f32 v50, v49  }
0x5d8: {  	v51 =	vshll.u32 v22, $0x10  }
0x5d9: {  	v28 =	vand.u32 $0xFFFF0000, v28;
	v11 =	vadd.f32 v51, v11  }
0x5da: {  	v52 =	vmul.f32 v28, v41;
	v53 =	vpop (erf)  }
0x5db: {  	v23 =	vand.u32 $0xFFFF0000, v23;
	v11 =	vsub.f32 $0.0e+00, v11;
	v54 =	vpop (erf)  }
0x5dc: {  	[tilespmem:s21+$0xFFFFFF70] =	vst v52;
	v55 =	vadd.f32 $1.000000000e+00, v27;
	v23 =	vmul.f32 v23, v54  }
0x5dd: {  	v56 =	vld [tilespmem:s20+$0xFFFFFF80];
	v11 =	vmul.f32 $1.442695020e+00, v11  }
0x5de: {  	v57 =	vld [tilespmem:s22+$0xFFFFFF80];
	(erf) = vrcp.f32 v55;
	[tilespmem:s24+$0xFFFFFF60] =	vst v23  }
0x5df: {  	(erf) = vpow2.f32 v11;
	v58 =	vld [tilespmem:s25+$0xFFFFFF70]  }
0x5e0: {  	v59 =	vld [tilespmem:s1+$0xFFFFFF70];
	_ =	sdelay $0x1  }
0x5e1: {  	v5 =	vadd.f32 v56, v5  }
0x5e2: {  	v60 =	vshll.u32 v57, $0x10  }
0x5e3: {  	v5 =	vadd.f32 v60, v5;
	v11 =	vadd.f32 v58, v17  }
0x5e4: {  	v61 =	vshll.u32 v59, $0x10  }
0x5e5: {  	v5 =	vsub.f32 $0.0e+00, v5;
	v11 =	vadd.f32 v61, v11  }
0x5e6: {  	v62 =	vadd.f32 $1.000000000e+00, v53;
	v63 =	vpop (erf)  }
0x5e7: {  	v5 =	vmul.f32 $1.442695020e+00, v5;
	v29 =	vpop (erf);
	v11 =	vsub.f32 $0.0e+00, v11  }
0x5e8: {  	(erf) = vrcp.f32 v62;
	v30 =	vadd.f32 $1.000000000e+00, v29  }
0x5e9: {  	(erf) = vpow2.f32 v5;
	v31 =	vmul.f32 $1.442695020e+00, v11  }
0x5ea: {  	(erf) = vrcp.f32 v30  }
0x5eb: {  	(erf) = vpow2.f32 v31;
	_ =	sdelay $0x5  }
0x5ec: {  	v32 =	vpop (erf)  }
0x5ed: {  	v33 =	vpop (erf)  }
0x5ee: {  	v34 =	vand.u32 $0xFFFF0000, v44;
	v35 =	vpop (erf)  }
0x5ef: {  	v5 =	vmul.f32 v34, v32;
	v11 =	vadd.f32 $1.000000000e+00, v33;
	v36 =	vpop (erf)  }
0x5f0: {  	v17 =	vadd.f32 $1.000000000e+00, v36  }
0x5f1: {  	[tilespmem:s4+$0xFFFFFF70] =	vst v5;
	(erf) = vrcp.f32 v11  }
0x5f2: {  	v5 =	vld [tilespmem:s23+$0xFFFFFF80];
	(erf) = vrcp.f32 v17  }
0x5f3: {  	v37 =	vld [tilespmem:s28+$0xFFFFFF80];
	_ =	sdelay $0x3  }
0x5f4: {  	v5 =	vadd.f32 v5, v8  }
0x5f5: {  	v38 =	vshll.u32 v37, $0x10  }
0x5f6: {  	v5 =	vadd.f32 v38, v5  }
0x5f7: {  	v39 =	vpop (erf)  }
0x5f8: {  	v40 =	vand.u32 $0xFFFF0000, v59;
	v5 =	vsub.f32 $0.0e+00, v5;
	v41 =	vpop (erf)  }
0x5f9: {  	v17 =	vmul.f32 v40, v41  }
0x5fa: {  	v5 =	vmul.f32 $1.442695020e+00, v5  }
0x5fb: {  	[tilespmem:s24+$0xFFFFFF70] =	vst v17  }
0x5fc: {  	(erf) = vpow2.f32 v5;
	v17 =	vld [tilespmem:s25+$0xFFFFFF80]  }
0x5fd: {  	v42 =	vld [tilespmem:s1+$0xFFFFFF80];
	_ =	sdelay $0x3  }
0x5fe: {  	v14 =	vadd.f32 v17, v14  }
0x5ff: {  	v43 =	vshll.u32 v42, $0x10  }
0x600: {  	v14 =	vadd.f32 v43, v14;
	_ =	sdelay $0x1  }
0x601: {  	v44 =	vpop (erf);
	v14 =	vsub.f32 $0.0e+00, v14  }
0x602: {  	v17 =	vadd.f32 $1.000000000e+00, v44  }
0x603: {  	v14 =	vmul.f32 $1.442695020e+00, v14  }
0x604: {  	(erf) = vrcp.f32 v17  }
0x605: {  	(erf) = vpow2.f32 v14;
	_ =	sdelay $0x7  }
0x606: {  	v45 =	vpop (erf)  }
0x607: {  	v46 =	vpop (erf)  }
0x608: {  	v12 =	vmul.f32 v12, v24;
	v15 =	vand.u32 $0xFFFF0000, v15;
	v17 =	vadd.f32 $1.000000000e+00, v46  }
0x609: {  	v0 =	vmul.f32 v15, v0;
	v47 =	vand.u32 $0xFFFF0000, v10  }
0x60a: {  	[tilespmem:s10+$0xFFFFFF80] =	vst v12;
	v1 =	vmul.f32 v47, v1;
	v48 =	vand.u32 $0xFFFF0000, v19;
	(erf) = vrcp.f32 v17  }
0x60b: {  	[tilespmem:s0+$0xFFFFFF80] =	vst v0;
	v56 =	vand.u32 $0xFFFF0000, v6;
	v49 =	vmul.f32 v48, v7  }
0x60c: {  	[tilespmem:s14+$0xFFFFFF80] =	vst v1;
	v50 =	vand.u32 $0xFFFF0000, v16;
	v55 =	vand.u32 $0xFFFF0000, v57;
	v57 =	vmul.f32 v56, v18  }
0x60d: {  	v2 =	vmul.f32 v50, v2;
	v51 =	vand.u32 $0xFFFF0000, v3;
	[tilespmem:s3+$0x0] =	vst v49  }
0x60e: {  	v53 =	vand.u32 $0xFFFF0000, v4;
	[tilespmem:s4+$0x0] =	vst v57;
	v0 =	vmul.f32 v51, v9  }
0x60f: {  	v52 =	vand.u32 $0xFFFF0000, v20;
	[tilespmem:s3+$0xFFFFFF80] =	vst v2;
	v54 =	vmul.f32 v53, v13  }
0x610: {  	[tilespmem:s18+$0x0] =	vst v0;
	v1 =	vmul.f32 v52, v63;
	v59 =	vand.u32 $0xFFFF0000, v22  }
0x611: {  	[tilespmem:s21+$0x0] =	vst v54;
	v60 =	vmul.f32 v59, v35  }
0x612: {  	[tilespmem:s18+$0xFFFFFF80] =	vst v1;
	v58 =	vand.u32 $0xFFFF0000, v37;
	v2 =	vmul.f32 v55, v39  }
0x613: {  	[tilespmem:s24+$0x0] =	vst v60;
	v61 =	vand.u32 $0xFFFF0000, v42;
	v1 =	vmul.f32 v58, v45;
	v62 =	vpop (erf)  }
0x614: {  	[tilespmem:s21+$0xFFFFFF80] =	vst v2;
	v63 =	vmul.f32 v61, v62  }
0x615: {  	[tilespmem:s4+$0xFFFFFF80] =	vst v1  }
0x616: {  	[tilespmem:s24+$0xFFFFFF80] =	vst v63  }
0x617: {  	v0 =	vld [tilespmem:s13+$0x0];
	_ =	sdelay $0x4  }
0x618: {  	[tilespmem:$0x1000] =	vst v0  }
0x619: {  	v0 =	vld [tilespmem:s13+$0x10];
	_ =	sdelay $0x4  }
0x61a: {  	[tilespmem:$0x1010] =	vst v0  }
0x61b: {  	v0 =	vld [tilespmem:s13+$0x18];
	_ =	sdelay $0x2  }
0x61c: {  	s9 =	sadd.s32 $0x1, s9  }
0x61d: {  	s29 =	rddreg [dreg:$0x3];
	p0 =	sne.s32 s9, $0x19  }
.Ltmp2:
0x61e: {  	s30 =	simm.s32 $0x1000;
	s5 =	simm.s32 $0x7480;
	[tilespmem:$0x1018] =	vst v0;
	(pc) =	sbr.rel @p0 .LBB2_3-.Ltmp2, $4  }
0x61f: {  	[spmem:s29] =	stream.indirect.scatter.add.f32 [tilespmem:s5], [sflag:$0x7], $0x80, s30, s17, $0xb8;
	[tilespmem:$0x1C880] =	vst v63  }
0x620: {  	_ =	swait.ge [sflag:s15], $0x1400  }
0x621: {  	[sflag:s15] =	ssyncset.done $0x0  }
0x622: {  	[sflag:s15] =	ssyncadd.s32 $0xFFFFEC00  }
0x623: {  	s1 =	rddreg [dreg:$0xf]  }
0x624: {  	s1 =	sadd.s32 $0x1, s1  }
0x625: {  	p0 =	sne.s32 s1, $0x5  }
.Ltmp3:
0x626: {  	_ = 	snop;
	(pc) =	sbr.rel @p0 .LBB2_2-.Ltmp3, $1  }
0x627: {  	_ =	sdelay $0x3  }
0x628: {  	[bflag:$0x0] =	sbarrier.arrive $0xFFFF  }
0x629: {  	s4 =	rddreg [dreg:$0x9]  }
0x62a: {  	s0 =	rddreg [dreg:$0xb]  }
0x62b: {  	s1 =	rddreg [dreg:$0xd]  }
0x62c: {  	[hbm:s0], [sflag:s4] =	dma.local [spmem:s1], $0x2800  }
0x62d: {  	_ =	swait.ge [sflag:s15], $0x2800  }
0x62e: {  	s2 =	rddreg [dreg:$0xe]  }
0x62f: {  	s30 =	rddreg [dreg:$0xc];
	s2 =	sadd.s32 $0x1, s2  }
0x630: {  	p0 =	sne.s32 s2, s30  }
.Ltmp4:
0x631: {  	_ = 	snop;
	(pc) =	sbr.rel @p0 .LBB2_1-.Ltmp4, $3  }
0x632: {  	_ =	sdelay $0x1  }
0x633: {  	[sflag:s15] =	ssyncset.done $0x0  }
0x634: {  	[sflag:s15] =	ssyncadd.s32 $0xFFFFD800  }
0x635: {  	_ =	sfence.sel $0x180000  }
0x636: {  	[bflag:$0x0] =	sbarrier.arrive $0xFFFF  }
0x637: {  	_ =	strace $0x90000047  }
0x638: {  	s0 =	stileid.u32;
	[bflag:$0x2] =	sbarrier.arrive $0xFFFF  }
0x639: {  	p0 =	sne.s32 s0, $0x0;
	s0 =	rddreg [dreg:$0x4]  }
0x63a: {  	s0 =	sadd.s32 @!p0 $0x100000, s0  }
0x63b: {  	[sflag:s0] =	ssyncadd.tile.s32 @!p0 $0x1;
	_ =	shalt  }
.Lfunc_end2:
_tile_overlayer_lowered:
.L_overlay_start_2:
0x63c: {  	(tag) =	ssettag $0x2  }
0x63d: {  	s0 =	rddreg [dreg:$0x0];
	s2 =	stileid.u32  }
0x63e: {  	s1 =	rddreg [dreg:$0x1];
	p0 =	sne.s32 s2, $0x0  }
0x63f: {  	s3 =	rddreg [dreg:$0x2];
	[bflag:$0x3] =	sbarrier.arrive $0xFFFF;
	s2 =	simm.s32 @!p0 $0x1C07  }
0x640: {  	[timem:s3], [sflag:s2] =	dma.local @!p0 [hbm:s0], s1  }
0x641: {  	s0 =	simm.s32 @!p0 $0x7  }
0x642: {  	_ =	swait.ge @!p0 [sflag:s0], s1  }
0x643: {  	s1 =	ssub.s32 @!p0 $0x0, s1;
	[sflag:s0] =	ssyncset.done @!p0 $0x0  }
0x644: {  	[sflag:s0] =	ssyncadd.s32 @!p0 s1  }
0x645: {  	[bflag:$0x3] =	sbarrier.arrive $0xFFFF  }
0x646: {  	_ =	shalt  }

</sc_bundles>
